<compile_context>
chip_gen: v7x
topology: tpu7x:2x2x1
jax: 0.10.2.dev20260603
libtpu: 0.0.44.dev20260713+nightly
codegen_flags: <defaults>
</compile_context>

<pallas_src>
import functools

import jax
import jax.numpy as jnp
from jax import lax
from jax.experimental import pallas as pl
from jax.experimental.pallas import tpu as pltpu
from jax.experimental.pallas import tpu_sc as plsc

N = 10000
NP = 10240
E = 320000
D = 128
M = 64

NC = 2
NS = 16
NW = NC * NS
C = 128
EP = 327680
RD = EP // NW // C
NB = EP // NW // C
CH = 16
NCH = NB // CH
RPT = NP // NS
TRASH = NP - 1
BLK = 2048
GRID = NP // BLK

_sc_mesh = plsc.VectorSubcoreMesh(
    core_axis_name="c", subcore_axis_name="s", num_cores=NC, num_subcores=NS)
_sc_params = pltpu.CompilerParams(needs_layout_passes=False)

_zero16 = functools.partial(jnp.zeros, (16,), jnp.float32)


@functools.partial(
    pl.kernel,
    out_type=jax.ShapeDtypeStruct((NC * NP,), jnp.float32),
    mesh=_sc_mesh,
    scratch_types=[
        pltpu.VMEM((RD, C), jnp.int32),
        pltpu.VMEM((NP,), jnp.float32),
        pltpu.VMEM((RPT,), jnp.float32),
        pltpu.VMEM((RPT,), jnp.float32),
        pltpu.VMEM_SHARED((NS * NP,), jnp.float32),
    ],
    compiler_params=_sc_params,
)
def _deg_kernel(dst_hbm, deg_out, idx_v, hist_v, tmp_v, acc_v, shared_s):
    c = lax.axis_index("c")
    s = lax.axis_index("s")
    pltpu.sync_copy(dst_hbm.at[c * NS + s], idx_v)

    def _zero_hist(i, _):
        hist_v[pl.ds(i * 16, 16)] = _zero16()
        return 0
    lax.fori_loop(0, NP // 16, _zero_hist, 0)

    ones = jnp.ones((16,), jnp.float32)

    def _count(r, _):
        for k in range(C // 16):
            plsc.addupdate_scatter(hist_v, [idx_v[r, pl.ds(k * 16, 16)]], ones)
        return 0
    lax.fori_loop(0, RD, _count, 0)

    pltpu.sync_copy(hist_v, shared_s.at[pl.ds(s * NP, NP)])
    plsc.subcore_barrier()

    base = s * RPT

    def _zero_acc(i, _):
        acc_v[pl.ds(i * 16, 16)] = _zero16()
        return 0
    lax.fori_loop(0, RPT // 16, _zero_acc, 0)

    for k in range(NS):
        pltpu.sync_copy(shared_s.at[pl.ds(k * NP + base, RPT)], tmp_v)

        def _addv(i, _):
            acc_v[pl.ds(i * 16, 16)] = (
                acc_v[pl.ds(i * 16, 16)] + tmp_v[pl.ds(i * 16, 16)])
            return 0
        lax.fori_loop(0, RPT // 16, _addv, 0)

    pltpu.sync_copy(acc_v, deg_out.at[pl.ds(c * NP + base, RPT)])


@functools.partial(
    pl.kernel,
    out_type=jax.ShapeDtypeStruct((NC, NP, D), jnp.float32),
    mesh=_sc_mesh,
    scratch_types=[
        pltpu.VMEM((2, CH, C), jnp.int32),
        pltpu.VMEM((2, CH, C), jnp.int32),
        pltpu.VMEM((C, D), jnp.float32),
        pltpu.VMEM((C, D), jnp.float32),
        pltpu.VMEM_SHARED((NP, D), jnp.float32),
        pltpu.SemaphoreType.DMA,
        pltpu.SemaphoreType.DMA,
        pltpu.SemaphoreType.DMA,
        pltpu.SemaphoreType.DMA,
    ],
    compiler_params=_sc_params,
)
def _prop_kernel(y_hbm, srcr, dstr, accp, sidx_v, didx_v, rows_a, rows_b,
                 acc_s, gsem_a, gsem_b, isem_s, isem_d):
    c = lax.axis_index("c")
    s = lax.axis_index("s")
    wid = c * NS + s

    def _zrow(i, _):
        for k in range(D // 16):
            rows_a[i, pl.ds(k * 16, 16)] = _zero16()
        return 0
    lax.fori_loop(0, C, _zrow, 0)

    base = s * RPT
    for t in range(RPT // C):
        pltpu.sync_copy(rows_a, acc_s.at[pl.ds(base + t * C, C)])

    pltpu.sync_copy(srcr.at[wid, pl.ds(0, CH)], sidx_v.at[0])
    pltpu.sync_copy(dstr.at[wid, pl.ds(0, CH)], didx_v.at[0])
    pltpu.async_copy(y_hbm.at[sidx_v.at[0, 0]], rows_a, gsem_a)
    plsc.subcore_barrier()

    for ci in range(NCH):
        p = ci % 2
        nxt = ci + 1
        if nxt < NCH:
            pltpu.async_copy(srcr.at[wid, pl.ds(nxt * CH, CH)],
                             sidx_v.at[nxt % 2], isem_s)
            pltpu.async_copy(dstr.at[wid, pl.ds(nxt * CH, CH)],
                             didx_v.at[nxt % 2], isem_d)

        def _pair(j, _):
            ra = 2 * j
            rb = 2 * j + 1
            pltpu.make_async_copy(
                y_hbm.at[sidx_v.at[p, ra]], rows_a, gsem_a).wait()
            pltpu.async_copy(y_hbm.at[sidx_v.at[p, rb]], rows_b, gsem_b)
            pltpu.sync_copy(rows_a, acc_s.at[didx_v.at[p, ra]], add=True)
            pltpu.make_async_copy(
                y_hbm.at[sidx_v.at[p, rb]], rows_b, gsem_b).wait()

            @pl.when(j < CH // 2 - 1)
            def _():
                pltpu.async_copy(y_hbm.at[sidx_v.at[p, 2 * j + 2]], rows_a,
                                 gsem_a)
            pltpu.sync_copy(rows_b, acc_s.at[didx_v.at[p, rb]], add=True)
            return 0
        lax.fori_loop(0, CH // 2, _pair, 0)

        if nxt < NCH:
            q = nxt % 2
            pltpu.make_async_copy(srcr.at[wid, pl.ds(nxt * CH, CH)],
                                  sidx_v.at[q], isem_s).wait()
            pltpu.make_async_copy(dstr.at[wid, pl.ds(nxt * CH, CH)],
                                  didx_v.at[q], isem_d).wait()
            pltpu.async_copy(y_hbm.at[sidx_v.at[q, 0]], rows_a, gsem_a)

    plsc.subcore_barrier()
    for t in range(RPT // C):
        sl = pl.ds(base + t * C, C)
        pltpu.sync_copy(acc_s.at[sl], accp.at[c, sl])


def _tc1_body(x_ref, w_ref, degp_ref, xw_ref, y_ref):
    deg = jnp.sum(degp_ref[...], axis=0) + 1.0
    dinv = lax.rsqrt(deg)[:, None]
    xw = jnp.dot(x_ref[...], w_ref[...], preferred_element_type=jnp.float32)
    xw_ref[...] = xw
    y_ref[...] = xw * dinv


def _tc2_body(accp_ref, xw_ref, degp_ref, b_ref, w_ref, xw2_ref, y2_ref):
    deg = jnp.sum(degp_ref[...], axis=0) + 1.0
    dinv = lax.rsqrt(deg)[:, None]
    acc = jnp.sum(accp_ref[...], axis=0)
    h = jnp.maximum(acc * dinv + xw_ref[...] * (dinv * dinv) + b_ref[...], 0.0)
    xw2 = jnp.dot(h, w_ref[...], preferred_element_type=jnp.float32)
    xw2_ref[...] = xw2
    y2_ref[...] = xw2 * dinv


def _tc3_body(accp_ref, xw_ref, degp_ref, b_ref, seg_ref, wout_ref, bout_ref,
              out_ref, sums_s, cnt_s):
    i = pl.program_id(0)

    @pl.when(i == 0)
    def _():
        sums_s[...] = jnp.zeros_like(sums_s)
        cnt_s[...] = jnp.zeros_like(cnt_s)

    deg = jnp.sum(degp_ref[...], axis=0) + 1.0
    dinv = lax.rsqrt(deg)[:, None]
    acc = jnp.sum(accp_ref[...], axis=0)
    h = jnp.maximum(acc * dinv + xw_ref[...] * (dinv * dinv) + b_ref[...], 0.0)
    seg = seg_ref[...]
    segid = lax.broadcasted_iota(jnp.int32, (M, BLK), 0)
    onehot_t = jnp.where(segid == seg, 1.0, 0.0)
    sums_s[...] += jnp.dot(onehot_t, h, preferred_element_type=jnp.float32)
    cnt_s[...] += jnp.broadcast_to(
        jnp.sum(onehot_t, axis=1, keepdims=True), (M, D))

    @pl.when(i == pl.num_programs(0) - 1)
    def _():
        z = sums_s[...] / jnp.maximum(cnt_s[...], 1.0)
        out_ref[...] = (
            jnp.dot(z, wout_ref[...], preferred_element_type=jnp.float32)
            + bout_ref[...])


_row_spec = pl.BlockSpec((BLK, D), lambda i: (i, 0))
_w_spec = pl.BlockSpec((D, D), lambda i: (0, 0))
_deg_spec = pl.BlockSpec((NC, BLK), lambda i: (0, i))
_acc_spec = pl.BlockSpec((NC, BLK, D), lambda i: (0, i, 0))
_b_spec = pl.BlockSpec((1, D), lambda i: (0, 0))

_tc1 = pl.pallas_call(
    _tc1_body,
    grid=(GRID,),
    in_specs=[_row_spec, _w_spec, _deg_spec],
    out_specs=[_row_spec, _row_spec],
    out_shape=[jax.ShapeDtypeStruct((NP, D), jnp.float32)] * 2,
)

_tc2 = pl.pallas_call(
    _tc2_body,
    grid=(GRID,),
    in_specs=[_acc_spec, _row_spec, _deg_spec, _b_spec, _w_spec],
    out_specs=[_row_spec, _row_spec],
    out_shape=[jax.ShapeDtypeStruct((NP, D), jnp.float32)] * 2,
)

_tc3 = pl.pallas_call(
    _tc3_body,
    grid=(GRID,),
    in_specs=[_acc_spec, _row_spec, _deg_spec, _b_spec,
              pl.BlockSpec((1, BLK), lambda i: (0, i)), _w_spec, _b_spec],
    out_specs=pl.BlockSpec((M, D), lambda i: (0, 0)),
    out_shape=jax.ShapeDtypeStruct((M, D), jnp.float32),
    scratch_shapes=[pltpu.VMEM((M, D), jnp.float32),
                    pltpu.VMEM((M, D), jnp.float32)],
)


def kernel(x, edge_index, batch_idx, W1, b1, W2, b2, Wout, bout):
    pad = N + (jnp.arange(EP - E, dtype=jnp.int32) % (NP - N))
    src = jnp.concatenate([edge_index[0], pad])
    dst = jnp.concatenate([edge_index[1], pad])
    srcr = src.reshape(NW, NB, C)
    dstr = dst.reshape(NW, NB, C)
    dsth = dst.reshape(NW, RD, C)
    x_pad = jnp.pad(x, ((0, NP - N), (0, 0)))
    seg_pad = jnp.pad(batch_idx, (0, NP - N), constant_values=M).reshape(1, NP)
    b1r = b1.reshape(1, D)
    b2r = b2.reshape(1, D)
    boutr = bout.reshape(1, D)

    degp = _deg_kernel(dsth).reshape(NC, NP)
    xw1, y1 = _tc1(x_pad, W1, degp)
    acc1 = _prop_kernel(y1, srcr, dstr)
    xw2, y2 = _tc2(acc1, xw1, degp, b1r, W2)
    acc2 = _prop_kernel(y2, srcr, dstr)
    return _tc3(acc2, xw2, degp, b2r, seg_pad, Wout, boutr)

# --- scband reference (transcript-rebuilt; emitter-appended) ---
"""Pipeline reference for scband-tree-encoder-27152783245640 (READ-ONLY COPY).

The authoritative reference and input builder live on the scoring server;
editing this copy changes nothing except your own understanding.
"""

import jax, jax.numpy as jnp
import numpy as np

N = 10000
E = 320000
D = 128
M = 64


def setup_inputs(seed: int = 0) -> dict:
    key = jax.random.key(seed)
    ks = jax.random.split(key, 10)
    x = jax.random.normal(ks[0], (N, D), dtype=jnp.float32)
    edge_index = jax.random.randint(ks[1], (2, E), 0, N, dtype=jnp.int32)
    batch_idx = jnp.sort(jax.random.randint(ks[2], (N,), 0, M, dtype=jnp.int32))
    scale = 1.0 / np.sqrt(D)
    W1 = jax.random.normal(ks[3], (D, D), dtype=jnp.float32) * scale
    b1 = jnp.zeros((D,), dtype=jnp.float32)
    W2 = jax.random.normal(ks[4], (D, D), dtype=jnp.float32) * scale
    b2 = jnp.zeros((D,), dtype=jnp.float32)
    Wout = jax.random.normal(ks[5], (D, D), dtype=jnp.float32) * scale
    bout = jnp.zeros((D,), dtype=jnp.float32)
    return {"x": x, "edge_index": edge_index, "batch_idx": batch_idx,
            "W1": W1, "b1": b1, "W2": W2, "b2": b2, "Wout": Wout, "bout": bout}


def _gcn_conv(x, src, dst, W, b):
    # GCNConv: D^{-1/2} (A + I) D^{-1/2} X W + b
    n = x.shape[0]
    loop = jnp.arange(n, dtype=src.dtype)
    s = jnp.concatenate([src, loop])
    d = jnp.concatenate([dst, loop])
    deg = jnp.zeros((n,), x.dtype).at[d].add(1.0)
    dinv = jnp.where(deg > 0, 1.0 / jnp.sqrt(deg), 0.0)
    norm = dinv[s] * dinv[d]
    xw = x @ W
    msg = xw[s] * norm[:, None]
    out = jnp.zeros_like(xw).at[d].add(msg)
    return out + b


def reference(x, edge_index, batch_idx, W1, b1, W2, b2, Wout, bout):
    src = edge_index[0]
    dst = edge_index[1]
    h = jax.nn.relu(_gcn_conv(x, src, dst, W1, b1))
    h = jax.nn.relu(_gcn_conv(h, src, dst, W2, b2))
    sums = jax.ops.segment_sum(h, batch_idx, num_segments=M)
    cnt = jax.ops.segment_sum(jnp.ones((h.shape[0],), h.dtype), batch_idx, num_segments=M)
    z = sums / jnp.maximum(cnt, 1.0)[:, None]
    return z @ Wout + bout

if __name__ == "__main__":
    import jax
    _d = setup_inputs()
    print(jax.jit(kernel)(*tuple(_d.values())))

</pallas_src>

<mosaic_0001>
#map = affine_map<(d0, d1) -> (0, 0, 0)>
#map1 = affine_map<(d0, d1) -> (0)>
module attributes {stable_mosaic.version = 14 : i64} {
  func.func @_deg_kernel(%arg0: i32, %arg1: i32, %arg2: memref<32x80x128xi32, #tpu.memory_space<hbm>>, %arg3: memref<20480xf32, #tpu.memory_space<hbm>>, %arg4: memref<80x128xi32, #tpu.memory_space<vmem>>, %arg5: memref<10240xf32, #tpu.memory_space<vmem>>, %arg6: memref<640xf32, #tpu.memory_space<vmem>>, %arg7: memref<640xf32, #tpu.memory_space<vmem>>, %arg8: memref<163840xf32, #tpu.memory_space<vmem_shared>>) attributes {dimension_semantics = [#tpu.dimension_semantics<core_parallel>, #tpu.dimension_semantics<subcore_parallel>], iteration_bounds = array<i64: 2, 16>, scalar_prefetch = 0 : i64, scratch_operands = 5 : i64, tpu.core_type = #tpu.core_type<sc_vector_subcore>, window_params = [{transform_indices = #map}, {transform_indices = #map1}]} {
    %mul3A = arith.constant 16 : i32
    %mul3A_0 = arith.muli %arg0, %mul3A : i32
    %add3A = arith.addi %mul3A_0, %arg1 : i32
    "tpu.region"() ({
      %run_scoped3A = tpu.sem_alloc : memref<!tpu.dma_semaphore, #tpu.memory_space<semaphore_mem>>
      %dma_start3A = arith.constant 0 : i32
      %dma_start3A_173 = arith.constant 0 : i32
      %dma_start3A_174 = tpu.memref_slice %arg2[%add3A, %dma_start3A, %dma_start3A_173] : memref<32x80x128xi32, #tpu.memory_space<hbm>> -> memref<1x80x128xi32, #tpu.memory_space<hbm>>
      %dma_start3A_175 = tpu.memref_squeeze %dma_start3A_174 : memref<1x80x128xi32, #tpu.memory_space<hbm>> -> memref<80x128xi32, #tpu.memory_space<hbm>>
      %dma_start3A_176 = arith.constant 0 : i32
      %dma_start3A_177 = arith.constant 0 : i32
      %dma_start3A_178 = tpu.memref_slice %arg2[%add3A, %dma_start3A_176, %dma_start3A_177] : memref<32x80x128xi32, #tpu.memory_space<hbm>> -> memref<1x80x128xi32, #tpu.memory_space<hbm>>
      %dma_start3A_179 = tpu.memref_squeeze %dma_start3A_178 : memref<1x80x128xi32, #tpu.memory_space<hbm>> -> memref<80x128xi32, #tpu.memory_space<hbm>>
      tpu.enqueue_dma source(%dma_start3A_179 : memref<80x128xi32, #tpu.memory_space<hbm>>) target(%arg4 : memref<80x128xi32, #tpu.memory_space<vmem>>) target_semaphore(%run_scoped3A : memref<!tpu.dma_semaphore, #tpu.memory_space<semaphore_mem>>)
      %dma_wait3A = arith.constant 0 : i32
      %dma_wait3A_180 = arith.constant 0 : i32
      %dma_wait3A_181 = tpu.memref_slice %arg2[%add3A, %dma_wait3A, %dma_wait3A_180] : memref<32x80x128xi32, #tpu.memory_space<hbm>> -> memref<1x80x128xi32, #tpu.memory_space<hbm>>
      %dma_wait3A_182 = tpu.memref_squeeze %dma_wait3A_181 : memref<1x80x128xi32, #tpu.memory_space<hbm>> -> memref<80x128xi32, #tpu.memory_space<hbm>>
      %dma_wait3A_183 = arith.constant 0 : i32
      %dma_wait3A_184 = arith.constant 0 : i32
      %dma_wait3A_185 = tpu.memref_slice %arg2[%add3A, %dma_wait3A_183, %dma_wait3A_184] : memref<32x80x128xi32, #tpu.memory_space<hbm>> -> memref<1x80x128xi32, #tpu.memory_space<hbm>>
      %dma_wait3A_186 = tpu.memref_squeeze %dma_wait3A_185 : memref<1x80x128xi32, #tpu.memory_space<hbm>> -> memref<80x128xi32, #tpu.memory_space<hbm>>
      tpu.wait_dma2 semaphore(%run_scoped3A : memref<!tpu.dma_semaphore, #tpu.memory_space<semaphore_mem>>) src(%dma_wait3A_186 : memref<80x128xi32, #tpu.memory_space<hbm>>) dst(%arg4 : memref<80x128xi32, #tpu.memory_space<vmem>>)
      tpu.yield
    }) : () -> ()
    %scan3A = arith.constant 0 : i32
    %scan3A_1 = arith.constant 0 : i32
    %scan3A_2 = arith.constant 640 : i32
    %scan3A_3 = arith.addi %scan3A_1, %scan3A_2 : i32
    %scan3A_4 = arith.constant 1 : i32
    %scan3A_5 = scf.for %scan3A_173 = %scan3A_1 to %scan3A_3 step %scan3A_4 iter_args(%scan3A_174 = %scan3A) -> (i32)  : i32 {
      %broadcast_in_dim3A_175 = arith.constant 0.000000e+00 : f32
      %broadcast_in_dim3A_176 = vector.broadcast %broadcast_in_dim3A_175 : f32 to vector<16xf32>
      %mul3A_177 = arith.constant 16 : i32
      %mul3A_178 = arith.muli %scan3A_173, %mul3A_177 : i32
      %swap3A = arith.index_cast %mul3A_178 : i32 to index
      %swap3A_179 = tpu.vector_load %arg5[%swap3A] {strides = array<i32>} : memref<10240xf32, #tpu.memory_space<vmem>>, vector<16xf32>,
      tpu.vector_store %arg5[%swap3A], %broadcast_in_dim3A_176 {strides = array<i32>} : memref<10240xf32, #tpu.memory_space<vmem>>, vector<16xf32>,
      %scan3A_180 = arith.constant 0 : i32
      scf.yield %scan3A_180 : i32
    }
    %scan3A_6 = arith.constant 640 : i32
    %broadcast_in_dim3A = arith.constant 1.000000e+00 : f32
    %broadcast_in_dim3A_7 = vector.broadcast %broadcast_in_dim3A : f32 to vector<16xf32>
    %scan3A_8 = arith.constant 0 : i32
    %scan3A_9 = arith.constant 0 : i32
    %scan3A_10 = arith.constant 80 : i32
    %scan3A_11 = arith.addi %scan3A_9, %scan3A_10 : i32
    %scan3A_12 = arith.constant 1 : i32
    %scan3A_13 = scf.for %scan3A_173 = %scan3A_9 to %scan3A_11 step %scan3A_12 iter_args(%scan3A_174 = %scan3A_8) -> (i32)  : i32 {
      %get3A = arith.index_cast %scan3A_173 : i32 to index
      %get3A_175 = arith.constant 0 : index
      %get3A_176 = tpu.vector_load %arg4[%get3A, %get3A_175] {strides = array<i32>} : memref<80x128xi32, #tpu.memory_space<vmem>>, vector<16xi32>,
      tpu.vector_store_idx %arg5[%get3A_176], %broadcast_in_dim3A_7 {add = true} : memref<10240xf32, #tpu.memory_space<vmem>>[vector<16xi32>], vector<16xf32>,
      %get3A_177 = arith.index_cast %scan3A_173 : i32 to index
      %get3A_178 = arith.constant 16 : index
      %get3A_179 = tpu.vector_load %arg4[%get3A_177, %get3A_178] {strides = array<i32>} : memref<80x128xi32, #tpu.memory_space<vmem>>, vector<16xi32>,
      tpu.vector_store_idx %arg5[%get3A_179], %broadcast_in_dim3A_7 {add = true} : memref<10240xf32, #tpu.memory_space<vmem>>[vector<16xi32>], vector<16xf32>,
      %get3A_180 = arith.index_cast %scan3A_173 : i32 to index
      %get3A_181 = arith.constant 32 : index
      %get3A_182 = tpu.vector_load %arg4[%get3A_180, %get3A_181] {strides = array<i32>} : memref<80x128xi32, #tpu.memory_space<vmem>>, vector<16xi32>,
      tpu.vector_store_idx %arg5[%get3A_182], %broadcast_in_dim3A_7 {add = true} : memref<10240xf32, #tpu.memory_space<vmem>>[vector<16xi32>], vector<16xf32>,
      %get3A_183 = arith.index_cast %scan3A_173 : i32 to index
      %get3A_184 = arith.constant 48 : index
      %get3A_185 = tpu.vector_load %arg4[%get3A_183, %get3A_184] {strides = array<i32>} : memref<80x128xi32, #tpu.memory_space<vmem>>, vector<16xi32>,
      tpu.vector_store_idx %arg5[%get3A_185], %broadcast_in_dim3A_7 {add = true} : memref<10240xf32, #tpu.memory_space<vmem>>[vector<16xi32>], vector<16xf32>,
      %get3A_186 = arith.index_cast %scan3A_173 : i32 to index
      %get3A_187 = arith.constant 64 : index
      %get3A_188 = tpu.vector_load %arg4[%get3A_186, %get3A_187] {strides = array<i32>} : memref<80x128xi32, #tpu.memory_space<vmem>>, vector<16xi32>,
      tpu.vector_store_idx %arg5[%get3A_188], %broadcast_in_dim3A_7 {add = true} : memref<10240xf32, #tpu.memory_space<vmem>>[vector<16xi32>], vector<16xf32>,
      %get3A_189 = arith.index_cast %scan3A_173 : i32 to index
      %get3A_190 = arith.constant 80 : index
      %get3A_191 = tpu.vector_load %arg4[%get3A_189, %get3A_190] {strides = array<i32>} : memref<80x128xi32, #tpu.memory_space<vmem>>, vector<16xi32>,
      tpu.vector_store_idx %arg5[%get3A_191], %broadcast_in_dim3A_7 {add = true} : memref<10240xf32, #tpu.memory_space<vmem>>[vector<16xi32>], vector<16xf32>,
      %get3A_192 = arith.index_cast %scan3A_173 : i32 to index
      %get3A_193 = arith.constant 96 : index
      %get3A_194 = tpu.vector_load %arg4[%get3A_192, %get3A_193] {strides = array<i32>} : memref<80x128xi32, #tpu.memory_space<vmem>>, vector<16xi32>,
      tpu.vector_store_idx %arg5[%get3A_194], %broadcast_in_dim3A_7 {add = true} : memref<10240xf32, #tpu.memory_space<vmem>>[vector<16xi32>], vector<16xf32>,
      %get3A_195 = arith.index_cast %scan3A_173 : i32 to index
      %get3A_196 = arith.constant 112 : index
      %get3A_197 = tpu.vector_load %arg4[%get3A_195, %get3A_196] {strides = array<i32>} : memref<80x128xi32, #tpu.memory_space<vmem>>, vector<16xi32>,
      tpu.vector_store_idx %arg5[%get3A_197], %broadcast_in_dim3A_7 {add = true} : memref<10240xf32, #tpu.memory_space<vmem>>[vector<16xi32>], vector<16xf32>,
      %scan3A_198 = arith.constant 0 : i32
      scf.yield %scan3A_198 : i32
    }
    %scan3A_14 = arith.constant 80 : i32
    %mul3A_15 = arith.constant 10240 : i32
    %mul3A_16 = arith.muli %arg1, %mul3A_15 : i32
    "tpu.region"() ({
      %run_scoped3A = tpu.sem_alloc : memref<!tpu.dma_semaphore, #tpu.memory_space<semaphore_mem>>
      %dma_start3A = tpu.memref_slice %arg8[%mul3A_16] : memref<163840xf32, #tpu.memory_space<vmem_shared>> -> memref<10240xf32, #tpu.memory_space<vmem_shared>>
      %dma_start3A_173 = tpu.memref_slice %arg8[%mul3A_16] : memref<163840xf32, #tpu.memory_space<vmem_shared>> -> memref<10240xf32, #tpu.memory_space<vmem_shared>>
      tpu.enqueue_dma source(%arg5 : memref<10240xf32, #tpu.memory_space<vmem>>) target(%dma_start3A_173 : memref<10240xf32, #tpu.memory_space<vmem_shared>>) target_semaphore(%run_scoped3A : memref<!tpu.dma_semaphore, #tpu.memory_space<semaphore_mem>>)
      %dma_wait3A = tpu.memref_slice %arg8[%mul3A_16] : memref<163840xf32, #tpu.memory_space<vmem_shared>> -> memref<10240xf32, #tpu.memory_space<vmem_shared>>
      %dma_wait3A_174 = tpu.memref_slice %arg8[%mul3A_16] : memref<163840xf32, #tpu.memory_space<vmem_shared>> -> memref<10240xf32, #tpu.memory_space<vmem_shared>>
      tpu.wait_dma2 semaphore(%run_scoped3A : memref<!tpu.dma_semaphore, #tpu.memory_space<semaphore_mem>>) src(%arg5 : memref<10240xf32, #tpu.memory_space<vmem>>) dst(%dma_wait3A_174 : memref<10240xf32, #tpu.memory_space<vmem_shared>>)
      tpu.yield
    }) : () -> ()
    %barrier3A = arith.constant 0 : index
    tpu.barrier barrier_id(%barrier3A)
    %mul3A_17 = arith.constant 640 : i32
    %mul3A_18 = arith.muli %arg1, %mul3A_17 : i32
    %scan3A_19 = arith.constant 0 : i32
    %scan3A_20 = arith.constant 0 : i32
    %scan3A_21 = arith.constant 40 : i32
    %scan3A_22 = arith.addi %scan3A_20, %scan3A_21 : i32
    %scan3A_23 = arith.constant 1 : i32
    %scan3A_24 = scf.for %scan3A_173 = %scan3A_20 to %scan3A_22 step %scan3A_23 iter_args(%scan3A_174 = %scan3A_19) -> (i32)  : i32 {
      %broadcast_in_dim3A_175 = arith.constant 0.000000e+00 : f32
      %broadcast_in_dim3A_176 = vector.broadcast %broadcast_in_dim3A_175 : f32 to vector<16xf32>
      %mul3A_177 = arith.constant 16 : i32
      %mul3A_178 = arith.muli %scan3A_173, %mul3A_177 : i32
      %swap3A = arith.index_cast %mul3A_178 : i32 to index
      %swap3A_179 = tpu.vector_load %arg7[%swap3A] {strides = array<i32>} : memref<640xf32, #tpu.memory_space<vmem>>, vector<16xf32>,
      tpu.vector_store %arg7[%swap3A], %broadcast_in_dim3A_176 {strides = array<i32>} : memref<640xf32, #tpu.memory_space<vmem>>, vector<16xf32>,
      %scan3A_180 = arith.constant 0 : i32
      scf.yield %scan3A_180 : i32
    }
    %scan3A_25 = arith.constant 40 : i32
    %add3A_26 = arith.constant 0 : i32
    %add3A_27 = arith.addi %add3A_26, %mul3A_18 : i32
    "tpu.region"() ({
      %run_scoped3A = tpu.sem_alloc : memref<!tpu.dma_semaphore, #tpu.memory_space<semaphore_mem>>
      %dma_start3A = tpu.memref_slice %arg8[%add3A_27] : memref<163840xf32, #tpu.memory_space<vmem_shared>> -> memref<640xf32, #tpu.memory_space<vmem_shared>>
      %dma_start3A_173 = tpu.memref_slice %arg8[%add3A_27] : memref<163840xf32, #tpu.memory_space<vmem_shared>> -> memref<640xf32, #tpu.memory_space<vmem_shared>>
      tpu.enqueue_dma source(%dma_start3A_173 : memref<640xf32, #tpu.memory_space<vmem_shared>>) target(%arg6 : memref<640xf32, #tpu.memory_space<vmem>>) target_semaphore(%run_scoped3A : memref<!tpu.dma_semaphore, #tpu.memory_space<semaphore_mem>>)
      %dma_wait3A = tpu.memref_slice %arg8[%add3A_27] : memref<163840xf32, #tpu.memory_space<vmem_shared>> -> memref<640xf32, #tpu.memory_space<vmem_shared>>
      %dma_wait3A_174 = tpu.memref_slice %arg8[%add3A_27] : memref<163840xf32, #tpu.memory_space<vmem_shared>> -> memref<640xf32, #tpu.memory_space<vmem_shared>>
      tpu.wait_dma2 semaphore(%run_scoped3A : memref<!tpu.dma_semaphore, #tpu.memory_space<semaphore_mem>>) src(%dma_wait3A_174 : memref<640xf32, #tpu.memory_space<vmem_shared>>) dst(%arg6 : memref<640xf32, #tpu.memory_space<vmem>>)
      tpu.yield
    }) : () -> ()
    %scan3A_28 = arith.constant 0 : i32
    %scan3A_29 = arith.constant 0 : i32
    %scan3A_30 = arith.constant 40 : i32
    %scan3A_31 = arith.addi %scan3A_29, %scan3A_30 : i32
    %scan3A_32 = arith.constant 1 : i32
    %scan3A_33 = scf.for %scan3A_173 = %scan3A_29 to %scan3A_31 step %scan3A_32 iter_args(%scan3A_174 = %scan3A_28) -> (i32)  : i32 {
      %mul3A_175 = arith.constant 16 : i32
      %mul3A_176 = arith.muli %scan3A_173, %mul3A_175 : i32
      %get3A = arith.index_cast %mul3A_176 : i32 to index
      %get3A_177 = tpu.vector_load %arg7[%get3A] {strides = array<i32>} : memref<640xf32, #tpu.memory_space<vmem>>, vector<16xf32>,
      %mul3A_178 = arith.constant 16 : i32
      %mul3A_179 = arith.muli %scan3A_173, %mul3A_178 : i32
      %get3A_180 = arith.index_cast %mul3A_179 : i32 to index
      %get3A_181 = tpu.vector_load %arg6[%get3A_180] {strides = array<i32>} : memref<640xf32, #tpu.memory_space<vmem>>, vector<16xf32>,
      %add3A_182 = arith.addf %get3A_177, %get3A_181 : vector<16xf32>
      %mul3A_183 = arith.constant 16 : i32
      %mul3A_184 = arith.muli %scan3A_173, %mul3A_183 : i32
      %swap3A = arith.index_cast %mul3A_184 : i32 to index
      %swap3A_185 = tpu.vector_load %arg7[%swap3A] {strides = array<i32>} : memref<640xf32, #tpu.memory_space<vmem>>, vector<16xf32>,
      tpu.vector_store %arg7[%swap3A], %add3A_182 {strides = array<i32>} : memref<640xf32, #tpu.memory_space<vmem>>, vector<16xf32>,
      %scan3A_186 = arith.constant 0 : i32
      scf.yield %scan3A_186 : i32
    }
    %scan3A_34 = arith.constant 40 : i32
    %add3A_35 = arith.constant 10240 : i32
    %add3A_36 = arith.addi %add3A_35, %mul3A_18 : i32
    "tpu.region"() ({
      %run_scoped3A = tpu.sem_alloc : memref<!tpu.dma_semaphore, #tpu.memory_space<semaphore_mem>>
      %dma_start3A = tpu.memref_slice %arg8[%add3A_36] : memref<163840xf32, #tpu.memory_space<vmem_shared>> -> memref<640xf32, #tpu.memory_space<vmem_shared>>
      %dma_start3A_173 = tpu.memref_slice %arg8[%add3A_36] : memref<163840xf32, #tpu.memory_space<vmem_shared>> -> memref<640xf32, #tpu.memory_space<vmem_shared>>
      tpu.enqueue_dma source(%dma_start3A_173 : memref<640xf32, #tpu.memory_space<vmem_shared>>) target(%arg6 : memref<640xf32, #tpu.memory_space<vmem>>) target_semaphore(%run_scoped3A : memref<!tpu.dma_semaphore, #tpu.memory_space<semaphore_mem>>)
      %dma_wait3A = tpu.memref_slice %arg8[%add3A_36] : memref<163840xf32, #tpu.memory_space<vmem_shared>> -> memref<640xf32, #tpu.memory_space<vmem_shared>>
      %dma_wait3A_174 = tpu.memref_slice %arg8[%add3A_36] : memref<163840xf32, #tpu.memory_space<vmem_shared>> -> memref<640xf32, #tpu.memory_space<vmem_shared>>
      tpu.wait_dma2 semaphore(%run_scoped3A : memref<!tpu.dma_semaphore, #tpu.memory_space<semaphore_mem>>) src(%dma_wait3A_174 : memref<640xf32, #tpu.memory_space<vmem_shared>>) dst(%arg6 : memref<640xf32, #tpu.memory_space<vmem>>)
      tpu.yield
    }) : () -> ()
    %scan3A_37 = arith.constant 0 : i32
    %scan3A_38 = arith.constant 0 : i32
    %scan3A_39 = arith.constant 40 : i32
    %scan3A_40 = arith.addi %scan3A_38, %scan3A_39 : i32
    %scan3A_41 = arith.constant 1 : i32
    %scan3A_42 = scf.for %scan3A_173 = %scan3A_38 to %scan3A_40 step %scan3A_41 iter_args(%scan3A_174 = %scan3A_37) -> (i32)  : i32 {
      %mul3A_175 = arith.constant 16 : i32
      %mul3A_176 = arith.muli %scan3A_173, %mul3A_175 : i32
      %get3A = arith.index_cast %mul3A_176 : i32 to index
      %get3A_177 = tpu.vector_load %arg7[%get3A] {strides = array<i32>} : memref<640xf32, #tpu.memory_space<vmem>>, vector<16xf32>,
      %mul3A_178 = arith.constant 16 : i32
      %mul3A_179 = arith.muli %scan3A_173, %mul3A_178 : i32
      %get3A_180 = arith.index_cast %mul3A_179 : i32 to index
      %get3A_181 = tpu.vector_load %arg6[%get3A_180] {strides = array<i32>} : memref<640xf32, #tpu.memory_space<vmem>>, vector<16xf32>,
      %add3A_182 = arith.addf %get3A_177, %get3A_181 : vector<16xf32>
      %mul3A_183 = arith.constant 16 : i32
      %mul3A_184 = arith.muli %scan3A_173, %mul3A_183 : i32
      %swap3A = arith.index_cast %mul3A_184 : i32 to index
      %swap3A_185 = tpu.vector_load %arg7[%swap3A] {strides = array<i32>} : memref<640xf32, #tpu.memory_space<vmem>>, vector<16xf32>,
      tpu.vector_store %arg7[%swap3A], %add3A_182 {strides = array<i32>} : memref<640xf32, #tpu.memory_space<vmem>>, vector<16xf32>,
      %scan3A_186 = arith.constant 0 : i32
      scf.yield %scan3A_186 : i32
    }
    %scan3A_43 = arith.constant 40 : i32
    %add3A_44 = arith.constant 20480 : i32
    %add3A_45 = arith.addi %add3A_44, %mul3A_18 : i32
    "tpu.region"() ({
      %run_scoped3A = tpu.sem_alloc : memref<!tpu.dma_semaphore, #tpu.memory_space<semaphore_mem>>
      %dma_start3A = tpu.memref_slice %arg8[%add3A_45] : memref<163840xf32, #tpu.memory_space<vmem_shared>> -> memref<640xf32, #tpu.memory_space<vmem_shared>>
      %dma_start3A_173 = tpu.memref_slice %arg8[%add3A_45] : memref<163840xf32, #tpu.memory_space<vmem_shared>> -> memref<640xf32, #tpu.memory_space<vmem_shared>>
      tpu.enqueue_dma source(%dma_start3A_173 : memref<640xf32, #tpu.memory_space<vmem_shared>>) target(%arg6 : memref<640xf32, #tpu.memory_space<vmem>>) target_semaphore(%run_scoped3A : memref<!tpu.dma_semaphore, #tpu.memory_space<semaphore_mem>>)
      %dma_wait3A = tpu.memref_slice %arg8[%add3A_45] : memref<163840xf32, #tpu.memory_space<vmem_shared>> -> memref<640xf32, #tpu.memory_space<vmem_shared>>
      %dma_wait3A_174 = tpu.memref_slice %arg8[%add3A_45] : memref<163840xf32, #tpu.memory_space<vmem_shared>> -> memref<640xf32, #tpu.memory_space<vmem_shared>>
      tpu.wait_dma2 semaphore(%run_scoped3A : memref<!tpu.dma_semaphore, #tpu.memory_space<semaphore_mem>>) src(%dma_wait3A_174 : memref<640xf32, #tpu.memory_space<vmem_shared>>) dst(%arg6 : memref<640xf32, #tpu.memory_space<vmem>>)
      tpu.yield
    }) : () -> ()
    %scan3A_46 = arith.constant 0 : i32
    %scan3A_47 = arith.constant 0 : i32
    %scan3A_48 = arith.constant 40 : i32
    %scan3A_49 = arith.addi %scan3A_47, %scan3A_48 : i32
    %scan3A_50 = arith.constant 1 : i32
    %scan3A_51 = scf.for %scan3A_173 = %scan3A_47 to %scan3A_49 step %scan3A_50 iter_args(%scan3A_174 = %scan3A_46) -> (i32)  : i32 {
      %mul3A_175 = arith.constant 16 : i32
      %mul3A_176 = arith.muli %scan3A_173, %mul3A_175 : i32
      %get3A = arith.index_cast %mul3A_176 : i32 to index
      %get3A_177 = tpu.vector_load %arg7[%get3A] {strides = array<i32>} : memref<640xf32, #tpu.memory_space<vmem>>, vector<16xf32>,
      %mul3A_178 = arith.constant 16 : i32
      %mul3A_179 = arith.muli %scan3A_173, %mul3A_178 : i32
      %get3A_180 = arith.index_cast %mul3A_179 : i32 to index
      %get3A_181 = tpu.vector_load %arg6[%get3A_180] {strides = array<i32>} : memref<640xf32, #tpu.memory_space<vmem>>, vector<16xf32>,
      %add3A_182 = arith.addf %get3A_177, %get3A_181 : vector<16xf32>
      %mul3A_183 = arith.constant 16 : i32
      %mul3A_184 = arith.muli %scan3A_173, %mul3A_183 : i32
      %swap3A = arith.index_cast %mul3A_184 : i32 to index
      %swap3A_185 = tpu.vector_load %arg7[%swap3A] {strides = array<i32>} : memref<640xf32, #tpu.memory_space<vmem>>, vector<16xf32>,
      tpu.vector_store %arg7[%swap3A], %add3A_182 {strides = array<i32>} : memref<640xf32, #tpu.memory_space<vmem>>, vector<16xf32>,
      %scan3A_186 = arith.constant 0 : i32
      scf.yield %scan3A_186 : i32
    }
    %scan3A_52 = arith.constant 40 : i32
    %add3A_53 = arith.constant 30720 : i32
    %add3A_54 = arith.addi %add3A_53, %mul3A_18 : i32
    "tpu.region"() ({
      %run_scoped3A = tpu.sem_alloc : memref<!tpu.dma_semaphore, #tpu.memory_space<semaphore_mem>>
      %dma_start3A = tpu.memref_slice %arg8[%add3A_54] : memref<163840xf32, #tpu.memory_space<vmem_shared>> -> memref<640xf32, #tpu.memory_space<vmem_shared>>
      %dma_start3A_173 = tpu.memref_slice %arg8[%add3A_54] : memref<163840xf32, #tpu.memory_space<vmem_shared>> -> memref<640xf32, #tpu.memory_space<vmem_shared>>
      tpu.enqueue_dma source(%dma_start3A_173 : memref<640xf32, #tpu.memory_space<vmem_shared>>) target(%arg6 : memref<640xf32, #tpu.memory_space<vmem>>) target_semaphore(%run_scoped3A : memref<!tpu.dma_semaphore, #tpu.memory_space<semaphore_mem>>)
      %dma_wait3A = tpu.memref_slice %arg8[%add3A_54] : memref<163840xf32, #tpu.memory_space<vmem_shared>> -> memref<640xf32, #tpu.memory_space<vmem_shared>>
      %dma_wait3A_174 = tpu.memref_slice %arg8[%add3A_54] : memref<163840xf32, #tpu.memory_space<vmem_shared>> -> memref<640xf32, #tpu.memory_space<vmem_shared>>
      tpu.wait_dma2 semaphore(%run_scoped3A : memref<!tpu.dma_semaphore, #tpu.memory_space<semaphore_mem>>) src(%dma_wait3A_174 : memref<640xf32, #tpu.memory_space<vmem_shared>>) dst(%arg6 : memref<640xf32, #tpu.memory_space<vmem>>)
      tpu.yield
    }) : () -> ()
    %scan3A_55 = arith.constant 0 : i32
    %scan3A_56 = arith.constant 0 : i32
    %scan3A_57 = arith.constant 40 : i32
    %scan3A_58 = arith.addi %scan3A_56, %scan3A_57 : i32
    %scan3A_59 = arith.constant 1 : i32
    %scan3A_60 = scf.for %scan3A_173 = %scan3A_56 to %scan3A_58 step %scan3A_59 iter_args(%scan3A_174 = %scan3A_55) -> (i32)  : i32 {
      %mul3A_175 = arith.constant 16 : i32
      %mul3A_176 = arith.muli %scan3A_173, %mul3A_175 : i32
      %get3A = arith.index_cast %mul3A_176 : i32 to index
      %get3A_177 = tpu.vector_load %arg7[%get3A] {strides = array<i32>} : memref<640xf32, #tpu.memory_space<vmem>>, vector<16xf32>,
      %mul3A_178 = arith.constant 16 : i32
      %mul3A_179 = arith.muli %scan3A_173, %mul3A_178 : i32
      %get3A_180 = arith.index_cast %mul3A_179 : i32 to index
      %get3A_181 = tpu.vector_load %arg6[%get3A_180] {strides = array<i32>} : memref<640xf32, #tpu.memory_space<vmem>>, vector<16xf32>,
      %add3A_182 = arith.addf %get3A_177, %get3A_181 : vector<16xf32>
      %mul3A_183 = arith.constant 16 : i32
      %mul3A_184 = arith.muli %scan3A_173, %mul3A_183 : i32
      %swap3A = arith.index_cast %mul3A_184 : i32 to index
      %swap3A_185 = tpu.vector_load %arg7[%swap3A] {strides = array<i32>} : memref<640xf32, #tpu.memory_space<vmem>>, vector<16xf32>,
      tpu.vector_store %arg7[%swap3A], %add3A_182 {strides = array<i32>} : memref<640xf32, #tpu.memory_space<vmem>>, vector<16xf32>,
      %scan3A_186 = arith.constant 0 : i32
      scf.yield %scan3A_186 : i32
    }
    %scan3A_61 = arith.constant 40 : i32
    %add3A_62 = arith.constant 40960 : i32
    %add3A_63 = arith.addi %add3A_62, %mul3A_18 : i32
    "tpu.region"() ({
      %run_scoped3A = tpu.sem_alloc : memref<!tpu.dma_semaphore, #tpu.memory_space<semaphore_mem>>
      %dma_start3A = tpu.memref_slice %arg8[%add3A_63] : memref<163840xf32, #tpu.memory_space<vmem_shared>> -> memref<640xf32, #tpu.memory_space<vmem_shared>>
      %dma_start3A_173 = tpu.memref_slice %arg8[%add3A_63] : memref<163840xf32, #tpu.memory_space<vmem_shared>> -> memref<640xf32, #tpu.memory_space<vmem_shared>>
      tpu.enqueue_dma source(%dma_start3A_173 : memref<640xf32, #tpu.memory_space<vmem_shared>>) target(%arg6 : memref<640xf32, #tpu.memory_space<vmem>>) target_semaphore(%run_scoped3A : memref<!tpu.dma_semaphore, #tpu.memory_space<semaphore_mem>>)
      %dma_wait3A = tpu.memref_slice %arg8[%add3A_63] : memref<163840xf32, #tpu.memory_space<vmem_shared>> -> memref<640xf32, #tpu.memory_space<vmem_shared>>
      %dma_wait3A_174 = tpu.memref_slice %arg8[%add3A_63] : memref<163840xf32, #tpu.memory_space<vmem_shared>> -> memref<640xf32, #tpu.memory_space<vmem_shared>>
      tpu.wait_dma2 semaphore(%run_scoped3A : memref<!tpu.dma_semaphore, #tpu.memory_space<semaphore_mem>>) src(%dma_wait3A_174 : memref<640xf32, #tpu.memory_space<vmem_shared>>) dst(%arg6 : memref<640xf32, #tpu.memory_space<vmem>>)
      tpu.yield
    }) : () -> ()
    %scan3A_64 = arith.constant 0 : i32
    %scan3A_65 = arith.constant 0 : i32
    %scan3A_66 = arith.constant 40 : i32
    %scan3A_67 = arith.addi %scan3A_65, %scan3A_66 : i32
    %scan3A_68 = arith.constant 1 : i32
    %scan3A_69 = scf.for %scan3A_173 = %scan3A_65 to %scan3A_67 step %scan3A_68 iter_args(%scan3A_174 = %scan3A_64) -> (i32)  : i32 {
      %mul3A_175 = arith.constant 16 : i32
      %mul3A_176 = arith.muli %scan3A_173, %mul3A_175 : i32
      %get3A = arith.index_cast %mul3A_176 : i32 to index
      %get3A_177 = tpu.vector_load %arg7[%get3A] {strides = array<i32>} : memref<640xf32, #tpu.memory_space<vmem>>, vector<16xf32>,
      %mul3A_178 = arith.constant 16 : i32
      %mul3A_179 = arith.muli %scan3A_173, %mul3A_178 : i32
      %get3A_180 = arith.index_cast %mul3A_179 : i32 to index
      %get3A_181 = tpu.vector_load %arg6[%get3A_180] {strides = array<i32>} : memref<640xf32, #tpu.memory_space<vmem>>, vector<16xf32>,
      %add3A_182 = arith.addf %get3A_177, %get3A_181 : vector<16xf32>
      %mul3A_183 = arith.constant 16 : i32
      %mul3A_184 = arith.muli %scan3A_173, %mul3A_183 : i32
      %swap3A = arith.index_cast %mul3A_184 : i32 to index
      %swap3A_185 = tpu.vector_load %arg7[%swap3A] {strides = array<i32>} : memref<640xf32, #tpu.memory_space<vmem>>, vector<16xf32>,
      tpu.vector_store %arg7[%swap3A], %add3A_182 {strides = array<i32>} : memref<640xf32, #tpu.memory_space<vmem>>, vector<16xf32>,
      %scan3A_186 = arith.constant 0 : i32
      scf.yield %scan3A_186 : i32
    }
    %scan3A_70 = arith.constant 40 : i32
    %add3A_71 = arith.constant 51200 : i32
    %add3A_72 = arith.addi %add3A_71, %mul3A_18 : i32
    "tpu.region"() ({
      %run_scoped3A = tpu.sem_alloc : memref<!tpu.dma_semaphore, #tpu.memory_space<semaphore_mem>>
      %dma_start3A = tpu.memref_slice %arg8[%add3A_72] : memref<163840xf32, #tpu.memory_space<vmem_shared>> -> memref<640xf32, #tpu.memory_space<vmem_shared>>
      %dma_start3A_173 = tpu.memref_slice %arg8[%add3A_72] : memref<163840xf32, #tpu.memory_space<vmem_shared>> -> memref<640xf32, #tpu.memory_space<vmem_shared>>
      tpu.enqueue_dma source(%dma_start3A_173 : memref<640xf32, #tpu.memory_space<vmem_shared>>) target(%arg6 : memref<640xf32, #tpu.memory_space<vmem>>) target_semaphore(%run_scoped3A : memref<!tpu.dma_semaphore, #tpu.memory_space<semaphore_mem>>)
      %dma_wait3A = tpu.memref_slice %arg8[%add3A_72] : memref<163840xf32, #tpu.memory_space<vmem_shared>> -> memref<640xf32, #tpu.memory_space<vmem_shared>>
      %dma_wait3A_174 = tpu.memref_slice %arg8[%add3A_72] : memref<163840xf32, #tpu.memory_space<vmem_shared>> -> memref<640xf32, #tpu.memory_space<vmem_shared>>
      tpu.wait_dma2 semaphore(%run_scoped3A : memref<!tpu.dma_semaphore, #tpu.memory_space<semaphore_mem>>) src(%dma_wait3A_174 : memref<640xf32, #tpu.memory_space<vmem_shared>>) dst(%arg6 : memref<640xf32, #tpu.memory_space<vmem>>)
      tpu.yield
    }) : () -> ()
    %scan3A_73 = arith.constant 0 : i32
    %scan3A_74 = arith.constant 0 : i32
    %scan3A_75 = arith.constant 40 : i32
    %scan3A_76 = arith.addi %scan3A_74, %scan3A_75 : i32
    %scan3A_77 = arith.constant 1 : i32
    %scan3A_78 = scf.for %scan3A_173 = %scan3A_74 to %scan3A_76 step %scan3A_77 iter_args(%scan3A_174 = %scan3A_73) -> (i32)  : i32 {
      %mul3A_175 = arith.constant 16 : i32
      %mul3A_176 = arith.muli %scan3A_173, %mul3A_175 : i32
      %get3A = arith.index_cast %mul3A_176 : i32 to index
      %get3A_177 = tpu.vector_load %arg7[%get3A] {strides = array<i32>} : memref<640xf32, #tpu.memory_space<vmem>>, vector<16xf32>,
      %mul3A_178 = arith.constant 16 : i32
      %mul3A_179 = arith.muli %scan3A_173, %mul3A_178 : i32
      %get3A_180 = arith.index_cast %mul3A_179 : i32 to index
      %get3A_181 = tpu.vector_load %arg6[%get3A_180] {strides = array<i32>} : memref<640xf32, #tpu.memory_space<vmem>>, vector<16xf32>,
      %add3A_182 = arith.addf %get3A_177, %get3A_181 : vector<16xf32>
      %mul3A_183 = arith.constant 16 : i32
      %mul3A_184 = arith.muli %scan3A_173, %mul3A_183 : i32
      %swap3A = arith.index_cast %mul3A_184 : i32 to index
      %swap3A_185 = tpu.vector_load %arg7[%swap3A] {strides = array<i32>} : memref<640xf32, #tpu.memory_space<vmem>>, vector<16xf32>,
      tpu.vector_store %arg7[%swap3A], %add3A_182 {strides = array<i32>} : memref<640xf32, #tpu.memory_space<vmem>>, vector<16xf32>,
      %scan3A_186 = arith.constant 0 : i32
      scf.yield %scan3A_186 : i32
    }
    %scan3A_79 = arith.constant 40 : i32
    %add3A_80 = arith.constant 61440 : i32
    %add3A_81 = arith.addi %add3A_80, %mul3A_18 : i32
    "tpu.region"() ({
      %run_scoped3A = tpu.sem_alloc : memref<!tpu.dma_semaphore, #tpu.memory_space<semaphore_mem>>
      %dma_start3A = tpu.memref_slice %arg8[%add3A_81] : memref<163840xf32, #tpu.memory_space<vmem_shared>> -> memref<640xf32, #tpu.memory_space<vmem_shared>>
      %dma_start3A_173 = tpu.memref_slice %arg8[%add3A_81] : memref<163840xf32, #tpu.memory_space<vmem_shared>> -> memref<640xf32, #tpu.memory_space<vmem_shared>>
      tpu.enqueue_dma source(%dma_start3A_173 : memref<640xf32, #tpu.memory_space<vmem_shared>>) target(%arg6 : memref<640xf32, #tpu.memory_space<vmem>>) target_semaphore(%run_scoped3A : memref<!tpu.dma_semaphore, #tpu.memory_space<semaphore_mem>>)
      %dma_wait3A = tpu.memref_slice %arg8[%add3A_81] : memref<163840xf32, #tpu.memory_space<vmem_shared>> -> memref<640xf32, #tpu.memory_space<vmem_shared>>
      %dma_wait3A_174 = tpu.memref_slice %arg8[%add3A_81] : memref<163840xf32, #tpu.memory_space<vmem_shared>> -> memref<640xf32, #tpu.memory_space<vmem_shared>>
      tpu.wait_dma2 semaphore(%run_scoped3A : memref<!tpu.dma_semaphore, #tpu.memory_space<semaphore_mem>>) src(%dma_wait3A_174 : memref<640xf32, #tpu.memory_space<vmem_shared>>) dst(%arg6 : memref<640xf32, #tpu.memory_space<vmem>>)
      tpu.yield
    }) : () -> ()
    %scan3A_82 = arith.constant 0 : i32
    %scan3A_83 = arith.constant 0 : i32
    %scan3A_84 = arith.constant 40 : i32
    %scan3A_85 = arith.addi %scan3A_83, %scan3A_84 : i32
    %scan3A_86 = arith.constant 1 : i32
    %scan3A_87 = scf.for %scan3A_173 = %scan3A_83 to %scan3A_85 step %scan3A_86 iter_args(%scan3A_174 = %scan3A_82) -> (i32)  : i32 {
      %mul3A_175 = arith.constant 16 : i32
      %mul3A_176 = arith.muli %scan3A_173, %mul3A_175 : i32
      %get3A = arith.index_cast %mul3A_176 : i32 to index
      %get3A_177 = tpu.vector_load %arg7[%get3A] {strides = array<i32>} : memref<640xf32, #tpu.memory_space<vmem>>, vector<16xf32>,
      %mul3A_178 = arith.constant 16 : i32
      %mul3A_179 = arith.muli %scan3A_173, %mul3A_178 : i32
      %get3A_180 = arith.index_cast %mul3A_179 : i32 to index
      %get3A_181 = tpu.vector_load %arg6[%get3A_180] {strides = array<i32>} : memref<640xf32, #tpu.memory_space<vmem>>, vector<16xf32>,
      %add3A_182 = arith.addf %get3A_177, %get3A_181 : vector<16xf32>
      %mul3A_183 = arith.constant 16 : i32
      %mul3A_184 = arith.muli %scan3A_173, %mul3A_183 : i32
      %swap3A = arith.index_cast %mul3A_184 : i32 to index
      %swap3A_185 = tpu.vector_load %arg7[%swap3A] {strides = array<i32>} : memref<640xf32, #tpu.memory_space<vmem>>, vector<16xf32>,
      tpu.vector_store %arg7[%swap3A], %add3A_182 {strides = array<i32>} : memref<640xf32, #tpu.memory_space<vmem>>, vector<16xf32>,
      %scan3A_186 = arith.constant 0 : i32
      scf.yield %scan3A_186 : i32
    }
    %scan3A_88 = arith.constant 40 : i32
    %add3A_89 = arith.constant 71680 : i32
    %add3A_90 = arith.addi %add3A_89, %mul3A_18 : i32
    "tpu.region"() ({
      %run_scoped3A = tpu.sem_alloc : memref<!tpu.dma_semaphore, #tpu.memory_space<semaphore_mem>>
      %dma_start3A = tpu.memref_slice %arg8[%add3A_90] : memref<163840xf32, #tpu.memory_space<vmem_shared>> -> memref<640xf32, #tpu.memory_space<vmem_shared>>
      %dma_start3A_173 = tpu.memref_slice %arg8[%add3A_90] : memref<163840xf32, #tpu.memory_space<vmem_shared>> -> memref<640xf32, #tpu.memory_space<vmem_shared>>
      tpu.enqueue_dma source(%dma_start3A_173 : memref<640xf32, #tpu.memory_space<vmem_shared>>) target(%arg6 : memref<640xf32, #tpu.memory_space<vmem>>) target_semaphore(%run_scoped3A : memref<!tpu.dma_semaphore, #tpu.memory_space<semaphore_mem>>)
      %dma_wait3A = tpu.memref_slice %arg8[%add3A_90] : memref<163840xf32, #tpu.memory_space<vmem_shared>> -> memref<640xf32, #tpu.memory_space<vmem_shared>>
      %dma_wait3A_174 = tpu.memref_slice %arg8[%add3A_90] : memref<163840xf32, #tpu.memory_space<vmem_shared>> -> memref<640xf32, #tpu.memory_space<vmem_shared>>
      tpu.wait_dma2 semaphore(%run_scoped3A : memref<!tpu.dma_semaphore, #tpu.memory_space<semaphore_mem>>) src(%dma_wait3A_174 : memref<640xf32, #tpu.memory_space<vmem_shared>>) dst(%arg6 : memref<640xf32, #tpu.memory_space<vmem>>)
      tpu.yield
    }) : () -> ()
    %scan3A_91 = arith.constant 0 : i32
    %scan3A_92 = arith.constant 0 : i32
    %scan3A_93 = arith.constant 40 : i32
    %scan3A_94 = arith.addi %scan3A_92, %scan3A_93 : i32
    %scan3A_95 = arith.constant 1 : i32
    %scan3A_96 = scf.for %scan3A_173 = %scan3A_92 to %scan3A_94 step %scan3A_95 iter_args(%scan3A_174 = %scan3A_91) -> (i32)  : i32 {
      %mul3A_175 = arith.constant 16 : i32
      %mul3A_176 = arith.muli %scan3A_173, %mul3A_175 : i32
      %get3A = arith.index_cast %mul3A_176 : i32 to index
      %get3A_177 = tpu.vector_load %arg7[%get3A] {strides = array<i32>} : memref<640xf32, #tpu.memory_space<vmem>>, vector<16xf32>,
      %mul3A_178 = arith.constant 16 : i32
      %mul3A_179 = arith.muli %scan3A_173, %mul3A_178 : i32
      %get3A_180 = arith.index_cast %mul3A_179 : i32 to index
      %get3A_181 = tpu.vector_load %arg6[%get3A_180] {strides = array<i32>} : memref<640xf32, #tpu.memory_space<vmem>>, vector<16xf32>,
      %add3A_182 = arith.addf %get3A_177, %get3A_181 : vector<16xf32>
      %mul3A_183 = arith.constant 16 : i32
      %mul3A_184 = arith.muli %scan3A_173, %mul3A_183 : i32
      %swap3A = arith.index_cast %mul3A_184 : i32 to index
      %swap3A_185 = tpu.vector_load %arg7[%swap3A] {strides = array<i32>} : memref<640xf32, #tpu.memory_space<vmem>>, vector<16xf32>,
      tpu.vector_store %arg7[%swap3A], %add3A_182 {strides = array<i32>} : memref<640xf32, #tpu.memory_space<vmem>>, vector<16xf32>,
      %scan3A_186 = arith.constant 0 : i32
      scf.yield %scan3A_186 : i32
    }
    %scan3A_97 = arith.constant 40 : i32
    %add3A_98 = arith.constant 81920 : i32
    %add3A_99 = arith.addi %add3A_98, %mul3A_18 : i32
    "tpu.region"() ({
      %run_scoped3A = tpu.sem_alloc : memref<!tpu.dma_semaphore, #tpu.memory_space<semaphore_mem>>
      %dma_start3A = tpu.memref_slice %arg8[%add3A_99] : memref<163840xf32, #tpu.memory_space<vmem_shared>> -> memref<640xf32, #tpu.memory_space<vmem_shared>>
      %dma_start3A_173 = tpu.memref_slice %arg8[%add3A_99] : memref<163840xf32, #tpu.memory_space<vmem_shared>> -> memref<640xf32, #tpu.memory_space<vmem_shared>>
      tpu.enqueue_dma source(%dma_start3A_173 : memref<640xf32, #tpu.memory_space<vmem_shared>>) target(%arg6 : memref<640xf32, #tpu.memory_space<vmem>>) target_semaphore(%run_scoped3A : memref<!tpu.dma_semaphore, #tpu.memory_space<semaphore_mem>>)
      %dma_wait3A = tpu.memref_slice %arg8[%add3A_99] : memref<163840xf32, #tpu.memory_space<vmem_shared>> -> memref<640xf32, #tpu.memory_space<vmem_shared>>
      %dma_wait3A_174 = tpu.memref_slice %arg8[%add3A_99] : memref<163840xf32, #tpu.memory_space<vmem_shared>> -> memref<640xf32, #tpu.memory_space<vmem_shared>>
      tpu.wait_dma2 semaphore(%run_scoped3A : memref<!tpu.dma_semaphore, #tpu.memory_space<semaphore_mem>>) src(%dma_wait3A_174 : memref<640xf32, #tpu.memory_space<vmem_shared>>) dst(%arg6 : memref<640xf32, #tpu.memory_space<vmem>>)
      tpu.yield
    }) : () -> ()
    %scan3A_100 = arith.constant 0 : i32
    %scan3A_101 = arith.constant 0 : i32
    %scan3A_102 = arith.constant 40 : i32
    %scan3A_103 = arith.addi %scan3A_101, %scan3A_102 : i32
    %scan3A_104 = arith.constant 1 : i32
    %scan3A_105 = scf.for %scan3A_173 = %scan3A_101 to %scan3A_103 step %scan3A_104 iter_args(%scan3A_174 = %scan3A_100) -> (i32)  : i32 {
      %mul3A_175 = arith.constant 16 : i32
      %mul3A_176 = arith.muli %scan3A_173, %mul3A_175 : i32
      %get3A = arith.index_cast %mul3A_176 : i32 to index
      %get3A_177 = tpu.vector_load %arg7[%get3A] {strides = array<i32>} : memref<640xf32, #tpu.memory_space<vmem>>, vector<16xf32>,
      %mul3A_178 = arith.constant 16 : i32
      %mul3A_179 = arith.muli %scan3A_173, %mul3A_178 : i32
      %get3A_180 = arith.index_cast %mul3A_179 : i32 to index
      %get3A_181 = tpu.vector_load %arg6[%get3A_180] {strides = array<i32>} : memref<640xf32, #tpu.memory_space<vmem>>, vector<16xf32>,
      %add3A_182 = arith.addf %get3A_177, %get3A_181 : vector<16xf32>
      %mul3A_183 = arith.constant 16 : i32
      %mul3A_184 = arith.muli %scan3A_173, %mul3A_183 : i32
      %swap3A = arith.index_cast %mul3A_184 : i32 to index
      %swap3A_185 = tpu.vector_load %arg7[%swap3A] {strides = array<i32>} : memref<640xf32, #tpu.memory_space<vmem>>, vector<16xf32>,
      tpu.vector_store %arg7[%swap3A], %add3A_182 {strides = array<i32>} : memref<640xf32, #tpu.memory_space<vmem>>, vector<16xf32>,
      %scan3A_186 = arith.constant 0 : i32
      scf.yield %scan3A_186 : i32
    }
    %scan3A_106 = arith.constant 40 : i32
    %add3A_107 = arith.constant 92160 : i32
    %add3A_108 = arith.addi %add3A_107, %mul3A_18 : i32
    "tpu.region"() ({
      %run_scoped3A = tpu.sem_alloc : memref<!tpu.dma_semaphore, #tpu.memory_space<semaphore_mem>>
      %dma_start3A = tpu.memref_slice %arg8[%add3A_108] : memref<163840xf32, #tpu.memory_space<vmem_shared>> -> memref<640xf32, #tpu.memory_space<vmem_shared>>
      %dma_start3A_173 = tpu.memref_slice %arg8[%add3A_108] : memref<163840xf32, #tpu.memory_space<vmem_shared>> -> memref<640xf32, #tpu.memory_space<vmem_shared>>
      tpu.enqueue_dma source(%dma_start3A_173 : memref<640xf32, #tpu.memory_space<vmem_shared>>) target(%arg6 : memref<640xf32, #tpu.memory_space<vmem>>) target_semaphore(%run_scoped3A : memref<!tpu.dma_semaphore, #tpu.memory_space<semaphore_mem>>)
      %dma_wait3A = tpu.memref_slice %arg8[%add3A_108] : memref<163840xf32, #tpu.memory_space<vmem_shared>> -> memref<640xf32, #tpu.memory_space<vmem_shared>>
      %dma_wait3A_174 = tpu.memref_slice %arg8[%add3A_108] : memref<163840xf32, #tpu.memory_space<vmem_shared>> -> memref<640xf32, #tpu.memory_space<vmem_shared>>
      tpu.wait_dma2 semaphore(%run_scoped3A : memref<!tpu.dma_semaphore, #tpu.memory_space<semaphore_mem>>) src(%dma_wait3A_174 : memref<640xf32, #tpu.memory_space<vmem_shared>>) dst(%arg6 : memref<640xf32, #tpu.memory_space<vmem>>)
      tpu.yield
    }) : () -> ()
    %scan3A_109 = arith.constant 0 : i32
    %scan3A_110 = arith.constant 0 : i32
    %scan3A_111 = arith.constant 40 : i32
    %scan3A_112 = arith.addi %scan3A_110, %scan3A_111 : i32
    %scan3A_113 = arith.constant 1 : i32
    %scan3A_114 = scf.for %scan3A_173 = %scan3A_110 to %scan3A_112 step %scan3A_113 iter_args(%scan3A_174 = %scan3A_109) -> (i32)  : i32 {
      %mul3A_175 = arith.constant 16 : i32
      %mul3A_176 = arith.muli %scan3A_173, %mul3A_175 : i32
      %get3A = arith.index_cast %mul3A_176 : i32 to index
      %get3A_177 = tpu.vector_load %arg7[%get3A] {strides = array<i32>} : memref<640xf32, #tpu.memory_space<vmem>>, vector<16xf32>,
      %mul3A_178 = arith.constant 16 : i32
      %mul3A_179 = arith.muli %scan3A_173, %mul3A_178 : i32
      %get3A_180 = arith.index_cast %mul3A_179 : i32 to index
      %get3A_181 = tpu.vector_load %arg6[%get3A_180] {strides = array<i32>} : memref<640xf32, #tpu.memory_space<vmem>>, vector<16xf32>,
      %add3A_182 = arith.addf %get3A_177, %get3A_181 : vector<16xf32>
      %mul3A_183 = arith.constant 16 : i32
      %mul3A_184 = arith.muli %scan3A_173, %mul3A_183 : i32
      %swap3A = arith.index_cast %mul3A_184 : i32 to index
      %swap3A_185 = tpu.vector_load %arg7[%swap3A] {strides = array<i32>} : memref<640xf32, #tpu.memory_space<vmem>>, vector<16xf32>,
      tpu.vector_store %arg7[%swap3A], %add3A_182 {strides = array<i32>} : memref<640xf32, #tpu.memory_space<vmem>>, vector<16xf32>,
      %scan3A_186 = arith.constant 0 : i32
      scf.yield %scan3A_186 : i32
    }
    %scan3A_115 = arith.constant 40 : i32
    %add3A_116 = arith.constant 102400 : i32
    %add3A_117 = arith.addi %add3A_116, %mul3A_18 : i32
    "tpu.region"() ({
      %run_scoped3A = tpu.sem_alloc : memref<!tpu.dma_semaphore, #tpu.memory_space<semaphore_mem>>
      %dma_start3A = tpu.memref_slice %arg8[%add3A_117] : memref<163840xf32, #tpu.memory_space<vmem_shared>> -> memref<640xf32, #tpu.memory_space<vmem_shared>>
      %dma_start3A_173 = tpu.memref_slice %arg8[%add3A_117] : memref<163840xf32, #tpu.memory_space<vmem_shared>> -> memref<640xf32, #tpu.memory_space<vmem_shared>>
      tpu.enqueue_dma source(%dma_start3A_173 : memref<640xf32, #tpu.memory_space<vmem_shared>>) target(%arg6 : memref<640xf32, #tpu.memory_space<vmem>>) target_semaphore(%run_scoped3A : memref<!tpu.dma_semaphore, #tpu.memory_space<semaphore_mem>>)
      %dma_wait3A = tpu.memref_slice %arg8[%add3A_117] : memref<163840xf32, #tpu.memory_space<vmem_shared>> -> memref<640xf32, #tpu.memory_space<vmem_shared>>
      %dma_wait3A_174 = tpu.memref_slice %arg8[%add3A_117] : memref<163840xf32, #tpu.memory_space<vmem_shared>> -> memref<640xf32, #tpu.memory_space<vmem_shared>>
      tpu.wait_dma2 semaphore(%run_scoped3A : memref<!tpu.dma_semaphore, #tpu.memory_space<semaphore_mem>>) src(%dma_wait3A_174 : memref<640xf32, #tpu.memory_space<vmem_shared>>) dst(%arg6 : memref<640xf32, #tpu.memory_space<vmem>>)
      tpu.yield
    }) : () -> ()
    %scan3A_118 = arith.constant 0 : i32
    %scan3A_119 = arith.constant 0 : i32
    %scan3A_120 = arith.constant 40 : i32
    %scan3A_121 = arith.addi %scan3A_119, %scan3A_120 : i32
    %scan3A_122 = arith.constant 1 : i32
    %scan3A_123 = scf.for %scan3A_173 = %scan3A_119 to %scan3A_121 step %scan3A_122 iter_args(%scan3A_174 = %scan3A_118) -> (i32)  : i32 {
      %mul3A_175 = arith.constant 16 : i32
      %mul3A_176 = arith.muli %scan3A_173, %mul3A_175 : i32
      %get3A = arith.index_cast %mul3A_176 : i32 to index
      %get3A_177 = tpu.vector_load %arg7[%get3A] {strides = array<i32>} : memref<640xf32, #tpu.memory_space<vmem>>, vector<16xf32>,
      %mul3A_178 = arith.constant 16 : i32
      %mul3A_179 = arith.muli %scan3A_173, %mul3A_178 : i32
      %get3A_180 = arith.index_cast %mul3A_179 : i32 to index
      %get3A_181 = tpu.vector_load %arg6[%get3A_180] {strides = array<i32>} : memref<640xf32, #tpu.memory_space<vmem>>, vector<16xf32>,
      %add3A_182 = arith.addf %get3A_177, %get3A_181 : vector<16xf32>
      %mul3A_183 = arith.constant 16 : i32
      %mul3A_184 = arith.muli %scan3A_173, %mul3A_183 : i32
      %swap3A = arith.index_cast %mul3A_184 : i32 to index
      %swap3A_185 = tpu.vector_load %arg7[%swap3A] {strides = array<i32>} : memref<640xf32, #tpu.memory_space<vmem>>, vector<16xf32>,
      tpu.vector_store %arg7[%swap3A], %add3A_182 {strides = array<i32>} : memref<640xf32, #tpu.memory_space<vmem>>, vector<16xf32>,
      %scan3A_186 = arith.constant 0 : i32
      scf.yield %scan3A_186 : i32
    }
    %scan3A_124 = arith.constant 40 : i32
    %add3A_125 = arith.constant 112640 : i32
    %add3A_126 = arith.addi %add3A_125, %mul3A_18 : i32
    "tpu.region"() ({
      %run_scoped3A = tpu.sem_alloc : memref<!tpu.dma_semaphore, #tpu.memory_space<semaphore_mem>>
      %dma_start3A = tpu.memref_slice %arg8[%add3A_126] : memref<163840xf32, #tpu.memory_space<vmem_shared>> -> memref<640xf32, #tpu.memory_space<vmem_shared>>
      %dma_start3A_173 = tpu.memref_slice %arg8[%add3A_126] : memref<163840xf32, #tpu.memory_space<vmem_shared>> -> memref<640xf32, #tpu.memory_space<vmem_shared>>
      tpu.enqueue_dma source(%dma_start3A_173 : memref<640xf32, #tpu.memory_space<vmem_shared>>) target(%arg6 : memref<640xf32, #tpu.memory_space<vmem>>) target_semaphore(%run_scoped3A : memref<!tpu.dma_semaphore, #tpu.memory_space<semaphore_mem>>)
      %dma_wait3A = tpu.memref_slice %arg8[%add3A_126] : memref<163840xf32, #tpu.memory_space<vmem_shared>> -> memref<640xf32, #tpu.memory_space<vmem_shared>>
      %dma_wait3A_174 = tpu.memref_slice %arg8[%add3A_126] : memref<163840xf32, #tpu.memory_space<vmem_shared>> -> memref<640xf32, #tpu.memory_space<vmem_shared>>
      tpu.wait_dma2 semaphore(%run_scoped3A : memref<!tpu.dma_semaphore, #tpu.memory_space<semaphore_mem>>) src(%dma_wait3A_174 : memref<640xf32, #tpu.memory_space<vmem_shared>>) dst(%arg6 : memref<640xf32, #tpu.memory_space<vmem>>)
      tpu.yield
    }) : () -> ()
    %scan3A_127 = arith.constant 0 : i32
    %scan3A_128 = arith.constant 0 : i32
    %scan3A_129 = arith.constant 40 : i32
    %scan3A_130 = arith.addi %scan3A_128, %scan3A_129 : i32
    %scan3A_131 = arith.constant 1 : i32
    %scan3A_132 = scf.for %scan3A_173 = %scan3A_128 to %scan3A_130 step %scan3A_131 iter_args(%scan3A_174 = %scan3A_127) -> (i32)  : i32 {
      %mul3A_175 = arith.constant 16 : i32
      %mul3A_176 = arith.muli %scan3A_173, %mul3A_175 : i32
      %get3A = arith.index_cast %mul3A_176 : i32 to index
      %get3A_177 = tpu.vector_load %arg7[%get3A] {strides = array<i32>} : memref<640xf32, #tpu.memory_space<vmem>>, vector<16xf32>,
      %mul3A_178 = arith.constant 16 : i32
      %mul3A_179 = arith.muli %scan3A_173, %mul3A_178 : i32
      %get3A_180 = arith.index_cast %mul3A_179 : i32 to index
      %get3A_181 = tpu.vector_load %arg6[%get3A_180] {strides = array<i32>} : memref<640xf32, #tpu.memory_space<vmem>>, vector<16xf32>,
      %add3A_182 = arith.addf %get3A_177, %get3A_181 : vector<16xf32>
      %mul3A_183 = arith.constant 16 : i32
      %mul3A_184 = arith.muli %scan3A_173, %mul3A_183 : i32
      %swap3A = arith.index_cast %mul3A_184 : i32 to index
      %swap3A_185 = tpu.vector_load %arg7[%swap3A] {strides = array<i32>} : memref<640xf32, #tpu.memory_space<vmem>>, vector<16xf32>,
      tpu.vector_store %arg7[%swap3A], %add3A_182 {strides = array<i32>} : memref<640xf32, #tpu.memory_space<vmem>>, vector<16xf32>,
      %scan3A_186 = arith.constant 0 : i32
      scf.yield %scan3A_186 : i32
    }
    %scan3A_133 = arith.constant 40 : i32
    %add3A_134 = arith.constant 122880 : i32
    %add3A_135 = arith.addi %add3A_134, %mul3A_18 : i32
    "tpu.region"() ({
      %run_scoped3A = tpu.sem_alloc : memref<!tpu.dma_semaphore, #tpu.memory_space<semaphore_mem>>
      %dma_start3A = tpu.memref_slice %arg8[%add3A_135] : memref<163840xf32, #tpu.memory_space<vmem_shared>> -> memref<640xf32, #tpu.memory_space<vmem_shared>>
      %dma_start3A_173 = tpu.memref_slice %arg8[%add3A_135] : memref<163840xf32, #tpu.memory_space<vmem_shared>> -> memref<640xf32, #tpu.memory_space<vmem_shared>>
      tpu.enqueue_dma source(%dma_start3A_173 : memref<640xf32, #tpu.memory_space<vmem_shared>>) target(%arg6 : memref<640xf32, #tpu.memory_space<vmem>>) target_semaphore(%run_scoped3A : memref<!tpu.dma_semaphore, #tpu.memory_space<semaphore_mem>>)
      %dma_wait3A = tpu.memref_slice %arg8[%add3A_135] : memref<163840xf32, #tpu.memory_space<vmem_shared>> -> memref<640xf32, #tpu.memory_space<vmem_shared>>
      %dma_wait3A_174 = tpu.memref_slice %arg8[%add3A_135] : memref<163840xf32, #tpu.memory_space<vmem_shared>> -> memref<640xf32, #tpu.memory_space<vmem_shared>>
      tpu.wait_dma2 semaphore(%run_scoped3A : memref<!tpu.dma_semaphore, #tpu.memory_space<semaphore_mem>>) src(%dma_wait3A_174 : memref<640xf32, #tpu.memory_space<vmem_shared>>) dst(%arg6 : memref<640xf32, #tpu.memory_space<vmem>>)
      tpu.yield
    }) : () -> ()
    %scan3A_136 = arith.constant 0 : i32
    %scan3A_137 = arith.constant 0 : i32
    %scan3A_138 = arith.constant 40 : i32
    %scan3A_139 = arith.addi %scan3A_137, %scan3A_138 : i32
    %scan3A_140 = arith.constant 1 : i32
    %scan3A_141 = scf.for %scan3A_173 = %scan3A_137 to %scan3A_139 step %scan3A_140 iter_args(%scan3A_174 = %scan3A_136) -> (i32)  : i32 {
      %mul3A_175 = arith.constant 16 : i32
      %mul3A_176 = arith.muli %scan3A_173, %mul3A_175 : i32
      %get3A = arith.index_cast %mul3A_176 : i32 to index
      %get3A_177 = tpu.vector_load %arg7[%get3A] {strides = array<i32>} : memref<640xf32, #tpu.memory_space<vmem>>, vector<16xf32>,
      %mul3A_178 = arith.constant 16 : i32
      %mul3A_179 = arith.muli %scan3A_173, %mul3A_178 : i32
      %get3A_180 = arith.index_cast %mul3A_179 : i32 to index
      %get3A_181 = tpu.vector_load %arg6[%get3A_180] {strides = array<i32>} : memref<640xf32, #tpu.memory_space<vmem>>, vector<16xf32>,
      %add3A_182 = arith.addf %get3A_177, %get3A_181 : vector<16xf32>
      %mul3A_183 = arith.constant 16 : i32
      %mul3A_184 = arith.muli %scan3A_173, %mul3A_183 : i32
      %swap3A = arith.index_cast %mul3A_184 : i32 to index
      %swap3A_185 = tpu.vector_load %arg7[%swap3A] {strides = array<i32>} : memref<640xf32, #tpu.memory_space<vmem>>, vector<16xf32>,
      tpu.vector_store %arg7[%swap3A], %add3A_182 {strides = array<i32>} : memref<640xf32, #tpu.memory_space<vmem>>, vector<16xf32>,
      %scan3A_186 = arith.constant 0 : i32
      scf.yield %scan3A_186 : i32
    }
    %scan3A_142 = arith.constant 40 : i32
    %add3A_143 = arith.constant 133120 : i32
    %add3A_144 = arith.addi %add3A_143, %mul3A_18 : i32
    "tpu.region"() ({
      %run_scoped3A = tpu.sem_alloc : memref<!tpu.dma_semaphore, #tpu.memory_space<semaphore_mem>>
      %dma_start3A = tpu.memref_slice %arg8[%add3A_144] : memref<163840xf32, #tpu.memory_space<vmem_shared>> -> memref<640xf32, #tpu.memory_space<vmem_shared>>
      %dma_start3A_173 = tpu.memref_slice %arg8[%add3A_144] : memref<163840xf32, #tpu.memory_space<vmem_shared>> -> memref<640xf32, #tpu.memory_space<vmem_shared>>
      tpu.enqueue_dma source(%dma_start3A_173 : memref<640xf32, #tpu.memory_space<vmem_shared>>) target(%arg6 : memref<640xf32, #tpu.memory_space<vmem>>) target_semaphore(%run_scoped3A : memref<!tpu.dma_semaphore, #tpu.memory_space<semaphore_mem>>)
      %dma_wait3A = tpu.memref_slice %arg8[%add3A_144] : memref<163840xf32, #tpu.memory_space<vmem_shared>> -> memref<640xf32, #tpu.memory_space<vmem_shared>>
      %dma_wait3A_174 = tpu.memref_slice %arg8[%add3A_144] : memref<163840xf32, #tpu.memory_space<vmem_shared>> -> memref<640xf32, #tpu.memory_space<vmem_shared>>
      tpu.wait_dma2 semaphore(%run_scoped3A : memref<!tpu.dma_semaphore, #tpu.memory_space<semaphore_mem>>) src(%dma_wait3A_174 : memref<640xf32, #tpu.memory_space<vmem_shared>>) dst(%arg6 : memref<640xf32, #tpu.memory_space<vmem>>)
      tpu.yield
    }) : () -> ()
    %scan3A_145 = arith.constant 0 : i32
    %scan3A_146 = arith.constant 0 : i32
    %scan3A_147 = arith.constant 40 : i32
    %scan3A_148 = arith.addi %scan3A_146, %scan3A_147 : i32
    %scan3A_149 = arith.constant 1 : i32
    %scan3A_150 = scf.for %scan3A_173 = %scan3A_146 to %scan3A_148 step %scan3A_149 iter_args(%scan3A_174 = %scan3A_145) -> (i32)  : i32 {
      %mul3A_175 = arith.constant 16 : i32
      %mul3A_176 = arith.muli %scan3A_173, %mul3A_175 : i32
      %get3A = arith.index_cast %mul3A_176 : i32 to index
      %get3A_177 = tpu.vector_load %arg7[%get3A] {strides = array<i32>} : memref<640xf32, #tpu.memory_space<vmem>>, vector<16xf32>,
      %mul3A_178 = arith.constant 16 : i32
      %mul3A_179 = arith.muli %scan3A_173, %mul3A_178 : i32
      %get3A_180 = arith.index_cast %mul3A_179 : i32 to index
      %get3A_181 = tpu.vector_load %arg6[%get3A_180] {strides = array<i32>} : memref<640xf32, #tpu.memory_space<vmem>>, vector<16xf32>,
      %add3A_182 = arith.addf %get3A_177, %get3A_181 : vector<16xf32>
      %mul3A_183 = arith.constant 16 : i32
      %mul3A_184 = arith.muli %scan3A_173, %mul3A_183 : i32
      %swap3A = arith.index_cast %mul3A_184 : i32 to index
      %swap3A_185 = tpu.vector_load %arg7[%swap3A] {strides = array<i32>} : memref<640xf32, #tpu.memory_space<vmem>>, vector<16xf32>,
      tpu.vector_store %arg7[%swap3A], %add3A_182 {strides = array<i32>} : memref<640xf32, #tpu.memory_space<vmem>>, vector<16xf32>,
      %scan3A_186 = arith.constant 0 : i32
      scf.yield %scan3A_186 : i32
    }
    %scan3A_151 = arith.constant 40 : i32
    %add3A_152 = arith.constant 143360 : i32
    %add3A_153 = arith.addi %add3A_152, %mul3A_18 : i32
    "tpu.region"() ({
      %run_scoped3A = tpu.sem_alloc : memref<!tpu.dma_semaphore, #tpu.memory_space<semaphore_mem>>
      %dma_start3A = tpu.memref_slice %arg8[%add3A_153] : memref<163840xf32, #tpu.memory_space<vmem_shared>> -> memref<640xf32, #tpu.memory_space<vmem_shared>>
      %dma_start3A_173 = tpu.memref_slice %arg8[%add3A_153] : memref<163840xf32, #tpu.memory_space<vmem_shared>> -> memref<640xf32, #tpu.memory_space<vmem_shared>>
      tpu.enqueue_dma source(%dma_start3A_173 : memref<640xf32, #tpu.memory_space<vmem_shared>>) target(%arg6 : memref<640xf32, #tpu.memory_space<vmem>>) target_semaphore(%run_scoped3A : memref<!tpu.dma_semaphore, #tpu.memory_space<semaphore_mem>>)
      %dma_wait3A = tpu.memref_slice %arg8[%add3A_153] : memref<163840xf32, #tpu.memory_space<vmem_shared>> -> memref<640xf32, #tpu.memory_space<vmem_shared>>
      %dma_wait3A_174 = tpu.memref_slice %arg8[%add3A_153] : memref<163840xf32, #tpu.memory_space<vmem_shared>> -> memref<640xf32, #tpu.memory_space<vmem_shared>>
      tpu.wait_dma2 semaphore(%run_scoped3A : memref<!tpu.dma_semaphore, #tpu.memory_space<semaphore_mem>>) src(%dma_wait3A_174 : memref<640xf32, #tpu.memory_space<vmem_shared>>) dst(%arg6 : memref<640xf32, #tpu.memory_space<vmem>>)
      tpu.yield
    }) : () -> ()
    %scan3A_154 = arith.constant 0 : i32
    %scan3A_155 = arith.constant 0 : i32
    %scan3A_156 = arith.constant 40 : i32
    %scan3A_157 = arith.addi %scan3A_155, %scan3A_156 : i32
    %scan3A_158 = arith.constant 1 : i32
    %scan3A_159 = scf.for %scan3A_173 = %scan3A_155 to %scan3A_157 step %scan3A_158 iter_args(%scan3A_174 = %scan3A_154) -> (i32)  : i32 {
      %mul3A_175 = arith.constant 16 : i32
      %mul3A_176 = arith.muli %scan3A_173, %mul3A_175 : i32
      %get3A = arith.index_cast %mul3A_176 : i32 to index
      %get3A_177 = tpu.vector_load %arg7[%get3A] {strides = array<i32>} : memref<640xf32, #tpu.memory_space<vmem>>, vector<16xf32>,
      %mul3A_178 = arith.constant 16 : i32
      %mul3A_179 = arith.muli %scan3A_173, %mul3A_178 : i32
      %get3A_180 = arith.index_cast %mul3A_179 : i32 to index
      %get3A_181 = tpu.vector_load %arg6[%get3A_180] {strides = array<i32>} : memref<640xf32, #tpu.memory_space<vmem>>, vector<16xf32>,
      %add3A_182 = arith.addf %get3A_177, %get3A_181 : vector<16xf32>
      %mul3A_183 = arith.constant 16 : i32
      %mul3A_184 = arith.muli %scan3A_173, %mul3A_183 : i32
      %swap3A = arith.index_cast %mul3A_184 : i32 to index
      %swap3A_185 = tpu.vector_load %arg7[%swap3A] {strides = array<i32>} : memref<640xf32, #tpu.memory_space<vmem>>, vector<16xf32>,
      tpu.vector_store %arg7[%swap3A], %add3A_182 {strides = array<i32>} : memref<640xf32, #tpu.memory_space<vmem>>, vector<16xf32>,
      %scan3A_186 = arith.constant 0 : i32
      scf.yield %scan3A_186 : i32
    }
    %scan3A_160 = arith.constant 40 : i32
    %add3A_161 = arith.constant 153600 : i32
    %add3A_162 = arith.addi %add3A_161, %mul3A_18 : i32
    "tpu.region"() ({
      %run_scoped3A = tpu.sem_alloc : memref<!tpu.dma_semaphore, #tpu.memory_space<semaphore_mem>>
      %dma_start3A = tpu.memref_slice %arg8[%add3A_162] : memref<163840xf32, #tpu.memory_space<vmem_shared>> -> memref<640xf32, #tpu.memory_space<vmem_shared>>
      %dma_start3A_173 = tpu.memref_slice %arg8[%add3A_162] : memref<163840xf32, #tpu.memory_space<vmem_shared>> -> memref<640xf32, #tpu.memory_space<vmem_shared>>
      tpu.enqueue_dma source(%dma_start3A_173 : memref<640xf32, #tpu.memory_space<vmem_shared>>) target(%arg6 : memref<640xf32, #tpu.memory_space<vmem>>) target_semaphore(%run_scoped3A : memref<!tpu.dma_semaphore, #tpu.memory_space<semaphore_mem>>)
      %dma_wait3A = tpu.memref_slice %arg8[%add3A_162] : memref<163840xf32, #tpu.memory_space<vmem_shared>> -> memref<640xf32, #tpu.memory_space<vmem_shared>>
      %dma_wait3A_174 = tpu.memref_slice %arg8[%add3A_162] : memref<163840xf32, #tpu.memory_space<vmem_shared>> -> memref<640xf32, #tpu.memory_space<vmem_shared>>
      tpu.wait_dma2 semaphore(%run_scoped3A : memref<!tpu.dma_semaphore, #tpu.memory_space<semaphore_mem>>) src(%dma_wait3A_174 : memref<640xf32, #tpu.memory_space<vmem_shared>>) dst(%arg6 : memref<640xf32, #tpu.memory_space<vmem>>)
      tpu.yield
    }) : () -> ()
    %scan3A_163 = arith.constant 0 : i32
    %scan3A_164 = arith.constant 0 : i32
    %scan3A_165 = arith.constant 40 : i32
    %scan3A_166 = arith.addi %scan3A_164, %scan3A_165 : i32
    %scan3A_167 = arith.constant 1 : i32
    %scan3A_168 = scf.for %scan3A_173 = %scan3A_164 to %scan3A_166 step %scan3A_167 iter_args(%scan3A_174 = %scan3A_163) -> (i32)  : i32 {
      %mul3A_175 = arith.constant 16 : i32
      %mul3A_176 = arith.muli %scan3A_173, %mul3A_175 : i32
      %get3A = arith.index_cast %mul3A_176 : i32 to index
      %get3A_177 = tpu.vector_load %arg7[%get3A] {strides = array<i32>} : memref<640xf32, #tpu.memory_space<vmem>>, vector<16xf32>,
      %mul3A_178 = arith.constant 16 : i32
      %mul3A_179 = arith.muli %scan3A_173, %mul3A_178 : i32
      %get3A_180 = arith.index_cast %mul3A_179 : i32 to index
      %get3A_181 = tpu.vector_load %arg6[%get3A_180] {strides = array<i32>} : memref<640xf32, #tpu.memory_space<vmem>>, vector<16xf32>,
      %add3A_182 = arith.addf %get3A_177, %get3A_181 : vector<16xf32>
      %mul3A_183 = arith.constant 16 : i32
      %mul3A_184 = arith.muli %scan3A_173, %mul3A_183 : i32
      %swap3A = arith.index_cast %mul3A_184 : i32 to index
      %swap3A_185 = tpu.vector_load %arg7[%swap3A] {strides = array<i32>} : memref<640xf32, #tpu.memory_space<vmem>>, vector<16xf32>,
      tpu.vector_store %arg7[%swap3A], %add3A_182 {strides = array<i32>} : memref<640xf32, #tpu.memory_space<vmem>>, vector<16xf32>,
      %scan3A_186 = arith.constant 0 : i32
      scf.yield %scan3A_186 : i32
    }
    %scan3A_169 = arith.constant 40 : i32
    %mul3A_170 = arith.constant 10240 : i32
    %mul3A_171 = arith.muli %arg0, %mul3A_170 : i32
    %add3A_172 = arith.addi %mul3A_171, %mul3A_18 : i32
    "tpu.region"() ({
      %run_scoped3A = tpu.sem_alloc : memref<!tpu.dma_semaphore, #tpu.memory_space<semaphore_mem>>
      %dma_start3A = tpu.memref_slice %arg3[%add3A_172] : memref<20480xf32, #tpu.memory_space<hbm>> -> memref<640xf32, #tpu.memory_space<hbm>>
      %dma_start3A_173 = tpu.memref_slice %arg3[%add3A_172] : memref<20480xf32, #tpu.memory_space<hbm>> -> memref<640xf32, #tpu.memory_space<hbm>>
      tpu.enqueue_dma source(%arg7 : memref<640xf32, #tpu.memory_space<vmem>>) target(%dma_start3A_173 : memref<640xf32, #tpu.memory_space<hbm>>) target_semaphore(%run_scoped3A : memref<!tpu.dma_semaphore, #tpu.memory_space<semaphore_mem>>)
      %dma_wait3A = tpu.memref_slice %arg3[%add3A_172] : memref<20480xf32, #tpu.memory_space<hbm>> -> memref<640xf32, #tpu.memory_space<hbm>>
      %dma_wait3A_174 = tpu.memref_slice %arg3[%add3A_172] : memref<20480xf32, #tpu.memory_space<hbm>> -> memref<640xf32, #tpu.memory_space<hbm>>
      tpu.wait_dma2 semaphore(%run_scoped3A : memref<!tpu.dma_semaphore, #tpu.memory_space<semaphore_mem>>) src(%arg7 : memref<640xf32, #tpu.memory_space<vmem>>) dst(%dma_wait3A_174 : memref<640xf32, #tpu.memory_space<hbm>>)
      tpu.yield
    }) : () -> ()
    return
  }
}

#map = affine_map<(d0, d1) -> (0, 0)>
#map1 = affine_map<(d0, d1) -> (0, 0, 0)>
module attributes {stable_mosaic.version = 14 : i64} {
  func.func @_prop_kernel(%arg0: i32, %arg1: i32, %arg2: memref<10240x128xf32, #tpu.memory_space<hbm>>, %arg3: memref<32x80x128xi32, #tpu.memory_space<hbm>>, %arg4: memref<32x80x128xi32, #tpu.memory_space<hbm>>, %arg5: memref<2x10240x128xf32, #tpu.memory_space<hbm>>, %arg6: memref<2x16x128xi32, #tpu.memory_space<vmem>>, %arg7: memref<2x16x128xi32, #tpu.memory_space<vmem>>, %arg8: memref<128x128xf32, #tpu.memory_space<vmem>>, %arg9: memref<128x128xf32, #tpu.memory_space<vmem>>, %arg10: memref<10240x128xf32, #tpu.memory_space<vmem_shared>>, %arg11: memref<!tpu.dma_semaphore, #tpu.memory_space<semaphore_mem>>, %arg12: memref<!tpu.dma_semaphore, #tpu.memory_space<semaphore_mem>>, %arg13: memref<!tpu.dma_semaphore, #tpu.memory_space<semaphore_mem>>, %arg14: memref<!tpu.dma_semaphore, #tpu.memory_space<semaphore_mem>>) attributes {dimension_semantics = [#tpu.dimension_semantics<core_parallel>, #tpu.dimension_semantics<subcore_parallel>], iteration_bounds = array<i64: 2, 16>, scalar_prefetch = 0 : i64, scratch_operands = 9 : i64, tpu.core_type = #tpu.core_type<sc_vector_subcore>, window_params = [{transform_indices = #map}, {transform_indices = #map1}, {transform_indices = #map1}, {transform_indices = #map1}]} {
    %mul3A = arith.constant 16 : i32
    %mul3A_0 = arith.muli %arg0, %mul3A : i32
    %add3A = arith.addi %mul3A_0, %arg1 : i32
    %scan3A = arith.constant 0 : i32
    %scan3A_1 = arith.constant 0 : i32
    %scan3A_2 = arith.constant 128 : i32
    %scan3A_3 = arith.addi %scan3A_1, %scan3A_2 : i32
    %scan3A_4 = arith.constant 1 : i32
    %scan3A_5 = scf.for %scan3A_376 = %scan3A_1 to %scan3A_3 step %scan3A_4 iter_args(%scan3A_377 = %scan3A) -> (i32)  : i32 {
      %broadcast_in_dim3A = arith.constant 0.000000e+00 : f32
      %broadcast_in_dim3A_378 = vector.broadcast %broadcast_in_dim3A : f32 to vector<16xf32>
      %swap3A = arith.index_cast %scan3A_376 : i32 to index
      %swap3A_379 = arith.constant 0 : index
      %swap3A_380 = tpu.vector_load %arg8[%swap3A, %swap3A_379] {strides = array<i32>} : memref<128x128xf32, #tpu.memory_space<vmem>>, vector<16xf32>,
      tpu.vector_store %arg8[%swap3A, %swap3A_379], %broadcast_in_dim3A_378 {strides = array<i32>} : memref<128x128xf32, #tpu.memory_space<vmem>>, vector<16xf32>,
      %broadcast_in_dim3A_381 = arith.constant 0.000000e+00 : f32
      %broadcast_in_dim3A_382 = vector.broadcast %broadcast_in_dim3A_381 : f32 to vector<16xf32>
      %swap3A_383 = arith.index_cast %scan3A_376 : i32 to index
      %swap3A_384 = arith.constant 16 : index
      %swap3A_385 = tpu.vector_load %arg8[%swap3A_383, %swap3A_384] {strides = array<i32>} : memref<128x128xf32, #tpu.memory_space<vmem>>, vector<16xf32>,
      tpu.vector_store %arg8[%swap3A_383, %swap3A_384], %broadcast_in_dim3A_382 {strides = array<i32>} : memref<128x128xf32, #tpu.memory_space<vmem>>, vector<16xf32>,
      %broadcast_in_dim3A_386 = arith.constant 0.000000e+00 : f32
      %broadcast_in_dim3A_387 = vector.broadcast %broadcast_in_dim3A_386 : f32 to vector<16xf32>
      %swap3A_388 = arith.index_cast %scan3A_376 : i32 to index
      %swap3A_389 = arith.constant 32 : index
      %swap3A_390 = tpu.vector_load %arg8[%swap3A_388, %swap3A_389] {strides = array<i32>} : memref<128x128xf32, #tpu.memory_space<vmem>>, vector<16xf32>,
      tpu.vector_store %arg8[%swap3A_388, %swap3A_389], %broadcast_in_dim3A_387 {strides = array<i32>} : memref<128x128xf32, #tpu.memory_space<vmem>>, vector<16xf32>,
      %broadcast_in_dim3A_391 = arith.constant 0.000000e+00 : f32
      %broadcast_in_dim3A_392 = vector.broadcast %broadcast_in_dim3A_391 : f32 to vector<16xf32>
      %swap3A_393 = arith.index_cast %scan3A_376 : i32 to index
      %swap3A_394 = arith.constant 48 : index
      %swap3A_395 = tpu.vector_load %arg8[%swap3A_393, %swap3A_394] {strides = array<i32>} : memref<128x128xf32, #tpu.memory_space<vmem>>, vector<16xf32>,
      tpu.vector_store %arg8[%swap3A_393, %swap3A_394], %broadcast_in_dim3A_392 {strides = array<i32>} : memref<128x128xf32, #tpu.memory_space<vmem>>, vector<16xf32>,
      %broadcast_in_dim3A_396 = arith.constant 0.000000e+00 : f32
      %broadcast_in_dim3A_397 = vector.broadcast %broadcast_in_dim3A_396 : f32 to vector<16xf32>
      %swap3A_398 = arith.index_cast %scan3A_376 : i32 to index
      %swap3A_399 = arith.constant 64 : index
      %swap3A_400 = tpu.vector_load %arg8[%swap3A_398, %swap3A_399] {strides = array<i32>} : memref<128x128xf32, #tpu.memory_space<vmem>>, vector<16xf32>,
      tpu.vector_store %arg8[%swap3A_398, %swap3A_399], %broadcast_in_dim3A_397 {strides = array<i32>} : memref<128x128xf32, #tpu.memory_space<vmem>>, vector<16xf32>,
      %broadcast_in_dim3A_401 = arith.constant 0.000000e+00 : f32
      %broadcast_in_dim3A_402 = vector.broadcast %broadcast_in_dim3A_401 : f32 to vector<16xf32>
      %swap3A_403 = arith.index_cast %scan3A_376 : i32 to index
      %swap3A_404 = arith.constant 80 : index
      %swap3A_405 = tpu.vector_load %arg8[%swap3A_403, %swap3A_404] {strides = array<i32>} : memref<128x128xf32, #tpu.memory_space<vmem>>, vector<16xf32>,
      tpu.vector_store %arg8[%swap3A_403, %swap3A_404], %broadcast_in_dim3A_402 {strides = array<i32>} : memref<128x128xf32, #tpu.memory_space<vmem>>, vector<16xf32>,
      %broadcast_in_dim3A_406 = arith.constant 0.000000e+00 : f32
      %broadcast_in_dim3A_407 = vector.broadcast %broadcast_in_dim3A_406 : f32 to vector<16xf32>
      %swap3A_408 = arith.index_cast %scan3A_376 : i32 to index
      %swap3A_409 = arith.constant 96 : index
      %swap3A_410 = tpu.vector_load %arg8[%swap3A_408, %swap3A_409] {strides = array<i32>} : memref<128x128xf32, #tpu.memory_space<vmem>>, vector<16xf32>,
      tpu.vector_store %arg8[%swap3A_408, %swap3A_409], %broadcast_in_dim3A_407 {strides = array<i32>} : memref<128x128xf32, #tpu.memory_space<vmem>>, vector<16xf32>,
      %broadcast_in_dim3A_411 = arith.constant 0.000000e+00 : f32
      %broadcast_in_dim3A_412 = vector.broadcast %broadcast_in_dim3A_411 : f32 to vector<16xf32>
      %swap3A_413 = arith.index_cast %scan3A_376 : i32 to index
      %swap3A_414 = arith.constant 112 : index
      %swap3A_415 = tpu.vector_load %arg8[%swap3A_413, %swap3A_414] {strides = array<i32>} : memref<128x128xf32, #tpu.memory_space<vmem>>, vector<16xf32>,
      tpu.vector_store %arg8[%swap3A_413, %swap3A_414], %broadcast_in_dim3A_412 {strides = array<i32>} : memref<128x128xf32, #tpu.memory_space<vmem>>, vector<16xf32>,
      %scan3A_416 = arith.constant 0 : i32
      scf.yield %scan3A_416 : i32
    }
    %scan3A_6 = arith.constant 128 : i32
    %mul3A_7 = arith.constant 640 : i32
    %mul3A_8 = arith.muli %arg1, %mul3A_7 : i32
    %add3A_9 = arith.constant 0 : i32
    %add3A_10 = arith.addi %mul3A_8, %add3A_9 : i32
    "tpu.region"() ({
      %run_scoped3A_376 = tpu.sem_alloc : memref<!tpu.dma_semaphore, #tpu.memory_space<semaphore_mem>>
      %dma_start3A_377 = arith.constant 0 : i32
      %dma_start3A_378 = tpu.memref_slice %arg10[%add3A_10, %dma_start3A_377] : memref<10240x128xf32, #tpu.memory_space<vmem_shared>> -> memref<128x128xf32, #tpu.memory_space<vmem_shared>>
      %dma_start3A_379 = arith.constant 0 : i32
      %dma_start3A_380 = tpu.memref_slice %arg10[%add3A_10, %dma_start3A_379] : memref<10240x128xf32, #tpu.memory_space<vmem_shared>> -> memref<128x128xf32, #tpu.memory_space<vmem_shared>>
      tpu.enqueue_dma source(%arg8 : memref<128x128xf32, #tpu.memory_space<vmem>>) target(%dma_start3A_380 : memref<128x128xf32, #tpu.memory_space<vmem_shared>>) target_semaphore(%run_scoped3A_376 : memref<!tpu.dma_semaphore, #tpu.memory_space<semaphore_mem>>)
      %dma_wait3A_381 = arith.constant 0 : i32
      %dma_wait3A_382 = tpu.memref_slice %arg10[%add3A_10, %dma_wait3A_381] : memref<10240x128xf32, #tpu.memory_space<vmem_shared>> -> memref<128x128xf32, #tpu.memory_space<vmem_shared>>
      %dma_wait3A_383 = arith.constant 0 : i32
      %dma_wait3A_384 = tpu.memref_slice %arg10[%add3A_10, %dma_wait3A_383] : memref<10240x128xf32, #tpu.memory_space<vmem_shared>> -> memref<128x128xf32, #tpu.memory_space<vmem_shared>>
      tpu.wait_dma2 semaphore(%run_scoped3A_376 : memref<!tpu.dma_semaphore, #tpu.memory_space<semaphore_mem>>) src(%arg8 : memref<128x128xf32, #tpu.memory_space<vmem>>) dst(%dma_wait3A_384 : memref<128x128xf32, #tpu.memory_space<vmem_shared>>)
      tpu.yield
    }) : () -> ()
    %add3A_11 = arith.constant 128 : i32
    %add3A_12 = arith.addi %mul3A_8, %add3A_11 : i32
    "tpu.region"() ({
      %run_scoped3A_376 = tpu.sem_alloc : memref<!tpu.dma_semaphore, #tpu.memory_space<semaphore_mem>>
      %dma_start3A_377 = arith.constant 0 : i32
      %dma_start3A_378 = tpu.memref_slice %arg10[%add3A_12, %dma_start3A_377] : memref<10240x128xf32, #tpu.memory_space<vmem_shared>> -> memref<128x128xf32, #tpu.memory_space<vmem_shared>>
      %dma_start3A_379 = arith.constant 0 : i32
      %dma_start3A_380 = tpu.memref_slice %arg10[%add3A_12, %dma_start3A_379] : memref<10240x128xf32, #tpu.memory_space<vmem_shared>> -> memref<128x128xf32, #tpu.memory_space<vmem_shared>>
      tpu.enqueue_dma source(%arg8 : memref<128x128xf32, #tpu.memory_space<vmem>>) target(%dma_start3A_380 : memref<128x128xf32, #tpu.memory_space<vmem_shared>>) target_semaphore(%run_scoped3A_376 : memref<!tpu.dma_semaphore, #tpu.memory_space<semaphore_mem>>)
      %dma_wait3A_381 = arith.constant 0 : i32
      %dma_wait3A_382 = tpu.memref_slice %arg10[%add3A_12, %dma_wait3A_381] : memref<10240x128xf32, #tpu.memory_space<vmem_shared>> -> memref<128x128xf32, #tpu.memory_space<vmem_shared>>
      %dma_wait3A_383 = arith.constant 0 : i32
      %dma_wait3A_384 = tpu.memref_slice %arg10[%add3A_12, %dma_wait3A_383] : memref<10240x128xf32, #tpu.memory_space<vmem_shared>> -> memref<128x128xf32, #tpu.memory_space<vmem_shared>>
      tpu.wait_dma2 semaphore(%run_scoped3A_376 : memref<!tpu.dma_semaphore, #tpu.memory_space<semaphore_mem>>) src(%arg8 : memref<128x128xf32, #tpu.memory_space<vmem>>) dst(%dma_wait3A_384 : memref<128x128xf32, #tpu.memory_space<vmem_shared>>)
      tpu.yield
    }) : () -> ()
    %add3A_13 = arith.constant 256 : i32
    %add3A_14 = arith.addi %mul3A_8, %add3A_13 : i32
    "tpu.region"() ({
      %run_scoped3A_376 = tpu.sem_alloc : memref<!tpu.dma_semaphore, #tpu.memory_space<semaphore_mem>>
      %dma_start3A_377 = arith.constant 0 : i32
      %dma_start3A_378 = tpu.memref_slice %arg10[%add3A_14, %dma_start3A_377] : memref<10240x128xf32, #tpu.memory_space<vmem_shared>> -> memref<128x128xf32, #tpu.memory_space<vmem_shared>>
      %dma_start3A_379 = arith.constant 0 : i32
      %dma_start3A_380 = tpu.memref_slice %arg10[%add3A_14, %dma_start3A_379] : memref<10240x128xf32, #tpu.memory_space<vmem_shared>> -> memref<128x128xf32, #tpu.memory_space<vmem_shared>>
      tpu.enqueue_dma source(%arg8 : memref<128x128xf32, #tpu.memory_space<vmem>>) target(%dma_start3A_380 : memref<128x128xf32, #tpu.memory_space<vmem_shared>>) target_semaphore(%run_scoped3A_376 : memref<!tpu.dma_semaphore, #tpu.memory_space<semaphore_mem>>)
      %dma_wait3A_381 = arith.constant 0 : i32
      %dma_wait3A_382 = tpu.memref_slice %arg10[%add3A_14, %dma_wait3A_381] : memref<10240x128xf32, #tpu.memory_space<vmem_shared>> -> memref<128x128xf32, #tpu.memory_space<vmem_shared>>
      %dma_wait3A_383 = arith.constant 0 : i32
      %dma_wait3A_384 = tpu.memref_slice %arg10[%add3A_14, %dma_wait3A_383] : memref<10240x128xf32, #tpu.memory_space<vmem_shared>> -> memref<128x128xf32, #tpu.memory_space<vmem_shared>>
      tpu.wait_dma2 semaphore(%run_scoped3A_376 : memref<!tpu.dma_semaphore, #tpu.memory_space<semaphore_mem>>) src(%arg8 : memref<128x128xf32, #tpu.memory_space<vmem>>) dst(%dma_wait3A_384 : memref<128x128xf32, #tpu.memory_space<vmem_shared>>)
      tpu.yield
    }) : () -> ()
    %add3A_15 = arith.constant 384 : i32
    %add3A_16 = arith.addi %mul3A_8, %add3A_15 : i32
    "tpu.region"() ({
      %run_scoped3A_376 = tpu.sem_alloc : memref<!tpu.dma_semaphore, #tpu.memory_space<semaphore_mem>>
      %dma_start3A_377 = arith.constant 0 : i32
      %dma_start3A_378 = tpu.memref_slice %arg10[%add3A_16, %dma_start3A_377] : memref<10240x128xf32, #tpu.memory_space<vmem_shared>> -> memref<128x128xf32, #tpu.memory_space<vmem_shared>>
      %dma_start3A_379 = arith.constant 0 : i32
      %dma_start3A_380 = tpu.memref_slice %arg10[%add3A_16, %dma_start3A_379] : memref<10240x128xf32, #tpu.memory_space<vmem_shared>> -> memref<128x128xf32, #tpu.memory_space<vmem_shared>>
      tpu.enqueue_dma source(%arg8 : memref<128x128xf32, #tpu.memory_space<vmem>>) target(%dma_start3A_380 : memref<128x128xf32, #tpu.memory_space<vmem_shared>>) target_semaphore(%run_scoped3A_376 : memref<!tpu.dma_semaphore, #tpu.memory_space<semaphore_mem>>)
      %dma_wait3A_381 = arith.constant 0 : i32
      %dma_wait3A_382 = tpu.memref_slice %arg10[%add3A_16, %dma_wait3A_381] : memref<10240x128xf32, #tpu.memory_space<vmem_shared>> -> memref<128x128xf32, #tpu.memory_space<vmem_shared>>
      %dma_wait3A_383 = arith.constant 0 : i32
      %dma_wait3A_384 = tpu.memref_slice %arg10[%add3A_16, %dma_wait3A_383] : memref<10240x128xf32, #tpu.memory_space<vmem_shared>> -> memref<128x128xf32, #tpu.memory_space<vmem_shared>>
      tpu.wait_dma2 semaphore(%run_scoped3A_376 : memref<!tpu.dma_semaphore, #tpu.memory_space<semaphore_mem>>) src(%arg8 : memref<128x128xf32, #tpu.memory_space<vmem>>) dst(%dma_wait3A_384 : memref<128x128xf32, #tpu.memory_space<vmem_shared>>)
      tpu.yield
    }) : () -> ()
    %add3A_17 = arith.constant 512 : i32
    %add3A_18 = arith.addi %mul3A_8, %add3A_17 : i32
    "tpu.region"() ({
      %run_scoped3A_376 = tpu.sem_alloc : memref<!tpu.dma_semaphore, #tpu.memory_space<semaphore_mem>>
      %dma_start3A_377 = arith.constant 0 : i32
      %dma_start3A_378 = tpu.memref_slice %arg10[%add3A_18, %dma_start3A_377] : memref<10240x128xf32, #tpu.memory_space<vmem_shared>> -> memref<128x128xf32, #tpu.memory_space<vmem_shared>>
      %dma_start3A_379 = arith.constant 0 : i32
      %dma_start3A_380 = tpu.memref_slice %arg10[%add3A_18, %dma_start3A_379] : memref<10240x128xf32, #tpu.memory_space<vmem_shared>> -> memref<128x128xf32, #tpu.memory_space<vmem_shared>>
      tpu.enqueue_dma source(%arg8 : memref<128x128xf32, #tpu.memory_space<vmem>>) target(%dma_start3A_380 : memref<128x128xf32, #tpu.memory_space<vmem_shared>>) target_semaphore(%run_scoped3A_376 : memref<!tpu.dma_semaphore, #tpu.memory_space<semaphore_mem>>)
      %dma_wait3A_381 = arith.constant 0 : i32
      %dma_wait3A_382 = tpu.memref_slice %arg10[%add3A_18, %dma_wait3A_381] : memref<10240x128xf32, #tpu.memory_space<vmem_shared>> -> memref<128x128xf32, #tpu.memory_space<vmem_shared>>
      %dma_wait3A_383 = arith.constant 0 : i32
      %dma_wait3A_384 = tpu.memref_slice %arg10[%add3A_18, %dma_wait3A_383] : memref<10240x128xf32, #tpu.memory_space<vmem_shared>> -> memref<128x128xf32, #tpu.memory_space<vmem_shared>>
      tpu.wait_dma2 semaphore(%run_scoped3A_376 : memref<!tpu.dma_semaphore, #tpu.memory_space<semaphore_mem>>) src(%arg8 : memref<128x128xf32, #tpu.memory_space<vmem>>) dst(%dma_wait3A_384 : memref<128x128xf32, #tpu.memory_space<vmem_shared>>)
      tpu.yield
    }) : () -> ()
    %run_scoped3A = arith.constant 0 : i32
    "tpu.region"() ({
      %run_scoped3A_376 = tpu.sem_alloc : memref<!tpu.dma_semaphore, #tpu.memory_space<semaphore_mem>>
      %dma_start3A_377 = arith.constant 0 : i32
      %dma_start3A_378 = arith.constant 0 : i32
      %dma_start3A_379 = tpu.memref_slice %arg6[%run_scoped3A, %dma_start3A_377, %dma_start3A_378] : memref<2x16x128xi32, #tpu.memory_space<vmem>> -> memref<1x16x128xi32, #tpu.memory_space<vmem>>
      %dma_start3A_380 = tpu.memref_squeeze %dma_start3A_379 : memref<1x16x128xi32, #tpu.memory_space<vmem>> -> memref<16x128xi32, #tpu.memory_space<vmem>>
      %dma_start3A_381 = arith.constant 0 : i32
      %dma_start3A_382 = arith.constant 0 : i32
      %dma_start3A_383 = tpu.memref_slice %arg3[%add3A, %dma_start3A_381, %dma_start3A_382] : memref<32x80x128xi32, #tpu.memory_space<hbm>> -> memref<1x16x128xi32, #tpu.memory_space<hbm>>
      %dma_start3A_384 = tpu.memref_squeeze %dma_start3A_383 : memref<1x16x128xi32, #tpu.memory_space<hbm>> -> memref<16x128xi32, #tpu.memory_space<hbm>>
      %dma_start3A_385 = arith.constant 0 : i32
      %dma_start3A_386 = arith.constant 0 : i32
      %dma_start3A_387 = tpu.memref_slice %arg6[%run_scoped3A, %dma_start3A_385, %dma_start3A_386] : memref<2x16x128xi32, #tpu.memory_space<vmem>> -> memref<1x16x128xi32, #tpu.memory_space<vmem>>
      %dma_start3A_388 = tpu.memref_squeeze %dma_start3A_387 : memref<1x16x128xi32, #tpu.memory_space<vmem>> -> memref<16x128xi32, #tpu.memory_space<vmem>>
      %dma_start3A_389 = arith.constant 0 : i32
      %dma_start3A_390 = arith.constant 0 : i32
      %dma_start3A_391 = tpu.memref_slice %arg3[%add3A, %dma_start3A_389, %dma_start3A_390] : memref<32x80x128xi32, #tpu.memory_space<hbm>> -> memref<1x16x128xi32, #tpu.memory_space<hbm>>
      %dma_start3A_392 = tpu.memref_squeeze %dma_start3A_391 : memref<1x16x128xi32, #tpu.memory_space<hbm>> -> memref<16x128xi32, #tpu.memory_space<hbm>>
      tpu.enqueue_dma source(%dma_start3A_392 : memref<16x128xi32, #tpu.memory_space<hbm>>) target(%dma_start3A_388 : memref<16x128xi32, #tpu.memory_space<vmem>>) target_semaphore(%run_scoped3A_376 : memref<!tpu.dma_semaphore, #tpu.memory_space<semaphore_mem>>)
      %dma_wait3A_393 = arith.constant 0 : i32
      %dma_wait3A_394 = arith.constant 0 : i32
      %dma_wait3A_395 = tpu.memref_slice %arg6[%run_scoped3A, %dma_wait3A_393, %dma_wait3A_394] : memref<2x16x128xi32, #tpu.memory_space<vmem>> -> memref<1x16x128xi32, #tpu.memory_space<vmem>>
      %dma_wait3A_396 = tpu.memref_squeeze %dma_wait3A_395 : memref<1x16x128xi32, #tpu.memory_space<vmem>> -> memref<16x128xi32, #tpu.memory_space<vmem>>
      %dma_wait3A_397 = arith.constant 0 : i32
      %dma_wait3A_398 = arith.constant 0 : i32
      %dma_wait3A_399 = tpu.memref_slice %arg3[%add3A, %dma_wait3A_397, %dma_wait3A_398] : memref<32x80x128xi32, #tpu.memory_space<hbm>> -> memref<1x16x128xi32, #tpu.memory_space<hbm>>
      %dma_wait3A_400 = tpu.memref_squeeze %dma_wait3A_399 : memref<1x16x128xi32, #tpu.memory_space<hbm>> -> memref<16x128xi32, #tpu.memory_space<hbm>>
      %dma_wait3A_401 = arith.constant 0 : i32
      %dma_wait3A_402 = arith.constant 0 : i32
      %dma_wait3A_403 = tpu.memref_slice %arg6[%run_scoped3A, %dma_wait3A_401, %dma_wait3A_402] : memref<2x16x128xi32, #tpu.memory_space<vmem>> -> memref<1x16x128xi32, #tpu.memory_space<vmem>>
      %dma_wait3A_404 = tpu.memref_squeeze %dma_wait3A_403 : memref<1x16x128xi32, #tpu.memory_space<vmem>> -> memref<16x128xi32, #tpu.memory_space<vmem>>
      %dma_wait3A_405 = arith.constant 0 : i32
      %dma_wait3A_406 = arith.constant 0 : i32
      %dma_wait3A_407 = tpu.memref_slice %arg3[%add3A, %dma_wait3A_405, %dma_wait3A_406] : memref<32x80x128xi32, #tpu.memory_space<hbm>> -> memref<1x16x128xi32, #tpu.memory_space<hbm>>
      %dma_wait3A_408 = tpu.memref_squeeze %dma_wait3A_407 : memref<1x16x128xi32, #tpu.memory_space<hbm>> -> memref<16x128xi32, #tpu.memory_space<hbm>>
      tpu.wait_dma2 semaphore(%run_scoped3A_376 : memref<!tpu.dma_semaphore, #tpu.memory_space<semaphore_mem>>) src(%dma_wait3A_408 : memref<16x128xi32, #tpu.memory_space<hbm>>) dst(%dma_wait3A_404 : memref<16x128xi32, #tpu.memory_space<vmem>>)
      tpu.yield
    }) : () -> ()
    %run_scoped3A_19 = arith.constant 0 : i32
    "tpu.region"() ({
      %run_scoped3A_376 = tpu.sem_alloc : memref<!tpu.dma_semaphore, #tpu.memory_space<semaphore_mem>>
      %dma_start3A_377 = arith.constant 0 : i32
      %dma_start3A_378 = arith.constant 0 : i32
      %dma_start3A_379 = tpu.memref_slice %arg7[%run_scoped3A_19, %dma_start3A_377, %dma_start3A_378] : memref<2x16x128xi32, #tpu.memory_space<vmem>> -> memref<1x16x128xi32, #tpu.memory_space<vmem>>
      %dma_start3A_380 = tpu.memref_squeeze %dma_start3A_379 : memref<1x16x128xi32, #tpu.memory_space<vmem>> -> memref<16x128xi32, #tpu.memory_space<vmem>>
      %dma_start3A_381 = arith.constant 0 : i32
      %dma_start3A_382 = arith.constant 0 : i32
      %dma_start3A_383 = tpu.memref_slice %arg4[%add3A, %dma_start3A_381, %dma_start3A_382] : memref<32x80x128xi32, #tpu.memory_space<hbm>> -> memref<1x16x128xi32, #tpu.memory_space<hbm>>
      %dma_start3A_384 = tpu.memref_squeeze %dma_start3A_383 : memref<1x16x128xi32, #tpu.memory_space<hbm>> -> memref<16x128xi32, #tpu.memory_space<hbm>>
      %dma_start3A_385 = arith.constant 0 : i32
      %dma_start3A_386 = arith.constant 0 : i32
      %dma_start3A_387 = tpu.memref_slice %arg7[%run_scoped3A_19, %dma_start3A_385, %dma_start3A_386] : memref<2x16x128xi32, #tpu.memory_space<vmem>> -> memref<1x16x128xi32, #tpu.memory_space<vmem>>
      %dma_start3A_388 = tpu.memref_squeeze %dma_start3A_387 : memref<1x16x128xi32, #tpu.memory_space<vmem>> -> memref<16x128xi32, #tpu.memory_space<vmem>>
      %dma_start3A_389 = arith.constant 0 : i32
      %dma_start3A_390 = arith.constant 0 : i32
      %dma_start3A_391 = tpu.memref_slice %arg4[%add3A, %dma_start3A_389, %dma_start3A_390] : memref<32x80x128xi32, #tpu.memory_space<hbm>> -> memref<1x16x128xi32, #tpu.memory_space<hbm>>
      %dma_start3A_392 = tpu.memref_squeeze %dma_start3A_391 : memref<1x16x128xi32, #tpu.memory_space<hbm>> -> memref<16x128xi32, #tpu.memory_space<hbm>>
      tpu.enqueue_dma source(%dma_start3A_392 : memref<16x128xi32, #tpu.memory_space<hbm>>) target(%dma_start3A_388 : memref<16x128xi32, #tpu.memory_space<vmem>>) target_semaphore(%run_scoped3A_376 : memref<!tpu.dma_semaphore, #tpu.memory_space<semaphore_mem>>)
      %dma_wait3A_393 = arith.constant 0 : i32
      %dma_wait3A_394 = arith.constant 0 : i32
      %dma_wait3A_395 = tpu.memref_slice %arg7[%run_scoped3A_19, %dma_wait3A_393, %dma_wait3A_394] : memref<2x16x128xi32, #tpu.memory_space<vmem>> -> memref<1x16x128xi32, #tpu.memory_space<vmem>>
      %dma_wait3A_396 = tpu.memref_squeeze %dma_wait3A_395 : memref<1x16x128xi32, #tpu.memory_space<vmem>> -> memref<16x128xi32, #tpu.memory_space<vmem>>
      %dma_wait3A_397 = arith.constant 0 : i32
      %dma_wait3A_398 = arith.constant 0 : i32
      %dma_wait3A_399 = tpu.memref_slice %arg4[%add3A, %dma_wait3A_397, %dma_wait3A_398] : memref<32x80x128xi32, #tpu.memory_space<hbm>> -> memref<1x16x128xi32, #tpu.memory_space<hbm>>
      %dma_wait3A_400 = tpu.memref_squeeze %dma_wait3A_399 : memref<1x16x128xi32, #tpu.memory_space<hbm>> -> memref<16x128xi32, #tpu.memory_space<hbm>>
      %dma_wait3A_401 = arith.constant 0 : i32
      %dma_wait3A_402 = arith.constant 0 : i32
      %dma_wait3A_403 = tpu.memref_slice %arg7[%run_scoped3A_19, %dma_wait3A_401, %dma_wait3A_402] : memref<2x16x128xi32, #tpu.memory_space<vmem>> -> memref<1x16x128xi32, #tpu.memory_space<vmem>>
      %dma_wait3A_404 = tpu.memref_squeeze %dma_wait3A_403 : memref<1x16x128xi32, #tpu.memory_space<vmem>> -> memref<16x128xi32, #tpu.memory_space<vmem>>
      %dma_wait3A_405 = arith.constant 0 : i32
      %dma_wait3A_406 = arith.constant 0 : i32
      %dma_wait3A_407 = tpu.memref_slice %arg4[%add3A, %dma_wait3A_405, %dma_wait3A_406] : memref<32x80x128xi32, #tpu.memory_space<hbm>> -> memref<1x16x128xi32, #tpu.memory_space<hbm>>
      %dma_wait3A_408 = tpu.memref_squeeze %dma_wait3A_407 : memref<1x16x128xi32, #tpu.memory_space<hbm>> -> memref<16x128xi32, #tpu.memory_space<hbm>>
      tpu.wait_dma2 semaphore(%run_scoped3A_376 : memref<!tpu.dma_semaphore, #tpu.memory_space<semaphore_mem>>) src(%dma_wait3A_408 : memref<16x128xi32, #tpu.memory_space<hbm>>) dst(%dma_wait3A_404 : memref<16x128xi32, #tpu.memory_space<vmem>>)
      tpu.yield
    }) : () -> ()
    %dma_start3A = arith.constant 0 : i32
    %dma_start3A_20 = arith.constant 0 : i32
    %dma_start3A_21 = arith.constant 0 : i32
    %dma_start3A_22 = tpu.memref_slice %arg6[%dma_start3A, %dma_start3A_20, %dma_start3A_21] : memref<2x16x128xi32, #tpu.memory_space<vmem>> -> memref<1x1x128xi32, #tpu.memory_space<vmem>>
    %dma_start3A_23 = tpu.memref_squeeze %dma_start3A_22 : memref<1x1x128xi32, #tpu.memory_space<vmem>> -> memref<128xi32, #tpu.memory_space<vmem>>
    %dma_start3A_24 = arith.constant 0 : i32
    %dma_start3A_25 = arith.constant 0 : i32
    %dma_start3A_26 = tpu.memref_slice %arg2[%dma_start3A_24, %dma_start3A_25] : memref<10240x128xf32, #tpu.memory_space<hbm>> -> memref<10240x128xf32, #tpu.memory_space<hbm>>
    tpu.enqueue_indirect_dma source(%dma_start3A_26 : memref<10240x128xf32, #tpu.memory_space<hbm>>) target(%arg8 : memref<128x128xf32, #tpu.memory_space<vmem>>) offsets(%dma_start3A_23 : memref<128xi32, #tpu.memory_space<vmem>>) semaphore(%arg11 : memref<!tpu.dma_semaphore, #tpu.memory_space<semaphore_mem>>)
    %barrier3A = arith.constant 0 : index
    tpu.barrier barrier_id(%barrier3A)
    %dma_start3A_27 = arith.constant 1 : i32
    %dma_start3A_28 = arith.constant 0 : i32
    %dma_start3A_29 = arith.constant 0 : i32
    %dma_start3A_30 = tpu.memref_slice %arg6[%dma_start3A_27, %dma_start3A_28, %dma_start3A_29] : memref<2x16x128xi32, #tpu.memory_space<vmem>> -> memref<1x16x128xi32, #tpu.memory_space<vmem>>
    %dma_start3A_31 = tpu.memref_squeeze %dma_start3A_30 : memref<1x16x128xi32, #tpu.memory_space<vmem>> -> memref<16x128xi32, #tpu.memory_space<vmem>>
    %dma_start3A_32 = arith.constant 16 : i32
    %dma_start3A_33 = arith.constant 0 : i32
    %dma_start3A_34 = tpu.memref_slice %arg3[%add3A, %dma_start3A_32, %dma_start3A_33] : memref<32x80x128xi32, #tpu.memory_space<hbm>> -> memref<1x16x128xi32, #tpu.memory_space<hbm>>
    %dma_start3A_35 = tpu.memref_squeeze %dma_start3A_34 : memref<1x16x128xi32, #tpu.memory_space<hbm>> -> memref<16x128xi32, #tpu.memory_space<hbm>>
    %dma_start3A_36 = arith.constant 0 : i32
    %dma_start3A_37 = arith.constant 0 : i32
    %dma_start3A_38 = tpu.memref_slice %arg6[%dma_start3A_27, %dma_start3A_36, %dma_start3A_37] : memref<2x16x128xi32, #tpu.memory_space<vmem>> -> memref<1x16x128xi32, #tpu.memory_space<vmem>>
    %dma_start3A_39 = tpu.memref_squeeze %dma_start3A_38 : memref<1x16x128xi32, #tpu.memory_space<vmem>> -> memref<16x128xi32, #tpu.memory_space<vmem>>
    %dma_start3A_40 = arith.constant 16 : i32
    %dma_start3A_41 = arith.constant 0 : i32
    %dma_start3A_42 = tpu.memref_slice %arg3[%add3A, %dma_start3A_40, %dma_start3A_41] : memref<32x80x128xi32, #tpu.memory_space<hbm>> -> memref<1x16x128xi32, #tpu.memory_space<hbm>>
    %dma_start3A_43 = tpu.memref_squeeze %dma_start3A_42 : memref<1x16x128xi32, #tpu.memory_space<hbm>> -> memref<16x128xi32, #tpu.memory_space<hbm>>
    tpu.enqueue_dma source(%dma_start3A_43 : memref<16x128xi32, #tpu.memory_space<hbm>>) target(%dma_start3A_39 : memref<16x128xi32, #tpu.memory_space<vmem>>) target_semaphore(%arg13 : memref<!tpu.dma_semaphore, #tpu.memory_space<semaphore_mem>>)
    %dma_start3A_44 = arith.constant 1 : i32
    %dma_start3A_45 = arith.constant 0 : i32
    %dma_start3A_46 = arith.constant 0 : i32
    %dma_start3A_47 = tpu.memref_slice %arg7[%dma_start3A_44, %dma_start3A_45, %dma_start3A_46] : memref<2x16x128xi32, #tpu.memory_space<vmem>> -> memref<1x16x128xi32, #tpu.memory_space<vmem>>
    %dma_start3A_48 = tpu.memref_squeeze %dma_start3A_47 : memref<1x16x128xi32, #tpu.memory_space<vmem>> -> memref<16x128xi32, #tpu.memory_space<vmem>>
    %dma_start3A_49 = arith.constant 16 : i32
    %dma_start3A_50 = arith.constant 0 : i32
    %dma_start3A_51 = tpu.memref_slice %arg4[%add3A, %dma_start3A_49, %dma_start3A_50] : memref<32x80x128xi32, #tpu.memory_space<hbm>> -> memref<1x16x128xi32, #tpu.memory_space<hbm>>
    %dma_start3A_52 = tpu.memref_squeeze %dma_start3A_51 : memref<1x16x128xi32, #tpu.memory_space<hbm>> -> memref<16x128xi32, #tpu.memory_space<hbm>>
    %dma_start3A_53 = arith.constant 0 : i32
    %dma_start3A_54 = arith.constant 0 : i32
    %dma_start3A_55 = tpu.memref_slice %arg7[%dma_start3A_44, %dma_start3A_53, %dma_start3A_54] : memref<2x16x128xi32, #tpu.memory_space<vmem>> -> memref<1x16x128xi32, #tpu.memory_space<vmem>>
    %dma_start3A_56 = tpu.memref_squeeze %dma_start3A_55 : memref<1x16x128xi32, #tpu.memory_space<vmem>> -> memref<16x128xi32, #tpu.memory_space<vmem>>
    %dma_start3A_57 = arith.constant 16 : i32
    %dma_start3A_58 = arith.constant 0 : i32
    %dma_start3A_59 = tpu.memref_slice %arg4[%add3A, %dma_start3A_57, %dma_start3A_58] : memref<32x80x128xi32, #tpu.memory_space<hbm>> -> memref<1x16x128xi32, #tpu.memory_space<hbm>>
    %dma_start3A_60 = tpu.memref_squeeze %dma_start3A_59 : memref<1x16x128xi32, #tpu.memory_space<hbm>> -> memref<16x128xi32, #tpu.memory_space<hbm>>
    tpu.enqueue_dma source(%dma_start3A_60 : memref<16x128xi32, #tpu.memory_space<hbm>>) target(%dma_start3A_56 : memref<16x128xi32, #tpu.memory_space<vmem>>) target_semaphore(%arg14 : memref<!tpu.dma_semaphore, #tpu.memory_space<semaphore_mem>>)
    %scan3A_61 = arith.constant 0 : i32
    %scan3A_62 = arith.constant 0 : i32
    %scan3A_63 = arith.constant 8 : i32
    %scan3A_64 = arith.addi %scan3A_62, %scan3A_63 : i32
    %scan3A_65 = arith.constant 1 : i32
    %scan3A_66 = scf.for %scan3A_376 = %scan3A_62 to %scan3A_64 step %scan3A_65 iter_args(%scan3A_377 = %scan3A_61) -> (i32)  : i32 {
      %mul3A_378 = arith.constant 2 : i32
      %mul3A_379 = arith.muli %mul3A_378, %scan3A_376 : i32
      %mul3A_380 = arith.constant 2 : i32
      %mul3A_381 = arith.muli %mul3A_380, %scan3A_376 : i32
      %add3A_382 = arith.constant 1 : i32
      %add3A_383 = arith.addi %mul3A_381, %add3A_382 : i32
      %dma_wait3A_384 = arith.constant 0 : i32
      %dma_wait3A_385 = arith.constant 0 : i32
      %dma_wait3A_386 = tpu.memref_slice %arg6[%dma_wait3A_384, %mul3A_379, %dma_wait3A_385] : memref<2x16x128xi32, #tpu.memory_space<vmem>> -> memref<1x1x128xi32, #tpu.memory_space<vmem>>
      %dma_wait3A_387 = tpu.memref_squeeze %dma_wait3A_386 : memref<1x1x128xi32, #tpu.memory_space<vmem>> -> memref<128xi32, #tpu.memory_space<vmem>>
      %dma_wait3A_388 = arith.constant 0 : i32
      %dma_wait3A_389 = arith.constant 0 : i32
      %dma_wait3A_390 = tpu.memref_slice %arg2[%dma_wait3A_388, %dma_wait3A_389] : memref<10240x128xf32, #tpu.memory_space<hbm>> -> memref<10240x128xf32, #tpu.memory_space<hbm>>
      tpu.wait_indirect_dma semaphore(%arg11 : memref<!tpu.dma_semaphore, #tpu.memory_space<semaphore_mem>>) src(%dma_wait3A_390 : memref<10240x128xf32, #tpu.memory_space<hbm>>) dst(%arg8 : memref<128x128xf32, #tpu.memory_space<vmem>>)
      %dma_start3A_391 = arith.constant 0 : i32
      %dma_start3A_392 = arith.constant 0 : i32
      %dma_start3A_393 = tpu.memref_slice %arg6[%dma_start3A_391, %add3A_383, %dma_start3A_392] : memref<2x16x128xi32, #tpu.memory_space<vmem>> -> memref<1x1x128xi32, #tpu.memory_space<vmem>>
      %dma_start3A_394 = tpu.memref_squeeze %dma_start3A_393 : memref<1x1x128xi32, #tpu.memory_space<vmem>> -> memref<128xi32, #tpu.memory_space<vmem>>
      %dma_start3A_395 = arith.constant 0 : i32
      %dma_start3A_396 = arith.constant 0 : i32
      %dma_start3A_397 = tpu.memref_slice %arg2[%dma_start3A_395, %dma_start3A_396] : memref<10240x128xf32, #tpu.memory_space<hbm>> -> memref<10240x128xf32, #tpu.memory_space<hbm>>
      tpu.enqueue_indirect_dma source(%dma_start3A_397 : memref<10240x128xf32, #tpu.memory_space<hbm>>) target(%arg9 : memref<128x128xf32, #tpu.memory_space<vmem>>) offsets(%dma_start3A_394 : memref<128xi32, #tpu.memory_space<vmem>>) semaphore(%arg12 : memref<!tpu.dma_semaphore, #tpu.memory_space<semaphore_mem>>)
      %run_scoped3A_398 = arith.constant 0 : i32
      "tpu.region"() ({
        %run_scoped3A_410 = tpu.sem_alloc : memref<!tpu.dma_semaphore, #tpu.memory_space<semaphore_mem>>
        %dma_start3A_411 = arith.constant 0 : i32
        %dma_start3A_412 = tpu.memref_slice %arg7[%run_scoped3A_398, %mul3A_379, %dma_start3A_411] : memref<2x16x128xi32, #tpu.memory_space<vmem>> -> memref<1x1x128xi32, #tpu.memory_space<vmem>>
        %dma_start3A_413 = tpu.memref_squeeze %dma_start3A_412 : memref<1x1x128xi32, #tpu.memory_space<vmem>> -> memref<128xi32, #tpu.memory_space<vmem>>
        %dma_start3A_414 = arith.constant 0 : i32
        %dma_start3A_415 = arith.constant 0 : i32
        %dma_start3A_416 = tpu.memref_slice %arg10[%dma_start3A_414, %dma_start3A_415] : memref<10240x128xf32, #tpu.memory_space<vmem_shared>> -> memref<10240x128xf32, #tpu.memory_space<vmem_shared>>
        tpu.enqueue_indirect_dma source(%arg8 : memref<128x128xf32, #tpu.memory_space<vmem>>) target(%dma_start3A_416 : memref<10240x128xf32, #tpu.memory_space<vmem_shared>>) offsets(%dma_start3A_413 : memref<128xi32, #tpu.memory_space<vmem>>) semaphore(%run_scoped3A_410 : memref<!tpu.dma_semaphore, #tpu.memory_space<semaphore_mem>>) {add = true}
        %dma_wait3A_417 = arith.constant 0 : i32
        %dma_wait3A_418 = tpu.memref_slice %arg7[%run_scoped3A_398, %mul3A_379, %dma_wait3A_417] : memref<2x16x128xi32, #tpu.memory_space<vmem>> -> memref<1x1x128xi32, #tpu.memory_space<vmem>>
        %dma_wait3A_419 = tpu.memref_squeeze %dma_wait3A_418 : memref<1x1x128xi32, #tpu.memory_space<vmem>> -> memref<128xi32, #tpu.memory_space<vmem>>
        %dma_wait3A_420 = arith.constant 0 : i32
        %dma_wait3A_421 = arith.constant 0 : i32
        %dma_wait3A_422 = tpu.memref_slice %arg10[%dma_wait3A_420, %dma_wait3A_421] : memref<10240x128xf32, #tpu.memory_space<vmem_shared>> -> memref<10240x128xf32, #tpu.memory_space<vmem_shared>>
        tpu.wait_indirect_dma semaphore(%run_scoped3A_410 : memref<!tpu.dma_semaphore, #tpu.memory_space<semaphore_mem>>) src(%arg8 : memref<128x128xf32, #tpu.memory_space<vmem>>) dst(%dma_wait3A_422 : memref<10240x128xf32, #tpu.memory_space<vmem_shared>>)
        tpu.yield
      }) : () -> ()
      %dma_wait3A_399 = arith.constant 0 : i32
      %dma_wait3A_400 = arith.constant 0 : i32
      %dma_wait3A_401 = tpu.memref_slice %arg6[%dma_wait3A_399, %add3A_383, %dma_wait3A_400] : memref<2x16x128xi32, #tpu.memory_space<vmem>> -> memref<1x1x128xi32, #tpu.memory_space<vmem>>
      %dma_wait3A_402 = tpu.memref_squeeze %dma_wait3A_401 : memref<1x1x128xi32, #tpu.memory_space<vmem>> -> memref<128xi32, #tpu.memory_space<vmem>>
      %dma_wait3A_403 = arith.constant 0 : i32
      %dma_wait3A_404 = arith.constant 0 : i32
      %dma_wait3A_405 = tpu.memref_slice %arg2[%dma_wait3A_403, %dma_wait3A_404] : memref<10240x128xf32, #tpu.memory_space<hbm>> -> memref<10240x128xf32, #tpu.memory_space<hbm>>
      tpu.wait_indirect_dma semaphore(%arg12 : memref<!tpu.dma_semaphore, #tpu.memory_space<semaphore_mem>>) src(%dma_wait3A_405 : memref<10240x128xf32, #tpu.memory_space<hbm>>) dst(%arg9 : memref<128x128xf32, #tpu.memory_space<vmem>>)
      %lt3A = arith.constant 7 : i32
      %lt3A_406 = arith.cmpi slt, %scan3A_376, %lt3A : i32
      %convert_element_type3A = arith.extui %lt3A_406 : i1 to i32
      %cond3A = arith.constant 0 : i32
      %cond3A_407 = arith.cmpi ne, %convert_element_type3A, %cond3A : i32
      scf.if %cond3A_407 {
        %mul3A_410 = arith.constant 2 : i32
        %mul3A_411 = arith.muli %mul3A_410, %scan3A_376 : i32
        %add3A_412 = arith.constant 2 : i32
        %add3A_413 = arith.addi %mul3A_411, %add3A_412 : i32
        %dma_start3A_414 = arith.constant 0 : i32
        %dma_start3A_415 = arith.constant 0 : i32
        %dma_start3A_416 = tpu.memref_slice %arg6[%dma_start3A_414, %add3A_413, %dma_start3A_415] : memref<2x16x128xi32, #tpu.memory_space<vmem>> -> memref<1x1x128xi32, #tpu.memory_space<vmem>>
        %dma_start3A_417 = tpu.memref_squeeze %dma_start3A_416 : memref<1x1x128xi32, #tpu.memory_space<vmem>> -> memref<128xi32, #tpu.memory_space<vmem>>
        %dma_start3A_418 = arith.constant 0 : i32
        %dma_start3A_419 = arith.constant 0 : i32
        %dma_start3A_420 = tpu.memref_slice %arg2[%dma_start3A_418, %dma_start3A_419] : memref<10240x128xf32, #tpu.memory_space<hbm>> -> memref<10240x128xf32, #tpu.memory_space<hbm>>
        tpu.enqueue_indirect_dma source(%dma_start3A_420 : memref<10240x128xf32, #tpu.memory_space<hbm>>) target(%arg8 : memref<128x128xf32, #tpu.memory_space<vmem>>) offsets(%dma_start3A_417 : memref<128xi32, #tpu.memory_space<vmem>>) semaphore(%arg11 : memref<!tpu.dma_semaphore, #tpu.memory_space<semaphore_mem>>)
      } else {
      }
      %run_scoped3A_408 = arith.constant 0 : i32
      "tpu.region"() ({
        %run_scoped3A_410 = tpu.sem_alloc : memref<!tpu.dma_semaphore, #tpu.memory_space<semaphore_mem>>
        %dma_start3A_411 = arith.constant 0 : i32
        %dma_start3A_412 = tpu.memref_slice %arg7[%run_scoped3A_408, %add3A_383, %dma_start3A_411] : memref<2x16x128xi32, #tpu.memory_space<vmem>> -> memref<1x1x128xi32, #tpu.memory_space<vmem>>
        %dma_start3A_413 = tpu.memref_squeeze %dma_start3A_412 : memref<1x1x128xi32, #tpu.memory_space<vmem>> -> memref<128xi32, #tpu.memory_space<vmem>>
        %dma_start3A_414 = arith.constant 0 : i32
        %dma_start3A_415 = arith.constant 0 : i32
        %dma_start3A_416 = tpu.memref_slice %arg10[%dma_start3A_414, %dma_start3A_415] : memref<10240x128xf32, #tpu.memory_space<vmem_shared>> -> memref<10240x128xf32, #tpu.memory_space<vmem_shared>>
        tpu.enqueue_indirect_dma source(%arg9 : memref<128x128xf32, #tpu.memory_space<vmem>>) target(%dma_start3A_416 : memref<10240x128xf32, #tpu.memory_space<vmem_shared>>) offsets(%dma_start3A_413 : memref<128xi32, #tpu.memory_space<vmem>>) semaphore(%run_scoped3A_410 : memref<!tpu.dma_semaphore, #tpu.memory_space<semaphore_mem>>) {add = true}
        %dma_wait3A_417 = arith.constant 0 : i32
        %dma_wait3A_418 = tpu.memref_slice %arg7[%run_scoped3A_408, %add3A_383, %dma_wait3A_417] : memref<2x16x128xi32, #tpu.memory_space<vmem>> -> memref<1x1x128xi32, #tpu.memory_space<vmem>>
        %dma_wait3A_419 = tpu.memref_squeeze %dma_wait3A_418 : memref<1x1x128xi32, #tpu.memory_space<vmem>> -> memref<128xi32, #tpu.memory_space<vmem>>
        %dma_wait3A_420 = arith.constant 0 : i32
        %dma_wait3A_421 = arith.constant 0 : i32
        %dma_wait3A_422 = tpu.memref_slice %arg10[%dma_wait3A_420, %dma_wait3A_421] : memref<10240x128xf32, #tpu.memory_space<vmem_shared>> -> memref<10240x128xf32, #tpu.memory_space<vmem_shared>>
        tpu.wait_indirect_dma semaphore(%run_scoped3A_410 : memref<!tpu.dma_semaphore, #tpu.memory_space<semaphore_mem>>) src(%arg9 : memref<128x128xf32, #tpu.memory_space<vmem>>) dst(%dma_wait3A_422 : memref<10240x128xf32, #tpu.memory_space<vmem_shared>>)
        tpu.yield
      }) : () -> ()
      %scan3A_409 = arith.constant 0 : i32
      scf.yield %scan3A_409 : i32
    }
    %scan3A_67 = arith.constant 8 : i32
    %dma_wait3A = arith.constant 1 : i32
    %dma_wait3A_68 = arith.constant 0 : i32
    %dma_wait3A_69 = arith.constant 0 : i32
    %dma_wait3A_70 = tpu.memref_slice %arg6[%dma_wait3A, %dma_wait3A_68, %dma_wait3A_69] : memref<2x16x128xi32, #tpu.memory_space<vmem>> -> memref<1x16x128xi32, #tpu.memory_space<vmem>>
    %dma_wait3A_71 = tpu.memref_squeeze %dma_wait3A_70 : memref<1x16x128xi32, #tpu.memory_space<vmem>> -> memref<16x128xi32, #tpu.memory_space<vmem>>
    %dma_wait3A_72 = arith.constant 16 : i32
    %dma_wait3A_73 = arith.constant 0 : i32
    %dma_wait3A_74 = tpu.memref_slice %arg3[%add3A, %dma_wait3A_72, %dma_wait3A_73] : memref<32x80x128xi32, #tpu.memory_space<hbm>> -> memref<1x16x128xi32, #tpu.memory_space<hbm>>
    %dma_wait3A_75 = tpu.memref_squeeze %dma_wait3A_74 : memref<1x16x128xi32, #tpu.memory_space<hbm>> -> memref<16x128xi32, #tpu.memory_space<hbm>>
    %dma_wait3A_76 = arith.constant 0 : i32
    %dma_wait3A_77 = arith.constant 0 : i32
    %dma_wait3A_78 = tpu.memref_slice %arg6[%dma_wait3A, %dma_wait3A_76, %dma_wait3A_77] : memref<2x16x128xi32, #tpu.memory_space<vmem>> -> memref<1x16x128xi32, #tpu.memory_space<vmem>>
    %dma_wait3A_79 = tpu.memref_squeeze %dma_wait3A_78 : memref<1x16x128xi32, #tpu.memory_space<vmem>> -> memref<16x128xi32, #tpu.memory_space<vmem>>
    %dma_wait3A_80 = arith.constant 16 : i32
    %dma_wait3A_81 = arith.constant 0 : i32
    %dma_wait3A_82 = tpu.memref_slice %arg3[%add3A, %dma_wait3A_80, %dma_wait3A_81] : memref<32x80x128xi32, #tpu.memory_space<hbm>> -> memref<1x16x128xi32, #tpu.memory_space<hbm>>
    %dma_wait3A_83 = tpu.memref_squeeze %dma_wait3A_82 : memref<1x16x128xi32, #tpu.memory_space<hbm>> -> memref<16x128xi32, #tpu.memory_space<hbm>>
    tpu.wait_dma2 semaphore(%arg13 : memref<!tpu.dma_semaphore, #tpu.memory_space<semaphore_mem>>) src(%dma_wait3A_83 : memref<16x128xi32, #tpu.memory_space<hbm>>) dst(%dma_wait3A_79 : memref<16x128xi32, #tpu.memory_space<vmem>>)
    %dma_wait3A_84 = arith.constant 1 : i32
    %dma_wait3A_85 = arith.constant 0 : i32
    %dma_wait3A_86 = arith.constant 0 : i32
    %dma_wait3A_87 = tpu.memref_slice %arg7[%dma_wait3A_84, %dma_wait3A_85, %dma_wait3A_86] : memref<2x16x128xi32, #tpu.memory_space<vmem>> -> memref<1x16x128xi32, #tpu.memory_space<vmem>>
    %dma_wait3A_88 = tpu.memref_squeeze %dma_wait3A_87 : memref<1x16x128xi32, #tpu.memory_space<vmem>> -> memref<16x128xi32, #tpu.memory_space<vmem>>
    %dma_wait3A_89 = arith.constant 16 : i32
    %dma_wait3A_90 = arith.constant 0 : i32
    %dma_wait3A_91 = tpu.memref_slice %arg4[%add3A, %dma_wait3A_89, %dma_wait3A_90] : memref<32x80x128xi32, #tpu.memory_space<hbm>> -> memref<1x16x128xi32, #tpu.memory_space<hbm>>
    %dma_wait3A_92 = tpu.memref_squeeze %dma_wait3A_91 : memref<1x16x128xi32, #tpu.memory_space<hbm>> -> memref<16x128xi32, #tpu.memory_space<hbm>>
    %dma_wait3A_93 = arith.constant 0 : i32
    %dma_wait3A_94 = arith.constant 0 : i32
    %dma_wait3A_95 = tpu.memref_slice %arg7[%dma_wait3A_84, %dma_wait3A_93, %dma_wait3A_94] : memref<2x16x128xi32, #tpu.memory_space<vmem>> -> memref<1x16x128xi32, #tpu.memory_space<vmem>>
    %dma_wait3A_96 = tpu.memref_squeeze %dma_wait3A_95 : memref<1x16x128xi32, #tpu.memory_space<vmem>> -> memref<16x128xi32, #tpu.memory_space<vmem>>
    %dma_wait3A_97 = arith.constant 16 : i32
    %dma_wait3A_98 = arith.constant 0 : i32
    %dma_wait3A_99 = tpu.memref_slice %arg4[%add3A, %dma_wait3A_97, %dma_wait3A_98] : memref<32x80x128xi32, #tpu.memory_space<hbm>> -> memref<1x16x128xi32, #tpu.memory_space<hbm>>
    %dma_wait3A_100 = tpu.memref_squeeze %dma_wait3A_99 : memref<1x16x128xi32, #tpu.memory_space<hbm>> -> memref<16x128xi32, #tpu.memory_space<hbm>>
    tpu.wait_dma2 semaphore(%arg14 : memref<!tpu.dma_semaphore, #tpu.memory_space<semaphore_mem>>) src(%dma_wait3A_100 : memref<16x128xi32, #tpu.memory_space<hbm>>) dst(%dma_wait3A_96 : memref<16x128xi32, #tpu.memory_space<vmem>>)
    %dma_start3A_101 = arith.constant 1 : i32
    %dma_start3A_102 = arith.constant 0 : i32
    %dma_start3A_103 = arith.constant 0 : i32
    %dma_start3A_104 = tpu.memref_slice %arg6[%dma_start3A_101, %dma_start3A_102, %dma_start3A_103] : memref<2x16x128xi32, #tpu.memory_space<vmem>> -> memref<1x1x128xi32, #tpu.memory_space<vmem>>
    %dma_start3A_105 = tpu.memref_squeeze %dma_start3A_104 : memref<1x1x128xi32, #tpu.memory_space<vmem>> -> memref<128xi32, #tpu.memory_space<vmem>>
    %dma_start3A_106 = arith.constant 0 : i32
    %dma_start3A_107 = arith.constant 0 : i32
    %dma_start3A_108 = tpu.memref_slice %arg2[%dma_start3A_106, %dma_start3A_107] : memref<10240x128xf32, #tpu.memory_space<hbm>> -> memref<10240x128xf32, #tpu.memory_space<hbm>>
    tpu.enqueue_indirect_dma source(%dma_start3A_108 : memref<10240x128xf32, #tpu.memory_space<hbm>>) target(%arg8 : memref<128x128xf32, #tpu.memory_space<vmem>>) offsets(%dma_start3A_105 : memref<128xi32, #tpu.memory_space<vmem>>) semaphore(%arg11 : memref<!tpu.dma_semaphore, #tpu.memory_space<semaphore_mem>>)
    %dma_start3A_109 = arith.constant 0 : i32
    %dma_start3A_110 = arith.constant 0 : i32
    %dma_start3A_111 = arith.constant 0 : i32
    %dma_start3A_112 = tpu.memref_slice %arg6[%dma_start3A_109, %dma_start3A_110, %dma_start3A_111] : memref<2x16x128xi32, #tpu.memory_space<vmem>> -> memref<1x16x128xi32, #tpu.memory_space<vmem>>
    %dma_start3A_113 = tpu.memref_squeeze %dma_start3A_112 : memref<1x16x128xi32, #tpu.memory_space<vmem>> -> memref<16x128xi32, #tpu.memory_space<vmem>>
    %dma_start3A_114 = arith.constant 32 : i32
    %dma_start3A_115 = arith.constant 0 : i32
    %dma_start3A_116 = tpu.memref_slice %arg3[%add3A, %dma_start3A_114, %dma_start3A_115] : memref<32x80x128xi32, #tpu.memory_space<hbm>> -> memref<1x16x128xi32, #tpu.memory_space<hbm>>
    %dma_start3A_117 = tpu.memref_squeeze %dma_start3A_116 : memref<1x16x128xi32, #tpu.memory_space<hbm>> -> memref<16x128xi32, #tpu.memory_space<hbm>>
    %dma_start3A_118 = arith.constant 0 : i32
    %dma_start3A_119 = arith.constant 0 : i32
    %dma_start3A_120 = tpu.memref_slice %arg6[%dma_start3A_109, %dma_start3A_118, %dma_start3A_119] : memref<2x16x128xi32, #tpu.memory_space<vmem>> -> memref<1x16x128xi32, #tpu.memory_space<vmem>>
    %dma_start3A_121 = tpu.memref_squeeze %dma_start3A_120 : memref<1x16x128xi32, #tpu.memory_space<vmem>> -> memref<16x128xi32, #tpu.memory_space<vmem>>
    %dma_start3A_122 = arith.constant 32 : i32
    %dma_start3A_123 = arith.constant 0 : i32
    %dma_start3A_124 = tpu.memref_slice %arg3[%add3A, %dma_start3A_122, %dma_start3A_123] : memref<32x80x128xi32, #tpu.memory_space<hbm>> -> memref<1x16x128xi32, #tpu.memory_space<hbm>>
    %dma_start3A_125 = tpu.memref_squeeze %dma_start3A_124 : memref<1x16x128xi32, #tpu.memory_space<hbm>> -> memref<16x128xi32, #tpu.memory_space<hbm>>
    tpu.enqueue_dma source(%dma_start3A_125 : memref<16x128xi32, #tpu.memory_space<hbm>>) target(%dma_start3A_121 : memref<16x128xi32, #tpu.memory_space<vmem>>) target_semaphore(%arg13 : memref<!tpu.dma_semaphore, #tpu.memory_space<semaphore_mem>>)
    %dma_start3A_126 = arith.constant 0 : i32
    %dma_start3A_127 = arith.constant 0 : i32
    %dma_start3A_128 = arith.constant 0 : i32
    %dma_start3A_129 = tpu.memref_slice %arg7[%dma_start3A_126, %dma_start3A_127, %dma_start3A_128] : memref<2x16x128xi32, #tpu.memory_space<vmem>> -> memref<1x16x128xi32, #tpu.memory_space<vmem>>
    %dma_start3A_130 = tpu.memref_squeeze %dma_start3A_129 : memref<1x16x128xi32, #tpu.memory_space<vmem>> -> memref<16x128xi32, #tpu.memory_space<vmem>>
    %dma_start3A_131 = arith.constant 32 : i32
    %dma_start3A_132 = arith.constant 0 : i32
    %dma_start3A_133 = tpu.memref_slice %arg4[%add3A, %dma_start3A_131, %dma_start3A_132] : memref<32x80x128xi32, #tpu.memory_space<hbm>> -> memref<1x16x128xi32, #tpu.memory_space<hbm>>
    %dma_start3A_134 = tpu.memref_squeeze %dma_start3A_133 : memref<1x16x128xi32, #tpu.memory_space<hbm>> -> memref<16x128xi32, #tpu.memory_space<hbm>>
    %dma_start3A_135 = arith.constant 0 : i32
    %dma_start3A_136 = arith.constant 0 : i32
    %dma_start3A_137 = tpu.memref_slice %arg7[%dma_start3A_126, %dma_start3A_135, %dma_start3A_136] : memref<2x16x128xi32, #tpu.memory_space<vmem>> -> memref<1x16x128xi32, #tpu.memory_space<vmem>>
    %dma_start3A_138 = tpu.memref_squeeze %dma_start3A_137 : memref<1x16x128xi32, #tpu.memory_space<vmem>> -> memref<16x128xi32, #tpu.memory_space<vmem>>
    %dma_start3A_139 = arith.constant 32 : i32
    %dma_start3A_140 = arith.constant 0 : i32
    %dma_start3A_141 = tpu.memref_slice %arg4[%add3A, %dma_start3A_139, %dma_start3A_140] : memref<32x80x128xi32, #tpu.memory_space<hbm>> -> memref<1x16x128xi32, #tpu.memory_space<hbm>>
    %dma_start3A_142 = tpu.memref_squeeze %dma_start3A_141 : memref<1x16x128xi32, #tpu.memory_space<hbm>> -> memref<16x128xi32, #tpu.memory_space<hbm>>
    tpu.enqueue_dma source(%dma_start3A_142 : memref<16x128xi32, #tpu.memory_space<hbm>>) target(%dma_start3A_138 : memref<16x128xi32, #tpu.memory_space<vmem>>) target_semaphore(%arg14 : memref<!tpu.dma_semaphore, #tpu.memory_space<semaphore_mem>>)
    %scan3A_143 = arith.constant 0 : i32
    %scan3A_144 = arith.constant 0 : i32
    %scan3A_145 = arith.constant 8 : i32
    %scan3A_146 = arith.addi %scan3A_144, %scan3A_145 : i32
    %scan3A_147 = arith.constant 1 : i32
    %scan3A_148 = scf.for %scan3A_376 = %scan3A_144 to %scan3A_146 step %scan3A_147 iter_args(%scan3A_377 = %scan3A_143) -> (i32)  : i32 {
      %mul3A_378 = arith.constant 2 : i32
      %mul3A_379 = arith.muli %mul3A_378, %scan3A_376 : i32
      %mul3A_380 = arith.constant 2 : i32
      %mul3A_381 = arith.muli %mul3A_380, %scan3A_376 : i32
      %add3A_382 = arith.constant 1 : i32
      %add3A_383 = arith.addi %mul3A_381, %add3A_382 : i32
      %dma_wait3A_384 = arith.constant 1 : i32
      %dma_wait3A_385 = arith.constant 0 : i32
      %dma_wait3A_386 = tpu.memref_slice %arg6[%dma_wait3A_384, %mul3A_379, %dma_wait3A_385] : memref<2x16x128xi32, #tpu.memory_space<vmem>> -> memref<1x1x128xi32, #tpu.memory_space<vmem>>
      %dma_wait3A_387 = tpu.memref_squeeze %dma_wait3A_386 : memref<1x1x128xi32, #tpu.memory_space<vmem>> -> memref<128xi32, #tpu.memory_space<vmem>>
      %dma_wait3A_388 = arith.constant 0 : i32
      %dma_wait3A_389 = arith.constant 0 : i32
      %dma_wait3A_390 = tpu.memref_slice %arg2[%dma_wait3A_388, %dma_wait3A_389] : memref<10240x128xf32, #tpu.memory_space<hbm>> -> memref<10240x128xf32, #tpu.memory_space<hbm>>
      tpu.wait_indirect_dma semaphore(%arg11 : memref<!tpu.dma_semaphore, #tpu.memory_space<semaphore_mem>>) src(%dma_wait3A_390 : memref<10240x128xf32, #tpu.memory_space<hbm>>) dst(%arg8 : memref<128x128xf32, #tpu.memory_space<vmem>>)
      %dma_start3A_391 = arith.constant 1 : i32
      %dma_start3A_392 = arith.constant 0 : i32
      %dma_start3A_393 = tpu.memref_slice %arg6[%dma_start3A_391, %add3A_383, %dma_start3A_392] : memref<2x16x128xi32, #tpu.memory_space<vmem>> -> memref<1x1x128xi32, #tpu.memory_space<vmem>>
      %dma_start3A_394 = tpu.memref_squeeze %dma_start3A_393 : memref<1x1x128xi32, #tpu.memory_space<vmem>> -> memref<128xi32, #tpu.memory_space<vmem>>
      %dma_start3A_395 = arith.constant 0 : i32
      %dma_start3A_396 = arith.constant 0 : i32
      %dma_start3A_397 = tpu.memref_slice %arg2[%dma_start3A_395, %dma_start3A_396] : memref<10240x128xf32, #tpu.memory_space<hbm>> -> memref<10240x128xf32, #tpu.memory_space<hbm>>
      tpu.enqueue_indirect_dma source(%dma_start3A_397 : memref<10240x128xf32, #tpu.memory_space<hbm>>) target(%arg9 : memref<128x128xf32, #tpu.memory_space<vmem>>) offsets(%dma_start3A_394 : memref<128xi32, #tpu.memory_space<vmem>>) semaphore(%arg12 : memref<!tpu.dma_semaphore, #tpu.memory_space<semaphore_mem>>)
      %run_scoped3A_398 = arith.constant 1 : i32
      "tpu.region"() ({
        %run_scoped3A_410 = tpu.sem_alloc : memref<!tpu.dma_semaphore, #tpu.memory_space<semaphore_mem>>
        %dma_start3A_411 = arith.constant 0 : i32
        %dma_start3A_412 = tpu.memref_slice %arg7[%run_scoped3A_398, %mul3A_379, %dma_start3A_411] : memref<2x16x128xi32, #tpu.memory_space<vmem>> -> memref<1x1x128xi32, #tpu.memory_space<vmem>>
        %dma_start3A_413 = tpu.memref_squeeze %dma_start3A_412 : memref<1x1x128xi32, #tpu.memory_space<vmem>> -> memref<128xi32, #tpu.memory_space<vmem>>
        %dma_start3A_414 = arith.constant 0 : i32
        %dma_start3A_415 = arith.constant 0 : i32
        %dma_start3A_416 = tpu.memref_slice %arg10[%dma_start3A_414, %dma_start3A_415] : memref<10240x128xf32, #tpu.memory_space<vmem_shared>> -> memref<10240x128xf32, #tpu.memory_space<vmem_shared>>
        tpu.enqueue_indirect_dma source(%arg8 : memref<128x128xf32, #tpu.memory_space<vmem>>) target(%dma_start3A_416 : memref<10240x128xf32, #tpu.memory_space<vmem_shared>>) offsets(%dma_start3A_413 : memref<128xi32, #tpu.memory_space<vmem>>) semaphore(%run_scoped3A_410 : memref<!tpu.dma_semaphore, #tpu.memory_space<semaphore_mem>>) {add = true}
        %dma_wait3A_417 = arith.constant 0 : i32
        %dma_wait3A_418 = tpu.memref_slice %arg7[%run_scoped3A_398, %mul3A_379, %dma_wait3A_417] : memref<2x16x128xi32, #tpu.memory_space<vmem>> -> memref<1x1x128xi32, #tpu.memory_space<vmem>>
        %dma_wait3A_419 = tpu.memref_squeeze %dma_wait3A_418 : memref<1x1x128xi32, #tpu.memory_space<vmem>> -> memref<128xi32, #tpu.memory_space<vmem>>
        %dma_wait3A_420 = arith.constant 0 : i32
        %dma_wait3A_421 = arith.constant 0 : i32
        %dma_wait3A_422 = tpu.memref_slice %arg10[%dma_wait3A_420, %dma_wait3A_421] : memref<10240x128xf32, #tpu.memory_space<vmem_shared>> -> memref<10240x128xf32, #tpu.memory_space<vmem_shared>>
        tpu.wait_indirect_dma semaphore(%run_scoped3A_410 : memref<!tpu.dma_semaphore, #tpu.memory_space<semaphore_mem>>) src(%arg8 : memref<128x128xf32, #tpu.memory_space<vmem>>) dst(%dma_wait3A_422 : memref<10240x128xf32, #tpu.memory_space<vmem_shared>>)
        tpu.yield
      }) : () -> ()
      %dma_wait3A_399 = arith.constant 1 : i32
      %dma_wait3A_400 = arith.constant 0 : i32
      %dma_wait3A_401 = tpu.memref_slice %arg6[%dma_wait3A_399, %add3A_383, %dma_wait3A_400] : memref<2x16x128xi32, #tpu.memory_space<vmem>> -> memref<1x1x128xi32, #tpu.memory_space<vmem>>
      %dma_wait3A_402 = tpu.memref_squeeze %dma_wait3A_401 : memref<1x1x128xi32, #tpu.memory_space<vmem>> -> memref<128xi32, #tpu.memory_space<vmem>>
      %dma_wait3A_403 = arith.constant 0 : i32
      %dma_wait3A_404 = arith.constant 0 : i32
      %dma_wait3A_405 = tpu.memref_slice %arg2[%dma_wait3A_403, %dma_wait3A_404] : memref<10240x128xf32, #tpu.memory_space<hbm>> -> memref<10240x128xf32, #tpu.memory_space<hbm>>
      tpu.wait_indirect_dma semaphore(%arg12 : memref<!tpu.dma_semaphore, #tpu.memory_space<semaphore_mem>>) src(%dma_wait3A_405 : memref<10240x128xf32, #tpu.memory_space<hbm>>) dst(%arg9 : memref<128x128xf32, #tpu.memory_space<vmem>>)
      %lt3A = arith.constant 7 : i32
      %lt3A_406 = arith.cmpi slt, %scan3A_376, %lt3A : i32
      %convert_element_type3A = arith.extui %lt3A_406 : i1 to i32
      %cond3A = arith.constant 0 : i32
      %cond3A_407 = arith.cmpi ne, %convert_element_type3A, %cond3A : i32
      scf.if %cond3A_407 {
        %mul3A_410 = arith.constant 2 : i32
        %mul3A_411 = arith.muli %mul3A_410, %scan3A_376 : i32
        %add3A_412 = arith.constant 2 : i32
        %add3A_413 = arith.addi %mul3A_411, %add3A_412 : i32
        %dma_start3A_414 = arith.constant 1 : i32
        %dma_start3A_415 = arith.constant 0 : i32
        %dma_start3A_416 = tpu.memref_slice %arg6[%dma_start3A_414, %add3A_413, %dma_start3A_415] : memref<2x16x128xi32, #tpu.memory_space<vmem>> -> memref<1x1x128xi32, #tpu.memory_space<vmem>>
        %dma_start3A_417 = tpu.memref_squeeze %dma_start3A_416 : memref<1x1x128xi32, #tpu.memory_space<vmem>> -> memref<128xi32, #tpu.memory_space<vmem>>
        %dma_start3A_418 = arith.constant 0 : i32
        %dma_start3A_419 = arith.constant 0 : i32
        %dma_start3A_420 = tpu.memref_slice %arg2[%dma_start3A_418, %dma_start3A_419] : memref<10240x128xf32, #tpu.memory_space<hbm>> -> memref<10240x128xf32, #tpu.memory_space<hbm>>
        tpu.enqueue_indirect_dma source(%dma_start3A_420 : memref<10240x128xf32, #tpu.memory_space<hbm>>) target(%arg8 : memref<128x128xf32, #tpu.memory_space<vmem>>) offsets(%dma_start3A_417 : memref<128xi32, #tpu.memory_space<vmem>>) semaphore(%arg11 : memref<!tpu.dma_semaphore, #tpu.memory_space<semaphore_mem>>)
      } else {
      }
      %run_scoped3A_408 = arith.constant 1 : i32
      "tpu.region"() ({
        %run_scoped3A_410 = tpu.sem_alloc : memref<!tpu.dma_semaphore, #tpu.memory_space<semaphore_mem>>
        %dma_start3A_411 = arith.constant 0 : i32
        %dma_start3A_412 = tpu.memref_slice %arg7[%run_scoped3A_408, %add3A_383, %dma_start3A_411] : memref<2x16x128xi32, #tpu.memory_space<vmem>> -> memref<1x1x128xi32, #tpu.memory_space<vmem>>
        %dma_start3A_413 = tpu.memref_squeeze %dma_start3A_412 : memref<1x1x128xi32, #tpu.memory_space<vmem>> -> memref<128xi32, #tpu.memory_space<vmem>>
        %dma_start3A_414 = arith.constant 0 : i32
        %dma_start3A_415 = arith.constant 0 : i32
        %dma_start3A_416 = tpu.memref_slice %arg10[%dma_start3A_414, %dma_start3A_415] : memref<10240x128xf32, #tpu.memory_space<vmem_shared>> -> memref<10240x128xf32, #tpu.memory_space<vmem_shared>>
        tpu.enqueue_indirect_dma source(%arg9 : memref<128x128xf32, #tpu.memory_space<vmem>>) target(%dma_start3A_416 : memref<10240x128xf32, #tpu.memory_space<vmem_shared>>) offsets(%dma_start3A_413 : memref<128xi32, #tpu.memory_space<vmem>>) semaphore(%run_scoped3A_410 : memref<!tpu.dma_semaphore, #tpu.memory_space<semaphore_mem>>) {add = true}
        %dma_wait3A_417 = arith.constant 0 : i32
        %dma_wait3A_418 = tpu.memref_slice %arg7[%run_scoped3A_408, %add3A_383, %dma_wait3A_417] : memref<2x16x128xi32, #tpu.memory_space<vmem>> -> memref<1x1x128xi32, #tpu.memory_space<vmem>>
        %dma_wait3A_419 = tpu.memref_squeeze %dma_wait3A_418 : memref<1x1x128xi32, #tpu.memory_space<vmem>> -> memref<128xi32, #tpu.memory_space<vmem>>
        %dma_wait3A_420 = arith.constant 0 : i32
        %dma_wait3A_421 = arith.constant 0 : i32
        %dma_wait3A_422 = tpu.memref_slice %arg10[%dma_wait3A_420, %dma_wait3A_421] : memref<10240x128xf32, #tpu.memory_space<vmem_shared>> -> memref<10240x128xf32, #tpu.memory_space<vmem_shared>>
        tpu.wait_indirect_dma semaphore(%run_scoped3A_410 : memref<!tpu.dma_semaphore, #tpu.memory_space<semaphore_mem>>) src(%arg9 : memref<128x128xf32, #tpu.memory_space<vmem>>) dst(%dma_wait3A_422 : memref<10240x128xf32, #tpu.memory_space<vmem_shared>>)
        tpu.yield
      }) : () -> ()
      %scan3A_409 = arith.constant 0 : i32
      scf.yield %scan3A_409 : i32
    }
    %scan3A_149 = arith.constant 8 : i32
    %dma_wait3A_150 = arith.constant 0 : i32
    %dma_wait3A_151 = arith.constant 0 : i32
    %dma_wait3A_152 = arith.constant 0 : i32
    %dma_wait3A_153 = tpu.memref_slice %arg6[%dma_wait3A_150, %dma_wait3A_151, %dma_wait3A_152] : memref<2x16x128xi32, #tpu.memory_space<vmem>> -> memref<1x16x128xi32, #tpu.memory_space<vmem>>
    %dma_wait3A_154 = tpu.memref_squeeze %dma_wait3A_153 : memref<1x16x128xi32, #tpu.memory_space<vmem>> -> memref<16x128xi32, #tpu.memory_space<vmem>>
    %dma_wait3A_155 = arith.constant 32 : i32
    %dma_wait3A_156 = arith.constant 0 : i32
    %dma_wait3A_157 = tpu.memref_slice %arg3[%add3A, %dma_wait3A_155, %dma_wait3A_156] : memref<32x80x128xi32, #tpu.memory_space<hbm>> -> memref<1x16x128xi32, #tpu.memory_space<hbm>>
    %dma_wait3A_158 = tpu.memref_squeeze %dma_wait3A_157 : memref<1x16x128xi32, #tpu.memory_space<hbm>> -> memref<16x128xi32, #tpu.memory_space<hbm>>
    %dma_wait3A_159 = arith.constant 0 : i32
    %dma_wait3A_160 = arith.constant 0 : i32
    %dma_wait3A_161 = tpu.memref_slice %arg6[%dma_wait3A_150, %dma_wait3A_159, %dma_wait3A_160] : memref<2x16x128xi32, #tpu.memory_space<vmem>> -> memref<1x16x128xi32, #tpu.memory_space<vmem>>
    %dma_wait3A_162 = tpu.memref_squeeze %dma_wait3A_161 : memref<1x16x128xi32, #tpu.memory_space<vmem>> -> memref<16x128xi32, #tpu.memory_space<vmem>>
    %dma_wait3A_163 = arith.constant 32 : i32
    %dma_wait3A_164 = arith.constant 0 : i32
    %dma_wait3A_165 = tpu.memref_slice %arg3[%add3A, %dma_wait3A_163, %dma_wait3A_164] : memref<32x80x128xi32, #tpu.memory_space<hbm>> -> memref<1x16x128xi32, #tpu.memory_space<hbm>>
    %dma_wait3A_166 = tpu.memref_squeeze %dma_wait3A_165 : memref<1x16x128xi32, #tpu.memory_space<hbm>> -> memref<16x128xi32, #tpu.memory_space<hbm>>
    tpu.wait_dma2 semaphore(%arg13 : memref<!tpu.dma_semaphore, #tpu.memory_space<semaphore_mem>>) src(%dma_wait3A_166 : memref<16x128xi32, #tpu.memory_space<hbm>>) dst(%dma_wait3A_162 : memref<16x128xi32, #tpu.memory_space<vmem>>)
    %dma_wait3A_167 = arith.constant 0 : i32
    %dma_wait3A_168 = arith.constant 0 : i32
    %dma_wait3A_169 = arith.constant 0 : i32
    %dma_wait3A_170 = tpu.memref_slice %arg7[%dma_wait3A_167, %dma_wait3A_168, %dma_wait3A_169] : memref<2x16x128xi32, #tpu.memory_space<vmem>> -> memref<1x16x128xi32, #tpu.memory_space<vmem>>
    %dma_wait3A_171 = tpu.memref_squeeze %dma_wait3A_170 : memref<1x16x128xi32, #tpu.memory_space<vmem>> -> memref<16x128xi32, #tpu.memory_space<vmem>>
    %dma_wait3A_172 = arith.constant 32 : i32
    %dma_wait3A_173 = arith.constant 0 : i32
    %dma_wait3A_174 = tpu.memref_slice %arg4[%add3A, %dma_wait3A_172, %dma_wait3A_173] : memref<32x80x128xi32, #tpu.memory_space<hbm>> -> memref<1x16x128xi32, #tpu.memory_space<hbm>>
    %dma_wait3A_175 = tpu.memref_squeeze %dma_wait3A_174 : memref<1x16x128xi32, #tpu.memory_space<hbm>> -> memref<16x128xi32, #tpu.memory_space<hbm>>
    %dma_wait3A_176 = arith.constant 0 : i32
    %dma_wait3A_177 = arith.constant 0 : i32
    %dma_wait3A_178 = tpu.memref_slice %arg7[%dma_wait3A_167, %dma_wait3A_176, %dma_wait3A_177] : memref<2x16x128xi32, #tpu.memory_space<vmem>> -> memref<1x16x128xi32, #tpu.memory_space<vmem>>
    %dma_wait3A_179 = tpu.memref_squeeze %dma_wait3A_178 : memref<1x16x128xi32, #tpu.memory_space<vmem>> -> memref<16x128xi32, #tpu.memory_space<vmem>>
    %dma_wait3A_180 = arith.constant 32 : i32
    %dma_wait3A_181 = arith.constant 0 : i32
    %dma_wait3A_182 = tpu.memref_slice %arg4[%add3A, %dma_wait3A_180, %dma_wait3A_181] : memref<32x80x128xi32, #tpu.memory_space<hbm>> -> memref<1x16x128xi32, #tpu.memory_space<hbm>>
    %dma_wait3A_183 = tpu.memref_squeeze %dma_wait3A_182 : memref<1x16x128xi32, #tpu.memory_space<hbm>> -> memref<16x128xi32, #tpu.memory_space<hbm>>
    tpu.wait_dma2 semaphore(%arg14 : memref<!tpu.dma_semaphore, #tpu.memory_space<semaphore_mem>>) src(%dma_wait3A_183 : memref<16x128xi32, #tpu.memory_space<hbm>>) dst(%dma_wait3A_179 : memref<16x128xi32, #tpu.memory_space<vmem>>)
    %dma_start3A_184 = arith.constant 0 : i32
    %dma_start3A_185 = arith.constant 0 : i32
    %dma_start3A_186 = arith.constant 0 : i32
    %dma_start3A_187 = tpu.memref_slice %arg6[%dma_start3A_184, %dma_start3A_185, %dma_start3A_186] : memref<2x16x128xi32, #tpu.memory_space<vmem>> -> memref<1x1x128xi32, #tpu.memory_space<vmem>>
    %dma_start3A_188 = tpu.memref_squeeze %dma_start3A_187 : memref<1x1x128xi32, #tpu.memory_space<vmem>> -> memref<128xi32, #tpu.memory_space<vmem>>
    %dma_start3A_189 = arith.constant 0 : i32
    %dma_start3A_190 = arith.constant 0 : i32
    %dma_start3A_191 = tpu.memref_slice %arg2[%dma_start3A_189, %dma_start3A_190] : memref<10240x128xf32, #tpu.memory_space<hbm>> -> memref<10240x128xf32, #tpu.memory_space<hbm>>
    tpu.enqueue_indirect_dma source(%dma_start3A_191 : memref<10240x128xf32, #tpu.memory_space<hbm>>) target(%arg8 : memref<128x128xf32, #tpu.memory_space<vmem>>) offsets(%dma_start3A_188 : memref<128xi32, #tpu.memory_space<vmem>>) semaphore(%arg11 : memref<!tpu.dma_semaphore, #tpu.memory_space<semaphore_mem>>)
    %dma_start3A_192 = arith.constant 1 : i32
    %dma_start3A_193 = arith.constant 0 : i32
    %dma_start3A_194 = arith.constant 0 : i32
    %dma_start3A_195 = tpu.memref_slice %arg6[%dma_start3A_192, %dma_start3A_193, %dma_start3A_194] : memref<2x16x128xi32, #tpu.memory_space<vmem>> -> memref<1x16x128xi32, #tpu.memory_space<vmem>>
    %dma_start3A_196 = tpu.memref_squeeze %dma_start3A_195 : memref<1x16x128xi32, #tpu.memory_space<vmem>> -> memref<16x128xi32, #tpu.memory_space<vmem>>
    %dma_start3A_197 = arith.constant 48 : i32
    %dma_start3A_198 = arith.constant 0 : i32
    %dma_start3A_199 = tpu.memref_slice %arg3[%add3A, %dma_start3A_197, %dma_start3A_198] : memref<32x80x128xi32, #tpu.memory_space<hbm>> -> memref<1x16x128xi32, #tpu.memory_space<hbm>>
    %dma_start3A_200 = tpu.memref_squeeze %dma_start3A_199 : memref<1x16x128xi32, #tpu.memory_space<hbm>> -> memref<16x128xi32, #tpu.memory_space<hbm>>
    %dma_start3A_201 = arith.constant 0 : i32
    %dma_start3A_202 = arith.constant 0 : i32
    %dma_start3A_203 = tpu.memref_slice %arg6[%dma_start3A_192, %dma_start3A_201, %dma_start3A_202] : memref<2x16x128xi32, #tpu.memory_space<vmem>> -> memref<1x16x128xi32, #tpu.memory_space<vmem>>
    %dma_start3A_204 = tpu.memref_squeeze %dma_start3A_203 : memref<1x16x128xi32, #tpu.memory_space<vmem>> -> memref<16x128xi32, #tpu.memory_space<vmem>>
    %dma_start3A_205 = arith.constant 48 : i32
    %dma_start3A_206 = arith.constant 0 : i32
    %dma_start3A_207 = tpu.memref_slice %arg3[%add3A, %dma_start3A_205, %dma_start3A_206] : memref<32x80x128xi32, #tpu.memory_space<hbm>> -> memref<1x16x128xi32, #tpu.memory_space<hbm>>
    %dma_start3A_208 = tpu.memref_squeeze %dma_start3A_207 : memref<1x16x128xi32, #tpu.memory_space<hbm>> -> memref<16x128xi32, #tpu.memory_space<hbm>>
    tpu.enqueue_dma source(%dma_start3A_208 : memref<16x128xi32, #tpu.memory_space<hbm>>) target(%dma_start3A_204 : memref<16x128xi32, #tpu.memory_space<vmem>>) target_semaphore(%arg13 : memref<!tpu.dma_semaphore, #tpu.memory_space<semaphore_mem>>)
    %dma_start3A_209 = arith.constant 1 : i32
    %dma_start3A_210 = arith.constant 0 : i32
    %dma_start3A_211 = arith.constant 0 : i32
    %dma_start3A_212 = tpu.memref_slice %arg7[%dma_start3A_209, %dma_start3A_210, %dma_start3A_211] : memref<2x16x128xi32, #tpu.memory_space<vmem>> -> memref<1x16x128xi32, #tpu.memory_space<vmem>>
    %dma_start3A_213 = tpu.memref_squeeze %dma_start3A_212 : memref<1x16x128xi32, #tpu.memory_space<vmem>> -> memref<16x128xi32, #tpu.memory_space<vmem>>
    %dma_start3A_214 = arith.constant 48 : i32
    %dma_start3A_215 = arith.constant 0 : i32
    %dma_start3A_216 = tpu.memref_slice %arg4[%add3A, %dma_start3A_214, %dma_start3A_215] : memref<32x80x128xi32, #tpu.memory_space<hbm>> -> memref<1x16x128xi32, #tpu.memory_space<hbm>>
    %dma_start3A_217 = tpu.memref_squeeze %dma_start3A_216 : memref<1x16x128xi32, #tpu.memory_space<hbm>> -> memref<16x128xi32, #tpu.memory_space<hbm>>
    %dma_start3A_218 = arith.constant 0 : i32
    %dma_start3A_219 = arith.constant 0 : i32
    %dma_start3A_220 = tpu.memref_slice %arg7[%dma_start3A_209, %dma_start3A_218, %dma_start3A_219] : memref<2x16x128xi32, #tpu.memory_space<vmem>> -> memref<1x16x128xi32, #tpu.memory_space<vmem>>
    %dma_start3A_221 = tpu.memref_squeeze %dma_start3A_220 : memref<1x16x128xi32, #tpu.memory_space<vmem>> -> memref<16x128xi32, #tpu.memory_space<vmem>>
    %dma_start3A_222 = arith.constant 48 : i32
    %dma_start3A_223 = arith.constant 0 : i32
    %dma_start3A_224 = tpu.memref_slice %arg4[%add3A, %dma_start3A_222, %dma_start3A_223] : memref<32x80x128xi32, #tpu.memory_space<hbm>> -> memref<1x16x128xi32, #tpu.memory_space<hbm>>
    %dma_start3A_225 = tpu.memref_squeeze %dma_start3A_224 : memref<1x16x128xi32, #tpu.memory_space<hbm>> -> memref<16x128xi32, #tpu.memory_space<hbm>>
    tpu.enqueue_dma source(%dma_start3A_225 : memref<16x128xi32, #tpu.memory_space<hbm>>) target(%dma_start3A_221 : memref<16x128xi32, #tpu.memory_space<vmem>>) target_semaphore(%arg14 : memref<!tpu.dma_semaphore, #tpu.memory_space<semaphore_mem>>)
    %scan3A_226 = arith.constant 0 : i32
    %scan3A_227 = arith.constant 0 : i32
    %scan3A_228 = arith.constant 8 : i32
    %scan3A_229 = arith.addi %scan3A_227, %scan3A_228 : i32
    %scan3A_230 = arith.constant 1 : i32
    %scan3A_231 = scf.for %scan3A_376 = %scan3A_227 to %scan3A_229 step %scan3A_230 iter_args(%scan3A_377 = %scan3A_226) -> (i32)  : i32 {
      %mul3A_378 = arith.constant 2 : i32
      %mul3A_379 = arith.muli %mul3A_378, %scan3A_376 : i32
      %mul3A_380 = arith.constant 2 : i32
      %mul3A_381 = arith.muli %mul3A_380, %scan3A_376 : i32
      %add3A_382 = arith.constant 1 : i32
      %add3A_383 = arith.addi %mul3A_381, %add3A_382 : i32
      %dma_wait3A_384 = arith.constant 0 : i32
      %dma_wait3A_385 = arith.constant 0 : i32
      %dma_wait3A_386 = tpu.memref_slice %arg6[%dma_wait3A_384, %mul3A_379, %dma_wait3A_385] : memref<2x16x128xi32, #tpu.memory_space<vmem>> -> memref<1x1x128xi32, #tpu.memory_space<vmem>>
      %dma_wait3A_387 = tpu.memref_squeeze %dma_wait3A_386 : memref<1x1x128xi32, #tpu.memory_space<vmem>> -> memref<128xi32, #tpu.memory_space<vmem>>
      %dma_wait3A_388 = arith.constant 0 : i32
      %dma_wait3A_389 = arith.constant 0 : i32
      %dma_wait3A_390 = tpu.memref_slice %arg2[%dma_wait3A_388, %dma_wait3A_389] : memref<10240x128xf32, #tpu.memory_space<hbm>> -> memref<10240x128xf32, #tpu.memory_space<hbm>>
      tpu.wait_indirect_dma semaphore(%arg11 : memref<!tpu.dma_semaphore, #tpu.memory_space<semaphore_mem>>) src(%dma_wait3A_390 : memref<10240x128xf32, #tpu.memory_space<hbm>>) dst(%arg8 : memref<128x128xf32, #tpu.memory_space<vmem>>)
      %dma_start3A_391 = arith.constant 0 : i32
      %dma_start3A_392 = arith.constant 0 : i32
      %dma_start3A_393 = tpu.memref_slice %arg6[%dma_start3A_391, %add3A_383, %dma_start3A_392] : memref<2x16x128xi32, #tpu.memory_space<vmem>> -> memref<1x1x128xi32, #tpu.memory_space<vmem>>
      %dma_start3A_394 = tpu.memref_squeeze %dma_start3A_393 : memref<1x1x128xi32, #tpu.memory_space<vmem>> -> memref<128xi32, #tpu.memory_space<vmem>>
      %dma_start3A_395 = arith.constant 0 : i32
      %dma_start3A_396 = arith.constant 0 : i32
      %dma_start3A_397 = tpu.memref_slice %arg2[%dma_start3A_395, %dma_start3A_396] : memref<10240x128xf32, #tpu.memory_space<hbm>> -> memref<10240x128xf32, #tpu.memory_space<hbm>>
      tpu.enqueue_indirect_dma source(%dma_start3A_397 : memref<10240x128xf32, #tpu.memory_space<hbm>>) target(%arg9 : memref<128x128xf32, #tpu.memory_space<vmem>>) offsets(%dma_start3A_394 : memref<128xi32, #tpu.memory_space<vmem>>) semaphore(%arg12 : memref<!tpu.dma_semaphore, #tpu.memory_space<semaphore_mem>>)
      %run_scoped3A_398 = arith.constant 0 : i32
      "tpu.region"() ({
        %run_scoped3A_410 = tpu.sem_alloc : memref<!tpu.dma_semaphore, #tpu.memory_space<semaphore_mem>>
        %dma_start3A_411 = arith.constant 0 : i32
        %dma_start3A_412 = tpu.memref_slice %arg7[%run_scoped3A_398, %mul3A_379, %dma_start3A_411] : memref<2x16x128xi32, #tpu.memory_space<vmem>> -> memref<1x1x128xi32, #tpu.memory_space<vmem>>
        %dma_start3A_413 = tpu.memref_squeeze %dma_start3A_412 : memref<1x1x128xi32, #tpu.memory_space<vmem>> -> memref<128xi32, #tpu.memory_space<vmem>>
        %dma_start3A_414 = arith.constant 0 : i32
        %dma_start3A_415 = arith.constant 0 : i32
        %dma_start3A_416 = tpu.memref_slice %arg10[%dma_start3A_414, %dma_start3A_415] : memref<10240x128xf32, #tpu.memory_space<vmem_shared>> -> memref<10240x128xf32, #tpu.memory_space<vmem_shared>>
        tpu.enqueue_indirect_dma source(%arg8 : memref<128x128xf32, #tpu.memory_space<vmem>>) target(%dma_start3A_416 : memref<10240x128xf32, #tpu.memory_space<vmem_shared>>) offsets(%dma_start3A_413 : memref<128xi32, #tpu.memory_space<vmem>>) semaphore(%run_scoped3A_410 : memref<!tpu.dma_semaphore, #tpu.memory_space<semaphore_mem>>) {add = true}
        %dma_wait3A_417 = arith.constant 0 : i32
        %dma_wait3A_418 = tpu.memref_slice %arg7[%run_scoped3A_398, %mul3A_379, %dma_wait3A_417] : memref<2x16x128xi32, #tpu.memory_space<vmem>> -> memref<1x1x128xi32, #tpu.memory_space<vmem>>
        %dma_wait3A_419 = tpu.memref_squeeze %dma_wait3A_418 : memref<1x1x128xi32, #tpu.memory_space<vmem>> -> memref<128xi32, #tpu.memory_space<vmem>>
        %dma_wait3A_420 = arith.constant 0 : i32
        %dma_wait3A_421 = arith.constant 0 : i32
        %dma_wait3A_422 = tpu.memref_slice %arg10[%dma_wait3A_420, %dma_wait3A_421] : memref<10240x128xf32, #tpu.memory_space<vmem_shared>> -> memref<10240x128xf32, #tpu.memory_space<vmem_shared>>
        tpu.wait_indirect_dma semaphore(%run_scoped3A_410 : memref<!tpu.dma_semaphore, #tpu.memory_space<semaphore_mem>>) src(%arg8 : memref<128x128xf32, #tpu.memory_space<vmem>>) dst(%dma_wait3A_422 : memref<10240x128xf32, #tpu.memory_space<vmem_shared>>)
        tpu.yield
      }) : () -> ()
      %dma_wait3A_399 = arith.constant 0 : i32
      %dma_wait3A_400 = arith.constant 0 : i32
      %dma_wait3A_401 = tpu.memref_slice %arg6[%dma_wait3A_399, %add3A_383, %dma_wait3A_400] : memref<2x16x128xi32, #tpu.memory_space<vmem>> -> memref<1x1x128xi32, #tpu.memory_space<vmem>>
      %dma_wait3A_402 = tpu.memref_squeeze %dma_wait3A_401 : memref<1x1x128xi32, #tpu.memory_space<vmem>> -> memref<128xi32, #tpu.memory_space<vmem>>
      %dma_wait3A_403 = arith.constant 0 : i32
      %dma_wait3A_404 = arith.constant 0 : i32
      %dma_wait3A_405 = tpu.memref_slice %arg2[%dma_wait3A_403, %dma_wait3A_404] : memref<10240x128xf32, #tpu.memory_space<hbm>> -> memref<10240x128xf32, #tpu.memory_space<hbm>>
      tpu.wait_indirect_dma semaphore(%arg12 : memref<!tpu.dma_semaphore, #tpu.memory_space<semaphore_mem>>) src(%dma_wait3A_405 : memref<10240x128xf32, #tpu.memory_space<hbm>>) dst(%arg9 : memref<128x128xf32, #tpu.memory_space<vmem>>)
      %lt3A = arith.constant 7 : i32
      %lt3A_406 = arith.cmpi slt, %scan3A_376, %lt3A : i32
      %convert_element_type3A = arith.extui %lt3A_406 : i1 to i32
      %cond3A = arith.constant 0 : i32
      %cond3A_407 = arith.cmpi ne, %convert_element_type3A, %cond3A : i32
      scf.if %cond3A_407 {
        %mul3A_410 = arith.constant 2 : i32
        %mul3A_411 = arith.muli %mul3A_410, %scan3A_376 : i32
        %add3A_412 = arith.constant 2 : i32
        %add3A_413 = arith.addi %mul3A_411, %add3A_412 : i32
        %dma_start3A_414 = arith.constant 0 : i32
        %dma_start3A_415 = arith.constant 0 : i32
        %dma_start3A_416 = tpu.memref_slice %arg6[%dma_start3A_414, %add3A_413, %dma_start3A_415] : memref<2x16x128xi32, #tpu.memory_space<vmem>> -> memref<1x1x128xi32, #tpu.memory_space<vmem>>
        %dma_start3A_417 = tpu.memref_squeeze %dma_start3A_416 : memref<1x1x128xi32, #tpu.memory_space<vmem>> -> memref<128xi32, #tpu.memory_space<vmem>>
        %dma_start3A_418 = arith.constant 0 : i32
        %dma_start3A_419 = arith.constant 0 : i32
        %dma_start3A_420 = tpu.memref_slice %arg2[%dma_start3A_418, %dma_start3A_419] : memref<10240x128xf32, #tpu.memory_space<hbm>> -> memref<10240x128xf32, #tpu.memory_space<hbm>>
        tpu.enqueue_indirect_dma source(%dma_start3A_420 : memref<10240x128xf32, #tpu.memory_space<hbm>>) target(%arg8 : memref<128x128xf32, #tpu.memory_space<vmem>>) offsets(%dma_start3A_417 : memref<128xi32, #tpu.memory_space<vmem>>) semaphore(%arg11 : memref<!tpu.dma_semaphore, #tpu.memory_space<semaphore_mem>>)
      } else {
      }
      %run_scoped3A_408 = arith.constant 0 : i32
      "tpu.region"() ({
        %run_scoped3A_410 = tpu.sem_alloc : memref<!tpu.dma_semaphore, #tpu.memory_space<semaphore_mem>>
        %dma_start3A_411 = arith.constant 0 : i32
        %dma_start3A_412 = tpu.memref_slice %arg7[%run_scoped3A_408, %add3A_383, %dma_start3A_411] : memref<2x16x128xi32, #tpu.memory_space<vmem>> -> memref<1x1x128xi32, #tpu.memory_space<vmem>>
        %dma_start3A_413 = tpu.memref_squeeze %dma_start3A_412 : memref<1x1x128xi32, #tpu.memory_space<vmem>> -> memref<128xi32, #tpu.memory_space<vmem>>
        %dma_start3A_414 = arith.constant 0 : i32
        %dma_start3A_415 = arith.constant 0 : i32
        %dma_start3A_416 = tpu.memref_slice %arg10[%dma_start3A_414, %dma_start3A_415] : memref<10240x128xf32, #tpu.memory_space<vmem_shared>> -> memref<10240x128xf32, #tpu.memory_space<vmem_shared>>
        tpu.enqueue_indirect_dma source(%arg9 : memref<128x128xf32, #tpu.memory_space<vmem>>) target(%dma_start3A_416 : memref<10240x128xf32, #tpu.memory_space<vmem_shared>>) offsets(%dma_start3A_413 : memref<128xi32, #tpu.memory_space<vmem>>) semaphore(%run_scoped3A_410 : memref<!tpu.dma_semaphore, #tpu.memory_space<semaphore_mem>>) {add = true}
        %dma_wait3A_417 = arith.constant 0 : i32
        %dma_wait3A_418 = tpu.memref_slice %arg7[%run_scoped3A_408, %add3A_383, %dma_wait3A_417] : memref<2x16x128xi32, #tpu.memory_space<vmem>> -> memref<1x1x128xi32, #tpu.memory_space<vmem>>
        %dma_wait3A_419 = tpu.memref_squeeze %dma_wait3A_418 : memref<1x1x128xi32, #tpu.memory_space<vmem>> -> memref<128xi32, #tpu.memory_space<vmem>>
        %dma_wait3A_420 = arith.constant 0 : i32
        %dma_wait3A_421 = arith.constant 0 : i32
        %dma_wait3A_422 = tpu.memref_slice %arg10[%dma_wait3A_420, %dma_wait3A_421] : memref<10240x128xf32, #tpu.memory_space<vmem_shared>> -> memref<10240x128xf32, #tpu.memory_space<vmem_shared>>
        tpu.wait_indirect_dma semaphore(%run_scoped3A_410 : memref<!tpu.dma_semaphore, #tpu.memory_space<semaphore_mem>>) src(%arg9 : memref<128x128xf32, #tpu.memory_space<vmem>>) dst(%dma_wait3A_422 : memref<10240x128xf32, #tpu.memory_space<vmem_shared>>)
        tpu.yield
      }) : () -> ()
      %scan3A_409 = arith.constant 0 : i32
      scf.yield %scan3A_409 : i32
    }
    %scan3A_232 = arith.constant 8 : i32
    %dma_wait3A_233 = arith.constant 1 : i32
    %dma_wait3A_234 = arith.constant 0 : i32
    %dma_wait3A_235 = arith.constant 0 : i32
    %dma_wait3A_236 = tpu.memref_slice %arg6[%dma_wait3A_233, %dma_wait3A_234, %dma_wait3A_235] : memref<2x16x128xi32, #tpu.memory_space<vmem>> -> memref<1x16x128xi32, #tpu.memory_space<vmem>>
    %dma_wait3A_237 = tpu.memref_squeeze %dma_wait3A_236 : memref<1x16x128xi32, #tpu.memory_space<vmem>> -> memref<16x128xi32, #tpu.memory_space<vmem>>
    %dma_wait3A_238 = arith.constant 48 : i32
    %dma_wait3A_239 = arith.constant 0 : i32
    %dma_wait3A_240 = tpu.memref_slice %arg3[%add3A, %dma_wait3A_238, %dma_wait3A_239] : memref<32x80x128xi32, #tpu.memory_space<hbm>> -> memref<1x16x128xi32, #tpu.memory_space<hbm>>
    %dma_wait3A_241 = tpu.memref_squeeze %dma_wait3A_240 : memref<1x16x128xi32, #tpu.memory_space<hbm>> -> memref<16x128xi32, #tpu.memory_space<hbm>>
    %dma_wait3A_242 = arith.constant 0 : i32
    %dma_wait3A_243 = arith.constant 0 : i32
    %dma_wait3A_244 = tpu.memref_slice %arg6[%dma_wait3A_233, %dma_wait3A_242, %dma_wait3A_243] : memref<2x16x128xi32, #tpu.memory_space<vmem>> -> memref<1x16x128xi32, #tpu.memory_space<vmem>>
    %dma_wait3A_245 = tpu.memref_squeeze %dma_wait3A_244 : memref<1x16x128xi32, #tpu.memory_space<vmem>> -> memref<16x128xi32, #tpu.memory_space<vmem>>
    %dma_wait3A_246 = arith.constant 48 : i32
    %dma_wait3A_247 = arith.constant 0 : i32
    %dma_wait3A_248 = tpu.memref_slice %arg3[%add3A, %dma_wait3A_246, %dma_wait3A_247] : memref<32x80x128xi32, #tpu.memory_space<hbm>> -> memref<1x16x128xi32, #tpu.memory_space<hbm>>
    %dma_wait3A_249 = tpu.memref_squeeze %dma_wait3A_248 : memref<1x16x128xi32, #tpu.memory_space<hbm>> -> memref<16x128xi32, #tpu.memory_space<hbm>>
    tpu.wait_dma2 semaphore(%arg13 : memref<!tpu.dma_semaphore, #tpu.memory_space<semaphore_mem>>) src(%dma_wait3A_249 : memref<16x128xi32, #tpu.memory_space<hbm>>) dst(%dma_wait3A_245 : memref<16x128xi32, #tpu.memory_space<vmem>>)
    %dma_wait3A_250 = arith.constant 1 : i32
    %dma_wait3A_251 = arith.constant 0 : i32
    %dma_wait3A_252 = arith.constant 0 : i32
    %dma_wait3A_253 = tpu.memref_slice %arg7[%dma_wait3A_250, %dma_wait3A_251, %dma_wait3A_252] : memref<2x16x128xi32, #tpu.memory_space<vmem>> -> memref<1x16x128xi32, #tpu.memory_space<vmem>>
    %dma_wait3A_254 = tpu.memref_squeeze %dma_wait3A_253 : memref<1x16x128xi32, #tpu.memory_space<vmem>> -> memref<16x128xi32, #tpu.memory_space<vmem>>
    %dma_wait3A_255 = arith.constant 48 : i32
    %dma_wait3A_256 = arith.constant 0 : i32
    %dma_wait3A_257 = tpu.memref_slice %arg4[%add3A, %dma_wait3A_255, %dma_wait3A_256] : memref<32x80x128xi32, #tpu.memory_space<hbm>> -> memref<1x16x128xi32, #tpu.memory_space<hbm>>
    %dma_wait3A_258 = tpu.memref_squeeze %dma_wait3A_257 : memref<1x16x128xi32, #tpu.memory_space<hbm>> -> memref<16x128xi32, #tpu.memory_space<hbm>>
    %dma_wait3A_259 = arith.constant 0 : i32
    %dma_wait3A_260 = arith.constant 0 : i32
    %dma_wait3A_261 = tpu.memref_slice %arg7[%dma_wait3A_250, %dma_wait3A_259, %dma_wait3A_260] : memref<2x16x128xi32, #tpu.memory_space<vmem>> -> memref<1x16x128xi32, #tpu.memory_space<vmem>>
    %dma_wait3A_262 = tpu.memref_squeeze %dma_wait3A_261 : memref<1x16x128xi32, #tpu.memory_space<vmem>> -> memref<16x128xi32, #tpu.memory_space<vmem>>
    %dma_wait3A_263 = arith.constant 48 : i32
    %dma_wait3A_264 = arith.constant 0 : i32
    %dma_wait3A_265 = tpu.memref_slice %arg4[%add3A, %dma_wait3A_263, %dma_wait3A_264] : memref<32x80x128xi32, #tpu.memory_space<hbm>> -> memref<1x16x128xi32, #tpu.memory_space<hbm>>
    %dma_wait3A_266 = tpu.memref_squeeze %dma_wait3A_265 : memref<1x16x128xi32, #tpu.memory_space<hbm>> -> memref<16x128xi32, #tpu.memory_space<hbm>>
    tpu.wait_dma2 semaphore(%arg14 : memref<!tpu.dma_semaphore, #tpu.memory_space<semaphore_mem>>) src(%dma_wait3A_266 : memref<16x128xi32, #tpu.memory_space<hbm>>) dst(%dma_wait3A_262 : memref<16x128xi32, #tpu.memory_space<vmem>>)
    %dma_start3A_267 = arith.constant 1 : i32
    %dma_start3A_268 = arith.constant 0 : i32
    %dma_start3A_269 = arith.constant 0 : i32
    %dma_start3A_270 = tpu.memref_slice %arg6[%dma_start3A_267, %dma_start3A_268, %dma_start3A_269] : memref<2x16x128xi32, #tpu.memory_space<vmem>> -> memref<1x1x128xi32, #tpu.memory_space<vmem>>
    %dma_start3A_271 = tpu.memref_squeeze %dma_start3A_270 : memref<1x1x128xi32, #tpu.memory_space<vmem>> -> memref<128xi32, #tpu.memory_space<vmem>>
    %dma_start3A_272 = arith.constant 0 : i32
    %dma_start3A_273 = arith.constant 0 : i32
    %dma_start3A_274 = tpu.memref_slice %arg2[%dma_start3A_272, %dma_start3A_273] : memref<10240x128xf32, #tpu.memory_space<hbm>> -> memref<10240x128xf32, #tpu.memory_space<hbm>>
    tpu.enqueue_indirect_dma source(%dma_start3A_274 : memref<10240x128xf32, #tpu.memory_space<hbm>>) target(%arg8 : memref<128x128xf32, #tpu.memory_space<vmem>>) offsets(%dma_start3A_271 : memref<128xi32, #tpu.memory_space<vmem>>) semaphore(%arg11 : memref<!tpu.dma_semaphore, #tpu.memory_space<semaphore_mem>>)
    %dma_start3A_275 = arith.constant 0 : i32
    %dma_start3A_276 = arith.constant 0 : i32
    %dma_start3A_277 = arith.constant 0 : i32
    %dma_start3A_278 = tpu.memref_slice %arg6[%dma_start3A_275, %dma_start3A_276, %dma_start3A_277] : memref<2x16x128xi32, #tpu.memory_space<vmem>> -> memref<1x16x128xi32, #tpu.memory_space<vmem>>
    %dma_start3A_279 = tpu.memref_squeeze %dma_start3A_278 : memref<1x16x128xi32, #tpu.memory_space<vmem>> -> memref<16x128xi32, #tpu.memory_space<vmem>>
    %dma_start3A_280 = arith.constant 64 : i32
    %dma_start3A_281 = arith.constant 0 : i32
    %dma_start3A_282 = tpu.memref_slice %arg3[%add3A, %dma_start3A_280, %dma_start3A_281] : memref<32x80x128xi32, #tpu.memory_space<hbm>> -> memref<1x16x128xi32, #tpu.memory_space<hbm>>
    %dma_start3A_283 = tpu.memref_squeeze %dma_start3A_282 : memref<1x16x128xi32, #tpu.memory_space<hbm>> -> memref<16x128xi32, #tpu.memory_space<hbm>>
    %dma_start3A_284 = arith.constant 0 : i32
    %dma_start3A_285 = arith.constant 0 : i32
    %dma_start3A_286 = tpu.memref_slice %arg6[%dma_start3A_275, %dma_start3A_284, %dma_start3A_285] : memref<2x16x128xi32, #tpu.memory_space<vmem>> -> memref<1x16x128xi32, #tpu.memory_space<vmem>>
    %dma_start3A_287 = tpu.memref_squeeze %dma_start3A_286 : memref<1x16x128xi32, #tpu.memory_space<vmem>> -> memref<16x128xi32, #tpu.memory_space<vmem>>
    %dma_start3A_288 = arith.constant 64 : i32
    %dma_start3A_289 = arith.constant 0 : i32
    %dma_start3A_290 = tpu.memref_slice %arg3[%add3A, %dma_start3A_288, %dma_start3A_289] : memref<32x80x128xi32, #tpu.memory_space<hbm>> -> memref<1x16x128xi32, #tpu.memory_space<hbm>>
    %dma_start3A_291 = tpu.memref_squeeze %dma_start3A_290 : memref<1x16x128xi32, #tpu.memory_space<hbm>> -> memref<16x128xi32, #tpu.memory_space<hbm>>
    tpu.enqueue_dma source(%dma_start3A_291 : memref<16x128xi32, #tpu.memory_space<hbm>>) target(%dma_start3A_287 : memref<16x128xi32, #tpu.memory_space<vmem>>) target_semaphore(%arg13 : memref<!tpu.dma_semaphore, #tpu.memory_space<semaphore_mem>>)
    %dma_start3A_292 = arith.constant 0 : i32
    %dma_start3A_293 = arith.constant 0 : i32
    %dma_start3A_294 = arith.constant 0 : i32
    %dma_start3A_295 = tpu.memref_slice %arg7[%dma_start3A_292, %dma_start3A_293, %dma_start3A_294] : memref<2x16x128xi32, #tpu.memory_space<vmem>> -> memref<1x16x128xi32, #tpu.memory_space<vmem>>
    %dma_start3A_296 = tpu.memref_squeeze %dma_start3A_295 : memref<1x16x128xi32, #tpu.memory_space<vmem>> -> memref<16x128xi32, #tpu.memory_space<vmem>>
    %dma_start3A_297 = arith.constant 64 : i32
    %dma_start3A_298 = arith.constant 0 : i32
    %dma_start3A_299 = tpu.memref_slice %arg4[%add3A, %dma_start3A_297, %dma_start3A_298] : memref<32x80x128xi32, #tpu.memory_space<hbm>> -> memref<1x16x128xi32, #tpu.memory_space<hbm>>
    %dma_start3A_300 = tpu.memref_squeeze %dma_start3A_299 : memref<1x16x128xi32, #tpu.memory_space<hbm>> -> memref<16x128xi32, #tpu.memory_space<hbm>>
    %dma_start3A_301 = arith.constant 0 : i32
    %dma_start3A_302 = arith.constant 0 : i32
    %dma_start3A_303 = tpu.memref_slice %arg7[%dma_start3A_292, %dma_start3A_301, %dma_start3A_302] : memref<2x16x128xi32, #tpu.memory_space<vmem>> -> memref<1x16x128xi32, #tpu.memory_space<vmem>>
    %dma_start3A_304 = tpu.memref_squeeze %dma_start3A_303 : memref<1x16x128xi32, #tpu.memory_space<vmem>> -> memref<16x128xi32, #tpu.memory_space<vmem>>
    %dma_start3A_305 = arith.constant 64 : i32
    %dma_start3A_306 = arith.constant 0 : i32
    %dma_start3A_307 = tpu.memref_slice %arg4[%add3A, %dma_start3A_305, %dma_start3A_306] : memref<32x80x128xi32, #tpu.memory_space<hbm>> -> memref<1x16x128xi32, #tpu.memory_space<hbm>>
    %dma_start3A_308 = tpu.memref_squeeze %dma_start3A_307 : memref<1x16x128xi32, #tpu.memory_space<hbm>> -> memref<16x128xi32, #tpu.memory_space<hbm>>
    tpu.enqueue_dma source(%dma_start3A_308 : memref<16x128xi32, #tpu.memory_space<hbm>>) target(%dma_start3A_304 : memref<16x128xi32, #tpu.memory_space<vmem>>) target_semaphore(%arg14 : memref<!tpu.dma_semaphore, #tpu.memory_space<semaphore_mem>>)
    %scan3A_309 = arith.constant 0 : i32
    %scan3A_310 = arith.constant 0 : i32
    %scan3A_311 = arith.constant 8 : i32
    %scan3A_312 = arith.addi %scan3A_310, %scan3A_311 : i32
    %scan3A_313 = arith.constant 1 : i32
    %scan3A_314 = scf.for %scan3A_376 = %scan3A_310 to %scan3A_312 step %scan3A_313 iter_args(%scan3A_377 = %scan3A_309) -> (i32)  : i32 {
      %mul3A_378 = arith.constant 2 : i32
      %mul3A_379 = arith.muli %mul3A_378, %scan3A_376 : i32
      %mul3A_380 = arith.constant 2 : i32
      %mul3A_381 = arith.muli %mul3A_380, %scan3A_376 : i32
      %add3A_382 = arith.constant 1 : i32
      %add3A_383 = arith.addi %mul3A_381, %add3A_382 : i32
      %dma_wait3A_384 = arith.constant 1 : i32
      %dma_wait3A_385 = arith.constant 0 : i32
      %dma_wait3A_386 = tpu.memref_slice %arg6[%dma_wait3A_384, %mul3A_379, %dma_wait3A_385] : memref<2x16x128xi32, #tpu.memory_space<vmem>> -> memref<1x1x128xi32, #tpu.memory_space<vmem>>
      %dma_wait3A_387 = tpu.memref_squeeze %dma_wait3A_386 : memref<1x1x128xi32, #tpu.memory_space<vmem>> -> memref<128xi32, #tpu.memory_space<vmem>>
      %dma_wait3A_388 = arith.constant 0 : i32
      %dma_wait3A_389 = arith.constant 0 : i32
      %dma_wait3A_390 = tpu.memref_slice %arg2[%dma_wait3A_388, %dma_wait3A_389] : memref<10240x128xf32, #tpu.memory_space<hbm>> -> memref<10240x128xf32, #tpu.memory_space<hbm>>
      tpu.wait_indirect_dma semaphore(%arg11 : memref<!tpu.dma_semaphore, #tpu.memory_space<semaphore_mem>>) src(%dma_wait3A_390 : memref<10240x128xf32, #tpu.memory_space<hbm>>) dst(%arg8 : memref<128x128xf32, #tpu.memory_space<vmem>>)
      %dma_start3A_391 = arith.constant 1 : i32
      %dma_start3A_392 = arith.constant 0 : i32
      %dma_start3A_393 = tpu.memref_slice %arg6[%dma_start3A_391, %add3A_383, %dma_start3A_392] : memref<2x16x128xi32, #tpu.memory_space<vmem>> -> memref<1x1x128xi32, #tpu.memory_space<vmem>>
      %dma_start3A_394 = tpu.memref_squeeze %dma_start3A_393 : memref<1x1x128xi32, #tpu.memory_space<vmem>> -> memref<128xi32, #tpu.memory_space<vmem>>
      %dma_start3A_395 = arith.constant 0 : i32
      %dma_start3A_396 = arith.constant 0 : i32
      %dma_start3A_397 = tpu.memref_slice %arg2[%dma_start3A_395, %dma_start3A_396] : memref<10240x128xf32, #tpu.memory_space<hbm>> -> memref<10240x128xf32, #tpu.memory_space<hbm>>
      tpu.enqueue_indirect_dma source(%dma_start3A_397 : memref<10240x128xf32, #tpu.memory_space<hbm>>) target(%arg9 : memref<128x128xf32, #tpu.memory_space<vmem>>) offsets(%dma_start3A_394 : memref<128xi32, #tpu.memory_space<vmem>>) semaphore(%arg12 : memref<!tpu.dma_semaphore, #tpu.memory_space<semaphore_mem>>)
      %run_scoped3A_398 = arith.constant 1 : i32
      "tpu.region"() ({
        %run_scoped3A_410 = tpu.sem_alloc : memref<!tpu.dma_semaphore, #tpu.memory_space<semaphore_mem>>
        %dma_start3A_411 = arith.constant 0 : i32
        %dma_start3A_412 = tpu.memref_slice %arg7[%run_scoped3A_398, %mul3A_379, %dma_start3A_411] : memref<2x16x128xi32, #tpu.memory_space<vmem>> -> memref<1x1x128xi32, #tpu.memory_space<vmem>>
        %dma_start3A_413 = tpu.memref_squeeze %dma_start3A_412 : memref<1x1x128xi32, #tpu.memory_space<vmem>> -> memref<128xi32, #tpu.memory_space<vmem>>
        %dma_start3A_414 = arith.constant 0 : i32
        %dma_start3A_415 = arith.constant 0 : i32
        %dma_start3A_416 = tpu.memref_slice %arg10[%dma_start3A_414, %dma_start3A_415] : memref<10240x128xf32, #tpu.memory_space<vmem_shared>> -> memref<10240x128xf32, #tpu.memory_space<vmem_shared>>
        tpu.enqueue_indirect_dma source(%arg8 : memref<128x128xf32, #tpu.memory_space<vmem>>) target(%dma_start3A_416 : memref<10240x128xf32, #tpu.memory_space<vmem_shared>>) offsets(%dma_start3A_413 : memref<128xi32, #tpu.memory_space<vmem>>) semaphore(%run_scoped3A_410 : memref<!tpu.dma_semaphore, #tpu.memory_space<semaphore_mem>>) {add = true}
        %dma_wait3A_417 = arith.constant 0 : i32
        %dma_wait3A_418 = tpu.memref_slice %arg7[%run_scoped3A_398, %mul3A_379, %dma_wait3A_417] : memref<2x16x128xi32, #tpu.memory_space<vmem>> -> memref<1x1x128xi32, #tpu.memory_space<vmem>>
        %dma_wait3A_419 = tpu.memref_squeeze %dma_wait3A_418 : memref<1x1x128xi32, #tpu.memory_space<vmem>> -> memref<128xi32, #tpu.memory_space<vmem>>
        %dma_wait3A_420 = arith.constant 0 : i32
        %dma_wait3A_421 = arith.constant 0 : i32
        %dma_wait3A_422 = tpu.memref_slice %arg10[%dma_wait3A_420, %dma_wait3A_421] : memref<10240x128xf32, #tpu.memory_space<vmem_shared>> -> memref<10240x128xf32, #tpu.memory_space<vmem_shared>>
        tpu.wait_indirect_dma semaphore(%run_scoped3A_410 : memref<!tpu.dma_semaphore, #tpu.memory_space<semaphore_mem>>) src(%arg8 : memref<128x128xf32, #tpu.memory_space<vmem>>) dst(%dma_wait3A_422 : memref<10240x128xf32, #tpu.memory_space<vmem_shared>>)
        tpu.yield
      }) : () -> ()
      %dma_wait3A_399 = arith.constant 1 : i32
      %dma_wait3A_400 = arith.constant 0 : i32
      %dma_wait3A_401 = tpu.memref_slice %arg6[%dma_wait3A_399, %add3A_383, %dma_wait3A_400] : memref<2x16x128xi32, #tpu.memory_space<vmem>> -> memref<1x1x128xi32, #tpu.memory_space<vmem>>
      %dma_wait3A_402 = tpu.memref_squeeze %dma_wait3A_401 : memref<1x1x128xi32, #tpu.memory_space<vmem>> -> memref<128xi32, #tpu.memory_space<vmem>>
      %dma_wait3A_403 = arith.constant 0 : i32
      %dma_wait3A_404 = arith.constant 0 : i32
      %dma_wait3A_405 = tpu.memref_slice %arg2[%dma_wait3A_403, %dma_wait3A_404] : memref<10240x128xf32, #tpu.memory_space<hbm>> -> memref<10240x128xf32, #tpu.memory_space<hbm>>
      tpu.wait_indirect_dma semaphore(%arg12 : memref<!tpu.dma_semaphore, #tpu.memory_space<semaphore_mem>>) src(%dma_wait3A_405 : memref<10240x128xf32, #tpu.memory_space<hbm>>) dst(%arg9 : memref<128x128xf32, #tpu.memory_space<vmem>>)
      %lt3A = arith.constant 7 : i32
      %lt3A_406 = arith.cmpi slt, %scan3A_376, %lt3A : i32
      %convert_element_type3A = arith.extui %lt3A_406 : i1 to i32
      %cond3A = arith.constant 0 : i32
      %cond3A_407 = arith.cmpi ne, %convert_element_type3A, %cond3A : i32
      scf.if %cond3A_407 {
        %mul3A_410 = arith.constant 2 : i32
        %mul3A_411 = arith.muli %mul3A_410, %scan3A_376 : i32
        %add3A_412 = arith.constant 2 : i32
        %add3A_413 = arith.addi %mul3A_411, %add3A_412 : i32
        %dma_start3A_414 = arith.constant 1 : i32
        %dma_start3A_415 = arith.constant 0 : i32
        %dma_start3A_416 = tpu.memref_slice %arg6[%dma_start3A_414, %add3A_413, %dma_start3A_415] : memref<2x16x128xi32, #tpu.memory_space<vmem>> -> memref<1x1x128xi32, #tpu.memory_space<vmem>>
        %dma_start3A_417 = tpu.memref_squeeze %dma_start3A_416 : memref<1x1x128xi32, #tpu.memory_space<vmem>> -> memref<128xi32, #tpu.memory_space<vmem>>
        %dma_start3A_418 = arith.constant 0 : i32
        %dma_start3A_419 = arith.constant 0 : i32
        %dma_start3A_420 = tpu.memref_slice %arg2[%dma_start3A_418, %dma_start3A_419] : memref<10240x128xf32, #tpu.memory_space<hbm>> -> memref<10240x128xf32, #tpu.memory_space<hbm>>
        tpu.enqueue_indirect_dma source(%dma_start3A_420 : memref<10240x128xf32, #tpu.memory_space<hbm>>) target(%arg8 : memref<128x128xf32, #tpu.memory_space<vmem>>) offsets(%dma_start3A_417 : memref<128xi32, #tpu.memory_space<vmem>>) semaphore(%arg11 : memref<!tpu.dma_semaphore, #tpu.memory_space<semaphore_mem>>)
      } else {
      }
      %run_scoped3A_408 = arith.constant 1 : i32
      "tpu.region"() ({
        %run_scoped3A_410 = tpu.sem_alloc : memref<!tpu.dma_semaphore, #tpu.memory_space<semaphore_mem>>
        %dma_start3A_411 = arith.constant 0 : i32
        %dma_start3A_412 = tpu.memref_slice %arg7[%run_scoped3A_408, %add3A_383, %dma_start3A_411] : memref<2x16x128xi32, #tpu.memory_space<vmem>> -> memref<1x1x128xi32, #tpu.memory_space<vmem>>
        %dma_start3A_413 = tpu.memref_squeeze %dma_start3A_412 : memref<1x1x128xi32, #tpu.memory_space<vmem>> -> memref<128xi32, #tpu.memory_space<vmem>>
        %dma_start3A_414 = arith.constant 0 : i32
        %dma_start3A_415 = arith.constant 0 : i32
        %dma_start3A_416 = tpu.memref_slice %arg10[%dma_start3A_414, %dma_start3A_415] : memref<10240x128xf32, #tpu.memory_space<vmem_shared>> -> memref<10240x128xf32, #tpu.memory_space<vmem_shared>>
        tpu.enqueue_indirect_dma source(%arg9 : memref<128x128xf32, #tpu.memory_space<vmem>>) target(%dma_start3A_416 : memref<10240x128xf32, #tpu.memory_space<vmem_shared>>) offsets(%dma_start3A_413 : memref<128xi32, #tpu.memory_space<vmem>>) semaphore(%run_scoped3A_410 : memref<!tpu.dma_semaphore, #tpu.memory_space<semaphore_mem>>) {add = true}
        %dma_wait3A_417 = arith.constant 0 : i32
        %dma_wait3A_418 = tpu.memref_slice %arg7[%run_scoped3A_408, %add3A_383, %dma_wait3A_417] : memref<2x16x128xi32, #tpu.memory_space<vmem>> -> memref<1x1x128xi32, #tpu.memory_space<vmem>>
        %dma_wait3A_419 = tpu.memref_squeeze %dma_wait3A_418 : memref<1x1x128xi32, #tpu.memory_space<vmem>> -> memref<128xi32, #tpu.memory_space<vmem>>
        %dma_wait3A_420 = arith.constant 0 : i32
        %dma_wait3A_421 = arith.constant 0 : i32
        %dma_wait3A_422 = tpu.memref_slice %arg10[%dma_wait3A_420, %dma_wait3A_421] : memref<10240x128xf32, #tpu.memory_space<vmem_shared>> -> memref<10240x128xf32, #tpu.memory_space<vmem_shared>>
        tpu.wait_indirect_dma semaphore(%run_scoped3A_410 : memref<!tpu.dma_semaphore, #tpu.memory_space<semaphore_mem>>) src(%arg9 : memref<128x128xf32, #tpu.memory_space<vmem>>) dst(%dma_wait3A_422 : memref<10240x128xf32, #tpu.memory_space<vmem_shared>>)
        tpu.yield
      }) : () -> ()
      %scan3A_409 = arith.constant 0 : i32
      scf.yield %scan3A_409 : i32
    }
    %scan3A_315 = arith.constant 8 : i32
    %dma_wait3A_316 = arith.constant 0 : i32
    %dma_wait3A_317 = arith.constant 0 : i32
    %dma_wait3A_318 = arith.constant 0 : i32
    %dma_wait3A_319 = tpu.memref_slice %arg6[%dma_wait3A_316, %dma_wait3A_317, %dma_wait3A_318] : memref<2x16x128xi32, #tpu.memory_space<vmem>> -> memref<1x16x128xi32, #tpu.memory_space<vmem>>
    %dma_wait3A_320 = tpu.memref_squeeze %dma_wait3A_319 : memref<1x16x128xi32, #tpu.memory_space<vmem>> -> memref<16x128xi32, #tpu.memory_space<vmem>>
    %dma_wait3A_321 = arith.constant 64 : i32
    %dma_wait3A_322 = arith.constant 0 : i32
    %dma_wait3A_323 = tpu.memref_slice %arg3[%add3A, %dma_wait3A_321, %dma_wait3A_322] : memref<32x80x128xi32, #tpu.memory_space<hbm>> -> memref<1x16x128xi32, #tpu.memory_space<hbm>>
    %dma_wait3A_324 = tpu.memref_squeeze %dma_wait3A_323 : memref<1x16x128xi32, #tpu.memory_space<hbm>> -> memref<16x128xi32, #tpu.memory_space<hbm>>
    %dma_wait3A_325 = arith.constant 0 : i32
    %dma_wait3A_326 = arith.constant 0 : i32
    %dma_wait3A_327 = tpu.memref_slice %arg6[%dma_wait3A_316, %dma_wait3A_325, %dma_wait3A_326] : memref<2x16x128xi32, #tpu.memory_space<vmem>> -> memref<1x16x128xi32, #tpu.memory_space<vmem>>
    %dma_wait3A_328 = tpu.memref_squeeze %dma_wait3A_327 : memref<1x16x128xi32, #tpu.memory_space<vmem>> -> memref<16x128xi32, #tpu.memory_space<vmem>>
    %dma_wait3A_329 = arith.constant 64 : i32
    %dma_wait3A_330 = arith.constant 0 : i32
    %dma_wait3A_331 = tpu.memref_slice %arg3[%add3A, %dma_wait3A_329, %dma_wait3A_330] : memref<32x80x128xi32, #tpu.memory_space<hbm>> -> memref<1x16x128xi32, #tpu.memory_space<hbm>>
    %dma_wait3A_332 = tpu.memref_squeeze %dma_wait3A_331 : memref<1x16x128xi32, #tpu.memory_space<hbm>> -> memref<16x128xi32, #tpu.memory_space<hbm>>
    tpu.wait_dma2 semaphore(%arg13 : memref<!tpu.dma_semaphore, #tpu.memory_space<semaphore_mem>>) src(%dma_wait3A_332 : memref<16x128xi32, #tpu.memory_space<hbm>>) dst(%dma_wait3A_328 : memref<16x128xi32, #tpu.memory_space<vmem>>)
    %dma_wait3A_333 = arith.constant 0 : i32
    %dma_wait3A_334 = arith.constant 0 : i32
    %dma_wait3A_335 = arith.constant 0 : i32
    %dma_wait3A_336 = tpu.memref_slice %arg7[%dma_wait3A_333, %dma_wait3A_334, %dma_wait3A_335] : memref<2x16x128xi32, #tpu.memory_space<vmem>> -> memref<1x16x128xi32, #tpu.memory_space<vmem>>
    %dma_wait3A_337 = tpu.memref_squeeze %dma_wait3A_336 : memref<1x16x128xi32, #tpu.memory_space<vmem>> -> memref<16x128xi32, #tpu.memory_space<vmem>>
    %dma_wait3A_338 = arith.constant 64 : i32
    %dma_wait3A_339 = arith.constant 0 : i32
    %dma_wait3A_340 = tpu.memref_slice %arg4[%add3A, %dma_wait3A_338, %dma_wait3A_339] : memref<32x80x128xi32, #tpu.memory_space<hbm>> -> memref<1x16x128xi32, #tpu.memory_space<hbm>>
    %dma_wait3A_341 = tpu.memref_squeeze %dma_wait3A_340 : memref<1x16x128xi32, #tpu.memory_space<hbm>> -> memref<16x128xi32, #tpu.memory_space<hbm>>
    %dma_wait3A_342 = arith.constant 0 : i32
    %dma_wait3A_343 = arith.constant 0 : i32
    %dma_wait3A_344 = tpu.memref_slice %arg7[%dma_wait3A_333, %dma_wait3A_342, %dma_wait3A_343] : memref<2x16x128xi32, #tpu.memory_space<vmem>> -> memref<1x16x128xi32, #tpu.memory_space<vmem>>
    %dma_wait3A_345 = tpu.memref_squeeze %dma_wait3A_344 : memref<1x16x128xi32, #tpu.memory_space<vmem>> -> memref<16x128xi32, #tpu.memory_space<vmem>>
    %dma_wait3A_346 = arith.constant 64 : i32
    %dma_wait3A_347 = arith.constant 0 : i32
    %dma_wait3A_348 = tpu.memref_slice %arg4[%add3A, %dma_wait3A_346, %dma_wait3A_347] : memref<32x80x128xi32, #tpu.memory_space<hbm>> -> memref<1x16x128xi32, #tpu.memory_space<hbm>>
    %dma_wait3A_349 = tpu.memref_squeeze %dma_wait3A_348 : memref<1x16x128xi32, #tpu.memory_space<hbm>> -> memref<16x128xi32, #tpu.memory_space<hbm>>
    tpu.wait_dma2 semaphore(%arg14 : memref<!tpu.dma_semaphore, #tpu.memory_space<semaphore_mem>>) src(%dma_wait3A_349 : memref<16x128xi32, #tpu.memory_space<hbm>>) dst(%dma_wait3A_345 : memref<16x128xi32, #tpu.memory_space<vmem>>)
    %dma_start3A_350 = arith.constant 0 : i32
    %dma_start3A_351 = arith.constant 0 : i32
    %dma_start3A_352 = arith.constant 0 : i32
    %dma_start3A_353 = tpu.memref_slice %arg6[%dma_start3A_350, %dma_start3A_351, %dma_start3A_352] : memref<2x16x128xi32, #tpu.memory_space<vmem>> -> memref<1x1x128xi32, #tpu.memory_space<vmem>>
    %dma_start3A_354 = tpu.memref_squeeze %dma_start3A_353 : memref<1x1x128xi32, #tpu.memory_space<vmem>> -> memref<128xi32, #tpu.memory_space<vmem>>
    %dma_start3A_355 = arith.constant 0 : i32
    %dma_start3A_356 = arith.constant 0 : i32
    %dma_start3A_357 = tpu.memref_slice %arg2[%dma_start3A_355, %dma_start3A_356] : memref<10240x128xf32, #tpu.memory_space<hbm>> -> memref<10240x128xf32, #tpu.memory_space<hbm>>
    tpu.enqueue_indirect_dma source(%dma_start3A_357 : memref<10240x128xf32, #tpu.memory_space<hbm>>) target(%arg8 : memref<128x128xf32, #tpu.memory_space<vmem>>) offsets(%dma_start3A_354 : memref<128xi32, #tpu.memory_space<vmem>>) semaphore(%arg11 : memref<!tpu.dma_semaphore, #tpu.memory_space<semaphore_mem>>)
    %scan3A_358 = arith.constant 0 : i32
    %scan3A_359 = arith.constant 0 : i32
    %scan3A_360 = arith.constant 8 : i32
    %scan3A_361 = arith.addi %scan3A_359, %scan3A_360 : i32
    %scan3A_362 = arith.constant 1 : i32
    %scan3A_363 = scf.for %scan3A_376 = %scan3A_359 to %scan3A_361 step %scan3A_362 iter_args(%scan3A_377 = %scan3A_358) -> (i32)  : i32 {
      %mul3A_378 = arith.constant 2 : i32
      %mul3A_379 = arith.muli %mul3A_378, %scan3A_376 : i32
      %mul3A_380 = arith.constant 2 : i32
      %mul3A_381 = arith.muli %mul3A_380, %scan3A_376 : i32
      %add3A_382 = arith.constant 1 : i32
      %add3A_383 = arith.addi %mul3A_381, %add3A_382 : i32
      %dma_wait3A_384 = arith.constant 0 : i32
      %dma_wait3A_385 = arith.constant 0 : i32
      %dma_wait3A_386 = tpu.memref_slice %arg6[%dma_wait3A_384, %mul3A_379, %dma_wait3A_385] : memref<2x16x128xi32, #tpu.memory_space<vmem>> -> memref<1x1x128xi32, #tpu.memory_space<vmem>>
      %dma_wait3A_387 = tpu.memref_squeeze %dma_wait3A_386 : memref<1x1x128xi32, #tpu.memory_space<vmem>> -> memref<128xi32, #tpu.memory_space<vmem>>
      %dma_wait3A_388 = arith.constant 0 : i32
      %dma_wait3A_389 = arith.constant 0 : i32
      %dma_wait3A_390 = tpu.memref_slice %arg2[%dma_wait3A_388, %dma_wait3A_389] : memref<10240x128xf32, #tpu.memory_space<hbm>> -> memref<10240x128xf32, #tpu.memory_space<hbm>>
      tpu.wait_indirect_dma semaphore(%arg11 : memref<!tpu.dma_semaphore, #tpu.memory_space<semaphore_mem>>) src(%dma_wait3A_390 : memref<10240x128xf32, #tpu.memory_space<hbm>>) dst(%arg8 : memref<128x128xf32, #tpu.memory_space<vmem>>)
      %dma_start3A_391 = arith.constant 0 : i32
      %dma_start3A_392 = arith.constant 0 : i32
      %dma_start3A_393 = tpu.memref_slice %arg6[%dma_start3A_391, %add3A_383, %dma_start3A_392] : memref<2x16x128xi32, #tpu.memory_space<vmem>> -> memref<1x1x128xi32, #tpu.memory_space<vmem>>
      %dma_start3A_394 = tpu.memref_squeeze %dma_start3A_393 : memref<1x1x128xi32, #tpu.memory_space<vmem>> -> memref<128xi32, #tpu.memory_space<vmem>>
      %dma_start3A_395 = arith.constant 0 : i32
      %dma_start3A_396 = arith.constant 0 : i32
      %dma_start3A_397 = tpu.memref_slice %arg2[%dma_start3A_395, %dma_start3A_396] : memref<10240x128xf32, #tpu.memory_space<hbm>> -> memref<10240x128xf32, #tpu.memory_space<hbm>>
      tpu.enqueue_indirect_dma source(%dma_start3A_397 : memref<10240x128xf32, #tpu.memory_space<hbm>>) target(%arg9 : memref<128x128xf32, #tpu.memory_space<vmem>>) offsets(%dma_start3A_394 : memref<128xi32, #tpu.memory_space<vmem>>) semaphore(%arg12 : memref<!tpu.dma_semaphore, #tpu.memory_space<semaphore_mem>>)
      %run_scoped3A_398 = arith.constant 0 : i32
      "tpu.region"() ({
        %run_scoped3A_410 = tpu.sem_alloc : memref<!tpu.dma_semaphore, #tpu.memory_space<semaphore_mem>>
        %dma_start3A_411 = arith.constant 0 : i32
        %dma_start3A_412 = tpu.memref_slice %arg7[%run_scoped3A_398, %mul3A_379, %dma_start3A_411] : memref<2x16x128xi32, #tpu.memory_space<vmem>> -> memref<1x1x128xi32, #tpu.memory_space<vmem>>
        %dma_start3A_413 = tpu.memref_squeeze %dma_start3A_412 : memref<1x1x128xi32, #tpu.memory_space<vmem>> -> memref<128xi32, #tpu.memory_space<vmem>>
        %dma_start3A_414 = arith.constant 0 : i32
        %dma_start3A_415 = arith.constant 0 : i32
        %dma_start3A_416 = tpu.memref_slice %arg10[%dma_start3A_414, %dma_start3A_415] : memref<10240x128xf32, #tpu.memory_space<vmem_shared>> -> memref<10240x128xf32, #tpu.memory_space<vmem_shared>>
        tpu.enqueue_indirect_dma source(%arg8 : memref<128x128xf32, #tpu.memory_space<vmem>>) target(%dma_start3A_416 : memref<10240x128xf32, #tpu.memory_space<vmem_shared>>) offsets(%dma_start3A_413 : memref<128xi32, #tpu.memory_space<vmem>>) semaphore(%run_scoped3A_410 : memref<!tpu.dma_semaphore, #tpu.memory_space<semaphore_mem>>) {add = true}
        %dma_wait3A_417 = arith.constant 0 : i32
        %dma_wait3A_418 = tpu.memref_slice %arg7[%run_scoped3A_398, %mul3A_379, %dma_wait3A_417] : memref<2x16x128xi32, #tpu.memory_space<vmem>> -> memref<1x1x128xi32, #tpu.memory_space<vmem>>
        %dma_wait3A_419 = tpu.memref_squeeze %dma_wait3A_418 : memref<1x1x128xi32, #tpu.memory_space<vmem>> -> memref<128xi32, #tpu.memory_space<vmem>>
        %dma_wait3A_420 = arith.constant 0 : i32
        %dma_wait3A_421 = arith.constant 0 : i32
        %dma_wait3A_422 = tpu.memref_slice %arg10[%dma_wait3A_420, %dma_wait3A_421] : memref<10240x128xf32, #tpu.memory_space<vmem_shared>> -> memref<10240x128xf32, #tpu.memory_space<vmem_shared>>
        tpu.wait_indirect_dma semaphore(%run_scoped3A_410 : memref<!tpu.dma_semaphore, #tpu.memory_space<semaphore_mem>>) src(%arg8 : memref<128x128xf32, #tpu.memory_space<vmem>>) dst(%dma_wait3A_422 : memref<10240x128xf32, #tpu.memory_space<vmem_shared>>)
        tpu.yield
      }) : () -> ()
      %dma_wait3A_399 = arith.constant 0 : i32
      %dma_wait3A_400 = arith.constant 0 : i32
      %dma_wait3A_401 = tpu.memref_slice %arg6[%dma_wait3A_399, %add3A_383, %dma_wait3A_400] : memref<2x16x128xi32, #tpu.memory_space<vmem>> -> memref<1x1x128xi32, #tpu.memory_space<vmem>>
      %dma_wait3A_402 = tpu.memref_squeeze %dma_wait3A_401 : memref<1x1x128xi32, #tpu.memory_space<vmem>> -> memref<128xi32, #tpu.memory_space<vmem>>
      %dma_wait3A_403 = arith.constant 0 : i32
      %dma_wait3A_404 = arith.constant 0 : i32
      %dma_wait3A_405 = tpu.memref_slice %arg2[%dma_wait3A_403, %dma_wait3A_404] : memref<10240x128xf32, #tpu.memory_space<hbm>> -> memref<10240x128xf32, #tpu.memory_space<hbm>>
      tpu.wait_indirect_dma semaphore(%arg12 : memref<!tpu.dma_semaphore, #tpu.memory_space<semaphore_mem>>) src(%dma_wait3A_405 : memref<10240x128xf32, #tpu.memory_space<hbm>>) dst(%arg9 : memref<128x128xf32, #tpu.memory_space<vmem>>)
      %lt3A = arith.constant 7 : i32
      %lt3A_406 = arith.cmpi slt, %scan3A_376, %lt3A : i32
      %convert_element_type3A = arith.extui %lt3A_406 : i1 to i32
      %cond3A = arith.constant 0 : i32
      %cond3A_407 = arith.cmpi ne, %convert_element_type3A, %cond3A : i32
      scf.if %cond3A_407 {
        %mul3A_410 = arith.constant 2 : i32
        %mul3A_411 = arith.muli %mul3A_410, %scan3A_376 : i32
        %add3A_412 = arith.constant 2 : i32
        %add3A_413 = arith.addi %mul3A_411, %add3A_412 : i32
        %dma_start3A_414 = arith.constant 0 : i32
        %dma_start3A_415 = arith.constant 0 : i32
        %dma_start3A_416 = tpu.memref_slice %arg6[%dma_start3A_414, %add3A_413, %dma_start3A_415] : memref<2x16x128xi32, #tpu.memory_space<vmem>> -> memref<1x1x128xi32, #tpu.memory_space<vmem>>
        %dma_start3A_417 = tpu.memref_squeeze %dma_start3A_416 : memref<1x1x128xi32, #tpu.memory_space<vmem>> -> memref<128xi32, #tpu.memory_space<vmem>>
        %dma_start3A_418 = arith.constant 0 : i32
        %dma_start3A_419 = arith.constant 0 : i32
        %dma_start3A_420 = tpu.memref_slice %arg2[%dma_start3A_418, %dma_start3A_419] : memref<10240x128xf32, #tpu.memory_space<hbm>> -> memref<10240x128xf32, #tpu.memory_space<hbm>>
        tpu.enqueue_indirect_dma source(%dma_start3A_420 : memref<10240x128xf32, #tpu.memory_space<hbm>>) target(%arg8 : memref<128x128xf32, #tpu.memory_space<vmem>>) offsets(%dma_start3A_417 : memref<128xi32, #tpu.memory_space<vmem>>) semaphore(%arg11 : memref<!tpu.dma_semaphore, #tpu.memory_space<semaphore_mem>>)
      } else {
      }
      %run_scoped3A_408 = arith.constant 0 : i32
      "tpu.region"() ({
        %run_scoped3A_410 = tpu.sem_alloc : memref<!tpu.dma_semaphore, #tpu.memory_space<semaphore_mem>>
        %dma_start3A_411 = arith.constant 0 : i32
        %dma_start3A_412 = tpu.memref_slice %arg7[%run_scoped3A_408, %add3A_383, %dma_start3A_411] : memref<2x16x128xi32, #tpu.memory_space<vmem>> -> memref<1x1x128xi32, #tpu.memory_space<vmem>>
        %dma_start3A_413 = tpu.memref_squeeze %dma_start3A_412 : memref<1x1x128xi32, #tpu.memory_space<vmem>> -> memref<128xi32, #tpu.memory_space<vmem>>
        %dma_start3A_414 = arith.constant 0 : i32
        %dma_start3A_415 = arith.constant 0 : i32
        %dma_start3A_416 = tpu.memref_slice %arg10[%dma_start3A_414, %dma_start3A_415] : memref<10240x128xf32, #tpu.memory_space<vmem_shared>> -> memref<10240x128xf32, #tpu.memory_space<vmem_shared>>
        tpu.enqueue_indirect_dma source(%arg9 : memref<128x128xf32, #tpu.memory_space<vmem>>) target(%dma_start3A_416 : memref<10240x128xf32, #tpu.memory_space<vmem_shared>>) offsets(%dma_start3A_413 : memref<128xi32, #tpu.memory_space<vmem>>) semaphore(%run_scoped3A_410 : memref<!tpu.dma_semaphore, #tpu.memory_space<semaphore_mem>>) {add = true}
        %dma_wait3A_417 = arith.constant 0 : i32
        %dma_wait3A_418 = tpu.memref_slice %arg7[%run_scoped3A_408, %add3A_383, %dma_wait3A_417] : memref<2x16x128xi32, #tpu.memory_space<vmem>> -> memref<1x1x128xi32, #tpu.memory_space<vmem>>
        %dma_wait3A_419 = tpu.memref_squeeze %dma_wait3A_418 : memref<1x1x128xi32, #tpu.memory_space<vmem>> -> memref<128xi32, #tpu.memory_space<vmem>>
        %dma_wait3A_420 = arith.constant 0 : i32
        %dma_wait3A_421 = arith.constant 0 : i32
        %dma_wait3A_422 = tpu.memref_slice %arg10[%dma_wait3A_420, %dma_wait3A_421] : memref<10240x128xf32, #tpu.memory_space<vmem_shared>> -> memref<10240x128xf32, #tpu.memory_space<vmem_shared>>
        tpu.wait_indirect_dma semaphore(%run_scoped3A_410 : memref<!tpu.dma_semaphore, #tpu.memory_space<semaphore_mem>>) src(%arg9 : memref<128x128xf32, #tpu.memory_space<vmem>>) dst(%dma_wait3A_422 : memref<10240x128xf32, #tpu.memory_space<vmem_shared>>)
        tpu.yield
      }) : () -> ()
      %scan3A_409 = arith.constant 0 : i32
      scf.yield %scan3A_409 : i32
    }
    %scan3A_364 = arith.constant 8 : i32
    %barrier3A_365 = arith.constant 0 : index
    tpu.barrier barrier_id(%barrier3A_365)
    %add3A_366 = arith.constant 0 : i32
    %add3A_367 = arith.addi %mul3A_8, %add3A_366 : i32
    "tpu.region"() ({
      %run_scoped3A_376 = tpu.sem_alloc : memref<!tpu.dma_semaphore, #tpu.memory_space<semaphore_mem>>
      %dma_start3A_377 = arith.constant 0 : i32
      %dma_start3A_378 = tpu.memref_slice %arg5[%arg0, %add3A_367, %dma_start3A_377] : memref<2x10240x128xf32, #tpu.memory_space<hbm>> -> memref<1x128x128xf32, #tpu.memory_space<hbm>>
      %dma_start3A_379 = tpu.memref_squeeze %dma_start3A_378 : memref<1x128x128xf32, #tpu.memory_space<hbm>> -> memref<128x128xf32, #tpu.memory_space<hbm>>
      %dma_start3A_380 = arith.constant 0 : i32
      %dma_start3A_381 = tpu.memref_slice %arg10[%add3A_367, %dma_start3A_380] : memref<10240x128xf32, #tpu.memory_space<vmem_shared>> -> memref<128x128xf32, #tpu.memory_space<vmem_shared>>
      tpu.enqueue_dma source(%dma_start3A_381 : memref<128x128xf32, #tpu.memory_space<vmem_shared>>) target(%dma_start3A_379 : memref<128x128xf32, #tpu.memory_space<hbm>>) target_semaphore(%run_scoped3A_376 : memref<!tpu.dma_semaphore, #tpu.memory_space<semaphore_mem>>)
      %dma_wait3A_382 = arith.constant 0 : i32
      %dma_wait3A_383 = tpu.memref_slice %arg5[%arg0, %add3A_367, %dma_wait3A_382] : memref<2x10240x128xf32, #tpu.memory_space<hbm>> -> memref<1x128x128xf32, #tpu.memory_space<hbm>>
      %dma_wait3A_384 = tpu.memref_squeeze %dma_wait3A_383 : memref<1x128x128xf32, #tpu.memory_space<hbm>> -> memref<128x128xf32, #tpu.memory_space<hbm>>
      %dma_wait3A_385 = arith.constant 0 : i32
      %dma_wait3A_386 = tpu.memref_slice %arg10[%add3A_367, %dma_wait3A_385] : memref<10240x128xf32, #tpu.memory_space<vmem_shared>> -> memref<128x128xf32, #tpu.memory_space<vmem_shared>>
      tpu.wait_dma2 semaphore(%run_scoped3A_376 : memref<!tpu.dma_semaphore, #tpu.memory_space<semaphore_mem>>) src(%dma_wait3A_386 : memref<128x128xf32, #tpu.memory_space<vmem_shared>>) dst(%dma_wait3A_384 : memref<128x128xf32, #tpu.memory_space<hbm>>)
      tpu.yield
    }) : () -> ()
    %add3A_368 = arith.constant 128 : i32
    %add3A_369 = arith.addi %mul3A_8, %add3A_368 : i32
    "tpu.region"() ({
      %run_scoped3A_376 = tpu.sem_alloc : memref<!tpu.dma_semaphore, #tpu.memory_space<semaphore_mem>>
      %dma_start3A_377 = arith.constant 0 : i32
      %dma_start3A_378 = tpu.memref_slice %arg5[%arg0, %add3A_369, %dma_start3A_377] : memref<2x10240x128xf32, #tpu.memory_space<hbm>> -> memref<1x128x128xf32, #tpu.memory_space<hbm>>
      %dma_start3A_379 = tpu.memref_squeeze %dma_start3A_378 : memref<1x128x128xf32, #tpu.memory_space<hbm>> -> memref<128x128xf32, #tpu.memory_space<hbm>>
      %dma_start3A_380 = arith.constant 0 : i32
      %dma_start3A_381 = tpu.memref_slice %arg10[%add3A_369, %dma_start3A_380] : memref<10240x128xf32, #tpu.memory_space<vmem_shared>> -> memref<128x128xf32, #tpu.memory_space<vmem_shared>>
      tpu.enqueue_dma source(%dma_start3A_381 : memref<128x128xf32, #tpu.memory_space<vmem_shared>>) target(%dma_start3A_379 : memref<128x128xf32, #tpu.memory_space<hbm>>) target_semaphore(%run_scoped3A_376 : memref<!tpu.dma_semaphore, #tpu.memory_space<semaphore_mem>>)
      %dma_wait3A_382 = arith.constant 0 : i32
      %dma_wait3A_383 = tpu.memref_slice %arg5[%arg0, %add3A_369, %dma_wait3A_382] : memref<2x10240x128xf32, #tpu.memory_space<hbm>> -> memref<1x128x128xf32, #tpu.memory_space<hbm>>
      %dma_wait3A_384 = tpu.memref_squeeze %dma_wait3A_383 : memref<1x128x128xf32, #tpu.memory_space<hbm>> -> memref<128x128xf32, #tpu.memory_space<hbm>>
      %dma_wait3A_385 = arith.constant 0 : i32
      %dma_wait3A_386 = tpu.memref_slice %arg10[%add3A_369, %dma_wait3A_385] : memref<10240x128xf32, #tpu.memory_space<vmem_shared>> -> memref<128x128xf32, #tpu.memory_space<vmem_shared>>
      tpu.wait_dma2 semaphore(%run_scoped3A_376 : memref<!tpu.dma_semaphore, #tpu.memory_space<semaphore_mem>>) src(%dma_wait3A_386 : memref<128x128xf32, #tpu.memory_space<vmem_shared>>) dst(%dma_wait3A_384 : memref<128x128xf32, #tpu.memory_space<hbm>>)
      tpu.yield
    }) : () -> ()
    %add3A_370 = arith.constant 256 : i32
    %add3A_371 = arith.addi %mul3A_8, %add3A_370 : i32
    "tpu.region"() ({
      %run_scoped3A_376 = tpu.sem_alloc : memref<!tpu.dma_semaphore, #tpu.memory_space<semaphore_mem>>
      %dma_start3A_377 = arith.constant 0 : i32
      %dma_start3A_378 = tpu.memref_slice %arg5[%arg0, %add3A_371, %dma_start3A_377] : memref<2x10240x128xf32, #tpu.memory_space<hbm>> -> memref<1x128x128xf32, #tpu.memory_space<hbm>>
      %dma_start3A_379 = tpu.memref_squeeze %dma_start3A_378 : memref<1x128x128xf32, #tpu.memory_space<hbm>> -> memref<128x128xf32, #tpu.memory_space<hbm>>
      %dma_start3A_380 = arith.constant 0 : i32
      %dma_start3A_381 = tpu.memref_slice %arg10[%add3A_371, %dma_start3A_380] : memref<10240x128xf32, #tpu.memory_space<vmem_shared>> -> memref<128x128xf32, #tpu.memory_space<vmem_shared>>
      tpu.enqueue_dma source(%dma_start3A_381 : memref<128x128xf32, #tpu.memory_space<vmem_shared>>) target(%dma_start3A_379 : memref<128x128xf32, #tpu.memory_space<hbm>>) target_semaphore(%run_scoped3A_376 : memref<!tpu.dma_semaphore, #tpu.memory_space<semaphore_mem>>)
      %dma_wait3A_382 = arith.constant 0 : i32
      %dma_wait3A_383 = tpu.memref_slice %arg5[%arg0, %add3A_371, %dma_wait3A_382] : memref<2x10240x128xf32, #tpu.memory_space<hbm>> -> memref<1x128x128xf32, #tpu.memory_space<hbm>>
      %dma_wait3A_384 = tpu.memref_squeeze %dma_wait3A_383 : memref<1x128x128xf32, #tpu.memory_space<hbm>> -> memref<128x128xf32, #tpu.memory_space<hbm>>
      %dma_wait3A_385 = arith.constant 0 : i32
      %dma_wait3A_386 = tpu.memref_slice %arg10[%add3A_371, %dma_wait3A_385] : memref<10240x128xf32, #tpu.memory_space<vmem_shared>> -> memref<128x128xf32, #tpu.memory_space<vmem_shared>>
      tpu.wait_dma2 semaphore(%run_scoped3A_376 : memref<!tpu.dma_semaphore, #tpu.memory_space<semaphore_mem>>) src(%dma_wait3A_386 : memref<128x128xf32, #tpu.memory_space<vmem_shared>>) dst(%dma_wait3A_384 : memref<128x128xf32, #tpu.memory_space<hbm>>)
      tpu.yield
    }) : () -> ()
    %add3A_372 = arith.constant 384 : i32
    %add3A_373 = arith.addi %mul3A_8, %add3A_372 : i32
    "tpu.region"() ({
      %run_scoped3A_376 = tpu.sem_alloc : memref<!tpu.dma_semaphore, #tpu.memory_space<semaphore_mem>>
      %dma_start3A_377 = arith.constant 0 : i32
      %dma_start3A_378 = tpu.memref_slice %arg5[%arg0, %add3A_373, %dma_start3A_377] : memref<2x10240x128xf32, #tpu.memory_space<hbm>> -> memref<1x128x128xf32, #tpu.memory_space<hbm>>
      %dma_start3A_379 = tpu.memref_squeeze %dma_start3A_378 : memref<1x128x128xf32, #tpu.memory_space<hbm>> -> memref<128x128xf32, #tpu.memory_space<hbm>>
      %dma_start3A_380 = arith.constant 0 : i32
      %dma_start3A_381 = tpu.memref_slice %arg10[%add3A_373, %dma_start3A_380] : memref<10240x128xf32, #tpu.memory_space<vmem_shared>> -> memref<128x128xf32, #tpu.memory_space<vmem_shared>>
      tpu.enqueue_dma source(%dma_start3A_381 : memref<128x128xf32, #tpu.memory_space<vmem_shared>>) target(%dma_start3A_379 : memref<128x128xf32, #tpu.memory_space<hbm>>) target_semaphore(%run_scoped3A_376 : memref<!tpu.dma_semaphore, #tpu.memory_space<semaphore_mem>>)
      %dma_wait3A_382 = arith.constant 0 : i32
      %dma_wait3A_383 = tpu.memref_slice %arg5[%arg0, %add3A_373, %dma_wait3A_382] : memref<2x10240x128xf32, #tpu.memory_space<hbm>> -> memref<1x128x128xf32, #tpu.memory_space<hbm>>
      %dma_wait3A_384 = tpu.memref_squeeze %dma_wait3A_383 : memref<1x128x128xf32, #tpu.memory_space<hbm>> -> memref<128x128xf32, #tpu.memory_space<hbm>>
      %dma_wait3A_385 = arith.constant 0 : i32
      %dma_wait3A_386 = tpu.memref_slice %arg10[%add3A_373, %dma_wait3A_385] : memref<10240x128xf32, #tpu.memory_space<vmem_shared>> -> memref<128x128xf32, #tpu.memory_space<vmem_shared>>
      tpu.wait_dma2 semaphore(%run_scoped3A_376 : memref<!tpu.dma_semaphore, #tpu.memory_space<semaphore_mem>>) src(%dma_wait3A_386 : memref<128x128xf32, #tpu.memory_space<vmem_shared>>) dst(%dma_wait3A_384 : memref<128x128xf32, #tpu.memory_space<hbm>>)
      tpu.yield
    }) : () -> ()
    %add3A_374 = arith.constant 512 : i32
    %add3A_375 = arith.addi %mul3A_8, %add3A_374 : i32
    "tpu.region"() ({
      %run_scoped3A_376 = tpu.sem_alloc : memref<!tpu.dma_semaphore, #tpu.memory_space<semaphore_mem>>
      %dma_start3A_377 = arith.constant 0 : i32
      %dma_start3A_378 = tpu.memref_slice %arg5[%arg0, %add3A_375, %dma_start3A_377] : memref<2x10240x128xf32, #tpu.memory_space<hbm>> -> memref<1x128x128xf32, #tpu.memory_space<hbm>>
      %dma_start3A_379 = tpu.memref_squeeze %dma_start3A_378 : memref<1x128x128xf32, #tpu.memory_space<hbm>> -> memref<128x128xf32, #tpu.memory_space<hbm>>
      %dma_start3A_380 = arith.constant 0 : i32
      %dma_start3A_381 = tpu.memref_slice %arg10[%add3A_375, %dma_start3A_380] : memref<10240x128xf32, #tpu.memory_space<vmem_shared>> -> memref<128x128xf32, #tpu.memory_space<vmem_shared>>
      tpu.enqueue_dma source(%dma_start3A_381 : memref<128x128xf32, #tpu.memory_space<vmem_shared>>) target(%dma_start3A_379 : memref<128x128xf32, #tpu.memory_space<hbm>>) target_semaphore(%run_scoped3A_376 : memref<!tpu.dma_semaphore, #tpu.memory_space<semaphore_mem>>)
      %dma_wait3A_382 = arith.constant 0 : i32
      %dma_wait3A_383 = tpu.memref_slice %arg5[%arg0, %add3A_375, %dma_wait3A_382] : memref<2x10240x128xf32, #tpu.memory_space<hbm>> -> memref<1x128x128xf32, #tpu.memory_space<hbm>>
      %dma_wait3A_384 = tpu.memref_squeeze %dma_wait3A_383 : memref<1x128x128xf32, #tpu.memory_space<hbm>> -> memref<128x128xf32, #tpu.memory_space<hbm>>
      %dma_wait3A_385 = arith.constant 0 : i32
      %dma_wait3A_386 = tpu.memref_slice %arg10[%add3A_375, %dma_wait3A_385] : memref<10240x128xf32, #tpu.memory_space<vmem_shared>> -> memref<128x128xf32, #tpu.memory_space<vmem_shared>>
      tpu.wait_dma2 semaphore(%run_scoped3A_376 : memref<!tpu.dma_semaphore, #tpu.memory_space<semaphore_mem>>) src(%dma_wait3A_386 : memref<128x128xf32, #tpu.memory_space<vmem_shared>>) dst(%dma_wait3A_384 : memref<128x128xf32, #tpu.memory_space<hbm>>)
      tpu.yield
    }) : () -> ()
    return
  }
}

#map = affine_map<(d0, d1) -> (0, 0)>
#map1 = affine_map<(d0, d1) -> (0, 0, 0)>
module attributes {stable_mosaic.version = 14 : i64} {
  func.func @_prop_kernel(%arg0: i32, %arg1: i32, %arg2: memref<10240x128xf32, #tpu.memory_space<hbm>>, %arg3: memref<32x80x128xi32, #tpu.memory_space<hbm>>, %arg4: memref<32x80x128xi32, #tpu.memory_space<hbm>>, %arg5: memref<2x10240x128xf32, #tpu.memory_space<hbm>>, %arg6: memref<2x16x128xi32, #tpu.memory_space<vmem>>, %arg7: memref<2x16x128xi32, #tpu.memory_space<vmem>>, %arg8: memref<128x128xf32, #tpu.memory_space<vmem>>, %arg9: memref<128x128xf32, #tpu.memory_space<vmem>>, %arg10: memref<10240x128xf32, #tpu.memory_space<vmem_shared>>, %arg11: memref<!tpu.dma_semaphore, #tpu.memory_space<semaphore_mem>>, %arg12: memref<!tpu.dma_semaphore, #tpu.memory_space<semaphore_mem>>, %arg13: memref<!tpu.dma_semaphore, #tpu.memory_space<semaphore_mem>>, %arg14: memref<!tpu.dma_semaphore, #tpu.memory_space<semaphore_mem>>) attributes {dimension_semantics = [#tpu.dimension_semantics<core_parallel>, #tpu.dimension_semantics<subcore_parallel>], iteration_bounds = array<i64: 2, 16>, scalar_prefetch = 0 : i64, scratch_operands = 9 : i64, tpu.core_type = #tpu.core_type<sc_vector_subcore>, window_params = [{transform_indices = #map}, {transform_indices = #map1}, {transform_indices = #map1}, {transform_indices = #map1}]} {
    %mul3A = arith.constant 16 : i32
    %mul3A_0 = arith.muli %arg0, %mul3A : i32
    %add3A = arith.addi %mul3A_0, %arg1 : i32
    %scan3A = arith.constant 0 : i32
    %scan3A_1 = arith.constant 0 : i32
    %scan3A_2 = arith.constant 128 : i32
    %scan3A_3 = arith.addi %scan3A_1, %scan3A_2 : i32
    %scan3A_4 = arith.constant 1 : i32
    %scan3A_5 = scf.for %scan3A_376 = %scan3A_1 to %scan3A_3 step %scan3A_4 iter_args(%scan3A_377 = %scan3A) -> (i32)  : i32 {
      %broadcast_in_dim3A = arith.constant 0.000000e+00 : f32
      %broadcast_in_dim3A_378 = vector.broadcast %broadcast_in_dim3A : f32 to vector<16xf32>
      %swap3A = arith.index_cast %scan3A_376 : i32 to index
      %swap3A_379 = arith.constant 0 : index
      %swap3A_380 = tpu.vector_load %arg8[%swap3A, %swap3A_379] {strides = array<i32>} : memref<128x128xf32, #tpu.memory_space<vmem>>, vector<16xf32>,
      tpu.vector_store %arg8[%swap3A, %swap3A_379], %broadcast_in_dim3A_378 {strides = array<i32>} : memref<128x128xf32, #tpu.memory_space<vmem>>, vector<16xf32>,
      %broadcast_in_dim3A_381 = arith.constant 0.000000e+00 : f32
      %broadcast_in_dim3A_382 = vector.broadcast %broadcast_in_dim3A_381 : f32 to vector<16xf32>
      %swap3A_383 = arith.index_cast %scan3A_376 : i32 to index
      %swap3A_384 = arith.constant 16 : index
      %swap3A_385 = tpu.vector_load %arg8[%swap3A_383, %swap3A_384] {strides = array<i32>} : memref<128x128xf32, #tpu.memory_space<vmem>>, vector<16xf32>,
      tpu.vector_store %arg8[%swap3A_383, %swap3A_384], %broadcast_in_dim3A_382 {strides = array<i32>} : memref<128x128xf32, #tpu.memory_space<vmem>>, vector<16xf32>,
      %broadcast_in_dim3A_386 = arith.constant 0.000000e+00 : f32
      %broadcast_in_dim3A_387 = vector.broadcast %broadcast_in_dim3A_386 : f32 to vector<16xf32>
      %swap3A_388 = arith.index_cast %scan3A_376 : i32 to index
      %swap3A_389 = arith.constant 32 : index
      %swap3A_390 = tpu.vector_load %arg8[%swap3A_388, %swap3A_389] {strides = array<i32>} : memref<128x128xf32, #tpu.memory_space<vmem>>, vector<16xf32>,
      tpu.vector_store %arg8[%swap3A_388, %swap3A_389], %broadcast_in_dim3A_387 {strides = array<i32>} : memref<128x128xf32, #tpu.memory_space<vmem>>, vector<16xf32>,
      %broadcast_in_dim3A_391 = arith.constant 0.000000e+00 : f32
      %broadcast_in_dim3A_392 = vector.broadcast %broadcast_in_dim3A_391 : f32 to vector<16xf32>
      %swap3A_393 = arith.index_cast %scan3A_376 : i32 to index
      %swap3A_394 = arith.constant 48 : index
      %swap3A_395 = tpu.vector_load %arg8[%swap3A_393, %swap3A_394] {strides = array<i32>} : memref<128x128xf32, #tpu.memory_space<vmem>>, vector<16xf32>,
      tpu.vector_store %arg8[%swap3A_393, %swap3A_394], %broadcast_in_dim3A_392 {strides = array<i32>} : memref<128x128xf32, #tpu.memory_space<vmem>>, vector<16xf32>,
      %broadcast_in_dim3A_396 = arith.constant 0.000000e+00 : f32
      %broadcast_in_dim3A_397 = vector.broadcast %broadcast_in_dim3A_396 : f32 to vector<16xf32>
      %swap3A_398 = arith.index_cast %scan3A_376 : i32 to index
      %swap3A_399 = arith.constant 64 : index
      %swap3A_400 = tpu.vector_load %arg8[%swap3A_398, %swap3A_399] {strides = array<i32>} : memref<128x128xf32, #tpu.memory_space<vmem>>, vector<16xf32>,
      tpu.vector_store %arg8[%swap3A_398, %swap3A_399], %broadcast_in_dim3A_397 {strides = array<i32>} : memref<128x128xf32, #tpu.memory_space<vmem>>, vector<16xf32>,
      %broadcast_in_dim3A_401 = arith.constant 0.000000e+00 : f32
      %broadcast_in_dim3A_402 = vector.broadcast %broadcast_in_dim3A_401 : f32 to vector<16xf32>
      %swap3A_403 = arith.index_cast %scan3A_376 : i32 to index
      %swap3A_404 = arith.constant 80 : index
      %swap3A_405 = tpu.vector_load %arg8[%swap3A_403, %swap3A_404] {strides = array<i32>} : memref<128x128xf32, #tpu.memory_space<vmem>>, vector<16xf32>,
      tpu.vector_store %arg8[%swap3A_403, %swap3A_404], %broadcast_in_dim3A_402 {strides = array<i32>} : memref<128x128xf32, #tpu.memory_space<vmem>>, vector<16xf32>,
      %broadcast_in_dim3A_406 = arith.constant 0.000000e+00 : f32
      %broadcast_in_dim3A_407 = vector.broadcast %broadcast_in_dim3A_406 : f32 to vector<16xf32>
      %swap3A_408 = arith.index_cast %scan3A_376 : i32 to index
      %swap3A_409 = arith.constant 96 : index
      %swap3A_410 = tpu.vector_load %arg8[%swap3A_408, %swap3A_409] {strides = array<i32>} : memref<128x128xf32, #tpu.memory_space<vmem>>, vector<16xf32>,
      tpu.vector_store %arg8[%swap3A_408, %swap3A_409], %broadcast_in_dim3A_407 {strides = array<i32>} : memref<128x128xf32, #tpu.memory_space<vmem>>, vector<16xf32>,
      %broadcast_in_dim3A_411 = arith.constant 0.000000e+00 : f32
      %broadcast_in_dim3A_412 = vector.broadcast %broadcast_in_dim3A_411 : f32 to vector<16xf32>
      %swap3A_413 = arith.index_cast %scan3A_376 : i32 to index
      %swap3A_414 = arith.constant 112 : index
      %swap3A_415 = tpu.vector_load %arg8[%swap3A_413, %swap3A_414] {strides = array<i32>} : memref<128x128xf32, #tpu.memory_space<vmem>>, vector<16xf32>,
      tpu.vector_store %arg8[%swap3A_413, %swap3A_414], %broadcast_in_dim3A_412 {strides = array<i32>} : memref<128x128xf32, #tpu.memory_space<vmem>>, vector<16xf32>,
      %scan3A_416 = arith.constant 0 : i32
      scf.yield %scan3A_416 : i32
    }
    %scan3A_6 = arith.constant 128 : i32
    %mul3A_7 = arith.constant 640 : i32
    %mul3A_8 = arith.muli %arg1, %mul3A_7 : i32
    %add3A_9 = arith.constant 0 : i32
    %add3A_10 = arith.addi %mul3A_8, %add3A_9 : i32
    "tpu.region"() ({
      %run_scoped3A_376 = tpu.sem_alloc : memref<!tpu.dma_semaphore, #tpu.memory_space<semaphore_mem>>
      %dma_start3A_377 = arith.constant 0 : i32
      %dma_start3A_378 = tpu.memref_slice %arg10[%add3A_10, %dma_start3A_377] : memref<10240x128xf32, #tpu.memory_space<vmem_shared>> -> memref<128x128xf32, #tpu.memory_space<vmem_shared>>
      %dma_start3A_379 = arith.constant 0 : i32
      %dma_start3A_380 = tpu.memref_slice %arg10[%add3A_10, %dma_start3A_379] : memref<10240x128xf32, #tpu.memory_space<vmem_shared>> -> memref<128x128xf32, #tpu.memory_space<vmem_shared>>
      tpu.enqueue_dma source(%arg8 : memref<128x128xf32, #tpu.memory_space<vmem>>) target(%dma_start3A_380 : memref<128x128xf32, #tpu.memory_space<vmem_shared>>) target_semaphore(%run_scoped3A_376 : memref<!tpu.dma_semaphore, #tpu.memory_space<semaphore_mem>>)
      %dma_wait3A_381 = arith.constant 0 : i32
      %dma_wait3A_382 = tpu.memref_slice %arg10[%add3A_10, %dma_wait3A_381] : memref<10240x128xf32, #tpu.memory_space<vmem_shared>> -> memref<128x128xf32, #tpu.memory_space<vmem_shared>>
      %dma_wait3A_383 = arith.constant 0 : i32
      %dma_wait3A_384 = tpu.memref_slice %arg10[%add3A_10, %dma_wait3A_383] : memref<10240x128xf32, #tpu.memory_space<vmem_shared>> -> memref<128x128xf32, #tpu.memory_space<vmem_shared>>
      tpu.wait_dma2 semaphore(%run_scoped3A_376 : memref<!tpu.dma_semaphore, #tpu.memory_space<semaphore_mem>>) src(%arg8 : memref<128x128xf32, #tpu.memory_space<vmem>>) dst(%dma_wait3A_384 : memref<128x128xf32, #tpu.memory_space<vmem_shared>>)
      tpu.yield
    }) : () -> ()
    %add3A_11 = arith.constant 128 : i32
    %add3A_12 = arith.addi %mul3A_8, %add3A_11 : i32
    "tpu.region"() ({
      %run_scoped3A_376 = tpu.sem_alloc : memref<!tpu.dma_semaphore, #tpu.memory_space<semaphore_mem>>
      %dma_start3A_377 = arith.constant 0 : i32
      %dma_start3A_378 = tpu.memref_slice %arg10[%add3A_12, %dma_start3A_377] : memref<10240x128xf32, #tpu.memory_space<vmem_shared>> -> memref<128x128xf32, #tpu.memory_space<vmem_shared>>
      %dma_start3A_379 = arith.constant 0 : i32
      %dma_start3A_380 = tpu.memref_slice %arg10[%add3A_12, %dma_start3A_379] : memref<10240x128xf32, #tpu.memory_space<vmem_shared>> -> memref<128x128xf32, #tpu.memory_space<vmem_shared>>
      tpu.enqueue_dma source(%arg8 : memref<128x128xf32, #tpu.memory_space<vmem>>) target(%dma_start3A_380 : memref<128x128xf32, #tpu.memory_space<vmem_shared>>) target_semaphore(%run_scoped3A_376 : memref<!tpu.dma_semaphore, #tpu.memory_space<semaphore_mem>>)
      %dma_wait3A_381 = arith.constant 0 : i32
      %dma_wait3A_382 = tpu.memref_slice %arg10[%add3A_12, %dma_wait3A_381] : memref<10240x128xf32, #tpu.memory_space<vmem_shared>> -> memref<128x128xf32, #tpu.memory_space<vmem_shared>>
      %dma_wait3A_383 = arith.constant 0 : i32
      %dma_wait3A_384 = tpu.memref_slice %arg10[%add3A_12, %dma_wait3A_383] : memref<10240x128xf32, #tpu.memory_space<vmem_shared>> -> memref<128x128xf32, #tpu.memory_space<vmem_shared>>
      tpu.wait_dma2 semaphore(%run_scoped3A_376 : memref<!tpu.dma_semaphore, #tpu.memory_space<semaphore_mem>>) src(%arg8 : memref<128x128xf32, #tpu.memory_space<vmem>>) dst(%dma_wait3A_384 : memref<128x128xf32, #tpu.memory_space<vmem_shared>>)
      tpu.yield
    }) : () -> ()
    %add3A_13 = arith.constant 256 : i32
    %add3A_14 = arith.addi %mul3A_8, %add3A_13 : i32
    "tpu.region"() ({
      %run_scoped3A_376 = tpu.sem_alloc : memref<!tpu.dma_semaphore, #tpu.memory_space<semaphore_mem>>
      %dma_start3A_377 = arith.constant 0 : i32
      %dma_start3A_378 = tpu.memref_slice %arg10[%add3A_14, %dma_start3A_377] : memref<10240x128xf32, #tpu.memory_space<vmem_shared>> -> memref<128x128xf32, #tpu.memory_space<vmem_shared>>
      %dma_start3A_379 = arith.constant 0 : i32
      %dma_start3A_380 = tpu.memref_slice %arg10[%add3A_14, %dma_start3A_379] : memref<10240x128xf32, #tpu.memory_space<vmem_shared>> -> memref<128x128xf32, #tpu.memory_space<vmem_shared>>
      tpu.enqueue_dma source(%arg8 : memref<128x128xf32, #tpu.memory_space<vmem>>) target(%dma_start3A_380 : memref<128x128xf32, #tpu.memory_space<vmem_shared>>) target_semaphore(%run_scoped3A_376 : memref<!tpu.dma_semaphore, #tpu.memory_space<semaphore_mem>>)
      %dma_wait3A_381 = arith.constant 0 : i32
      %dma_wait3A_382 = tpu.memref_slice %arg10[%add3A_14, %dma_wait3A_381] : memref<10240x128xf32, #tpu.memory_space<vmem_shared>> -> memref<128x128xf32, #tpu.memory_space<vmem_shared>>
      %dma_wait3A_383 = arith.constant 0 : i32
      %dma_wait3A_384 = tpu.memref_slice %arg10[%add3A_14, %dma_wait3A_383] : memref<10240x128xf32, #tpu.memory_space<vmem_shared>> -> memref<128x128xf32, #tpu.memory_space<vmem_shared>>
      tpu.wait_dma2 semaphore(%run_scoped3A_376 : memref<!tpu.dma_semaphore, #tpu.memory_space<semaphore_mem>>) src(%arg8 : memref<128x128xf32, #tpu.memory_space<vmem>>) dst(%dma_wait3A_384 : memref<128x128xf32, #tpu.memory_space<vmem_shared>>)
      tpu.yield
    }) : () -> ()
    %add3A_15 = arith.constant 384 : i32
    %add3A_16 = arith.addi %mul3A_8, %add3A_15 : i32
    "tpu.region"() ({
      %run_scoped3A_376 = tpu.sem_alloc : memref<!tpu.dma_semaphore, #tpu.memory_space<semaphore_mem>>
      %dma_start3A_377 = arith.constant 0 : i32
      %dma_start3A_378 = tpu.memref_slice %arg10[%add3A_16, %dma_start3A_377] : memref<10240x128xf32, #tpu.memory_space<vmem_shared>> -> memref<128x128xf32, #tpu.memory_space<vmem_shared>>
      %dma_start3A_379 = arith.constant 0 : i32
      %dma_start3A_380 = tpu.memref_slice %arg10[%add3A_16, %dma_start3A_379] : memref<10240x128xf32, #tpu.memory_space<vmem_shared>> -> memref<128x128xf32, #tpu.memory_space<vmem_shared>>
      tpu.enqueue_dma source(%arg8 : memref<128x128xf32, #tpu.memory_space<vmem>>) target(%dma_start3A_380 : memref<128x128xf32, #tpu.memory_space<vmem_shared>>) target_semaphore(%run_scoped3A_376 : memref<!tpu.dma_semaphore, #tpu.memory_space<semaphore_mem>>)
      %dma_wait3A_381 = arith.constant 0 : i32
      %dma_wait3A_382 = tpu.memref_slice %arg10[%add3A_16, %dma_wait3A_381] : memref<10240x128xf32, #tpu.memory_space<vmem_shared>> -> memref<128x128xf32, #tpu.memory_space<vmem_shared>>
      %dma_wait3A_383 = arith.constant 0 : i32
      %dma_wait3A_384 = tpu.memref_slice %arg10[%add3A_16, %dma_wait3A_383] : memref<10240x128xf32, #tpu.memory_space<vmem_shared>> -> memref<128x128xf32, #tpu.memory_space<vmem_shared>>
      tpu.wait_dma2 semaphore(%run_scoped3A_376 : memref<!tpu.dma_semaphore, #tpu.memory_space<semaphore_mem>>) src(%arg8 : memref<128x128xf32, #tpu.memory_space<vmem>>) dst(%dma_wait3A_384 : memref<128x128xf32, #tpu.memory_space<vmem_shared>>)
      tpu.yield
    }) : () -> ()
    %add3A_17 = arith.constant 512 : i32
    %add3A_18 = arith.addi %mul3A_8, %add3A_17 : i32
    "tpu.region"() ({
      %run_scoped3A_376 = tpu.sem_alloc : memref<!tpu.dma_semaphore, #tpu.memory_space<semaphore_mem>>
      %dma_start3A_377 = arith.constant 0 : i32
      %dma_start3A_378 = tpu.memref_slice %arg10[%add3A_18, %dma_start3A_377] : memref<10240x128xf32, #tpu.memory_space<vmem_shared>> -> memref<128x128xf32, #tpu.memory_space<vmem_shared>>
      %dma_start3A_379 = arith.constant 0 : i32
      %dma_start3A_380 = tpu.memref_slice %arg10[%add3A_18, %dma_start3A_379] : memref<10240x128xf32, #tpu.memory_space<vmem_shared>> -> memref<128x128xf32, #tpu.memory_space<vmem_shared>>
      tpu.enqueue_dma source(%arg8 : memref<128x128xf32, #tpu.memory_space<vmem>>) target(%dma_start3A_380 : memref<128x128xf32, #tpu.memory_space<vmem_shared>>) target_semaphore(%run_scoped3A_376 : memref<!tpu.dma_semaphore, #tpu.memory_space<semaphore_mem>>)
      %dma_wait3A_381 = arith.constant 0 : i32
      %dma_wait3A_382 = tpu.memref_slice %arg10[%add3A_18, %dma_wait3A_381] : memref<10240x128xf32, #tpu.memory_space<vmem_shared>> -> memref<128x128xf32, #tpu.memory_space<vmem_shared>>
      %dma_wait3A_383 = arith.constant 0 : i32
      %dma_wait3A_384 = tpu.memref_slice %arg10[%add3A_18, %dma_wait3A_383] : memref<10240x128xf32, #tpu.memory_space<vmem_shared>> -> memref<128x128xf32, #tpu.memory_space<vmem_shared>>
      tpu.wait_dma2 semaphore(%run_scoped3A_376 : memref<!tpu.dma_semaphore, #tpu.memory_space<semaphore_mem>>) src(%arg8 : memref<128x128xf32, #tpu.memory_space<vmem>>) dst(%dma_wait3A_384 : memref<128x128xf32, #tpu.memory_space<vmem_shared>>)
      tpu.yield
    }) : () -> ()
    %run_scoped3A = arith.constant 0 : i32
    "tpu.region"() ({
      %run_scoped3A_376 = tpu.sem_alloc : memref<!tpu.dma_semaphore, #tpu.memory_space<semaphore_mem>>
      %dma_start3A_377 = arith.constant 0 : i32
      %dma_start3A_378 = arith.constant 0 : i32
      %dma_start3A_379 = tpu.memref_slice %arg6[%run_scoped3A, %dma_start3A_377, %dma_start3A_378] : memref<2x16x128xi32, #tpu.memory_space<vmem>> -> memref<1x16x128xi32, #tpu.memory_space<vmem>>
      %dma_start3A_380 = tpu.memref_squeeze %dma_start3A_379 : memref<1x16x128xi32, #tpu.memory_space<vmem>> -> memref<16x128xi32, #tpu.memory_space<vmem>>
      %dma_start3A_381 = arith.constant 0 : i32
      %dma_start3A_382 = arith.constant 0 : i32
      %dma_start3A_383 = tpu.memref_slice %arg3[%add3A, %dma_start3A_381, %dma_start3A_382] : memref<32x80x128xi32, #tpu.memory_space<hbm>> -> memref<1x16x128xi32, #tpu.memory_space<hbm>>
      %dma_start3A_384 = tpu.memref_squeeze %dma_start3A_383 : memref<1x16x128xi32, #tpu.memory_space<hbm>> -> memref<16x128xi32, #tpu.memory_space<hbm>>
      %dma_start3A_385 = arith.constant 0 : i32
      %dma_start3A_386 = arith.constant 0 : i32
      %dma_start3A_387 = tpu.memref_slice %arg6[%run_scoped3A, %dma_start3A_385, %dma_start3A_386] : memref<2x16x128xi32, #tpu.memory_space<vmem>> -> memref<1x16x128xi32, #tpu.memory_space<vmem>>
      %dma_start3A_388 = tpu.memref_squeeze %dma_start3A_387 : memref<1x16x128xi32, #tpu.memory_space<vmem>> -> memref<16x128xi32, #tpu.memory_space<vmem>>
      %dma_start3A_389 = arith.constant 0 : i32
      %dma_start3A_390 = arith.constant 0 : i32
      %dma_start3A_391 = tpu.memref_slice %arg3[%add3A, %dma_start3A_389, %dma_start3A_390] : memref<32x80x128xi32, #tpu.memory_space<hbm>> -> memref<1x16x128xi32, #tpu.memory_space<hbm>>
      %dma_start3A_392 = tpu.memref_squeeze %dma_start3A_391 : memref<1x16x128xi32, #tpu.memory_space<hbm>> -> memref<16x128xi32, #tpu.memory_space<hbm>>
      tpu.enqueue_dma source(%dma_start3A_392 : memref<16x128xi32, #tpu.memory_space<hbm>>) target(%dma_start3A_388 : memref<16x128xi32, #tpu.memory_space<vmem>>) target_semaphore(%run_scoped3A_376 : memref<!tpu.dma_semaphore, #tpu.memory_space<semaphore_mem>>)
      %dma_wait3A_393 = arith.constant 0 : i32
      %dma_wait3A_394 = arith.constant 0 : i32
      %dma_wait3A_395 = tpu.memref_slice %arg6[%run_scoped3A, %dma_wait3A_393, %dma_wait3A_394] : memref<2x16x128xi32, #tpu.memory_space<vmem>> -> memref<1x16x128xi32, #tpu.memory_space<vmem>>
      %dma_wait3A_396 = tpu.memref_squeeze %dma_wait3A_395 : memref<1x16x128xi32, #tpu.memory_space<vmem>> -> memref<16x128xi32, #tpu.memory_space<vmem>>
      %dma_wait3A_397 = arith.constant 0 : i32
      %dma_wait3A_398 = arith.constant 0 : i32
      %dma_wait3A_399 = tpu.memref_slice %arg3[%add3A, %dma_wait3A_397, %dma_wait3A_398] : memref<32x80x128xi32, #tpu.memory_space<hbm>> -> memref<1x16x128xi32, #tpu.memory_space<hbm>>
      %dma_wait3A_400 = tpu.memref_squeeze %dma_wait3A_399 : memref<1x16x128xi32, #tpu.memory_space<hbm>> -> memref<16x128xi32, #tpu.memory_space<hbm>>
      %dma_wait3A_401 = arith.constant 0 : i32
      %dma_wait3A_402 = arith.constant 0 : i32
      %dma_wait3A_403 = tpu.memref_slice %arg6[%run_scoped3A, %dma_wait3A_401, %dma_wait3A_402] : memref<2x16x128xi32, #tpu.memory_space<vmem>> -> memref<1x16x128xi32, #tpu.memory_space<vmem>>
      %dma_wait3A_404 = tpu.memref_squeeze %dma_wait3A_403 : memref<1x16x128xi32, #tpu.memory_space<vmem>> -> memref<16x128xi32, #tpu.memory_space<vmem>>
      %dma_wait3A_405 = arith.constant 0 : i32
      %dma_wait3A_406 = arith.constant 0 : i32
      %dma_wait3A_407 = tpu.memref_slice %arg3[%add3A, %dma_wait3A_405, %dma_wait3A_406] : memref<32x80x128xi32, #tpu.memory_space<hbm>> -> memref<1x16x128xi32, #tpu.memory_space<hbm>>
      %dma_wait3A_408 = tpu.memref_squeeze %dma_wait3A_407 : memref<1x16x128xi32, #tpu.memory_space<hbm>> -> memref<16x128xi32, #tpu.memory_space<hbm>>
      tpu.wait_dma2 semaphore(%run_scoped3A_376 : memref<!tpu.dma_semaphore, #tpu.memory_space<semaphore_mem>>) src(%dma_wait3A_408 : memref<16x128xi32, #tpu.memory_space<hbm>>) dst(%dma_wait3A_404 : memref<16x128xi32, #tpu.memory_space<vmem>>)
      tpu.yield
    }) : () -> ()
    %run_scoped3A_19 = arith.constant 0 : i32
    "tpu.region"() ({
      %run_scoped3A_376 = tpu.sem_alloc : memref<!tpu.dma_semaphore, #tpu.memory_space<semaphore_mem>>
      %dma_start3A_377 = arith.constant 0 : i32
      %dma_start3A_378 = arith.constant 0 : i32
      %dma_start3A_379 = tpu.memref_slice %arg7[%run_scoped3A_19, %dma_start3A_377, %dma_start3A_378] : memref<2x16x128xi32, #tpu.memory_space<vmem>> -> memref<1x16x128xi32, #tpu.memory_space<vmem>>
      %dma_start3A_380 = tpu.memref_squeeze %dma_start3A_379 : memref<1x16x128xi32, #tpu.memory_space<vmem>> -> memref<16x128xi32, #tpu.memory_space<vmem>>
      %dma_start3A_381 = arith.constant 0 : i32
      %dma_start3A_382 = arith.constant 0 : i32
      %dma_start3A_383 = tpu.memref_slice %arg4[%add3A, %dma_start3A_381, %dma_start3A_382] : memref<32x80x128xi32, #tpu.memory_space<hbm>> -> memref<1x16x128xi32, #tpu.memory_space<hbm>>
      %dma_start3A_384 = tpu.memref_squeeze %dma_start3A_383 : memref<1x16x128xi32, #tpu.memory_space<hbm>> -> memref<16x128xi32, #tpu.memory_space<hbm>>
      %dma_start3A_385 = arith.constant 0 : i32
      %dma_start3A_386 = arith.constant 0 : i32
      %dma_start3A_387 = tpu.memref_slice %arg7[%run_scoped3A_19, %dma_start3A_385, %dma_start3A_386] : memref<2x16x128xi32, #tpu.memory_space<vmem>> -> memref<1x16x128xi32, #tpu.memory_space<vmem>>
      %dma_start3A_388 = tpu.memref_squeeze %dma_start3A_387 : memref<1x16x128xi32, #tpu.memory_space<vmem>> -> memref<16x128xi32, #tpu.memory_space<vmem>>
      %dma_start3A_389 = arith.constant 0 : i32
      %dma_start3A_390 = arith.constant 0 : i32
      %dma_start3A_391 = tpu.memref_slice %arg4[%add3A, %dma_start3A_389, %dma_start3A_390] : memref<32x80x128xi32, #tpu.memory_space<hbm>> -> memref<1x16x128xi32, #tpu.memory_space<hbm>>
      %dma_start3A_392 = tpu.memref_squeeze %dma_start3A_391 : memref<1x16x128xi32, #tpu.memory_space<hbm>> -> memref<16x128xi32, #tpu.memory_space<hbm>>
      tpu.enqueue_dma source(%dma_start3A_392 : memref<16x128xi32, #tpu.memory_space<hbm>>) target(%dma_start3A_388 : memref<16x128xi32, #tpu.memory_space<vmem>>) target_semaphore(%run_scoped3A_376 : memref<!tpu.dma_semaphore, #tpu.memory_space<semaphore_mem>>)
      %dma_wait3A_393 = arith.constant 0 : i32
      %dma_wait3A_394 = arith.constant 0 : i32
      %dma_wait3A_395 = tpu.memref_slice %arg7[%run_scoped3A_19, %dma_wait3A_393, %dma_wait3A_394] : memref<2x16x128xi32, #tpu.memory_space<vmem>> -> memref<1x16x128xi32, #tpu.memory_space<vmem>>
      %dma_wait3A_396 = tpu.memref_squeeze %dma_wait3A_395 : memref<1x16x128xi32, #tpu.memory_space<vmem>> -> memref<16x128xi32, #tpu.memory_space<vmem>>
      %dma_wait3A_397 = arith.constant 0 : i32
      %dma_wait3A_398 = arith.constant 0 : i32
      %dma_wait3A_399 = tpu.memref_slice %arg4[%add3A, %dma_wait3A_397, %dma_wait3A_398] : memref<32x80x128xi32, #tpu.memory_space<hbm>> -> memref<1x16x128xi32, #tpu.memory_space<hbm>>
      %dma_wait3A_400 = tpu.memref_squeeze %dma_wait3A_399 : memref<1x16x128xi32, #tpu.memory_space<hbm>> -> memref<16x128xi32, #tpu.memory_space<hbm>>
      %dma_wait3A_401 = arith.constant 0 : i32
      %dma_wait3A_402 = arith.constant 0 : i32
      %dma_wait3A_403 = tpu.memref_slice %arg7[%run_scoped3A_19, %dma_wait3A_401, %dma_wait3A_402] : memref<2x16x128xi32, #tpu.memory_space<vmem>> -> memref<1x16x128xi32, #tpu.memory_space<vmem>>
      %dma_wait3A_404 = tpu.memref_squeeze %dma_wait3A_403 : memref<1x16x128xi32, #tpu.memory_space<vmem>> -> memref<16x128xi32, #tpu.memory_space<vmem>>
      %dma_wait3A_405 = arith.constant 0 : i32
      %dma_wait3A_406 = arith.constant 0 : i32
      %dma_wait3A_407 = tpu.memref_slice %arg4[%add3A, %dma_wait3A_405, %dma_wait3A_406] : memref<32x80x128xi32, #tpu.memory_space<hbm>> -> memref<1x16x128xi32, #tpu.memory_space<hbm>>
      %dma_wait3A_408 = tpu.memref_squeeze %dma_wait3A_407 : memref<1x16x128xi32, #tpu.memory_space<hbm>> -> memref<16x128xi32, #tpu.memory_space<hbm>>
      tpu.wait_dma2 semaphore(%run_scoped3A_376 : memref<!tpu.dma_semaphore, #tpu.memory_space<semaphore_mem>>) src(%dma_wait3A_408 : memref<16x128xi32, #tpu.memory_space<hbm>>) dst(%dma_wait3A_404 : memref<16x128xi32, #tpu.memory_space<vmem>>)
      tpu.yield
    }) : () -> ()
    %dma_start3A = arith.constant 0 : i32
    %dma_start3A_20 = arith.constant 0 : i32
    %dma_start3A_21 = arith.constant 0 : i32
    %dma_start3A_22 = tpu.memref_slice %arg6[%dma_start3A, %dma_start3A_20, %dma_start3A_21] : memref<2x16x128xi32, #tpu.memory_space<vmem>> -> memref<1x1x128xi32, #tpu.memory_space<vmem>>
    %dma_start3A_23 = tpu.memref_squeeze %dma_start3A_22 : memref<1x1x128xi32, #tpu.memory_space<vmem>> -> memref<128xi32, #tpu.memory_space<vmem>>
    %dma_start3A_24 = arith.constant 0 : i32
    %dma_start3A_25 = arith.constant 0 : i32
    %dma_start3A_26 = tpu.memref_slice %arg2[%dma_start3A_24, %dma_start3A_25] : memref<10240x128xf32, #tpu.memory_space<hbm>> -> memref<10240x128xf32, #tpu.memory_space<hbm>>
    tpu.enqueue_indirect_dma source(%dma_start3A_26 : memref<10240x128xf32, #tpu.memory_space<hbm>>) target(%arg8 : memref<128x128xf32, #tpu.memory_space<vmem>>) offsets(%dma_start3A_23 : memref<128xi32, #tpu.memory_space<vmem>>) semaphore(%arg11 : memref<!tpu.dma_semaphore, #tpu.memory_space<semaphore_mem>>)
    %barrier3A = arith.constant 0 : index
    tpu.barrier barrier_id(%barrier3A)
    %dma_start3A_27 = arith.constant 1 : i32
    %dma_start3A_28 = arith.constant 0 : i32
    %dma_start3A_29 = arith.constant 0 : i32
    %dma_start3A_30 = tpu.memref_slice %arg6[%dma_start3A_27, %dma_start3A_28, %dma_start3A_29] : memref<2x16x128xi32, #tpu.memory_space<vmem>> -> memref<1x16x128xi32, #tpu.memory_space<vmem>>
    %dma_start3A_31 = tpu.memref_squeeze %dma_start3A_30 : memref<1x16x128xi32, #tpu.memory_space<vmem>> -> memref<16x128xi32, #tpu.memory_space<vmem>>
    %dma_start3A_32 = arith.constant 16 : i32
    %dma_start3A_33 = arith.constant 0 : i32
    %dma_start3A_34 = tpu.memref_slice %arg3[%add3A, %dma_start3A_32, %dma_start3A_33] : memref<32x80x128xi32, #tpu.memory_space<hbm>> -> memref<1x16x128xi32, #tpu.memory_space<hbm>>
    %dma_start3A_35 = tpu.memref_squeeze %dma_start3A_34 : memref<1x16x128xi32, #tpu.memory_space<hbm>> -> memref<16x128xi32, #tpu.memory_space<hbm>>
    %dma_start3A_36 = arith.constant 0 : i32
    %dma_start3A_37 = arith.constant 0 : i32
    %dma_start3A_38 = tpu.memref_slice %arg6[%dma_start3A_27, %dma_start3A_36, %dma_start3A_37] : memref<2x16x128xi32, #tpu.memory_space<vmem>> -> memref<1x16x128xi32, #tpu.memory_space<vmem>>
    %dma_start3A_39 = tpu.memref_squeeze %dma_start3A_38 : memref<1x16x128xi32, #tpu.memory_space<vmem>> -> memref<16x128xi32, #tpu.memory_space<vmem>>
    %dma_start3A_40 = arith.constant 16 : i32
    %dma_start3A_41 = arith.constant 0 : i32
    %dma_start3A_42 = tpu.memref_slice %arg3[%add3A, %dma_start3A_40, %dma_start3A_41] : memref<32x80x128xi32, #tpu.memory_space<hbm>> -> memref<1x16x128xi32, #tpu.memory_space<hbm>>
    %dma_start3A_43 = tpu.memref_squeeze %dma_start3A_42 : memref<1x16x128xi32, #tpu.memory_space<hbm>> -> memref<16x128xi32, #tpu.memory_space<hbm>>
    tpu.enqueue_dma source(%dma_start3A_43 : memref<16x128xi32, #tpu.memory_space<hbm>>) target(%dma_start3A_39 : memref<16x128xi32, #tpu.memory_space<vmem>>) target_semaphore(%arg13 : memref<!tpu.dma_semaphore, #tpu.memory_space<semaphore_mem>>)
    %dma_start3A_44 = arith.constant 1 : i32
    %dma_start3A_45 = arith.constant 0 : i32
    %dma_start3A_46 = arith.constant 0 : i32
    %dma_start3A_47 = tpu.memref_slice %arg7[%dma_start3A_44, %dma_start3A_45, %dma_start3A_46] : memref<2x16x128xi32, #tpu.memory_space<vmem>> -> memref<1x16x128xi32, #tpu.memory_space<vmem>>
    %dma_start3A_48 = tpu.memref_squeeze %dma_start3A_47 : memref<1x16x128xi32, #tpu.memory_space<vmem>> -> memref<16x128xi32, #tpu.memory_space<vmem>>
    %dma_start3A_49 = arith.constant 16 : i32
    %dma_start3A_50 = arith.constant 0 : i32
    %dma_start3A_51 = tpu.memref_slice %arg4[%add3A, %dma_start3A_49, %dma_start3A_50] : memref<32x80x128xi32, #tpu.memory_space<hbm>> -> memref<1x16x128xi32, #tpu.memory_space<hbm>>
    %dma_start3A_52 = tpu.memref_squeeze %dma_start3A_51 : memref<1x16x128xi32, #tpu.memory_space<hbm>> -> memref<16x128xi32, #tpu.memory_space<hbm>>
    %dma_start3A_53 = arith.constant 0 : i32
    %dma_start3A_54 = arith.constant 0 : i32
    %dma_start3A_55 = tpu.memref_slice %arg7[%dma_start3A_44, %dma_start3A_53, %dma_start3A_54] : memref<2x16x128xi32, #tpu.memory_space<vmem>> -> memref<1x16x128xi32, #tpu.memory_space<vmem>>
    %dma_start3A_56 = tpu.memref_squeeze %dma_start3A_55 : memref<1x16x128xi32, #tpu.memory_space<vmem>> -> memref<16x128xi32, #tpu.memory_space<vmem>>
    %dma_start3A_57 = arith.constant 16 : i32
    %dma_start3A_58 = arith.constant 0 : i32
    %dma_start3A_59 = tpu.memref_slice %arg4[%add3A, %dma_start3A_57, %dma_start3A_58] : memref<32x80x128xi32, #tpu.memory_space<hbm>> -> memref<1x16x128xi32, #tpu.memory_space<hbm>>
    %dma_start3A_60 = tpu.memref_squeeze %dma_start3A_59 : memref<1x16x128xi32, #tpu.memory_space<hbm>> -> memref<16x128xi32, #tpu.memory_space<hbm>>
    tpu.enqueue_dma source(%dma_start3A_60 : memref<16x128xi32, #tpu.memory_space<hbm>>) target(%dma_start3A_56 : memref<16x128xi32, #tpu.memory_space<vmem>>) target_semaphore(%arg14 : memref<!tpu.dma_semaphore, #tpu.memory_space<semaphore_mem>>)
    %scan3A_61 = arith.constant 0 : i32
    %scan3A_62 = arith.constant 0 : i32
    %scan3A_63 = arith.constant 8 : i32
    %scan3A_64 = arith.addi %scan3A_62, %scan3A_63 : i32
    %scan3A_65 = arith.constant 1 : i32
    %scan3A_66 = scf.for %scan3A_376 = %scan3A_62 to %scan3A_64 step %scan3A_65 iter_args(%scan3A_377 = %scan3A_61) -> (i32)  : i32 {
      %mul3A_378 = arith.constant 2 : i32
      %mul3A_379 = arith.muli %mul3A_378, %scan3A_376 : i32
      %mul3A_380 = arith.constant 2 : i32
      %mul3A_381 = arith.muli %mul3A_380, %scan3A_376 : i32
      %add3A_382 = arith.constant 1 : i32
      %add3A_383 = arith.addi %mul3A_381, %add3A_382 : i32
      %dma_wait3A_384 = arith.constant 0 : i32
      %dma_wait3A_385 = arith.constant 0 : i32
      %dma_wait3A_386 = tpu.memref_slice %arg6[%dma_wait3A_384, %mul3A_379, %dma_wait3A_385] : memref<2x16x128xi32, #tpu.memory_space<vmem>> -> memref<1x1x128xi32, #tpu.memory_space<vmem>>
      %dma_wait3A_387 = tpu.memref_squeeze %dma_wait3A_386 : memref<1x1x128xi32, #tpu.memory_space<vmem>> -> memref<128xi32, #tpu.memory_space<vmem>>
      %dma_wait3A_388 = arith.constant 0 : i32
      %dma_wait3A_389 = arith.constant 0 : i32
      %dma_wait3A_390 = tpu.memref_slice %arg2[%dma_wait3A_388, %dma_wait3A_389] : memref<10240x128xf32, #tpu.memory_space<hbm>> -> memref<10240x128xf32, #tpu.memory_space<hbm>>
      tpu.wait_indirect_dma semaphore(%arg11 : memref<!tpu.dma_semaphore, #tpu.memory_space<semaphore_mem>>) src(%dma_wait3A_390 : memref<10240x128xf32, #tpu.memory_space<hbm>>) dst(%arg8 : memref<128x128xf32, #tpu.memory_space<vmem>>)
      %dma_start3A_391 = arith.constant 0 : i32
      %dma_start3A_392 = arith.constant 0 : i32
      %dma_start3A_393 = tpu.memref_slice %arg6[%dma_start3A_391, %add3A_383, %dma_start3A_392] : memref<2x16x128xi32, #tpu.memory_space<vmem>> -> memref<1x1x128xi32, #tpu.memory_space<vmem>>
      %dma_start3A_394 = tpu.memref_squeeze %dma_start3A_393 : memref<1x1x128xi32, #tpu.memory_space<vmem>> -> memref<128xi32, #tpu.memory_space<vmem>>
      %dma_start3A_395 = arith.constant 0 : i32
      %dma_start3A_396 = arith.constant 0 : i32
      %dma_start3A_397 = tpu.memref_slice %arg2[%dma_start3A_395, %dma_start3A_396] : memref<10240x128xf32, #tpu.memory_space<hbm>> -> memref<10240x128xf32, #tpu.memory_space<hbm>>
      tpu.enqueue_indirect_dma source(%dma_start3A_397 : memref<10240x128xf32, #tpu.memory_space<hbm>>) target(%arg9 : memref<128x128xf32, #tpu.memory_space<vmem>>) offsets(%dma_start3A_394 : memref<128xi32, #tpu.memory_space<vmem>>) semaphore(%arg12 : memref<!tpu.dma_semaphore, #tpu.memory_space<semaphore_mem>>)
      %run_scoped3A_398 = arith.constant 0 : i32
      "tpu.region"() ({
        %run_scoped3A_410 = tpu.sem_alloc : memref<!tpu.dma_semaphore, #tpu.memory_space<semaphore_mem>>
        %dma_start3A_411 = arith.constant 0 : i32
        %dma_start3A_412 = tpu.memref_slice %arg7[%run_scoped3A_398, %mul3A_379, %dma_start3A_411] : memref<2x16x128xi32, #tpu.memory_space<vmem>> -> memref<1x1x128xi32, #tpu.memory_space<vmem>>
        %dma_start3A_413 = tpu.memref_squeeze %dma_start3A_412 : memref<1x1x128xi32, #tpu.memory_space<vmem>> -> memref<128xi32, #tpu.memory_space<vmem>>
        %dma_start3A_414 = arith.constant 0 : i32
        %dma_start3A_415 = arith.constant 0 : i32
        %dma_start3A_416 = tpu.memref_slice %arg10[%dma_start3A_414, %dma_start3A_415] : memref<10240x128xf32, #tpu.memory_space<vmem_shared>> -> memref<10240x128xf32, #tpu.memory_space<vmem_shared>>
        tpu.enqueue_indirect_dma source(%arg8 : memref<128x128xf32, #tpu.memory_space<vmem>>) target(%dma_start3A_416 : memref<10240x128xf32, #tpu.memory_space<vmem_shared>>) offsets(%dma_start3A_413 : memref<128xi32, #tpu.memory_space<vmem>>) semaphore(%run_scoped3A_410 : memref<!tpu.dma_semaphore, #tpu.memory_space<semaphore_mem>>) {add = true}
        %dma_wait3A_417 = arith.constant 0 : i32
        %dma_wait3A_418 = tpu.memref_slice %arg7[%run_scoped3A_398, %mul3A_379, %dma_wait3A_417] : memref<2x16x128xi32, #tpu.memory_space<vmem>> -> memref<1x1x128xi32, #tpu.memory_space<vmem>>
        %dma_wait3A_419 = tpu.memref_squeeze %dma_wait3A_418 : memref<1x1x128xi32, #tpu.memory_space<vmem>> -> memref<128xi32, #tpu.memory_space<vmem>>
        %dma_wait3A_420 = arith.constant 0 : i32
        %dma_wait3A_421 = arith.constant 0 : i32
        %dma_wait3A_422 = tpu.memref_slice %arg10[%dma_wait3A_420, %dma_wait3A_421] : memref<10240x128xf32, #tpu.memory_space<vmem_shared>> -> memref<10240x128xf32, #tpu.memory_space<vmem_shared>>
        tpu.wait_indirect_dma semaphore(%run_scoped3A_410 : memref<!tpu.dma_semaphore, #tpu.memory_space<semaphore_mem>>) src(%arg8 : memref<128x128xf32, #tpu.memory_space<vmem>>) dst(%dma_wait3A_422 : memref<10240x128xf32, #tpu.memory_space<vmem_shared>>)
        tpu.yield
      }) : () -> ()
      %dma_wait3A_399 = arith.constant 0 : i32
      %dma_wait3A_400 = arith.constant 0 : i32
      %dma_wait3A_401 = tpu.memref_slice %arg6[%dma_wait3A_399, %add3A_383, %dma_wait3A_400] : memref<2x16x128xi32, #tpu.memory_space<vmem>> -> memref<1x1x128xi32, #tpu.memory_space<vmem>>
      %dma_wait3A_402 = tpu.memref_squeeze %dma_wait3A_401 : memref<1x1x128xi32, #tpu.memory_space<vmem>> -> memref<128xi32, #tpu.memory_space<vmem>>
      %dma_wait3A_403 = arith.constant 0 : i32
      %dma_wait3A_404 = arith.constant 0 : i32
      %dma_wait3A_405 = tpu.memref_slice %arg2[%dma_wait3A_403, %dma_wait3A_404] : memref<10240x128xf32, #tpu.memory_space<hbm>> -> memref<10240x128xf32, #tpu.memory_space<hbm>>
      tpu.wait_indirect_dma semaphore(%arg12 : memref<!tpu.dma_semaphore, #tpu.memory_space<semaphore_mem>>) src(%dma_wait3A_405 : memref<10240x128xf32, #tpu.memory_space<hbm>>) dst(%arg9 : memref<128x128xf32, #tpu.memory_space<vmem>>)
      %lt3A = arith.constant 7 : i32
      %lt3A_406 = arith.cmpi slt, %scan3A_376, %lt3A : i32
      %convert_element_type3A = arith.extui %lt3A_406 : i1 to i32
      %cond3A = arith.constant 0 : i32
      %cond3A_407 = arith.cmpi ne, %convert_element_type3A, %cond3A : i32
      scf.if %cond3A_407 {
        %mul3A_410 = arith.constant 2 : i32
        %mul3A_411 = arith.muli %mul3A_410, %scan3A_376 : i32
        %add3A_412 = arith.constant 2 : i32
        %add3A_413 = arith.addi %mul3A_411, %add3A_412 : i32
        %dma_start3A_414 = arith.constant 0 : i32
        %dma_start3A_415 = arith.constant 0 : i32
        %dma_start3A_416 = tpu.memref_slice %arg6[%dma_start3A_414, %add3A_413, %dma_start3A_415] : memref<2x16x128xi32, #tpu.memory_space<vmem>> -> memref<1x1x128xi32, #tpu.memory_space<vmem>>
        %dma_start3A_417 = tpu.memref_squeeze %dma_start3A_416 : memref<1x1x128xi32, #tpu.memory_space<vmem>> -> memref<128xi32, #tpu.memory_space<vmem>>
        %dma_start3A_418 = arith.constant 0 : i32
        %dma_start3A_419 = arith.constant 0 : i32
        %dma_start3A_420 = tpu.memref_slice %arg2[%dma_start3A_418, %dma_start3A_419] : memref<10240x128xf32, #tpu.memory_space<hbm>> -> memref<10240x128xf32, #tpu.memory_space<hbm>>
        tpu.enqueue_indirect_dma source(%dma_start3A_420 : memref<10240x128xf32, #tpu.memory_space<hbm>>) target(%arg8 : memref<128x128xf32, #tpu.memory_space<vmem>>) offsets(%dma_start3A_417 : memref<128xi32, #tpu.memory_space<vmem>>) semaphore(%arg11 : memref<!tpu.dma_semaphore, #tpu.memory_space<semaphore_mem>>)
      } else {
      }
      %run_scoped3A_408 = arith.constant 0 : i32
      "tpu.region"() ({
        %run_scoped3A_410 = tpu.sem_alloc : memref<!tpu.dma_semaphore, #tpu.memory_space<semaphore_mem>>
        %dma_start3A_411 = arith.constant 0 : i32
        %dma_start3A_412 = tpu.memref_slice %arg7[%run_scoped3A_408, %add3A_383, %dma_start3A_411] : memref<2x16x128xi32, #tpu.memory_space<vmem>> -> memref<1x1x128xi32, #tpu.memory_space<vmem>>
        %dma_start3A_413 = tpu.memref_squeeze %dma_start3A_412 : memref<1x1x128xi32, #tpu.memory_space<vmem>> -> memref<128xi32, #tpu.memory_space<vmem>>
        %dma_start3A_414 = arith.constant 0 : i32
        %dma_start3A_415 = arith.constant 0 : i32
        %dma_start3A_416 = tpu.memref_slice %arg10[%dma_start3A_414, %dma_start3A_415] : memref<10240x128xf32, #tpu.memory_space<vmem_shared>> -> memref<10240x128xf32, #tpu.memory_space<vmem_shared>>
        tpu.enqueue_indirect_dma source(%arg9 : memref<128x128xf32, #tpu.memory_space<vmem>>) target(%dma_start3A_416 : memref<10240x128xf32, #tpu.memory_space<vmem_shared>>) offsets(%dma_start3A_413 : memref<128xi32, #tpu.memory_space<vmem>>) semaphore(%run_scoped3A_410 : memref<!tpu.dma_semaphore, #tpu.memory_space<semaphore_mem>>) {add = true}
        %dma_wait3A_417 = arith.constant 0 : i32
        %dma_wait3A_418 = tpu.memref_slice %arg7[%run_scoped3A_408, %add3A_383, %dma_wait3A_417] : memref<2x16x128xi32, #tpu.memory_space<vmem>> -> memref<1x1x128xi32, #tpu.memory_space<vmem>>
        %dma_wait3A_419 = tpu.memref_squeeze %dma_wait3A_418 : memref<1x1x128xi32, #tpu.memory_space<vmem>> -> memref<128xi32, #tpu.memory_space<vmem>>
        %dma_wait3A_420 = arith.constant 0 : i32
        %dma_wait3A_421 = arith.constant 0 : i32
        %dma_wait3A_422 = tpu.memref_slice %arg10[%dma_wait3A_420, %dma_wait3A_421] : memref<10240x128xf32, #tpu.memory_space<vmem_shared>> -> memref<10240x128xf32, #tpu.memory_space<vmem_shared>>
        tpu.wait_indirect_dma semaphore(%run_scoped3A_410 : memref<!tpu.dma_semaphore, #tpu.memory_space<semaphore_mem>>) src(%arg9 : memref<128x128xf32, #tpu.memory_space<vmem>>) dst(%dma_wait3A_422 : memref<10240x128xf32, #tpu.memory_space<vmem_shared>>)
        tpu.yield
      }) : () -> ()
      %scan3A_409 = arith.constant 0 : i32
      scf.yield %scan3A_409 : i32
    }
    %scan3A_67 = arith.constant 8 : i32
    %dma_wait3A = arith.constant 1 : i32
    %dma_wait3A_68 = arith.constant 0 : i32
    %dma_wait3A_69 = arith.constant 0 : i32
    %dma_wait3A_70 = tpu.memref_slice %arg6[%dma_wait3A, %dma_wait3A_68, %dma_wait3A_69] : memref<2x16x128xi32, #tpu.memory_space<vmem>> -> memref<1x16x128xi32, #tpu.memory_space<vmem>>
    %dma_wait3A_71 = tpu.memref_squeeze %dma_wait3A_70 : memref<1x16x128xi32, #tpu.memory_space<vmem>> -> memref<16x128xi32, #tpu.memory_space<vmem>>
    %dma_wait3A_72 = arith.constant 16 : i32
    %dma_wait3A_73 = arith.constant 0 : i32
    %dma_wait3A_74 = tpu.memref_slice %arg3[%add3A, %dma_wait3A_72, %dma_wait3A_73] : memref<32x80x128xi32, #tpu.memory_space<hbm>> -> memref<1x16x128xi32, #tpu.memory_space<hbm>>
    %dma_wait3A_75 = tpu.memref_squeeze %dma_wait3A_74 : memref<1x16x128xi32, #tpu.memory_space<hbm>> -> memref<16x128xi32, #tpu.memory_space<hbm>>
    %dma_wait3A_76 = arith.constant 0 : i32
    %dma_wait3A_77 = arith.constant 0 : i32
    %dma_wait3A_78 = tpu.memref_slice %arg6[%dma_wait3A, %dma_wait3A_76, %dma_wait3A_77] : memref<2x16x128xi32, #tpu.memory_space<vmem>> -> memref<1x16x128xi32, #tpu.memory_space<vmem>>
    %dma_wait3A_79 = tpu.memref_squeeze %dma_wait3A_78 : memref<1x16x128xi32, #tpu.memory_space<vmem>> -> memref<16x128xi32, #tpu.memory_space<vmem>>
    %dma_wait3A_80 = arith.constant 16 : i32
    %dma_wait3A_81 = arith.constant 0 : i32
    %dma_wait3A_82 = tpu.memref_slice %arg3[%add3A, %dma_wait3A_80, %dma_wait3A_81] : memref<32x80x128xi32, #tpu.memory_space<hbm>> -> memref<1x16x128xi32, #tpu.memory_space<hbm>>
    %dma_wait3A_83 = tpu.memref_squeeze %dma_wait3A_82 : memref<1x16x128xi32, #tpu.memory_space<hbm>> -> memref<16x128xi32, #tpu.memory_space<hbm>>
    tpu.wait_dma2 semaphore(%arg13 : memref<!tpu.dma_semaphore, #tpu.memory_space<semaphore_mem>>) src(%dma_wait3A_83 : memref<16x128xi32, #tpu.memory_space<hbm>>) dst(%dma_wait3A_79 : memref<16x128xi32, #tpu.memory_space<vmem>>)
    %dma_wait3A_84 = arith.constant 1 : i32
    %dma_wait3A_85 = arith.constant 0 : i32
    %dma_wait3A_86 = arith.constant 0 : i32
    %dma_wait3A_87 = tpu.memref_slice %arg7[%dma_wait3A_84, %dma_wait3A_85, %dma_wait3A_86] : memref<2x16x128xi32, #tpu.memory_space<vmem>> -> memref<1x16x128xi32, #tpu.memory_space<vmem>>
    %dma_wait3A_88 = tpu.memref_squeeze %dma_wait3A_87 : memref<1x16x128xi32, #tpu.memory_space<vmem>> -> memref<16x128xi32, #tpu.memory_space<vmem>>
    %dma_wait3A_89 = arith.constant 16 : i32
    %dma_wait3A_90 = arith.constant 0 : i32
    %dma_wait3A_91 = tpu.memref_slice %arg4[%add3A, %dma_wait3A_89, %dma_wait3A_90] : memref<32x80x128xi32, #tpu.memory_space<hbm>> -> memref<1x16x128xi32, #tpu.memory_space<hbm>>
    %dma_wait3A_92 = tpu.memref_squeeze %dma_wait3A_91 : memref<1x16x128xi32, #tpu.memory_space<hbm>> -> memref<16x128xi32, #tpu.memory_space<hbm>>
    %dma_wait3A_93 = arith.constant 0 : i32
    %dma_wait3A_94 = arith.constant 0 : i32
    %dma_wait3A_95 = tpu.memref_slice %arg7[%dma_wait3A_84, %dma_wait3A_93, %dma_wait3A_94] : memref<2x16x128xi32, #tpu.memory_space<vmem>> -> memref<1x16x128xi32, #tpu.memory_space<vmem>>
    %dma_wait3A_96 = tpu.memref_squeeze %dma_wait3A_95 : memref<1x16x128xi32, #tpu.memory_space<vmem>> -> memref<16x128xi32, #tpu.memory_space<vmem>>
    %dma_wait3A_97 = arith.constant 16 : i32
    %dma_wait3A_98 = arith.constant 0 : i32
    %dma_wait3A_99 = tpu.memref_slice %arg4[%add3A, %dma_wait3A_97, %dma_wait3A_98] : memref<32x80x128xi32, #tpu.memory_space<hbm>> -> memref<1x16x128xi32, #tpu.memory_space<hbm>>
    %dma_wait3A_100 = tpu.memref_squeeze %dma_wait3A_99 : memref<1x16x128xi32, #tpu.memory_space<hbm>> -> memref<16x128xi32, #tpu.memory_space<hbm>>
    tpu.wait_dma2 semaphore(%arg14 : memref<!tpu.dma_semaphore, #tpu.memory_space<semaphore_mem>>) src(%dma_wait3A_100 : memref<16x128xi32, #tpu.memory_space<hbm>>) dst(%dma_wait3A_96 : memref<16x128xi32, #tpu.memory_space<vmem>>)
    %dma_start3A_101 = arith.constant 1 : i32
    %dma_start3A_102 = arith.constant 0 : i32
    %dma_start3A_103 = arith.constant 0 : i32
    %dma_start3A_104 = tpu.memref_slice %arg6[%dma_start3A_101, %dma_start3A_102, %dma_start3A_103] : memref<2x16x128xi32, #tpu.memory_space<vmem>> -> memref<1x1x128xi32, #tpu.memory_space<vmem>>
    %dma_start3A_105 = tpu.memref_squeeze %dma_start3A_104 : memref<1x1x128xi32, #tpu.memory_space<vmem>> -> memref<128xi32, #tpu.memory_space<vmem>>
    %dma_start3A_106 = arith.constant 0 : i32
    %dma_start3A_107 = arith.constant 0 : i32
    %dma_start3A_108 = tpu.memref_slice %arg2[%dma_start3A_106, %dma_start3A_107] : memref<10240x128xf32, #tpu.memory_space<hbm>> -> memref<10240x128xf32, #tpu.memory_space<hbm>>
    tpu.enqueue_indirect_dma source(%dma_start3A_108 : memref<10240x128xf32, #tpu.memory_space<hbm>>) target(%arg8 : memref<128x128xf32, #tpu.memory_space<vmem>>) offsets(%dma_start3A_105 : memref<128xi32, #tpu.memory_space<vmem>>) semaphore(%arg11 : memref<!tpu.dma_semaphore, #tpu.memory_space<semaphore_mem>>)
    %dma_start3A_109 = arith.constant 0 : i32
    %dma_start3A_110 = arith.constant 0 : i32
    %dma_start3A_111 = arith.constant 0 : i32
    %dma_start3A_112 = tpu.memref_slice %arg6[%dma_start3A_109, %dma_start3A_110, %dma_start3A_111] : memref<2x16x128xi32, #tpu.memory_space<vmem>> -> memref<1x16x128xi32, #tpu.memory_space<vmem>>
    %dma_start3A_113 = tpu.memref_squeeze %dma_start3A_112 : memref<1x16x128xi32, #tpu.memory_space<vmem>> -> memref<16x128xi32, #tpu.memory_space<vmem>>
    %dma_start3A_114 = arith.constant 32 : i32
    %dma_start3A_115 = arith.constant 0 : i32
    %dma_start3A_116 = tpu.memref_slice %arg3[%add3A, %dma_start3A_114, %dma_start3A_115] : memref<32x80x128xi32, #tpu.memory_space<hbm>> -> memref<1x16x128xi32, #tpu.memory_space<hbm>>
    %dma_start3A_117 = tpu.memref_squeeze %dma_start3A_116 : memref<1x16x128xi32, #tpu.memory_space<hbm>> -> memref<16x128xi32, #tpu.memory_space<hbm>>
    %dma_start3A_118 = arith.constant 0 : i32
    %dma_start3A_119 = arith.constant 0 : i32
    %dma_start3A_120 = tpu.memref_slice %arg6[%dma_start3A_109, %dma_start3A_118, %dma_start3A_119] : memref<2x16x128xi32, #tpu.memory_space<vmem>> -> memref<1x16x128xi32, #tpu.memory_space<vmem>>
    %dma_start3A_121 = tpu.memref_squeeze %dma_start3A_120 : memref<1x16x128xi32, #tpu.memory_space<vmem>> -> memref<16x128xi32, #tpu.memory_space<vmem>>
    %dma_start3A_122 = arith.constant 32 : i32
    %dma_start3A_123 = arith.constant 0 : i32
    %dma_start3A_124 = tpu.memref_slice %arg3[%add3A, %dma_start3A_122, %dma_start3A_123] : memref<32x80x128xi32, #tpu.memory_space<hbm>> -> memref<1x16x128xi32, #tpu.memory_space<hbm>>
    %dma_start3A_125 = tpu.memref_squeeze %dma_start3A_124 : memref<1x16x128xi32, #tpu.memory_space<hbm>> -> memref<16x128xi32, #tpu.memory_space<hbm>>
    tpu.enqueue_dma source(%dma_start3A_125 : memref<16x128xi32, #tpu.memory_space<hbm>>) target(%dma_start3A_121 : memref<16x128xi32, #tpu.memory_space<vmem>>) target_semaphore(%arg13 : memref<!tpu.dma_semaphore, #tpu.memory_space<semaphore_mem>>)
    %dma_start3A_126 = arith.constant 0 : i32
    %dma_start3A_127 = arith.constant 0 : i32
    %dma_start3A_128 = arith.constant 0 : i32
    %dma_start3A_129 = tpu.memref_slice %arg7[%dma_start3A_126, %dma_start3A_127, %dma_start3A_128] : memref<2x16x128xi32, #tpu.memory_space<vmem>> -> memref<1x16x128xi32, #tpu.memory_space<vmem>>
    %dma_start3A_130 = tpu.memref_squeeze %dma_start3A_129 : memref<1x16x128xi32, #tpu.memory_space<vmem>> -> memref<16x128xi32, #tpu.memory_space<vmem>>
    %dma_start3A_131 = arith.constant 32 : i32
    %dma_start3A_132 = arith.constant 0 : i32
    %dma_start3A_133 = tpu.memref_slice %arg4[%add3A, %dma_start3A_131, %dma_start3A_132] : memref<32x80x128xi32, #tpu.memory_space<hbm>> -> memref<1x16x128xi32, #tpu.memory_space<hbm>>
    %dma_start3A_134 = tpu.memref_squeeze %dma_start3A_133 : memref<1x16x128xi32, #tpu.memory_space<hbm>> -> memref<16x128xi32, #tpu.memory_space<hbm>>
    %dma_start3A_135 = arith.constant 0 : i32
    %dma_start3A_136 = arith.constant 0 : i32
    %dma_start3A_137 = tpu.memref_slice %arg7[%dma_start3A_126, %dma_start3A_135, %dma_start3A_136] : memref<2x16x128xi32, #tpu.memory_space<vmem>> -> memref<1x16x128xi32, #tpu.memory_space<vmem>>
    %dma_start3A_138 = tpu.memref_squeeze %dma_start3A_137 : memref<1x16x128xi32, #tpu.memory_space<vmem>> -> memref<16x128xi32, #tpu.memory_space<vmem>>
    %dma_start3A_139 = arith.constant 32 : i32
    %dma_start3A_140 = arith.constant 0 : i32
    %dma_start3A_141 = tpu.memref_slice %arg4[%add3A, %dma_start3A_139, %dma_start3A_140] : memref<32x80x128xi32, #tpu.memory_space<hbm>> -> memref<1x16x128xi32, #tpu.memory_space<hbm>>
    %dma_start3A_142 = tpu.memref_squeeze %dma_start3A_141 : memref<1x16x128xi32, #tpu.memory_space<hbm>> -> memref<16x128xi32, #tpu.memory_space<hbm>>
    tpu.enqueue_dma source(%dma_start3A_142 : memref<16x128xi32, #tpu.memory_space<hbm>>) target(%dma_start3A_138 : memref<16x128xi32, #tpu.memory_space<vmem>>) target_semaphore(%arg14 : memref<!tpu.dma_semaphore, #tpu.memory_space<semaphore_mem>>)
    %scan3A_143 = arith.constant 0 : i32
    %scan3A_144 = arith.constant 0 : i32
    %scan3A_145 = arith.constant 8 : i32
    %scan3A_146 = arith.addi %scan3A_144, %scan3A_145 : i32
    %scan3A_147 = arith.constant 1 : i32
    %scan3A_148 = scf.for %scan3A_376 = %scan3A_144 to %scan3A_146 step %scan3A_147 iter_args(%scan3A_377 = %scan3A_143) -> (i32)  : i32 {
      %mul3A_378 = arith.constant 2 : i32
      %mul3A_379 = arith.muli %mul3A_378, %scan3A_376 : i32
      %mul3A_380 = arith.constant 2 : i32
      %mul3A_381 = arith.muli %mul3A_380, %scan3A_376 : i32
      %add3A_382 = arith.constant 1 : i32
      %add3A_383 = arith.addi %mul3A_381, %add3A_382 : i32
      %dma_wait3A_384 = arith.constant 1 : i32
      %dma_wait3A_385 = arith.constant 0 : i32
      %dma_wait3A_386 = tpu.memref_slice %arg6[%dma_wait3A_384, %mul3A_379, %dma_wait3A_385] : memref<2x16x128xi32, #tpu.memory_space<vmem>> -> memref<1x1x128xi32, #tpu.memory_space<vmem>>
      %dma_wait3A_387 = tpu.memref_squeeze %dma_wait3A_386 : memref<1x1x128xi32, #tpu.memory_space<vmem>> -> memref<128xi32, #tpu.memory_space<vmem>>
      %dma_wait3A_388 = arith.constant 0 : i32
      %dma_wait3A_389 = arith.constant 0 : i32
      %dma_wait3A_390 = tpu.memref_slice %arg2[%dma_wait3A_388, %dma_wait3A_389] : memref<10240x128xf32, #tpu.memory_space<hbm>> -> memref<10240x128xf32, #tpu.memory_space<hbm>>
      tpu.wait_indirect_dma semaphore(%arg11 : memref<!tpu.dma_semaphore, #tpu.memory_space<semaphore_mem>>) src(%dma_wait3A_390 : memref<10240x128xf32, #tpu.memory_space<hbm>>) dst(%arg8 : memref<128x128xf32, #tpu.memory_space<vmem>>)
      %dma_start3A_391 = arith.constant 1 : i32
      %dma_start3A_392 = arith.constant 0 : i32
      %dma_start3A_393 = tpu.memref_slice %arg6[%dma_start3A_391, %add3A_383, %dma_start3A_392] : memref<2x16x128xi32, #tpu.memory_space<vmem>> -> memref<1x1x128xi32, #tpu.memory_space<vmem>>
      %dma_start3A_394 = tpu.memref_squeeze %dma_start3A_393 : memref<1x1x128xi32, #tpu.memory_space<vmem>> -> memref<128xi32, #tpu.memory_space<vmem>>
      %dma_start3A_395 = arith.constant 0 : i32
      %dma_start3A_396 = arith.constant 0 : i32
      %dma_start3A_397 = tpu.memref_slice %arg2[%dma_start3A_395, %dma_start3A_396] : memref<10240x128xf32, #tpu.memory_space<hbm>> -> memref<10240x128xf32, #tpu.memory_space<hbm>>
      tpu.enqueue_indirect_dma source(%dma_start3A_397 : memref<10240x128xf32, #tpu.memory_space<hbm>>) target(%arg9 : memref<128x128xf32, #tpu.memory_space<vmem>>) offsets(%dma_start3A_394 : memref<128xi32, #tpu.memory_space<vmem>>) semaphore(%arg12 : memref<!tpu.dma_semaphore, #tpu.memory_space<semaphore_mem>>)
      %run_scoped3A_398 = arith.constant 1 : i32
      "tpu.region"() ({
        %run_scoped3A_410 = tpu.sem_alloc : memref<!tpu.dma_semaphore, #tpu.memory_space<semaphore_mem>>
        %dma_start3A_411 = arith.constant 0 : i32
        %dma_start3A_412 = tpu.memref_slice %arg7[%run_scoped3A_398, %mul3A_379, %dma_start3A_411] : memref<2x16x128xi32, #tpu.memory_space<vmem>> -> memref<1x1x128xi32, #tpu.memory_space<vmem>>
        %dma_start3A_413 = tpu.memref_squeeze %dma_start3A_412 : memref<1x1x128xi32, #tpu.memory_space<vmem>> -> memref<128xi32, #tpu.memory_space<vmem>>
        %dma_start3A_414 = arith.constant 0 : i32
        %dma_start3A_415 = arith.constant 0 : i32
        %dma_start3A_416 = tpu.memref_slice %arg10[%dma_start3A_414, %dma_start3A_415] : memref<10240x128xf32, #tpu.memory_space<vmem_shared>> -> memref<10240x128xf32, #tpu.memory_space<vmem_shared>>
        tpu.enqueue_indirect_dma source(%arg8 : memref<128x128xf32, #tpu.memory_space<vmem>>) target(%dma_start3A_416 : memref<10240x128xf32, #tpu.memory_space<vmem_shared>>) offsets(%dma_start3A_413 : memref<128xi32, #tpu.memory_space<vmem>>) semaphore(%run_scoped3A_410 : memref<!tpu.dma_semaphore, #tpu.memory_space<semaphore_mem>>) {add = true}
        %dma_wait3A_417 = arith.constant 0 : i32
        %dma_wait3A_418 = tpu.memref_slice %arg7[%run_scoped3A_398, %mul3A_379, %dma_wait3A_417] : memref<2x16x128xi32, #tpu.memory_space<vmem>> -> memref<1x1x128xi32, #tpu.memory_space<vmem>>
        %dma_wait3A_419 = tpu.memref_squeeze %dma_wait3A_418 : memref<1x1x128xi32, #tpu.memory_space<vmem>> -> memref<128xi32, #tpu.memory_space<vmem>>
        %dma_wait3A_420 = arith.constant 0 : i32
        %dma_wait3A_421 = arith.constant 0 : i32
        %dma_wait3A_422 = tpu.memref_slice %arg10[%dma_wait3A_420, %dma_wait3A_421] : memref<10240x128xf32, #tpu.memory_space<vmem_shared>> -> memref<10240x128xf32, #tpu.memory_space<vmem_shared>>
        tpu.wait_indirect_dma semaphore(%run_scoped3A_410 : memref<!tpu.dma_semaphore, #tpu.memory_space<semaphore_mem>>) src(%arg8 : memref<128x128xf32, #tpu.memory_space<vmem>>) dst(%dma_wait3A_422 : memref<10240x128xf32, #tpu.memory_space<vmem_shared>>)
        tpu.yield
      }) : () -> ()
      %dma_wait3A_399 = arith.constant 1 : i32
      %dma_wait3A_400 = arith.constant 0 : i32
      %dma_wait3A_401 = tpu.memref_slice %arg6[%dma_wait3A_399, %add3A_383, %dma_wait3A_400] : memref<2x16x128xi32, #tpu.memory_space<vmem>> -> memref<1x1x128xi32, #tpu.memory_space<vmem>>
      %dma_wait3A_402 = tpu.memref_squeeze %dma_wait3A_401 : memref<1x1x128xi32, #tpu.memory_space<vmem>> -> memref<128xi32, #tpu.memory_space<vmem>>
      %dma_wait3A_403 = arith.constant 0 : i32
      %dma_wait3A_404 = arith.constant 0 : i32
      %dma_wait3A_405 = tpu.memref_slice %arg2[%dma_wait3A_403, %dma_wait3A_404] : memref<10240x128xf32, #tpu.memory_space<hbm>> -> memref<10240x128xf32, #tpu.memory_space<hbm>>
      tpu.wait_indirect_dma semaphore(%arg12 : memref<!tpu.dma_semaphore, #tpu.memory_space<semaphore_mem>>) src(%dma_wait3A_405 : memref<10240x128xf32, #tpu.memory_space<hbm>>) dst(%arg9 : memref<128x128xf32, #tpu.memory_space<vmem>>)
      %lt3A = arith.constant 7 : i32
      %lt3A_406 = arith.cmpi slt, %scan3A_376, %lt3A : i32
      %convert_element_type3A = arith.extui %lt3A_406 : i1 to i32
      %cond3A = arith.constant 0 : i32
      %cond3A_407 = arith.cmpi ne, %convert_element_type3A, %cond3A : i32
      scf.if %cond3A_407 {
        %mul3A_410 = arith.constant 2 : i32
        %mul3A_411 = arith.muli %mul3A_410, %scan3A_376 : i32
        %add3A_412 = arith.constant 2 : i32
        %add3A_413 = arith.addi %mul3A_411, %add3A_412 : i32
        %dma_start3A_414 = arith.constant 1 : i32
        %dma_start3A_415 = arith.constant 0 : i32
        %dma_start3A_416 = tpu.memref_slice %arg6[%dma_start3A_414, %add3A_413, %dma_start3A_415] : memref<2x16x128xi32, #tpu.memory_space<vmem>> -> memref<1x1x128xi32, #tpu.memory_space<vmem>>
        %dma_start3A_417 = tpu.memref_squeeze %dma_start3A_416 : memref<1x1x128xi32, #tpu.memory_space<vmem>> -> memref<128xi32, #tpu.memory_space<vmem>>
        %dma_start3A_418 = arith.constant 0 : i32
        %dma_start3A_419 = arith.constant 0 : i32
        %dma_start3A_420 = tpu.memref_slice %arg2[%dma_start3A_418, %dma_start3A_419] : memref<10240x128xf32, #tpu.memory_space<hbm>> -> memref<10240x128xf32, #tpu.memory_space<hbm>>
        tpu.enqueue_indirect_dma source(%dma_start3A_420 : memref<10240x128xf32, #tpu.memory_space<hbm>>) target(%arg8 : memref<128x128xf32, #tpu.memory_space<vmem>>) offsets(%dma_start3A_417 : memref<128xi32, #tpu.memory_space<vmem>>) semaphore(%arg11 : memref<!tpu.dma_semaphore, #tpu.memory_space<semaphore_mem>>)
      } else {
      }
      %run_scoped3A_408 = arith.constant 1 : i32
      "tpu.region"() ({
        %run_scoped3A_410 = tpu.sem_alloc : memref<!tpu.dma_semaphore, #tpu.memory_space<semaphore_mem>>
        %dma_start3A_411 = arith.constant 0 : i32
        %dma_start3A_412 = tpu.memref_slice %arg7[%run_scoped3A_408, %add3A_383, %dma_start3A_411] : memref<2x16x128xi32, #tpu.memory_space<vmem>> -> memref<1x1x128xi32, #tpu.memory_space<vmem>>
        %dma_start3A_413 = tpu.memref_squeeze %dma_start3A_412 : memref<1x1x128xi32, #tpu.memory_space<vmem>> -> memref<128xi32, #tpu.memory_space<vmem>>
        %dma_start3A_414 = arith.constant 0 : i32
        %dma_start3A_415 = arith.constant 0 : i32
        %dma_start3A_416 = tpu.memref_slice %arg10[%dma_start3A_414, %dma_start3A_415] : memref<10240x128xf32, #tpu.memory_space<vmem_shared>> -> memref<10240x128xf32, #tpu.memory_space<vmem_shared>>
        tpu.enqueue_indirect_dma source(%arg9 : memref<128x128xf32, #tpu.memory_space<vmem>>) target(%dma_start3A_416 : memref<10240x128xf32, #tpu.memory_space<vmem_shared>>) offsets(%dma_start3A_413 : memref<128xi32, #tpu.memory_space<vmem>>) semaphore(%run_scoped3A_410 : memref<!tpu.dma_semaphore, #tpu.memory_space<semaphore_mem>>) {add = true}
        %dma_wait3A_417 = arith.constant 0 : i32
        %dma_wait3A_418 = tpu.memref_slice %arg7[%run_scoped3A_408, %add3A_383, %dma_wait3A_417] : memref<2x16x128xi32, #tpu.memory_space<vmem>> -> memref<1x1x128xi32, #tpu.memory_space<vmem>>
        %dma_wait3A_419 = tpu.memref_squeeze %dma_wait3A_418 : memref<1x1x128xi32, #tpu.memory_space<vmem>> -> memref<128xi32, #tpu.memory_space<vmem>>
        %dma_wait3A_420 = arith.constant 0 : i32
        %dma_wait3A_421 = arith.constant 0 : i32
        %dma_wait3A_422 = tpu.memref_slice %arg10[%dma_wait3A_420, %dma_wait3A_421] : memref<10240x128xf32, #tpu.memory_space<vmem_shared>> -> memref<10240x128xf32, #tpu.memory_space<vmem_shared>>
        tpu.wait_indirect_dma semaphore(%run_scoped3A_410 : memref<!tpu.dma_semaphore, #tpu.memory_space<semaphore_mem>>) src(%arg9 : memref<128x128xf32, #tpu.memory_space<vmem>>) dst(%dma_wait3A_422 : memref<10240x128xf32, #tpu.memory_space<vmem_shared>>)
        tpu.yield
      }) : () -> ()
      %scan3A_409 = arith.constant 0 : i32
      scf.yield %scan3A_409 : i32
    }
    %scan3A_149 = arith.constant 8 : i32
    %dma_wait3A_150 = arith.constant 0 : i32
    %dma_wait3A_151 = arith.constant 0 : i32
    %dma_wait3A_152 = arith.constant 0 : i32
    %dma_wait3A_153 = tpu.memref_slice %arg6[%dma_wait3A_150, %dma_wait3A_151, %dma_wait3A_152] : memref<2x16x128xi32, #tpu.memory_space<vmem>> -> memref<1x16x128xi32, #tpu.memory_space<vmem>>
    %dma_wait3A_154 = tpu.memref_squeeze %dma_wait3A_153 : memref<1x16x128xi32, #tpu.memory_space<vmem>> -> memref<16x128xi32, #tpu.memory_space<vmem>>
    %dma_wait3A_155 = arith.constant 32 : i32
    %dma_wait3A_156 = arith.constant 0 : i32
    %dma_wait3A_157 = tpu.memref_slice %arg3[%add3A, %dma_wait3A_155, %dma_wait3A_156] : memref<32x80x128xi32, #tpu.memory_space<hbm>> -> memref<1x16x128xi32, #tpu.memory_space<hbm>>
    %dma_wait3A_158 = tpu.memref_squeeze %dma_wait3A_157 : memref<1x16x128xi32, #tpu.memory_space<hbm>> -> memref<16x128xi32, #tpu.memory_space<hbm>>
    %dma_wait3A_159 = arith.constant 0 : i32
    %dma_wait3A_160 = arith.constant 0 : i32
    %dma_wait3A_161 = tpu.memref_slice %arg6[%dma_wait3A_150, %dma_wait3A_159, %dma_wait3A_160] : memref<2x16x128xi32, #tpu.memory_space<vmem>> -> memref<1x16x128xi32, #tpu.memory_space<vmem>>
    %dma_wait3A_162 = tpu.memref_squeeze %dma_wait3A_161 : memref<1x16x128xi32, #tpu.memory_space<vmem>> -> memref<16x128xi32, #tpu.memory_space<vmem>>
    %dma_wait3A_163 = arith.constant 32 : i32
    %dma_wait3A_164 = arith.constant 0 : i32
    %dma_wait3A_165 = tpu.memref_slice %arg3[%add3A, %dma_wait3A_163, %dma_wait3A_164] : memref<32x80x128xi32, #tpu.memory_space<hbm>> -> memref<1x16x128xi32, #tpu.memory_space<hbm>>
    %dma_wait3A_166 = tpu.memref_squeeze %dma_wait3A_165 : memref<1x16x128xi32, #tpu.memory_space<hbm>> -> memref<16x128xi32, #tpu.memory_space<hbm>>
    tpu.wait_dma2 semaphore(%arg13 : memref<!tpu.dma_semaphore, #tpu.memory_space<semaphore_mem>>) src(%dma_wait3A_166 : memref<16x128xi32, #tpu.memory_space<hbm>>) dst(%dma_wait3A_162 : memref<16x128xi32, #tpu.memory_space<vmem>>)
    %dma_wait3A_167 = arith.constant 0 : i32
    %dma_wait3A_168 = arith.constant 0 : i32
    %dma_wait3A_169 = arith.constant 0 : i32
    %dma_wait3A_170 = tpu.memref_slice %arg7[%dma_wait3A_167, %dma_wait3A_168, %dma_wait3A_169] : memref<2x16x128xi32, #tpu.memory_space<vmem>> -> memref<1x16x128xi32, #tpu.memory_space<vmem>>
    %dma_wait3A_171 = tpu.memref_squeeze %dma_wait3A_170 : memref<1x16x128xi32, #tpu.memory_space<vmem>> -> memref<16x128xi32, #tpu.memory_space<vmem>>
    %dma_wait3A_172 = arith.constant 32 : i32
    %dma_wait3A_173 = arith.constant 0 : i32
    %dma_wait3A_174 = tpu.memref_slice %arg4[%add3A, %dma_wait3A_172, %dma_wait3A_173] : memref<32x80x128xi32, #tpu.memory_space<hbm>> -> memref<1x16x128xi32, #tpu.memory_space<hbm>>
    %dma_wait3A_175 = tpu.memref_squeeze %dma_wait3A_174 : memref<1x16x128xi32, #tpu.memory_space<hbm>> -> memref<16x128xi32, #tpu.memory_space<hbm>>
    %dma_wait3A_176 = arith.constant 0 : i32
    %dma_wait3A_177 = arith.constant 0 : i32
    %dma_wait3A_178 = tpu.memref_slice %arg7[%dma_wait3A_167, %dma_wait3A_176, %dma_wait3A_177] : memref<2x16x128xi32, #tpu.memory_space<vmem>> -> memref<1x16x128xi32, #tpu.memory_space<vmem>>
    %dma_wait3A_179 = tpu.memref_squeeze %dma_wait3A_178 : memref<1x16x128xi32, #tpu.memory_space<vmem>> -> memref<16x128xi32, #tpu.memory_space<vmem>>
    %dma_wait3A_180 = arith.constant 32 : i32
    %dma_wait3A_181 = arith.constant 0 : i32
    %dma_wait3A_182 = tpu.memref_slice %arg4[%add3A, %dma_wait3A_180, %dma_wait3A_181] : memref<32x80x128xi32, #tpu.memory_space<hbm>> -> memref<1x16x128xi32, #tpu.memory_space<hbm>>
    %dma_wait3A_183 = tpu.memref_squeeze %dma_wait3A_182 : memref<1x16x128xi32, #tpu.memory_space<hbm>> -> memref<16x128xi32, #tpu.memory_space<hbm>>
    tpu.wait_dma2 semaphore(%arg14 : memref<!tpu.dma_semaphore, #tpu.memory_space<semaphore_mem>>) src(%dma_wait3A_183 : memref<16x128xi32, #tpu.memory_space<hbm>>) dst(%dma_wait3A_179 : memref<16x128xi32, #tpu.memory_space<vmem>>)
    %dma_start3A_184 = arith.constant 0 : i32
    %dma_start3A_185 = arith.constant 0 : i32
    %dma_start3A_186 = arith.constant 0 : i32
    %dma_start3A_187 = tpu.memref_slice %arg6[%dma_start3A_184, %dma_start3A_185, %dma_start3A_186] : memref<2x16x128xi32, #tpu.memory_space<vmem>> -> memref<1x1x128xi32, #tpu.memory_space<vmem>>
    %dma_start3A_188 = tpu.memref_squeeze %dma_start3A_187 : memref<1x1x128xi32, #tpu.memory_space<vmem>> -> memref<128xi32, #tpu.memory_space<vmem>>
    %dma_start3A_189 = arith.constant 0 : i32
    %dma_start3A_190 = arith.constant 0 : i32
    %dma_start3A_191 = tpu.memref_slice %arg2[%dma_start3A_189, %dma_start3A_190] : memref<10240x128xf32, #tpu.memory_space<hbm>> -> memref<10240x128xf32, #tpu.memory_space<hbm>>
    tpu.enqueue_indirect_dma source(%dma_start3A_191 : memref<10240x128xf32, #tpu.memory_space<hbm>>) target(%arg8 : memref<128x128xf32, #tpu.memory_space<vmem>>) offsets(%dma_start3A_188 : memref<128xi32, #tpu.memory_space<vmem>>) semaphore(%arg11 : memref<!tpu.dma_semaphore, #tpu.memory_space<semaphore_mem>>)
    %dma_start3A_192 = arith.constant 1 : i32
    %dma_start3A_193 = arith.constant 0 : i32
    %dma_start3A_194 = arith.constant 0 : i32
    %dma_start3A_195 = tpu.memref_slice %arg6[%dma_start3A_192, %dma_start3A_193, %dma_start3A_194] : memref<2x16x128xi32, #tpu.memory_space<vmem>> -> memref<1x16x128xi32, #tpu.memory_space<vmem>>
    %dma_start3A_196 = tpu.memref_squeeze %dma_start3A_195 : memref<1x16x128xi32, #tpu.memory_space<vmem>> -> memref<16x128xi32, #tpu.memory_space<vmem>>
    %dma_start3A_197 = arith.constant 48 : i32
    %dma_start3A_198 = arith.constant 0 : i32
    %dma_start3A_199 = tpu.memref_slice %arg3[%add3A, %dma_start3A_197, %dma_start3A_198] : memref<32x80x128xi32, #tpu.memory_space<hbm>> -> memref<1x16x128xi32, #tpu.memory_space<hbm>>
    %dma_start3A_200 = tpu.memref_squeeze %dma_start3A_199 : memref<1x16x128xi32, #tpu.memory_space<hbm>> -> memref<16x128xi32, #tpu.memory_space<hbm>>
    %dma_start3A_201 = arith.constant 0 : i32
    %dma_start3A_202 = arith.constant 0 : i32
    %dma_start3A_203 = tpu.memref_slice %arg6[%dma_start3A_192, %dma_start3A_201, %dma_start3A_202] : memref<2x16x128xi32, #tpu.memory_space<vmem>> -> memref<1x16x128xi32, #tpu.memory_space<vmem>>
    %dma_start3A_204 = tpu.memref_squeeze %dma_start3A_203 : memref<1x16x128xi32, #tpu.memory_space<vmem>> -> memref<16x128xi32, #tpu.memory_space<vmem>>
    %dma_start3A_205 = arith.constant 48 : i32
    %dma_start3A_206 = arith.constant 0 : i32
    %dma_start3A_207 = tpu.memref_slice %arg3[%add3A, %dma_start3A_205, %dma_start3A_206] : memref<32x80x128xi32, #tpu.memory_space<hbm>> -> memref<1x16x128xi32, #tpu.memory_space<hbm>>
    %dma_start3A_208 = tpu.memref_squeeze %dma_start3A_207 : memref<1x16x128xi32, #tpu.memory_space<hbm>> -> memref<16x128xi32, #tpu.memory_space<hbm>>
    tpu.enqueue_dma source(%dma_start3A_208 : memref<16x128xi32, #tpu.memory_space<hbm>>) target(%dma_start3A_204 : memref<16x128xi32, #tpu.memory_space<vmem>>) target_semaphore(%arg13 : memref<!tpu.dma_semaphore, #tpu.memory_space<semaphore_mem>>)
    %dma_start3A_209 = arith.constant 1 : i32
    %dma_start3A_210 = arith.constant 0 : i32
    %dma_start3A_211 = arith.constant 0 : i32
    %dma_start3A_212 = tpu.memref_slice %arg7[%dma_start3A_209, %dma_start3A_210, %dma_start3A_211] : memref<2x16x128xi32, #tpu.memory_space<vmem>> -> memref<1x16x128xi32, #tpu.memory_space<vmem>>
    %dma_start3A_213 = tpu.memref_squeeze %dma_start3A_212 : memref<1x16x128xi32, #tpu.memory_space<vmem>> -> memref<16x128xi32, #tpu.memory_space<vmem>>
    %dma_start3A_214 = arith.constant 48 : i32
    %dma_start3A_215 = arith.constant 0 : i32
    %dma_start3A_216 = tpu.memref_slice %arg4[%add3A, %dma_start3A_214, %dma_start3A_215] : memref<32x80x128xi32, #tpu.memory_space<hbm>> -> memref<1x16x128xi32, #tpu.memory_space<hbm>>
    %dma_start3A_217 = tpu.memref_squeeze %dma_start3A_216 : memref<1x16x128xi32, #tpu.memory_space<hbm>> -> memref<16x128xi32, #tpu.memory_space<hbm>>
    %dma_start3A_218 = arith.constant 0 : i32
    %dma_start3A_219 = arith.constant 0 : i32
    %dma_start3A_220 = tpu.memref_slice %arg7[%dma_start3A_209, %dma_start3A_218, %dma_start3A_219] : memref<2x16x128xi32, #tpu.memory_space<vmem>> -> memref<1x16x128xi32, #tpu.memory_space<vmem>>
    %dma_start3A_221 = tpu.memref_squeeze %dma_start3A_220 : memref<1x16x128xi32, #tpu.memory_space<vmem>> -> memref<16x128xi32, #tpu.memory_space<vmem>>
    %dma_start3A_222 = arith.constant 48 : i32
    %dma_start3A_223 = arith.constant 0 : i32
    %dma_start3A_224 = tpu.memref_slice %arg4[%add3A, %dma_start3A_222, %dma_start3A_223] : memref<32x80x128xi32, #tpu.memory_space<hbm>> -> memref<1x16x128xi32, #tpu.memory_space<hbm>>
    %dma_start3A_225 = tpu.memref_squeeze %dma_start3A_224 : memref<1x16x128xi32, #tpu.memory_space<hbm>> -> memref<16x128xi32, #tpu.memory_space<hbm>>
    tpu.enqueue_dma source(%dma_start3A_225 : memref<16x128xi32, #tpu.memory_space<hbm>>) target(%dma_start3A_221 : memref<16x128xi32, #tpu.memory_space<vmem>>) target_semaphore(%arg14 : memref<!tpu.dma_semaphore, #tpu.memory_space<semaphore_mem>>)
    %scan3A_226 = arith.constant 0 : i32
    %scan3A_227 = arith.constant 0 : i32
    %scan3A_228 = arith.constant 8 : i32
    %scan3A_229 = arith.addi %scan3A_227, %scan3A_228 : i32
    %scan3A_230 = arith.constant 1 : i32
    %scan3A_231 = scf.for %scan3A_376 = %scan3A_227 to %scan3A_229 step %scan3A_230 iter_args(%scan3A_377 = %scan3A_226) -> (i32)  : i32 {
      %mul3A_378 = arith.constant 2 : i32
      %mul3A_379 = arith.muli %mul3A_378, %scan3A_376 : i32
      %mul3A_380 = arith.constant 2 : i32
      %mul3A_381 = arith.muli %mul3A_380, %scan3A_376 : i32
      %add3A_382 = arith.constant 1 : i32
      %add3A_383 = arith.addi %mul3A_381, %add3A_382 : i32
      %dma_wait3A_384 = arith.constant 0 : i32
      %dma_wait3A_385 = arith.constant 0 : i32
      %dma_wait3A_386 = tpu.memref_slice %arg6[%dma_wait3A_384, %mul3A_379, %dma_wait3A_385] : memref<2x16x128xi32, #tpu.memory_space<vmem>> -> memref<1x1x128xi32, #tpu.memory_space<vmem>>
      %dma_wait3A_387 = tpu.memref_squeeze %dma_wait3A_386 : memref<1x1x128xi32, #tpu.memory_space<vmem>> -> memref<128xi32, #tpu.memory_space<vmem>>
      %dma_wait3A_388 = arith.constant 0 : i32
      %dma_wait3A_389 = arith.constant 0 : i32
      %dma_wait3A_390 = tpu.memref_slice %arg2[%dma_wait3A_388, %dma_wait3A_389] : memref<10240x128xf32, #tpu.memory_space<hbm>> -> memref<10240x128xf32, #tpu.memory_space<hbm>>
      tpu.wait_indirect_dma semaphore(%arg11 : memref<!tpu.dma_semaphore, #tpu.memory_space<semaphore_mem>>) src(%dma_wait3A_390 : memref<10240x128xf32, #tpu.memory_space<hbm>>) dst(%arg8 : memref<128x128xf32, #tpu.memory_space<vmem>>)
      %dma_start3A_391 = arith.constant 0 : i32
      %dma_start3A_392 = arith.constant 0 : i32
      %dma_start3A_393 = tpu.memref_slice %arg6[%dma_start3A_391, %add3A_383, %dma_start3A_392] : memref<2x16x128xi32, #tpu.memory_space<vmem>> -> memref<1x1x128xi32, #tpu.memory_space<vmem>>
      %dma_start3A_394 = tpu.memref_squeeze %dma_start3A_393 : memref<1x1x128xi32, #tpu.memory_space<vmem>> -> memref<128xi32, #tpu.memory_space<vmem>>
      %dma_start3A_395 = arith.constant 0 : i32
      %dma_start3A_396 = arith.constant 0 : i32
      %dma_start3A_397 = tpu.memref_slice %arg2[%dma_start3A_395, %dma_start3A_396] : memref<10240x128xf32, #tpu.memory_space<hbm>> -> memref<10240x128xf32, #tpu.memory_space<hbm>>
      tpu.enqueue_indirect_dma source(%dma_start3A_397 : memref<10240x128xf32, #tpu.memory_space<hbm>>) target(%arg9 : memref<128x128xf32, #tpu.memory_space<vmem>>) offsets(%dma_start3A_394 : memref<128xi32, #tpu.memory_space<vmem>>) semaphore(%arg12 : memref<!tpu.dma_semaphore, #tpu.memory_space<semaphore_mem>>)
      %run_scoped3A_398 = arith.constant 0 : i32
      "tpu.region"() ({
        %run_scoped3A_410 = tpu.sem_alloc : memref<!tpu.dma_semaphore, #tpu.memory_space<semaphore_mem>>
        %dma_start3A_411 = arith.constant 0 : i32
        %dma_start3A_412 = tpu.memref_slice %arg7[%run_scoped3A_398, %mul3A_379, %dma_start3A_411] : memref<2x16x128xi32, #tpu.memory_space<vmem>> -> memref<1x1x128xi32, #tpu.memory_space<vmem>>
        %dma_start3A_413 = tpu.memref_squeeze %dma_start3A_412 : memref<1x1x128xi32, #tpu.memory_space<vmem>> -> memref<128xi32, #tpu.memory_space<vmem>>
        %dma_start3A_414 = arith.constant 0 : i32
        %dma_start3A_415 = arith.constant 0 : i32
        %dma_start3A_416 = tpu.memref_slice %arg10[%dma_start3A_414, %dma_start3A_415] : memref<10240x128xf32, #tpu.memory_space<vmem_shared>> -> memref<10240x128xf32, #tpu.memory_space<vmem_shared>>
        tpu.enqueue_indirect_dma source(%arg8 : memref<128x128xf32, #tpu.memory_space<vmem>>) target(%dma_start3A_416 : memref<10240x128xf32, #tpu.memory_space<vmem_shared>>) offsets(%dma_start3A_413 : memref<128xi32, #tpu.memory_space<vmem>>) semaphore(%run_scoped3A_410 : memref<!tpu.dma_semaphore, #tpu.memory_space<semaphore_mem>>) {add = true}
        %dma_wait3A_417 = arith.constant 0 : i32
        %dma_wait3A_418 = tpu.memref_slice %arg7[%run_scoped3A_398, %mul3A_379, %dma_wait3A_417] : memref<2x16x128xi32, #tpu.memory_space<vmem>> -> memref<1x1x128xi32, #tpu.memory_space<vmem>>
        %dma_wait3A_419 = tpu.memref_squeeze %dma_wait3A_418 : memref<1x1x128xi32, #tpu.memory_space<vmem>> -> memref<128xi32, #tpu.memory_space<vmem>>
        %dma_wait3A_420 = arith.constant 0 : i32
        %dma_wait3A_421 = arith.constant 0 : i32
        %dma_wait3A_422 = tpu.memref_slice %arg10[%dma_wait3A_420, %dma_wait3A_421] : memref<10240x128xf32, #tpu.memory_space<vmem_shared>> -> memref<10240x128xf32, #tpu.memory_space<vmem_shared>>
        tpu.wait_indirect_dma semaphore(%run_scoped3A_410 : memref<!tpu.dma_semaphore, #tpu.memory_space<semaphore_mem>>) src(%arg8 : memref<128x128xf32, #tpu.memory_space<vmem>>) dst(%dma_wait3A_422 : memref<10240x128xf32, #tpu.memory_space<vmem_shared>>)
        tpu.yield
      }) : () -> ()
      %dma_wait3A_399 = arith.constant 0 : i32
      %dma_wait3A_400 = arith.constant 0 : i32
      %dma_wait3A_401 = tpu.memref_slice %arg6[%dma_wait3A_399, %add3A_383, %dma_wait3A_400] : memref<2x16x128xi32, #tpu.memory_space<vmem>> -> memref<1x1x128xi32, #tpu.memory_space<vmem>>
      %dma_wait3A_402 = tpu.memref_squeeze %dma_wait3A_401 : memref<1x1x128xi32, #tpu.memory_space<vmem>> -> memref<128xi32, #tpu.memory_space<vmem>>
      %dma_wait3A_403 = arith.constant 0 : i32
      %dma_wait3A_404 = arith.constant 0 : i32
      %dma_wait3A_405 = tpu.memref_slice %arg2[%dma_wait3A_403, %dma_wait3A_404] : memref<10240x128xf32, #tpu.memory_space<hbm>> -> memref<10240x128xf32, #tpu.memory_space<hbm>>
      tpu.wait_indirect_dma semaphore(%arg12 : memref<!tpu.dma_semaphore, #tpu.memory_space<semaphore_mem>>) src(%dma_wait3A_405 : memref<10240x128xf32, #tpu.memory_space<hbm>>) dst(%arg9 : memref<128x128xf32, #tpu.memory_space<vmem>>)
      %lt3A = arith.constant 7 : i32
      %lt3A_406 = arith.cmpi slt, %scan3A_376, %lt3A : i32
      %convert_element_type3A = arith.extui %lt3A_406 : i1 to i32
      %cond3A = arith.constant 0 : i32
      %cond3A_407 = arith.cmpi ne, %convert_element_type3A, %cond3A : i32
      scf.if %cond3A_407 {
        %mul3A_410 = arith.constant 2 : i32
        %mul3A_411 = arith.muli %mul3A_410, %scan3A_376 : i32
        %add3A_412 = arith.constant 2 : i32
        %add3A_413 = arith.addi %mul3A_411, %add3A_412 : i32
        %dma_start3A_414 = arith.constant 0 : i32
        %dma_start3A_415 = arith.constant 0 : i32
        %dma_start3A_416 = tpu.memref_slice %arg6[%dma_start3A_414, %add3A_413, %dma_start3A_415] : memref<2x16x128xi32, #tpu.memory_space<vmem>> -> memref<1x1x128xi32, #tpu.memory_space<vmem>>
        %dma_start3A_417 = tpu.memref_squeeze %dma_start3A_416 : memref<1x1x128xi32, #tpu.memory_space<vmem>> -> memref<128xi32, #tpu.memory_space<vmem>>
        %dma_start3A_418 = arith.constant 0 : i32
        %dma_start3A_419 = arith.constant 0 : i32
        %dma_start3A_420 = tpu.memref_slice %arg2[%dma_start3A_418, %dma_start3A_419] : memref<10240x128xf32, #tpu.memory_space<hbm>> -> memref<10240x128xf32, #tpu.memory_space<hbm>>
        tpu.enqueue_indirect_dma source(%dma_start3A_420 : memref<10240x128xf32, #tpu.memory_space<hbm>>) target(%arg8 : memref<128x128xf32, #tpu.memory_space<vmem>>) offsets(%dma_start3A_417 : memref<128xi32, #tpu.memory_space<vmem>>) semaphore(%arg11 : memref<!tpu.dma_semaphore, #tpu.memory_space<semaphore_mem>>)
      } else {
      }
      %run_scoped3A_408 = arith.constant 0 : i32
      "tpu.region"() ({
        %run_scoped3A_410 = tpu.sem_alloc : memref<!tpu.dma_semaphore, #tpu.memory_space<semaphore_mem>>
        %dma_start3A_411 = arith.constant 0 : i32
        %dma_start3A_412 = tpu.memref_slice %arg7[%run_scoped3A_408, %add3A_383, %dma_start3A_411] : memref<2x16x128xi32, #tpu.memory_space<vmem>> -> memref<1x1x128xi32, #tpu.memory_space<vmem>>
        %dma_start3A_413 = tpu.memref_squeeze %dma_start3A_412 : memref<1x1x128xi32, #tpu.memory_space<vmem>> -> memref<128xi32, #tpu.memory_space<vmem>>
        %dma_start3A_414 = arith.constant 0 : i32
        %dma_start3A_415 = arith.constant 0 : i32
        %dma_start3A_416 = tpu.memref_slice %arg10[%dma_start3A_414, %dma_start3A_415] : memref<10240x128xf32, #tpu.memory_space<vmem_shared>> -> memref<10240x128xf32, #tpu.memory_space<vmem_shared>>
        tpu.enqueue_indirect_dma source(%arg9 : memref<128x128xf32, #tpu.memory_space<vmem>>) target(%dma_start3A_416 : memref<10240x128xf32, #tpu.memory_space<vmem_shared>>) offsets(%dma_start3A_413 : memref<128xi32, #tpu.memory_space<vmem>>) semaphore(%run_scoped3A_410 : memref<!tpu.dma_semaphore, #tpu.memory_space<semaphore_mem>>) {add = true}
        %dma_wait3A_417 = arith.constant 0 : i32
        %dma_wait3A_418 = tpu.memref_slice %arg7[%run_scoped3A_408, %add3A_383, %dma_wait3A_417] : memref<2x16x128xi32, #tpu.memory_space<vmem>> -> memref<1x1x128xi32, #tpu.memory_space<vmem>>
        %dma_wait3A_419 = tpu.memref_squeeze %dma_wait3A_418 : memref<1x1x128xi32, #tpu.memory_space<vmem>> -> memref<128xi32, #tpu.memory_space<vmem>>
        %dma_wait3A_420 = arith.constant 0 : i32
        %dma_wait3A_421 = arith.constant 0 : i32
        %dma_wait3A_422 = tpu.memref_slice %arg10[%dma_wait3A_420, %dma_wait3A_421] : memref<10240x128xf32, #tpu.memory_space<vmem_shared>> -> memref<10240x128xf32, #tpu.memory_space<vmem_shared>>
        tpu.wait_indirect_dma semaphore(%run_scoped3A_410 : memref<!tpu.dma_semaphore, #tpu.memory_space<semaphore_mem>>) src(%arg9 : memref<128x128xf32, #tpu.memory_space<vmem>>) dst(%dma_wait3A_422 : memref<10240x128xf32, #tpu.memory_space<vmem_shared>>)
        tpu.yield
      }) : () -> ()
      %scan3A_409 = arith.constant 0 : i32
      scf.yield %scan3A_409 : i32
    }
    %scan3A_232 = arith.constant 8 : i32
    %dma_wait3A_233 = arith.constant 1 : i32
    %dma_wait3A_234 = arith.constant 0 : i32
    %dma_wait3A_235 = arith.constant 0 : i32
    %dma_wait3A_236 = tpu.memref_slice %arg6[%dma_wait3A_233, %dma_wait3A_234, %dma_wait3A_235] : memref<2x16x128xi32, #tpu.memory_space<vmem>> -> memref<1x16x128xi32, #tpu.memory_space<vmem>>
    %dma_wait3A_237 = tpu.memref_squeeze %dma_wait3A_236 : memref<1x16x128xi32, #tpu.memory_space<vmem>> -> memref<16x128xi32, #tpu.memory_space<vmem>>
    %dma_wait3A_238 = arith.constant 48 : i32
    %dma_wait3A_239 = arith.constant 0 : i32
    %dma_wait3A_240 = tpu.memref_slice %arg3[%add3A, %dma_wait3A_238, %dma_wait3A_239] : memref<32x80x128xi32, #tpu.memory_space<hbm>> -> memref<1x16x128xi32, #tpu.memory_space<hbm>>
    %dma_wait3A_241 = tpu.memref_squeeze %dma_wait3A_240 : memref<1x16x128xi32, #tpu.memory_space<hbm>> -> memref<16x128xi32, #tpu.memory_space<hbm>>
    %dma_wait3A_242 = arith.constant 0 : i32
    %dma_wait3A_243 = arith.constant 0 : i32
    %dma_wait3A_244 = tpu.memref_slice %arg6[%dma_wait3A_233, %dma_wait3A_242, %dma_wait3A_243] : memref<2x16x128xi32, #tpu.memory_space<vmem>> -> memref<1x16x128xi32, #tpu.memory_space<vmem>>
    %dma_wait3A_245 = tpu.memref_squeeze %dma_wait3A_244 : memref<1x16x128xi32, #tpu.memory_space<vmem>> -> memref<16x128xi32, #tpu.memory_space<vmem>>
    %dma_wait3A_246 = arith.constant 48 : i32
    %dma_wait3A_247 = arith.constant 0 : i32
    %dma_wait3A_248 = tpu.memref_slice %arg3[%add3A, %dma_wait3A_246, %dma_wait3A_247] : memref<32x80x128xi32, #tpu.memory_space<hbm>> -> memref<1x16x128xi32, #tpu.memory_space<hbm>>
    %dma_wait3A_249 = tpu.memref_squeeze %dma_wait3A_248 : memref<1x16x128xi32, #tpu.memory_space<hbm>> -> memref<16x128xi32, #tpu.memory_space<hbm>>
    tpu.wait_dma2 semaphore(%arg13 : memref<!tpu.dma_semaphore, #tpu.memory_space<semaphore_mem>>) src(%dma_wait3A_249 : memref<16x128xi32, #tpu.memory_space<hbm>>) dst(%dma_wait3A_245 : memref<16x128xi32, #tpu.memory_space<vmem>>)
    %dma_wait3A_250 = arith.constant 1 : i32
    %dma_wait3A_251 = arith.constant 0 : i32
    %dma_wait3A_252 = arith.constant 0 : i32
    %dma_wait3A_253 = tpu.memref_slice %arg7[%dma_wait3A_250, %dma_wait3A_251, %dma_wait3A_252] : memref<2x16x128xi32, #tpu.memory_space<vmem>> -> memref<1x16x128xi32, #tpu.memory_space<vmem>>
    %dma_wait3A_254 = tpu.memref_squeeze %dma_wait3A_253 : memref<1x16x128xi32, #tpu.memory_space<vmem>> -> memref<16x128xi32, #tpu.memory_space<vmem>>
    %dma_wait3A_255 = arith.constant 48 : i32
    %dma_wait3A_256 = arith.constant 0 : i32
    %dma_wait3A_257 = tpu.memref_slice %arg4[%add3A, %dma_wait3A_255, %dma_wait3A_256] : memref<32x80x128xi32, #tpu.memory_space<hbm>> -> memref<1x16x128xi32, #tpu.memory_space<hbm>>
    %dma_wait3A_258 = tpu.memref_squeeze %dma_wait3A_257 : memref<1x16x128xi32, #tpu.memory_space<hbm>> -> memref<16x128xi32, #tpu.memory_space<hbm>>
    %dma_wait3A_259 = arith.constant 0 : i32
    %dma_wait3A_260 = arith.constant 0 : i32
    %dma_wait3A_261 = tpu.memref_slice %arg7[%dma_wait3A_250, %dma_wait3A_259, %dma_wait3A_260] : memref<2x16x128xi32, #tpu.memory_space<vmem>> -> memref<1x16x128xi32, #tpu.memory_space<vmem>>
    %dma_wait3A_262 = tpu.memref_squeeze %dma_wait3A_261 : memref<1x16x128xi32, #tpu.memory_space<vmem>> -> memref<16x128xi32, #tpu.memory_space<vmem>>
    %dma_wait3A_263 = arith.constant 48 : i32
    %dma_wait3A_264 = arith.constant 0 : i32
    %dma_wait3A_265 = tpu.memref_slice %arg4[%add3A, %dma_wait3A_263, %dma_wait3A_264] : memref<32x80x128xi32, #tpu.memory_space<hbm>> -> memref<1x16x128xi32, #tpu.memory_space<hbm>>
    %dma_wait3A_266 = tpu.memref_squeeze %dma_wait3A_265 : memref<1x16x128xi32, #tpu.memory_space<hbm>> -> memref<16x128xi32, #tpu.memory_space<hbm>>
    tpu.wait_dma2 semaphore(%arg14 : memref<!tpu.dma_semaphore, #tpu.memory_space<semaphore_mem>>) src(%dma_wait3A_266 : memref<16x128xi32, #tpu.memory_space<hbm>>) dst(%dma_wait3A_262 : memref<16x128xi32, #tpu.memory_space<vmem>>)
    %dma_start3A_267 = arith.constant 1 : i32
    %dma_start3A_268 = arith.constant 0 : i32
    %dma_start3A_269 = arith.constant 0 : i32
    %dma_start3A_270 = tpu.memref_slice %arg6[%dma_start3A_267, %dma_start3A_268, %dma_start3A_269] : memref<2x16x128xi32, #tpu.memory_space<vmem>> -> memref<1x1x128xi32, #tpu.memory_space<vmem>>
    %dma_start3A_271 = tpu.memref_squeeze %dma_start3A_270 : memref<1x1x128xi32, #tpu.memory_space<vmem>> -> memref<128xi32, #tpu.memory_space<vmem>>
    %dma_start3A_272 = arith.constant 0 : i32
    %dma_start3A_273 = arith.constant 0 : i32
    %dma_start3A_274 = tpu.memref_slice %arg2[%dma_start3A_272, %dma_start3A_273] : memref<10240x128xf32, #tpu.memory_space<hbm>> -> memref<10240x128xf32, #tpu.memory_space<hbm>>
    tpu.enqueue_indirect_dma source(%dma_start3A_274 : memref<10240x128xf32, #tpu.memory_space<hbm>>) target(%arg8 : memref<128x128xf32, #tpu.memory_space<vmem>>) offsets(%dma_start3A_271 : memref<128xi32, #tpu.memory_space<vmem>>) semaphore(%arg11 : memref<!tpu.dma_semaphore, #tpu.memory_space<semaphore_mem>>)
    %dma_start3A_275 = arith.constant 0 : i32
    %dma_start3A_276 = arith.constant 0 : i32
    %dma_start3A_277 = arith.constant 0 : i32
    %dma_start3A_278 = tpu.memref_slice %arg6[%dma_start3A_275, %dma_start3A_276, %dma_start3A_277] : memref<2x16x128xi32, #tpu.memory_space<vmem>> -> memref<1x16x128xi32, #tpu.memory_space<vmem>>
    %dma_start3A_279 = tpu.memref_squeeze %dma_start3A_278 : memref<1x16x128xi32, #tpu.memory_space<vmem>> -> memref<16x128xi32, #tpu.memory_space<vmem>>
    %dma_start3A_280 = arith.constant 64 : i32
    %dma_start3A_281 = arith.constant 0 : i32
    %dma_start3A_282 = tpu.memref_slice %arg3[%add3A, %dma_start3A_280, %dma_start3A_281] : memref<32x80x128xi32, #tpu.memory_space<hbm>> -> memref<1x16x128xi32, #tpu.memory_space<hbm>>
    %dma_start3A_283 = tpu.memref_squeeze %dma_start3A_282 : memref<1x16x128xi32, #tpu.memory_space<hbm>> -> memref<16x128xi32, #tpu.memory_space<hbm>>
    %dma_start3A_284 = arith.constant 0 : i32
    %dma_start3A_285 = arith.constant 0 : i32
    %dma_start3A_286 = tpu.memref_slice %arg6[%dma_start3A_275, %dma_start3A_284, %dma_start3A_285] : memref<2x16x128xi32, #tpu.memory_space<vmem>> -> memref<1x16x128xi32, #tpu.memory_space<vmem>>
    %dma_start3A_287 = tpu.memref_squeeze %dma_start3A_286 : memref<1x16x128xi32, #tpu.memory_space<vmem>> -> memref<16x128xi32, #tpu.memory_space<vmem>>
    %dma_start3A_288 = arith.constant 64 : i32
    %dma_start3A_289 = arith.constant 0 : i32
    %dma_start3A_290 = tpu.memref_slice %arg3[%add3A, %dma_start3A_288, %dma_start3A_289] : memref<32x80x128xi32, #tpu.memory_space<hbm>> -> memref<1x16x128xi32, #tpu.memory_space<hbm>>
    %dma_start3A_291 = tpu.memref_squeeze %dma_start3A_290 : memref<1x16x128xi32, #tpu.memory_space<hbm>> -> memref<16x128xi32, #tpu.memory_space<hbm>>
    tpu.enqueue_dma source(%dma_start3A_291 : memref<16x128xi32, #tpu.memory_space<hbm>>) target(%dma_start3A_287 : memref<16x128xi32, #tpu.memory_space<vmem>>) target_semaphore(%arg13 : memref<!tpu.dma_semaphore, #tpu.memory_space<semaphore_mem>>)
    %dma_start3A_292 = arith.constant 0 : i32
    %dma_start3A_293 = arith.constant 0 : i32
    %dma_start3A_294 = arith.constant 0 : i32
    %dma_start3A_295 = tpu.memref_slice %arg7[%dma_start3A_292, %dma_start3A_293, %dma_start3A_294] : memref<2x16x128xi32, #tpu.memory_space<vmem>> -> memref<1x16x128xi32, #tpu.memory_space<vmem>>
    %dma_start3A_296 = tpu.memref_squeeze %dma_start3A_295 : memref<1x16x128xi32, #tpu.memory_space<vmem>> -> memref<16x128xi32, #tpu.memory_space<vmem>>
    %dma_start3A_297 = arith.constant 64 : i32
    %dma_start3A_298 = arith.constant 0 : i32
    %dma_start3A_299 = tpu.memref_slice %arg4[%add3A, %dma_start3A_297, %dma_start3A_298] : memref<32x80x128xi32, #tpu.memory_space<hbm>> -> memref<1x16x128xi32, #tpu.memory_space<hbm>>
    %dma_start3A_300 = tpu.memref_squeeze %dma_start3A_299 : memref<1x16x128xi32, #tpu.memory_space<hbm>> -> memref<16x128xi32, #tpu.memory_space<hbm>>
    %dma_start3A_301 = arith.constant 0 : i32
    %dma_start3A_302 = arith.constant 0 : i32
    %dma_start3A_303 = tpu.memref_slice %arg7[%dma_start3A_292, %dma_start3A_301, %dma_start3A_302] : memref<2x16x128xi32, #tpu.memory_space<vmem>> -> memref<1x16x128xi32, #tpu.memory_space<vmem>>
    %dma_start3A_304 = tpu.memref_squeeze %dma_start3A_303 : memref<1x16x128xi32, #tpu.memory_space<vmem>> -> memref<16x128xi32, #tpu.memory_space<vmem>>
    %dma_start3A_305 = arith.constant 64 : i32
    %dma_start3A_306 = arith.constant 0 : i32
    %dma_start3A_307 = tpu.memref_slice %arg4[%add3A, %dma_start3A_305, %dma_start3A_306] : memref<32x80x128xi32, #tpu.memory_space<hbm>> -> memref<1x16x128xi32, #tpu.memory_space<hbm>>
    %dma_start3A_308 = tpu.memref_squeeze %dma_start3A_307 : memref<1x16x128xi32, #tpu.memory_space<hbm>> -> memref<16x128xi32, #tpu.memory_space<hbm>>
    tpu.enqueue_dma source(%dma_start3A_308 : memref<16x128xi32, #tpu.memory_space<hbm>>) target(%dma_start3A_304 : memref<16x128xi32, #tpu.memory_space<vmem>>) target_semaphore(%arg14 : memref<!tpu.dma_semaphore, #tpu.memory_space<semaphore_mem>>)
    %scan3A_309 = arith.constant 0 : i32
    %scan3A_310 = arith.constant 0 : i32
    %scan3A_311 = arith.constant 8 : i32
    %scan3A_312 = arith.addi %scan3A_310, %scan3A_311 : i32
    %scan3A_313 = arith.constant 1 : i32
    %scan3A_314 = scf.for %scan3A_376 = %scan3A_310 to %scan3A_312 step %scan3A_313 iter_args(%scan3A_377 = %scan3A_309) -> (i32)  : i32 {
      %mul3A_378 = arith.constant 2 : i32
      %mul3A_379 = arith.muli %mul3A_378, %scan3A_376 : i32
      %mul3A_380 = arith.constant 2 : i32
      %mul3A_381 = arith.muli %mul3A_380, %scan3A_376 : i32
      %add3A_382 = arith.constant 1 : i32
      %add3A_383 = arith.addi %mul3A_381, %add3A_382 : i32
      %dma_wait3A_384 = arith.constant 1 : i32
      %dma_wait3A_385 = arith.constant 0 : i32
      %dma_wait3A_386 = tpu.memref_slice %arg6[%dma_wait3A_384, %mul3A_379, %dma_wait3A_385] : memref<2x16x128xi32, #tpu.memory_space<vmem>> -> memref<1x1x128xi32, #tpu.memory_space<vmem>>
      %dma_wait3A_387 = tpu.memref_squeeze %dma_wait3A_386 : memref<1x1x128xi32, #tpu.memory_space<vmem>> -> memref<128xi32, #tpu.memory_space<vmem>>
      %dma_wait3A_388 = arith.constant 0 : i32
      %dma_wait3A_389 = arith.constant 0 : i32
      %dma_wait3A_390 = tpu.memref_slice %arg2[%dma_wait3A_388, %dma_wait3A_389] : memref<10240x128xf32, #tpu.memory_space<hbm>> -> memref<10240x128xf32, #tpu.memory_space<hbm>>
      tpu.wait_indirect_dma semaphore(%arg11 : memref<!tpu.dma_semaphore, #tpu.memory_space<semaphore_mem>>) src(%dma_wait3A_390 : memref<10240x128xf32, #tpu.memory_space<hbm>>) dst(%arg8 : memref<128x128xf32, #tpu.memory_space<vmem>>)
      %dma_start3A_391 = arith.constant 1 : i32
      %dma_start3A_392 = arith.constant 0 : i32
      %dma_start3A_393 = tpu.memref_slice %arg6[%dma_start3A_391, %add3A_383, %dma_start3A_392] : memref<2x16x128xi32, #tpu.memory_space<vmem>> -> memref<1x1x128xi32, #tpu.memory_space<vmem>>
      %dma_start3A_394 = tpu.memref_squeeze %dma_start3A_393 : memref<1x1x128xi32, #tpu.memory_space<vmem>> -> memref<128xi32, #tpu.memory_space<vmem>>
      %dma_start3A_395 = arith.constant 0 : i32
      %dma_start3A_396 = arith.constant 0 : i32
      %dma_start3A_397 = tpu.memref_slice %arg2[%dma_start3A_395, %dma_start3A_396] : memref<10240x128xf32, #tpu.memory_space<hbm>> -> memref<10240x128xf32, #tpu.memory_space<hbm>>
      tpu.enqueue_indirect_dma source(%dma_start3A_397 : memref<10240x128xf32, #tpu.memory_space<hbm>>) target(%arg9 : memref<128x128xf32, #tpu.memory_space<vmem>>) offsets(%dma_start3A_394 : memref<128xi32, #tpu.memory_space<vmem>>) semaphore(%arg12 : memref<!tpu.dma_semaphore, #tpu.memory_space<semaphore_mem>>)
      %run_scoped3A_398 = arith.constant 1 : i32
      "tpu.region"() ({
        %run_scoped3A_410 = tpu.sem_alloc : memref<!tpu.dma_semaphore, #tpu.memory_space<semaphore_mem>>
        %dma_start3A_411 = arith.constant 0 : i32
        %dma_start3A_412 = tpu.memref_slice %arg7[%run_scoped3A_398, %mul3A_379, %dma_start3A_411] : memref<2x16x128xi32, #tpu.memory_space<vmem>> -> memref<1x1x128xi32, #tpu.memory_space<vmem>>
        %dma_start3A_413 = tpu.memref_squeeze %dma_start3A_412 : memref<1x1x128xi32, #tpu.memory_space<vmem>> -> memref<128xi32, #tpu.memory_space<vmem>>
        %dma_start3A_414 = arith.constant 0 : i32
        %dma_start3A_415 = arith.constant 0 : i32
        %dma_start3A_416 = tpu.memref_slice %arg10[%dma_start3A_414, %dma_start3A_415] : memref<10240x128xf32, #tpu.memory_space<vmem_shared>> -> memref<10240x128xf32, #tpu.memory_space<vmem_shared>>
        tpu.enqueue_indirect_dma source(%arg8 : memref<128x128xf32, #tpu.memory_space<vmem>>) target(%dma_start3A_416 : memref<10240x128xf32, #tpu.memory_space<vmem_shared>>) offsets(%dma_start3A_413 : memref<128xi32, #tpu.memory_space<vmem>>) semaphore(%run_scoped3A_410 : memref<!tpu.dma_semaphore, #tpu.memory_space<semaphore_mem>>) {add = true}
        %dma_wait3A_417 = arith.constant 0 : i32
        %dma_wait3A_418 = tpu.memref_slice %arg7[%run_scoped3A_398, %mul3A_379, %dma_wait3A_417] : memref<2x16x128xi32, #tpu.memory_space<vmem>> -> memref<1x1x128xi32, #tpu.memory_space<vmem>>
        %dma_wait3A_419 = tpu.memref_squeeze %dma_wait3A_418 : memref<1x1x128xi32, #tpu.memory_space<vmem>> -> memref<128xi32, #tpu.memory_space<vmem>>
        %dma_wait3A_420 = arith.constant 0 : i32
        %dma_wait3A_421 = arith.constant 0 : i32
        %dma_wait3A_422 = tpu.memref_slice %arg10[%dma_wait3A_420, %dma_wait3A_421] : memref<10240x128xf32, #tpu.memory_space<vmem_shared>> -> memref<10240x128xf32, #tpu.memory_space<vmem_shared>>
        tpu.wait_indirect_dma semaphore(%run_scoped3A_410 : memref<!tpu.dma_semaphore, #tpu.memory_space<semaphore_mem>>) src(%arg8 : memref<128x128xf32, #tpu.memory_space<vmem>>) dst(%dma_wait3A_422 : memref<10240x128xf32, #tpu.memory_space<vmem_shared>>)
        tpu.yield
      }) : () -> ()
      %dma_wait3A_399 = arith.constant 1 : i32
      %dma_wait3A_400 = arith.constant 0 : i32
      %dma_wait3A_401 = tpu.memref_slice %arg6[%dma_wait3A_399, %add3A_383, %dma_wait3A_400] : memref<2x16x128xi32, #tpu.memory_space<vmem>> -> memref<1x1x128xi32, #tpu.memory_space<vmem>>
      %dma_wait3A_402 = tpu.memref_squeeze %dma_wait3A_401 : memref<1x1x128xi32, #tpu.memory_space<vmem>> -> memref<128xi32, #tpu.memory_space<vmem>>
      %dma_wait3A_403 = arith.constant 0 : i32
      %dma_wait3A_404 = arith.constant 0 : i32
      %dma_wait3A_405 = tpu.memref_slice %arg2[%dma_wait3A_403, %dma_wait3A_404] : memref<10240x128xf32, #tpu.memory_space<hbm>> -> memref<10240x128xf32, #tpu.memory_space<hbm>>
      tpu.wait_indirect_dma semaphore(%arg12 : memref<!tpu.dma_semaphore, #tpu.memory_space<semaphore_mem>>) src(%dma_wait3A_405 : memref<10240x128xf32, #tpu.memory_space<hbm>>) dst(%arg9 : memref<128x128xf32, #tpu.memory_space<vmem>>)
      %lt3A = arith.constant 7 : i32
      %lt3A_406 = arith.cmpi slt, %scan3A_376, %lt3A : i32
      %convert_element_type3A = arith.extui %lt3A_406 : i1 to i32
      %cond3A = arith.constant 0 : i32
      %cond3A_407 = arith.cmpi ne, %convert_element_type3A, %cond3A : i32
      scf.if %cond3A_407 {
        %mul3A_410 = arith.constant 2 : i32
        %mul3A_411 = arith.muli %mul3A_410, %scan3A_376 : i32
        %add3A_412 = arith.constant 2 : i32
        %add3A_413 = arith.addi %mul3A_411, %add3A_412 : i32
        %dma_start3A_414 = arith.constant 1 : i32
        %dma_start3A_415 = arith.constant 0 : i32
        %dma_start3A_416 = tpu.memref_slice %arg6[%dma_start3A_414, %add3A_413, %dma_start3A_415] : memref<2x16x128xi32, #tpu.memory_space<vmem>> -> memref<1x1x128xi32, #tpu.memory_space<vmem>>
        %dma_start3A_417 = tpu.memref_squeeze %dma_start3A_416 : memref<1x1x128xi32, #tpu.memory_space<vmem>> -> memref<128xi32, #tpu.memory_space<vmem>>
        %dma_start3A_418 = arith.constant 0 : i32
        %dma_start3A_419 = arith.constant 0 : i32
        %dma_start3A_420 = tpu.memref_slice %arg2[%dma_start3A_418, %dma_start3A_419] : memref<10240x128xf32, #tpu.memory_space<hbm>> -> memref<10240x128xf32, #tpu.memory_space<hbm>>
        tpu.enqueue_indirect_dma source(%dma_start3A_420 : memref<10240x128xf32, #tpu.memory_space<hbm>>) target(%arg8 : memref<128x128xf32, #tpu.memory_space<vmem>>) offsets(%dma_start3A_417 : memref<128xi32, #tpu.memory_space<vmem>>) semaphore(%arg11 : memref<!tpu.dma_semaphore, #tpu.memory_space<semaphore_mem>>)
      } else {
      }
      %run_scoped3A_408 = arith.constant 1 : i32
      "tpu.region"() ({
        %run_scoped3A_410 = tpu.sem_alloc : memref<!tpu.dma_semaphore, #tpu.memory_space<semaphore_mem>>
        %dma_start3A_411 = arith.constant 0 : i32
        %dma_start3A_412 = tpu.memref_slice %arg7[%run_scoped3A_408, %add3A_383, %dma_start3A_411] : memref<2x16x128xi32, #tpu.memory_space<vmem>> -> memref<1x1x128xi32, #tpu.memory_space<vmem>>
        %dma_start3A_413 = tpu.memref_squeeze %dma_start3A_412 : memref<1x1x128xi32, #tpu.memory_space<vmem>> -> memref<128xi32, #tpu.memory_space<vmem>>
        %dma_start3A_414 = arith.constant 0 : i32
        %dma_start3A_415 = arith.constant 0 : i32
        %dma_start3A_416 = tpu.memref_slice %arg10[%dma_start3A_414, %dma_start3A_415] : memref<10240x128xf32, #tpu.memory_space<vmem_shared>> -> memref<10240x128xf32, #tpu.memory_space<vmem_shared>>
        tpu.enqueue_indirect_dma source(%arg9 : memref<128x128xf32, #tpu.memory_space<vmem>>) target(%dma_start3A_416 : memref<10240x128xf32, #tpu.memory_space<vmem_shared>>) offsets(%dma_start3A_413 : memref<128xi32, #tpu.memory_space<vmem>>) semaphore(%run_scoped3A_410 : memref<!tpu.dma_semaphore, #tpu.memory_space<semaphore_mem>>) {add = true}
        %dma_wait3A_417 = arith.constant 0 : i32
        %dma_wait3A_418 = tpu.memref_slice %arg7[%run_scoped3A_408, %add3A_383, %dma_wait3A_417] : memref<2x16x128xi32, #tpu.memory_space<vmem>> -> memref<1x1x128xi32, #tpu.memory_space<vmem>>
        %dma_wait3A_419 = tpu.memref_squeeze %dma_wait3A_418 : memref<1x1x128xi32, #tpu.memory_space<vmem>> -> memref<128xi32, #tpu.memory_space<vmem>>
        %dma_wait3A_420 = arith.constant 0 : i32
        %dma_wait3A_421 = arith.constant 0 : i32
        %dma_wait3A_422 = tpu.memref_slice %arg10[%dma_wait3A_420, %dma_wait3A_421] : memref<10240x128xf32, #tpu.memory_space<vmem_shared>> -> memref<10240x128xf32, #tpu.memory_space<vmem_shared>>
        tpu.wait_indirect_dma semaphore(%run_scoped3A_410 : memref<!tpu.dma_semaphore, #tpu.memory_space<semaphore_mem>>) src(%arg9 : memref<128x128xf32, #tpu.memory_space<vmem>>) dst(%dma_wait3A_422 : memref<10240x128xf32, #tpu.memory_space<vmem_shared>>)
        tpu.yield
      }) : () -> ()
      %scan3A_409 = arith.constant 0 : i32
      scf.yield %scan3A_409 : i32
    }
    %scan3A_315 = arith.constant 8 : i32
    %dma_wait3A_316 = arith.constant 0 : i32
    %dma_wait3A_317 = arith.constant 0 : i32
    %dma_wait3A_318 = arith.constant 0 : i32
    %dma_wait3A_319 = tpu.memref_slice %arg6[%dma_wait3A_316, %dma_wait3A_317, %dma_wait3A_318] : memref<2x16x128xi32, #tpu.memory_space<vmem>> -> memref<1x16x128xi32, #tpu.memory_space<vmem>>
    %dma_wait3A_320 = tpu.memref_squeeze %dma_wait3A_319 : memref<1x16x128xi32, #tpu.memory_space<vmem>> -> memref<16x128xi32, #tpu.memory_space<vmem>>
    %dma_wait3A_321 = arith.constant 64 : i32
    %dma_wait3A_322 = arith.constant 0 : i32
    %dma_wait3A_323 = tpu.memref_slice %arg3[%add3A, %dma_wait3A_321, %dma_wait3A_322] : memref<32x80x128xi32, #tpu.memory_space<hbm>> -> memref<1x16x128xi32, #tpu.memory_space<hbm>>
    %dma_wait3A_324 = tpu.memref_squeeze %dma_wait3A_323 : memref<1x16x128xi32, #tpu.memory_space<hbm>> -> memref<16x128xi32, #tpu.memory_space<hbm>>
    %dma_wait3A_325 = arith.constant 0 : i32
    %dma_wait3A_326 = arith.constant 0 : i32
    %dma_wait3A_327 = tpu.memref_slice %arg6[%dma_wait3A_316, %dma_wait3A_325, %dma_wait3A_326] : memref<2x16x128xi32, #tpu.memory_space<vmem>> -> memref<1x16x128xi32, #tpu.memory_space<vmem>>
    %dma_wait3A_328 = tpu.memref_squeeze %dma_wait3A_327 : memref<1x16x128xi32, #tpu.memory_space<vmem>> -> memref<16x128xi32, #tpu.memory_space<vmem>>
    %dma_wait3A_329 = arith.constant 64 : i32
    %dma_wait3A_330 = arith.constant 0 : i32
    %dma_wait3A_331 = tpu.memref_slice %arg3[%add3A, %dma_wait3A_329, %dma_wait3A_330] : memref<32x80x128xi32, #tpu.memory_space<hbm>> -> memref<1x16x128xi32, #tpu.memory_space<hbm>>
    %dma_wait3A_332 = tpu.memref_squeeze %dma_wait3A_331 : memref<1x16x128xi32, #tpu.memory_space<hbm>> -> memref<16x128xi32, #tpu.memory_space<hbm>>
    tpu.wait_dma2 semaphore(%arg13 : memref<!tpu.dma_semaphore, #tpu.memory_space<semaphore_mem>>) src(%dma_wait3A_332 : memref<16x128xi32, #tpu.memory_space<hbm>>) dst(%dma_wait3A_328 : memref<16x128xi32, #tpu.memory_space<vmem>>)
    %dma_wait3A_333 = arith.constant 0 : i32
    %dma_wait3A_334 = arith.constant 0 : i32
    %dma_wait3A_335 = arith.constant 0 : i32
    %dma_wait3A_336 = tpu.memref_slice %arg7[%dma_wait3A_333, %dma_wait3A_334, %dma_wait3A_335] : memref<2x16x128xi32, #tpu.memory_space<vmem>> -> memref<1x16x128xi32, #tpu.memory_space<vmem>>
    %dma_wait3A_337 = tpu.memref_squeeze %dma_wait3A_336 : memref<1x16x128xi32, #tpu.memory_space<vmem>> -> memref<16x128xi32, #tpu.memory_space<vmem>>
    %dma_wait3A_338 = arith.constant 64 : i32
    %dma_wait3A_339 = arith.constant 0 : i32
    %dma_wait3A_340 = tpu.memref_slice %arg4[%add3A, %dma_wait3A_338, %dma_wait3A_339] : memref<32x80x128xi32, #tpu.memory_space<hbm>> -> memref<1x16x128xi32, #tpu.memory_space<hbm>>
    %dma_wait3A_341 = tpu.memref_squeeze %dma_wait3A_340 : memref<1x16x128xi32, #tpu.memory_space<hbm>> -> memref<16x128xi32, #tpu.memory_space<hbm>>
    %dma_wait3A_342 = arith.constant 0 : i32
    %dma_wait3A_343 = arith.constant 0 : i32
    %dma_wait3A_344 = tpu.memref_slice %arg7[%dma_wait3A_333, %dma_wait3A_342, %dma_wait3A_343] : memref<2x16x128xi32, #tpu.memory_space<vmem>> -> memref<1x16x128xi32, #tpu.memory_space<vmem>>
    %dma_wait3A_345 = tpu.memref_squeeze %dma_wait3A_344 : memref<1x16x128xi32, #tpu.memory_space<vmem>> -> memref<16x128xi32, #tpu.memory_space<vmem>>
    %dma_wait3A_346 = arith.constant 64 : i32
    %dma_wait3A_347 = arith.constant 0 : i32
    %dma_wait3A_348 = tpu.memref_slice %arg4[%add3A, %dma_wait3A_346, %dma_wait3A_347] : memref<32x80x128xi32, #tpu.memory_space<hbm>> -> memref<1x16x128xi32, #tpu.memory_space<hbm>>
    %dma_wait3A_349 = tpu.memref_squeeze %dma_wait3A_348 : memref<1x16x128xi32, #tpu.memory_space<hbm>> -> memref<16x128xi32, #tpu.memory_space<hbm>>
    tpu.wait_dma2 semaphore(%arg14 : memref<!tpu.dma_semaphore, #tpu.memory_space<semaphore_mem>>) src(%dma_wait3A_349 : memref<16x128xi32, #tpu.memory_space<hbm>>) dst(%dma_wait3A_345 : memref<16x128xi32, #tpu.memory_space<vmem>>)
    %dma_start3A_350 = arith.constant 0 : i32
    %dma_start3A_351 = arith.constant 0 : i32
    %dma_start3A_352 = arith.constant 0 : i32
    %dma_start3A_353 = tpu.memref_slice %arg6[%dma_start3A_350, %dma_start3A_351, %dma_start3A_352] : memref<2x16x128xi32, #tpu.memory_space<vmem>> -> memref<1x1x128xi32, #tpu.memory_space<vmem>>
    %dma_start3A_354 = tpu.memref_squeeze %dma_start3A_353 : memref<1x1x128xi32, #tpu.memory_space<vmem>> -> memref<128xi32, #tpu.memory_space<vmem>>
    %dma_start3A_355 = arith.constant 0 : i32
    %dma_start3A_356 = arith.constant 0 : i32
    %dma_start3A_357 = tpu.memref_slice %arg2[%dma_start3A_355, %dma_start3A_356] : memref<10240x128xf32, #tpu.memory_space<hbm>> -> memref<10240x128xf32, #tpu.memory_space<hbm>>
    tpu.enqueue_indirect_dma source(%dma_start3A_357 : memref<10240x128xf32, #tpu.memory_space<hbm>>) target(%arg8 : memref<128x128xf32, #tpu.memory_space<vmem>>) offsets(%dma_start3A_354 : memref<128xi32, #tpu.memory_space<vmem>>) semaphore(%arg11 : memref<!tpu.dma_semaphore, #tpu.memory_space<semaphore_mem>>)
    %scan3A_358 = arith.constant 0 : i32
    %scan3A_359 = arith.constant 0 : i32
    %scan3A_360 = arith.constant 8 : i32
    %scan3A_361 = arith.addi %scan3A_359, %scan3A_360 : i32
    %scan3A_362 = arith.constant 1 : i32
    %scan3A_363 = scf.for %scan3A_376 = %scan3A_359 to %scan3A_361 step %scan3A_362 iter_args(%scan3A_377 = %scan3A_358) -> (i32)  : i32 {
      %mul3A_378 = arith.constant 2 : i32
      %mul3A_379 = arith.muli %mul3A_378, %scan3A_376 : i32
      %mul3A_380 = arith.constant 2 : i32
      %mul3A_381 = arith.muli %mul3A_380, %scan3A_376 : i32
      %add3A_382 = arith.constant 1 : i32
      %add3A_383 = arith.addi %mul3A_381, %add3A_382 : i32
      %dma_wait3A_384 = arith.constant 0 : i32
      %dma_wait3A_385 = arith.constant 0 : i32
      %dma_wait3A_386 = tpu.memref_slice %arg6[%dma_wait3A_384, %mul3A_379, %dma_wait3A_385] : memref<2x16x128xi32, #tpu.memory_space<vmem>> -> memref<1x1x128xi32, #tpu.memory_space<vmem>>
      %dma_wait3A_387 = tpu.memref_squeeze %dma_wait3A_386 : memref<1x1x128xi32, #tpu.memory_space<vmem>> -> memref<128xi32, #tpu.memory_space<vmem>>
      %dma_wait3A_388 = arith.constant 0 : i32
      %dma_wait3A_389 = arith.constant 0 : i32
      %dma_wait3A_390 = tpu.memref_slice %arg2[%dma_wait3A_388, %dma_wait3A_389] : memref<10240x128xf32, #tpu.memory_space<hbm>> -> memref<10240x128xf32, #tpu.memory_space<hbm>>
      tpu.wait_indirect_dma semaphore(%arg11 : memref<!tpu.dma_semaphore, #tpu.memory_space<semaphore_mem>>) src(%dma_wait3A_390 : memref<10240x128xf32, #tpu.memory_space<hbm>>) dst(%arg8 : memref<128x128xf32, #tpu.memory_space<vmem>>)
      %dma_start3A_391 = arith.constant 0 : i32
      %dma_start3A_392 = arith.constant 0 : i32
      %dma_start3A_393 = tpu.memref_slice %arg6[%dma_start3A_391, %add3A_383, %dma_start3A_392] : memref<2x16x128xi32, #tpu.memory_space<vmem>> -> memref<1x1x128xi32, #tpu.memory_space<vmem>>
      %dma_start3A_394 = tpu.memref_squeeze %dma_start3A_393 : memref<1x1x128xi32, #tpu.memory_space<vmem>> -> memref<128xi32, #tpu.memory_space<vmem>>
      %dma_start3A_395 = arith.constant 0 : i32
      %dma_start3A_396 = arith.constant 0 : i32
      %dma_start3A_397 = tpu.memref_slice %arg2[%dma_start3A_395, %dma_start3A_396] : memref<10240x128xf32, #tpu.memory_space<hbm>> -> memref<10240x128xf32, #tpu.memory_space<hbm>>
      tpu.enqueue_indirect_dma source(%dma_start3A_397 : memref<10240x128xf32, #tpu.memory_space<hbm>>) target(%arg9 : memref<128x128xf32, #tpu.memory_space<vmem>>) offsets(%dma_start3A_394 : memref<128xi32, #tpu.memory_space<vmem>>) semaphore(%arg12 : memref<!tpu.dma_semaphore, #tpu.memory_space<semaphore_mem>>)
      %run_scoped3A_398 = arith.constant 0 : i32
      "tpu.region"() ({
        %run_scoped3A_410 = tpu.sem_alloc : memref<!tpu.dma_semaphore, #tpu.memory_space<semaphore_mem>>
        %dma_start3A_411 = arith.constant 0 : i32
        %dma_start3A_412 = tpu.memref_slice %arg7[%run_scoped3A_398, %mul3A_379, %dma_start3A_411] : memref<2x16x128xi32, #tpu.memory_space<vmem>> -> memref<1x1x128xi32, #tpu.memory_space<vmem>>
        %dma_start3A_413 = tpu.memref_squeeze %dma_start3A_412 : memref<1x1x128xi32, #tpu.memory_space<vmem>> -> memref<128xi32, #tpu.memory_space<vmem>>
        %dma_start3A_414 = arith.constant 0 : i32
        %dma_start3A_415 = arith.constant 0 : i32
        %dma_start3A_416 = tpu.memref_slice %arg10[%dma_start3A_414, %dma_start3A_415] : memref<10240x128xf32, #tpu.memory_space<vmem_shared>> -> memref<10240x128xf32, #tpu.memory_space<vmem_shared>>
        tpu.enqueue_indirect_dma source(%arg8 : memref<128x128xf32, #tpu.memory_space<vmem>>) target(%dma_start3A_416 : memref<10240x128xf32, #tpu.memory_space<vmem_shared>>) offsets(%dma_start3A_413 : memref<128xi32, #tpu.memory_space<vmem>>) semaphore(%run_scoped3A_410 : memref<!tpu.dma_semaphore, #tpu.memory_space<semaphore_mem>>) {add = true}
        %dma_wait3A_417 = arith.constant 0 : i32
        %dma_wait3A_418 = tpu.memref_slice %arg7[%run_scoped3A_398, %mul3A_379, %dma_wait3A_417] : memref<2x16x128xi32, #tpu.memory_space<vmem>> -> memref<1x1x128xi32, #tpu.memory_space<vmem>>
        %dma_wait3A_419 = tpu.memref_squeeze %dma_wait3A_418 : memref<1x1x128xi32, #tpu.memory_space<vmem>> -> memref<128xi32, #tpu.memory_space<vmem>>
        %dma_wait3A_420 = arith.constant 0 : i32
        %dma_wait3A_421 = arith.constant 0 : i32
        %dma_wait3A_422 = tpu.memref_slice %arg10[%dma_wait3A_420, %dma_wait3A_421] : memref<10240x128xf32, #tpu.memory_space<vmem_shared>> -> memref<10240x128xf32, #tpu.memory_space<vmem_shared>>
        tpu.wait_indirect_dma semaphore(%run_scoped3A_410 : memref<!tpu.dma_semaphore, #tpu.memory_space<semaphore_mem>>) src(%arg8 : memref<128x128xf32, #tpu.memory_space<vmem>>) dst(%dma_wait3A_422 : memref<10240x128xf32, #tpu.memory_space<vmem_shared>>)
        tpu.yield
      }) : () -> ()
      %dma_wait3A_399 = arith.constant 0 : i32
      %dma_wait3A_400 = arith.constant 0 : i32
      %dma_wait3A_401 = tpu.memref_slice %arg6[%dma_wait3A_399, %add3A_383, %dma_wait3A_400] : memref<2x16x128xi32, #tpu.memory_space<vmem>> -> memref<1x1x128xi32, #tpu.memory_space<vmem>>
      %dma_wait3A_402 = tpu.memref_squeeze %dma_wait3A_401 : memref<1x1x128xi32, #tpu.memory_space<vmem>> -> memref<128xi32, #tpu.memory_space<vmem>>
      %dma_wait3A_403 = arith.constant 0 : i32
      %dma_wait3A_404 = arith.constant 0 : i32
      %dma_wait3A_405 = tpu.memref_slice %arg2[%dma_wait3A_403, %dma_wait3A_404] : memref<10240x128xf32, #tpu.memory_space<hbm>> -> memref<10240x128xf32, #tpu.memory_space<hbm>>
      tpu.wait_indirect_dma semaphore(%arg12 : memref<!tpu.dma_semaphore, #tpu.memory_space<semaphore_mem>>) src(%dma_wait3A_405 : memref<10240x128xf32, #tpu.memory_space<hbm>>) dst(%arg9 : memref<128x128xf32, #tpu.memory_space<vmem>>)
      %lt3A = arith.constant 7 : i32
      %lt3A_406 = arith.cmpi slt, %scan3A_376, %lt3A : i32
      %convert_element_type3A = arith.extui %lt3A_406 : i1 to i32
      %cond3A = arith.constant 0 : i32
      %cond3A_407 = arith.cmpi ne, %convert_element_type3A, %cond3A : i32
      scf.if %cond3A_407 {
        %mul3A_410 = arith.constant 2 : i32
        %mul3A_411 = arith.muli %mul3A_410, %scan3A_376 : i32
        %add3A_412 = arith.constant 2 : i32
        %add3A_413 = arith.addi %mul3A_411, %add3A_412 : i32
        %dma_start3A_414 = arith.constant 0 : i32
        %dma_start3A_415 = arith.constant 0 : i32
        %dma_start3A_416 = tpu.memref_slice %arg6[%dma_start3A_414, %add3A_413, %dma_start3A_415] : memref<2x16x128xi32, #tpu.memory_space<vmem>> -> memref<1x1x128xi32, #tpu.memory_space<vmem>>
        %dma_start3A_417 = tpu.memref_squeeze %dma_start3A_416 : memref<1x1x128xi32, #tpu.memory_space<vmem>> -> memref<128xi32, #tpu.memory_space<vmem>>
        %dma_start3A_418 = arith.constant 0 : i32
        %dma_start3A_419 = arith.constant 0 : i32
        %dma_start3A_420 = tpu.memref_slice %arg2[%dma_start3A_418, %dma_start3A_419] : memref<10240x128xf32, #tpu.memory_space<hbm>> -> memref<10240x128xf32, #tpu.memory_space<hbm>>
        tpu.enqueue_indirect_dma source(%dma_start3A_420 : memref<10240x128xf32, #tpu.memory_space<hbm>>) target(%arg8 : memref<128x128xf32, #tpu.memory_space<vmem>>) offsets(%dma_start3A_417 : memref<128xi32, #tpu.memory_space<vmem>>) semaphore(%arg11 : memref<!tpu.dma_semaphore, #tpu.memory_space<semaphore_mem>>)
      } else {
      }
      %run_scoped3A_408 = arith.constant 0 : i32
      "tpu.region"() ({
        %run_scoped3A_410 = tpu.sem_alloc : memref<!tpu.dma_semaphore, #tpu.memory_space<semaphore_mem>>
        %dma_start3A_411 = arith.constant 0 : i32
        %dma_start3A_412 = tpu.memref_slice %arg7[%run_scoped3A_408, %add3A_383, %dma_start3A_411] : memref<2x16x128xi32, #tpu.memory_space<vmem>> -> memref<1x1x128xi32, #tpu.memory_space<vmem>>
        %dma_start3A_413 = tpu.memref_squeeze %dma_start3A_412 : memref<1x1x128xi32, #tpu.memory_space<vmem>> -> memref<128xi32, #tpu.memory_space<vmem>>
        %dma_start3A_414 = arith.constant 0 : i32
        %dma_start3A_415 = arith.constant 0 : i32
        %dma_start3A_416 = tpu.memref_slice %arg10[%dma_start3A_414, %dma_start3A_415] : memref<10240x128xf32, #tpu.memory_space<vmem_shared>> -> memref<10240x128xf32, #tpu.memory_space<vmem_shared>>
        tpu.enqueue_indirect_dma source(%arg9 : memref<128x128xf32, #tpu.memory_space<vmem>>) target(%dma_start3A_416 : memref<10240x128xf32, #tpu.memory_space<vmem_shared>>) offsets(%dma_start3A_413 : memref<128xi32, #tpu.memory_space<vmem>>) semaphore(%run_scoped3A_410 : memref<!tpu.dma_semaphore, #tpu.memory_space<semaphore_mem>>) {add = true}
        %dma_wait3A_417 = arith.constant 0 : i32
        %dma_wait3A_418 = tpu.memref_slice %arg7[%run_scoped3A_408, %add3A_383, %dma_wait3A_417] : memref<2x16x128xi32, #tpu.memory_space<vmem>> -> memref<1x1x128xi32, #tpu.memory_space<vmem>>
        %dma_wait3A_419 = tpu.memref_squeeze %dma_wait3A_418 : memref<1x1x128xi32, #tpu.memory_space<vmem>> -> memref<128xi32, #tpu.memory_space<vmem>>
        %dma_wait3A_420 = arith.constant 0 : i32
        %dma_wait3A_421 = arith.constant 0 : i32
        %dma_wait3A_422 = tpu.memref_slice %arg10[%dma_wait3A_420, %dma_wait3A_421] : memref<10240x128xf32, #tpu.memory_space<vmem_shared>> -> memref<10240x128xf32, #tpu.memory_space<vmem_shared>>
        tpu.wait_indirect_dma semaphore(%run_scoped3A_410 : memref<!tpu.dma_semaphore, #tpu.memory_space<semaphore_mem>>) src(%arg9 : memref<128x128xf32, #tpu.memory_space<vmem>>) dst(%dma_wait3A_422 : memref<10240x128xf32, #tpu.memory_space<vmem_shared>>)
        tpu.yield
      }) : () -> ()
      %scan3A_409 = arith.constant 0 : i32
      scf.yield %scan3A_409 : i32
    }
    %scan3A_364 = arith.constant 8 : i32
    %barrier3A_365 = arith.constant 0 : index
    tpu.barrier barrier_id(%barrier3A_365)
    %add3A_366 = arith.constant 0 : i32
    %add3A_367 = arith.addi %mul3A_8, %add3A_366 : i32
    "tpu.region"() ({
      %run_scoped3A_376 = tpu.sem_alloc : memref<!tpu.dma_semaphore, #tpu.memory_space<semaphore_mem>>
      %dma_start3A_377 = arith.constant 0 : i32
      %dma_start3A_378 = tpu.memref_slice %arg5[%arg0, %add3A_367, %dma_start3A_377] : memref<2x10240x128xf32, #tpu.memory_space<hbm>> -> memref<1x128x128xf32, #tpu.memory_space<hbm>>
      %dma_start3A_379 = tpu.memref_squeeze %dma_start3A_378 : memref<1x128x128xf32, #tpu.memory_space<hbm>> -> memref<128x128xf32, #tpu.memory_space<hbm>>
      %dma_start3A_380 = arith.constant 0 : i32
      %dma_start3A_381 = tpu.memref_slice %arg10[%add3A_367, %dma_start3A_380] : memref<10240x128xf32, #tpu.memory_space<vmem_shared>> -> memref<128x128xf32, #tpu.memory_space<vmem_shared>>
      tpu.enqueue_dma source(%dma_start3A_381 : memref<128x128xf32, #tpu.memory_space<vmem_shared>>) target(%dma_start3A_379 : memref<128x128xf32, #tpu.memory_space<hbm>>) target_semaphore(%run_scoped3A_376 : memref<!tpu.dma_semaphore, #tpu.memory_space<semaphore_mem>>)
      %dma_wait3A_382 = arith.constant 0 : i32
      %dma_wait3A_383 = tpu.memref_slice %arg5[%arg0, %add3A_367, %dma_wait3A_382] : memref<2x10240x128xf32, #tpu.memory_space<hbm>> -> memref<1x128x128xf32, #tpu.memory_space<hbm>>
      %dma_wait3A_384 = tpu.memref_squeeze %dma_wait3A_383 : memref<1x128x128xf32, #tpu.memory_space<hbm>> -> memref<128x128xf32, #tpu.memory_space<hbm>>
      %dma_wait3A_385 = arith.constant 0 : i32
      %dma_wait3A_386 = tpu.memref_slice %arg10[%add3A_367, %dma_wait3A_385] : memref<10240x128xf32, #tpu.memory_space<vmem_shared>> -> memref<128x128xf32, #tpu.memory_space<vmem_shared>>
      tpu.wait_dma2 semaphore(%run_scoped3A_376 : memref<!tpu.dma_semaphore, #tpu.memory_space<semaphore_mem>>) src(%dma_wait3A_386 : memref<128x128xf32, #tpu.memory_space<vmem_shared>>) dst(%dma_wait3A_384 : memref<128x128xf32, #tpu.memory_space<hbm>>)
      tpu.yield
    }) : () -> ()
    %add3A_368 = arith.constant 128 : i32
    %add3A_369 = arith.addi %mul3A_8, %add3A_368 : i32
    "tpu.region"() ({
      %run_scoped3A_376 = tpu.sem_alloc : memref<!tpu.dma_semaphore, #tpu.memory_space<semaphore_mem>>
      %dma_start3A_377 = arith.constant 0 : i32
      %dma_start3A_378 = tpu.memref_slice %arg5[%arg0, %add3A_369, %dma_start3A_377] : memref<2x10240x128xf32, #tpu.memory_space<hbm>> -> memref<1x128x128xf32, #tpu.memory_space<hbm>>
      %dma_start3A_379 = tpu.memref_squeeze %dma_start3A_378 : memref<1x128x128xf32, #tpu.memory_space<hbm>> -> memref<128x128xf32, #tpu.memory_space<hbm>>
      %dma_start3A_380 = arith.constant 0 : i32
      %dma_start3A_381 = tpu.memref_slice %arg10[%add3A_369, %dma_start3A_380] : memref<10240x128xf32, #tpu.memory_space<vmem_shared>> -> memref<128x128xf32, #tpu.memory_space<vmem_shared>>
      tpu.enqueue_dma source(%dma_start3A_381 : memref<128x128xf32, #tpu.memory_space<vmem_shared>>) target(%dma_start3A_379 : memref<128x128xf32, #tpu.memory_space<hbm>>) target_semaphore(%run_scoped3A_376 : memref<!tpu.dma_semaphore, #tpu.memory_space<semaphore_mem>>)
      %dma_wait3A_382 = arith.constant 0 : i32
      %dma_wait3A_383 = tpu.memref_slice %arg5[%arg0, %add3A_369, %dma_wait3A_382] : memref<2x10240x128xf32, #tpu.memory_space<hbm>> -> memref<1x128x128xf32, #tpu.memory_space<hbm>>
      %dma_wait3A_384 = tpu.memref_squeeze %dma_wait3A_383 : memref<1x128x128xf32, #tpu.memory_space<hbm>> -> memref<128x128xf32, #tpu.memory_space<hbm>>
      %dma_wait3A_385 = arith.constant 0 : i32
      %dma_wait3A_386 = tpu.memref_slice %arg10[%add3A_369, %dma_wait3A_385] : memref<10240x128xf32, #tpu.memory_space<vmem_shared>> -> memref<128x128xf32, #tpu.memory_space<vmem_shared>>
      tpu.wait_dma2 semaphore(%run_scoped3A_376 : memref<!tpu.dma_semaphore, #tpu.memory_space<semaphore_mem>>) src(%dma_wait3A_386 : memref<128x128xf32, #tpu.memory_space<vmem_shared>>) dst(%dma_wait3A_384 : memref<128x128xf32, #tpu.memory_space<hbm>>)
      tpu.yield
    }) : () -> ()
    %add3A_370 = arith.constant 256 : i32
    %add3A_371 = arith.addi %mul3A_8, %add3A_370 : i32
    "tpu.region"() ({
      %run_scoped3A_376 = tpu.sem_alloc : memref<!tpu.dma_semaphore, #tpu.memory_space<semaphore_mem>>
      %dma_start3A_377 = arith.constant 0 : i32
      %dma_start3A_378 = tpu.memref_slice %arg5[%arg0, %add3A_371, %dma_start3A_377] : memref<2x10240x128xf32, #tpu.memory_space<hbm>> -> memref<1x128x128xf32, #tpu.memory_space<hbm>>
      %dma_start3A_379 = tpu.memref_squeeze %dma_start3A_378 : memref<1x128x128xf32, #tpu.memory_space<hbm>> -> memref<128x128xf32, #tpu.memory_space<hbm>>
      %dma_start3A_380 = arith.constant 0 : i32
      %dma_start3A_381 = tpu.memref_slice %arg10[%add3A_371, %dma_start3A_380] : memref<10240x128xf32, #tpu.memory_space<vmem_shared>> -> memref<128x128xf32, #tpu.memory_space<vmem_shared>>
      tpu.enqueue_dma source(%dma_start3A_381 : memref<128x128xf32, #tpu.memory_space<vmem_shared>>) target(%dma_start3A_379 : memref<128x128xf32, #tpu.memory_space<hbm>>) target_semaphore(%run_scoped3A_376 : memref<!tpu.dma_semaphore, #tpu.memory_space<semaphore_mem>>)
      %dma_wait3A_382 = arith.constant 0 : i32
      %dma_wait3A_383 = tpu.memref_slice %arg5[%arg0, %add3A_371, %dma_wait3A_382] : memref<2x10240x128xf32, #tpu.memory_space<hbm>> -> memref<1x128x128xf32, #tpu.memory_space<hbm>>
      %dma_wait3A_384 = tpu.memref_squeeze %dma_wait3A_383 : memref<1x128x128xf32, #tpu.memory_space<hbm>> -> memref<128x128xf32, #tpu.memory_space<hbm>>
      %dma_wait3A_385 = arith.constant 0 : i32
      %dma_wait3A_386 = tpu.memref_slice %arg10[%add3A_371, %dma_wait3A_385] : memref<10240x128xf32, #tpu.memory_space<vmem_shared>> -> memref<128x128xf32, #tpu.memory_space<vmem_shared>>
      tpu.wait_dma2 semaphore(%run_scoped3A_376 : memref<!tpu.dma_semaphore, #tpu.memory_space<semaphore_mem>>) src(%dma_wait3A_386 : memref<128x128xf32, #tpu.memory_space<vmem_shared>>) dst(%dma_wait3A_384 : memref<128x128xf32, #tpu.memory_space<hbm>>)
      tpu.yield
    }) : () -> ()
    %add3A_372 = arith.constant 384 : i32
    %add3A_373 = arith.addi %mul3A_8, %add3A_372 : i32
    "tpu.region"() ({
      %run_scoped3A_376 = tpu.sem_alloc : memref<!tpu.dma_semaphore, #tpu.memory_space<semaphore_mem>>
      %dma_start3A_377 = arith.constant 0 : i32
      %dma_start3A_378 = tpu.memref_slice %arg5[%arg0, %add3A_373, %dma_start3A_377] : memref<2x10240x128xf32, #tpu.memory_space<hbm>> -> memref<1x128x128xf32, #tpu.memory_space<hbm>>
      %dma_start3A_379 = tpu.memref_squeeze %dma_start3A_378 : memref<1x128x128xf32, #tpu.memory_space<hbm>> -> memref<128x128xf32, #tpu.memory_space<hbm>>
      %dma_start3A_380 = arith.constant 0 : i32
      %dma_start3A_381 = tpu.memref_slice %arg10[%add3A_373, %dma_start3A_380] : memref<10240x128xf32, #tpu.memory_space<vmem_shared>> -> memref<128x128xf32, #tpu.memory_space<vmem_shared>>
      tpu.enqueue_dma source(%dma_start3A_381 : memref<128x128xf32, #tpu.memory_space<vmem_shared>>) target(%dma_start3A_379 : memref<128x128xf32, #tpu.memory_space<hbm>>) target_semaphore(%run_scoped3A_376 : memref<!tpu.dma_semaphore, #tpu.memory_space<semaphore_mem>>)
      %dma_wait3A_382 = arith.constant 0 : i32
      %dma_wait3A_383 = tpu.memref_slice %arg5[%arg0, %add3A_373, %dma_wait3A_382] : memref<2x10240x128xf32, #tpu.memory_space<hbm>> -> memref<1x128x128xf32, #tpu.memory_space<hbm>>
      %dma_wait3A_384 = tpu.memref_squeeze %dma_wait3A_383 : memref<1x128x128xf32, #tpu.memory_space<hbm>> -> memref<128x128xf32, #tpu.memory_space<hbm>>
      %dma_wait3A_385 = arith.constant 0 : i32
      %dma_wait3A_386 = tpu.memref_slice %arg10[%add3A_373, %dma_wait3A_385] : memref<10240x128xf32, #tpu.memory_space<vmem_shared>> -> memref<128x128xf32, #tpu.memory_space<vmem_shared>>
      tpu.wait_dma2 semaphore(%run_scoped3A_376 : memref<!tpu.dma_semaphore, #tpu.memory_space<semaphore_mem>>) src(%dma_wait3A_386 : memref<128x128xf32, #tpu.memory_space<vmem_shared>>) dst(%dma_wait3A_384 : memref<128x128xf32, #tpu.memory_space<hbm>>)
      tpu.yield
    }) : () -> ()
    %add3A_374 = arith.constant 512 : i32
    %add3A_375 = arith.addi %mul3A_8, %add3A_374 : i32
    "tpu.region"() ({
      %run_scoped3A_376 = tpu.sem_alloc : memref<!tpu.dma_semaphore, #tpu.memory_space<semaphore_mem>>
      %dma_start3A_377 = arith.constant 0 : i32
      %dma_start3A_378 = tpu.memref_slice %arg5[%arg0, %add3A_375, %dma_start3A_377] : memref<2x10240x128xf32, #tpu.memory_space<hbm>> -> memref<1x128x128xf32, #tpu.memory_space<hbm>>
      %dma_start3A_379 = tpu.memref_squeeze %dma_start3A_378 : memref<1x128x128xf32, #tpu.memory_space<hbm>> -> memref<128x128xf32, #tpu.memory_space<hbm>>
      %dma_start3A_380 = arith.constant 0 : i32
      %dma_start3A_381 = tpu.memref_slice %arg10[%add3A_375, %dma_start3A_380] : memref<10240x128xf32, #tpu.memory_space<vmem_shared>> -> memref<128x128xf32, #tpu.memory_space<vmem_shared>>
      tpu.enqueue_dma source(%dma_start3A_381 : memref<128x128xf32, #tpu.memory_space<vmem_shared>>) target(%dma_start3A_379 : memref<128x128xf32, #tpu.memory_space<hbm>>) target_semaphore(%run_scoped3A_376 : memref<!tpu.dma_semaphore, #tpu.memory_space<semaphore_mem>>)
      %dma_wait3A_382 = arith.constant 0 : i32
      %dma_wait3A_383 = tpu.memref_slice %arg5[%arg0, %add3A_375, %dma_wait3A_382] : memref<2x10240x128xf32, #tpu.memory_space<hbm>> -> memref<1x128x128xf32, #tpu.memory_space<hbm>>
      %dma_wait3A_384 = tpu.memref_squeeze %dma_wait3A_383 : memref<1x128x128xf32, #tpu.memory_space<hbm>> -> memref<128x128xf32, #tpu.memory_space<hbm>>
      %dma_wait3A_385 = arith.constant 0 : i32
      %dma_wait3A_386 = tpu.memref_slice %arg10[%add3A_375, %dma_wait3A_385] : memref<10240x128xf32, #tpu.memory_space<vmem_shared>> -> memref<128x128xf32, #tpu.memory_space<vmem_shared>>
      tpu.wait_dma2 semaphore(%run_scoped3A_376 : memref<!tpu.dma_semaphore, #tpu.memory_space<semaphore_mem>>) src(%dma_wait3A_386 : memref<128x128xf32, #tpu.memory_space<vmem_shared>>) dst(%dma_wait3A_384 : memref<128x128xf32, #tpu.memory_space<hbm>>)
      tpu.yield
    }) : () -> ()
    return
  }
}

module attributes {stable_mosaic.version = 14 : i64} {
  func.func @_tc1_body(%arg0: i32, %arg1: memref<2048x128xf32, #tpu.memory_space<vmem>>, %arg2: memref<128x128xf32, #tpu.memory_space<vmem>>, %arg3: memref<2x2048xf32, #tpu.memory_space<vmem>>, %arg4: memref<2048x128xf32, #tpu.memory_space<vmem>>, %arg5: memref<2048x128xf32, #tpu.memory_space<vmem>>) attributes {dimension_semantics = [#tpu.dimension_semantics<arbitrary>], iteration_bounds = array<i64: 5>, scalar_prefetch = 0 : i64, scratch_operands = 0 : i64, tpu.core_type = #tpu.core_type<tc>, window_params = [{transform_indices = @transform_0, window_bounds = array<i64: 2048, 128>}, {pipeline_mode = #tpu.pipeline_mode<synchronous>, transform_indices = @transform_1, window_bounds = array<i64: 128, 128>}, {transform_indices = @transform_2, window_bounds = array<i64: 2, 2048>}, {transform_indices = @transform_3, window_bounds = array<i64: 2048, 128>}, {transform_indices = @transform_4, window_bounds = array<i64: 2048, 128>}]} {
    %get3A = arith.constant 0 : index
    %get3A_0 = arith.constant 0 : index
    %get3A_1 = vector.load %arg3[%get3A, %get3A_0] : memref<2x2048xf32, #tpu.memory_space<vmem>>, vector<2x2048xf32>
    %reduce_sum3A = arith.constant dense<0.000000e+00> : vector<2048xf32>
    %reduce_sum3A_2 = vector.multi_reduction <add>, %get3A_1, %reduce_sum3A [0] : vector<2x2048xf32> to vector<2048xf32>
    %add3A = arith.constant 1.000000e+00 : f32
    %add3A_3 = vector.broadcast %add3A : f32 to vector<2048xf32>
    %add3A_4 = arith.addf %reduce_sum3A_2, %add3A_3 : vector<2048xf32>
    %rsqrt3A = math.rsqrt %add3A_4 : vector<2048xf32>
    %broadcast_in_dim3A = vector.shape_cast %rsqrt3A : vector<2048xf32> to vector<2048x1xf32>
    %get3A_5 = arith.constant 0 : index
    %get3A_6 = arith.constant 0 : index
    %get3A_7 = vector.load %arg1[%get3A_5, %get3A_6] : memref<2048x128xf32, #tpu.memory_space<vmem>>, vector<2048x128xf32>
    %get3A_8 = arith.constant 0 : index
    %get3A_9 = arith.constant 0 : index
    %get3A_10 = vector.load %arg2[%get3A_8, %get3A_9] : memref<128x128xf32, #tpu.memory_space<vmem>>, vector<128x128xf32>
    %dot_general3A = arith.constant dense<0.000000e+00> : vector<2048x128xf32>
    %dot_general3A_11 = tpu.matmul %get3A_7, %get3A_10, %dot_general3A {dimension_numbers = #tpu.dot_dimension_numbers<[1], [0], [0], [1], [0, 0, 1, 1], [], []>, transpose_lhs_hint = false} : vector<2048x128xf32>, vector<128x128xf32>, vector<2048x128xf32> -> vector<2048x128xf32>
    %swap3A = arith.constant 0 : index
    %swap3A_12 = arith.constant 0 : index
    %swap3A_13 = vector.load %arg4[%swap3A, %swap3A_12] : memref<2048x128xf32, #tpu.memory_space<vmem>>, vector<2048x128xf32>
    tpu.vector_store %arg4[%swap3A, %swap3A_12], %dot_general3A_11 {strides = array<i32>} : memref<2048x128xf32, #tpu.memory_space<vmem>>, vector<2048x128xf32>,
    %mul3A = vector.broadcast %broadcast_in_dim3A : vector<2048x1xf32> to vector<2048x128xf32>
    %mul3A_14 = arith.mulf %dot_general3A_11, %mul3A : vector<2048x128xf32>
    %swap3A_15 = arith.constant 0 : index
    %swap3A_16 = arith.constant 0 : index
    %swap3A_17 = vector.load %arg5[%swap3A_15, %swap3A_16] : memref<2048x128xf32, #tpu.memory_space<vmem>>, vector<2048x128xf32>
    tpu.vector_store %arg5[%swap3A_15, %swap3A_16], %mul3A_14 {strides = array<i32>} : memref<2048x128xf32, #tpu.memory_space<vmem>>, vector<2048x128xf32>,
    return
  }
  func.func @transform_0(%arg0: i32) -> (i32, i32) {
    %c0_i32 = arith.constant 0 : i32
    %c0_i32_0 = arith.constant 0 : i32
    return %arg0, %c0_i32 : i32, i32
  }
  func.func @transform_1(%arg0: i32) -> (i32, i32) {
    %c0_i32 = arith.constant 0 : i32
    %c0_i32_0 = arith.constant 0 : i32
    %c0_i32_1 = arith.constant 0 : i32
    return %c0_i32, %c0_i32_0 : i32, i32
  }
  func.func @transform_2(%arg0: i32) -> (i32, i32) {
    %c0_i32 = arith.constant 0 : i32
    %c0_i32_0 = arith.constant 0 : i32
    return %c0_i32, %arg0 : i32, i32
  }
  func.func @transform_3(%arg0: i32) -> (i32, i32) {
    %c0_i32 = arith.constant 0 : i32
    %c0_i32_0 = arith.constant 0 : i32
    return %arg0, %c0_i32 : i32, i32
  }
  func.func @transform_4(%arg0: i32) -> (i32, i32) {
    %c0_i32 = arith.constant 0 : i32
    %c0_i32_0 = arith.constant 0 : i32
    return %arg0, %c0_i32 : i32, i32
  }
}

module attributes {stable_mosaic.version = 14 : i64} {
  func.func @_tc2_body(%arg0: i32, %arg1: memref<2x2048x128xf32, #tpu.memory_space<vmem>>, %arg2: memref<2048x128xf32, #tpu.memory_space<vmem>>, %arg3: memref<2x2048xf32, #tpu.memory_space<vmem>>, %arg4: memref<1x128xf32, #tpu.memory_space<vmem>>, %arg5: memref<128x128xf32, #tpu.memory_space<vmem>>, %arg6: memref<2048x128xf32, #tpu.memory_space<vmem>>, %arg7: memref<2048x128xf32, #tpu.memory_space<vmem>>) attributes {dimension_semantics = [#tpu.dimension_semantics<arbitrary>], iteration_bounds = array<i64: 5>, scalar_prefetch = 0 : i64, scratch_operands = 0 : i64, tpu.core_type = #tpu.core_type<tc>, window_params = [{transform_indices = @transform_0, window_bounds = array<i64: 2, 2048, 128>}, {transform_indices = @transform_1, window_bounds = array<i64: 2048, 128>}, {transform_indices = @transform_2, window_bounds = array<i64: 2, 2048>}, {pipeline_mode = #tpu.pipeline_mode<synchronous>, transform_indices = @transform_3, window_bounds = array<i64: 1, 128>}, {pipeline_mode = #tpu.pipeline_mode<synchronous>, transform_indices = @transform_4, window_bounds = array<i64: 128, 128>}, {transform_indices = @transform_5, window_bounds = array<i64: 2048, 128>}, {transform_indices = @transform_6, window_bounds = array<i64: 2048, 128>}]} {
    %get3A = arith.constant 0 : index
    %get3A_0 = arith.constant 0 : index
    %get3A_1 = vector.load %arg3[%get3A, %get3A_0] : memref<2x2048xf32, #tpu.memory_space<vmem>>, vector<2x2048xf32>
    %reduce_sum3A = arith.constant dense<0.000000e+00> : vector<2048xf32>
    %reduce_sum3A_2 = vector.multi_reduction <add>, %get3A_1, %reduce_sum3A [0] : vector<2x2048xf32> to vector<2048xf32>
    %add3A = arith.constant 1.000000e+00 : f32
    %add3A_3 = vector.broadcast %add3A : f32 to vector<2048xf32>
    %add3A_4 = arith.addf %reduce_sum3A_2, %add3A_3 : vector<2048xf32>
    %rsqrt3A = math.rsqrt %add3A_4 : vector<2048xf32>
    %broadcast_in_dim3A = vector.shape_cast %rsqrt3A : vector<2048xf32> to vector<2048x1xf32>
    %get3A_5 = arith.constant 0 : index
    %get3A_6 = arith.constant 0 : index
    %get3A_7 = arith.constant 0 : index
    %get3A_8 = vector.load %arg1[%get3A_5, %get3A_6, %get3A_7] : memref<2x2048x128xf32, #tpu.memory_space<vmem>>, vector<2x2048x128xf32>
    %reduce_sum3A_9 = arith.constant dense<0.000000e+00> : vector<2048x128xf32>
    %reduce_sum3A_10 = vector.multi_reduction <add>, %get3A_8, %reduce_sum3A_9 [0] : vector<2x2048x128xf32> to vector<2048x128xf32>
    %mul3A = vector.broadcast %broadcast_in_dim3A : vector<2048x1xf32> to vector<2048x128xf32>
    %mul3A_11 = arith.mulf %reduce_sum3A_10, %mul3A : vector<2048x128xf32>
    %get3A_12 = arith.constant 0 : index
    %get3A_13 = arith.constant 0 : index
    %get3A_14 = vector.load %arg2[%get3A_12, %get3A_13] : memref<2048x128xf32, #tpu.memory_space<vmem>>, vector<2048x128xf32>
    %mul3A_15 = arith.mulf %broadcast_in_dim3A, %broadcast_in_dim3A : vector<2048x1xf32>
    %mul3A_16 = vector.broadcast %mul3A_15 : vector<2048x1xf32> to vector<2048x128xf32>
    %mul3A_17 = arith.mulf %get3A_14, %mul3A_16 : vector<2048x128xf32>
    %add3A_18 = arith.addf %mul3A_11, %mul3A_17 : vector<2048x128xf32>
    %get3A_19 = arith.constant 0 : index
    %get3A_20 = arith.constant 0 : index
    %get3A_21 = vector.load %arg4[%get3A_19, %get3A_20] : memref<1x128xf32, #tpu.memory_space<vmem>>, vector<1x128xf32>
    %add3A_22 = vector.broadcast %get3A_21 : vector<1x128xf32> to vector<2048x128xf32>
    %add3A_23 = arith.addf %add3A_18, %add3A_22 : vector<2048x128xf32>
    %max3A = arith.constant 0.000000e+00 : f32
    %max3A_24 = vector.broadcast %max3A : f32 to vector<2048x128xf32>
    %max3A_25 = arith.maximumf %add3A_23, %max3A_24 : vector<2048x128xf32>
    %get3A_26 = arith.constant 0 : index
    %get3A_27 = arith.constant 0 : index
    %get3A_28 = vector.load %arg5[%get3A_26, %get3A_27] : memref<128x128xf32, #tpu.memory_space<vmem>>, vector<128x128xf32>
    %dot_general3A = arith.constant dense<0.000000e+00> : vector<2048x128xf32>
    %dot_general3A_29 = tpu.matmul %max3A_25, %get3A_28, %dot_general3A {dimension_numbers = #tpu.dot_dimension_numbers<[1], [0], [0], [1], [0, 0, 1, 1], [], []>, transpose_lhs_hint = false} : vector<2048x128xf32>, vector<128x128xf32>, vector<2048x128xf32> -> vector<2048x128xf32>
    %swap3A = arith.constant 0 : index
    %swap3A_30 = arith.constant 0 : index
    %swap3A_31 = vector.load %arg6[%swap3A, %swap3A_30] : memref<2048x128xf32, #tpu.memory_space<vmem>>, vector<2048x128xf32>
    tpu.vector_store %arg6[%swap3A, %swap3A_30], %dot_general3A_29 {strides = array<i32>} : memref<2048x128xf32, #tpu.memory_space<vmem>>, vector<2048x128xf32>,
    %mul3A_32 = vector.broadcast %broadcast_in_dim3A : vector<2048x1xf32> to vector<2048x128xf32>
    %mul3A_33 = arith.mulf %dot_general3A_29, %mul3A_32 : vector<2048x128xf32>
    %swap3A_34 = arith.constant 0 : index
    %swap3A_35 = arith.constant 0 : index
    %swap3A_36 = vector.load %arg7[%swap3A_34, %swap3A_35] : memref<2048x128xf32, #tpu.memory_space<vmem>>, vector<2048x128xf32>
    tpu.vector_store %arg7[%swap3A_34, %swap3A_35], %mul3A_33 {strides = array<i32>} : memref<2048x128xf32, #tpu.memory_space<vmem>>, vector<2048x128xf32>,
    return
  }
  func.func @transform_0(%arg0: i32) -> (i32, i32, i32) {
    %c0_i32 = arith.constant 0 : i32
    %c0_i32_0 = arith.constant 0 : i32
    %c0_i32_1 = arith.constant 0 : i32
    return %c0_i32, %arg0, %c0_i32_0 : i32, i32, i32
  }
  func.func @transform_1(%arg0: i32) -> (i32, i32) {
    %c0_i32 = arith.constant 0 : i32
    %c0_i32_0 = arith.constant 0 : i32
    return %arg0, %c0_i32 : i32, i32
  }
  func.func @transform_2(%arg0: i32) -> (i32, i32) {
    %c0_i32 = arith.constant 0 : i32
    %c0_i32_0 = arith.constant 0 : i32
    return %c0_i32, %arg0 : i32, i32
  }
  func.func @transform_3(%arg0: i32) -> (i32, i32) {
    %c0_i32 = arith.constant 0 : i32
    %c0_i32_0 = arith.constant 0 : i32
    %c0_i32_1 = arith.constant 0 : i32
    return %c0_i32, %c0_i32_0 : i32, i32
  }
  func.func @transform_4(%arg0: i32) -> (i32, i32) {
    %c0_i32 = arith.constant 0 : i32
    %c0_i32_0 = arith.constant 0 : i32
    %c0_i32_1 = arith.constant 0 : i32
    return %c0_i32, %c0_i32_0 : i32, i32
  }
  func.func @transform_5(%arg0: i32) -> (i32, i32) {
    %c0_i32 = arith.constant 0 : i32
    %c0_i32_0 = arith.constant 0 : i32
    return %arg0, %c0_i32 : i32, i32
  }
  func.func @transform_6(%arg0: i32) -> (i32, i32) {
    %c0_i32 = arith.constant 0 : i32
    %c0_i32_0 = arith.constant 0 : i32
    return %arg0, %c0_i32 : i32, i32
  }
}

module attributes {stable_mosaic.version = 14 : i64} {
  func.func @_tc3_body(%arg0: i32, %arg1: memref<2x2048x128xf32, #tpu.memory_space<vmem>>, %arg2: memref<2048x128xf32, #tpu.memory_space<vmem>>, %arg3: memref<2x2048xf32, #tpu.memory_space<vmem>>, %arg4: memref<1x128xf32, #tpu.memory_space<vmem>>, %arg5: memref<1x2048xi32, #tpu.memory_space<vmem>>, %arg6: memref<128x128xf32, #tpu.memory_space<vmem>>, %arg7: memref<1x128xf32, #tpu.memory_space<vmem>>, %arg8: memref<64x128xf32, #tpu.memory_space<vmem>>, %arg9: memref<64x128xf32, #tpu.memory_space<vmem>>, %arg10: memref<64x128xf32, #tpu.memory_space<vmem>>) attributes {dimension_semantics = [#tpu.dimension_semantics<arbitrary>], iteration_bounds = array<i64: 5>, scalar_prefetch = 0 : i64, scratch_operands = 2 : i64, tpu.core_type = #tpu.core_type<tc>, window_params = [{transform_indices = @transform_0, window_bounds = array<i64: 2, 2048, 128>}, {transform_indices = @transform_1, window_bounds = array<i64: 2048, 128>}, {transform_indices = @transform_2, window_bounds = array<i64: 2, 2048>}, {pipeline_mode = #tpu.pipeline_mode<synchronous>, transform_indices = @transform_3, window_bounds = array<i64: 1, 128>}, {transform_indices = @transform_4, window_bounds = array<i64: 1, 2048>}, {pipeline_mode = #tpu.pipeline_mode<synchronous>, transform_indices = @transform_5, window_bounds = array<i64: 128, 128>}, {pipeline_mode = #tpu.pipeline_mode<synchronous>, transform_indices = @transform_6, window_bounds = array<i64: 1, 128>}, {pipeline_mode = #tpu.pipeline_mode<synchronous>, transform_indices = @transform_7, window_bounds = array<i64: 64, 128>}]} {
    %eq3A = arith.constant 0 : i32
    %eq3A_0 = arith.cmpi eq, %arg0, %eq3A : i32
    %convert_element_type3A = arith.extui %eq3A_0 : i1 to i32
    %cond3A = arith.constant 0 : i32
    %cond3A_1 = arith.cmpi ne, %convert_element_type3A, %cond3A : i32
    scf.if %cond3A_1 {
      %broadcast_in_dim3A_60 = arith.constant 0.000000e+00 : f32
      %broadcast_in_dim3A_61 = vector.broadcast %broadcast_in_dim3A_60 : f32 to vector<64x128xf32>
      %swap3A_62 = arith.constant 0 : index
      %swap3A_63 = arith.constant 0 : index
      %swap3A_64 = vector.load %arg9[%swap3A_62, %swap3A_63] : memref<64x128xf32, #tpu.memory_space<vmem>>, vector<64x128xf32>
      tpu.vector_store %arg9[%swap3A_62, %swap3A_63], %broadcast_in_dim3A_61 {strides = array<i32>} : memref<64x128xf32, #tpu.memory_space<vmem>>, vector<64x128xf32>,
      %broadcast_in_dim3A_65 = arith.constant 0.000000e+00 : f32
      %broadcast_in_dim3A_66 = vector.broadcast %broadcast_in_dim3A_65 : f32 to vector<64x128xf32>
      %swap3A_67 = arith.constant 0 : index
      %swap3A_68 = arith.constant 0 : index
      %swap3A_69 = vector.load %arg10[%swap3A_67, %swap3A_68] : memref<64x128xf32, #tpu.memory_space<vmem>>, vector<64x128xf32>
      tpu.vector_store %arg10[%swap3A_67, %swap3A_68], %broadcast_in_dim3A_66 {strides = array<i32>} : memref<64x128xf32, #tpu.memory_space<vmem>>, vector<64x128xf32>,
    } else {
    }
    %get3A = arith.constant 0 : index
    %get3A_2 = arith.constant 0 : index
    %get3A_3 = vector.load %arg3[%get3A, %get3A_2] : memref<2x2048xf32, #tpu.memory_space<vmem>>, vector<2x2048xf32>
    %reduce_sum3A = arith.constant dense<0.000000e+00> : vector<2048xf32>
    %reduce_sum3A_4 = vector.multi_reduction <add>, %get3A_3, %reduce_sum3A [0] : vector<2x2048xf32> to vector<2048xf32>
    %add3A = arith.constant 1.000000e+00 : f32
    %add3A_5 = vector.broadcast %add3A : f32 to vector<2048xf32>
    %add3A_6 = arith.addf %reduce_sum3A_4, %add3A_5 : vector<2048xf32>
    %rsqrt3A = math.rsqrt %add3A_6 : vector<2048xf32>
    %broadcast_in_dim3A = vector.shape_cast %rsqrt3A : vector<2048xf32> to vector<2048x1xf32>
    %get3A_7 = arith.constant 0 : index
    %get3A_8 = arith.constant 0 : index
    %get3A_9 = arith.constant 0 : index
    %get3A_10 = vector.load %arg1[%get3A_7, %get3A_8, %get3A_9] : memref<2x2048x128xf32, #tpu.memory_space<vmem>>, vector<2x2048x128xf32>
    %reduce_sum3A_11 = arith.constant dense<0.000000e+00> : vector<2048x128xf32>
    %reduce_sum3A_12 = vector.multi_reduction <add>, %get3A_10, %reduce_sum3A_11 [0] : vector<2x2048x128xf32> to vector<2048x128xf32>
    %mul3A = vector.broadcast %broadcast_in_dim3A : vector<2048x1xf32> to vector<2048x128xf32>
    %mul3A_13 = arith.mulf %reduce_sum3A_12, %mul3A : vector<2048x128xf32>
    %get3A_14 = arith.constant 0 : index
    %get3A_15 = arith.constant 0 : index
    %get3A_16 = vector.load %arg2[%get3A_14, %get3A_15] : memref<2048x128xf32, #tpu.memory_space<vmem>>, vector<2048x128xf32>
    %mul3A_17 = arith.mulf %broadcast_in_dim3A, %broadcast_in_dim3A : vector<2048x1xf32>
    %mul3A_18 = vector.broadcast %mul3A_17 : vector<2048x1xf32> to vector<2048x128xf32>
    %mul3A_19 = arith.mulf %get3A_16, %mul3A_18 : vector<2048x128xf32>
    %add3A_20 = arith.addf %mul3A_13, %mul3A_19 : vector<2048x128xf32>
    %get3A_21 = arith.constant 0 : index
    %get3A_22 = arith.constant 0 : index
    %get3A_23 = vector.load %arg4[%get3A_21, %get3A_22] : memref<1x128xf32, #tpu.memory_space<vmem>>, vector<1x128xf32>
    %add3A_24 = vector.broadcast %get3A_23 : vector<1x128xf32> to vector<2048x128xf32>
    %add3A_25 = arith.addf %add3A_20, %add3A_24 : vector<2048x128xf32>
    %max3A = arith.constant 0.000000e+00 : f32
    %max3A_26 = vector.broadcast %max3A : f32 to vector<2048x128xf32>
    %max3A_27 = arith.maximumf %add3A_25, %max3A_26 : vector<2048x128xf32>
    %get3A_28 = arith.constant 0 : index
    %get3A_29 = arith.constant 0 : index
    %get3A_30 = vector.load %arg5[%get3A_28, %get3A_29] : memref<1x2048xi32, #tpu.memory_space<vmem>>, vector<1x2048xi32>
    %iota3A = tpu.iota {dimensions = array<i32: 0>} : vector<64x2048xi32>
    %eq3A_31 = vector.broadcast %get3A_30 : vector<1x2048xi32> to vector<64x2048xi32>
    %eq3A_32 = arith.cmpi eq, %iota3A, %eq3A_31 : vector<64x2048xi32>
    %jit3A = arith.constant 1.000000e+00 : f32
    %jit3A_33 = arith.constant 0.000000e+00 : f32
    %broadcast_in_dim3A_34 = vector.broadcast %jit3A : f32 to vector<64x2048xf32>
    %broadcast_in_dim3A_35 = vector.broadcast %jit3A_33 : f32 to vector<64x2048xf32>
    %select_n3A = arith.select %eq3A_32, %broadcast_in_dim3A_34, %broadcast_in_dim3A_35 : vector<64x2048xi1>, vector<64x2048xf32>
    %get3A_36 = arith.constant 0 : index
    %get3A_37 = arith.constant 0 : index
    %get3A_38 = vector.load %arg9[%get3A_36, %get3A_37] : memref<64x128xf32, #tpu.memory_space<vmem>>, vector<64x128xf32>
    %dot_general3A = arith.constant dense<0.000000e+00> : vector<64x128xf32>
    %dot_general3A_39 = tpu.matmul %select_n3A, %max3A_27, %dot_general3A {dimension_numbers = #tpu.dot_dimension_numbers<[1], [0], [0], [1], [0, 0, 1, 1], [], []>, transpose_lhs_hint = false} : vector<64x2048xf32>, vector<2048x128xf32>, vector<64x128xf32> -> vector<64x128xf32>
    %add3A_40 = arith.addf %get3A_38, %dot_general3A_39 : vector<64x128xf32>
    %swap3A = arith.constant 0 : index
    %swap3A_41 = arith.constant 0 : index
    %swap3A_42 = vector.load %arg9[%swap3A, %swap3A_41] : memref<64x128xf32, #tpu.memory_space<vmem>>, vector<64x128xf32>
    tpu.vector_store %arg9[%swap3A, %swap3A_41], %add3A_40 {strides = array<i32>} : memref<64x128xf32, #tpu.memory_space<vmem>>, vector<64x128xf32>,
    %get3A_43 = arith.constant 0 : index
    %get3A_44 = arith.constant 0 : index
    %get3A_45 = vector.load %arg10[%get3A_43, %get3A_44] : memref<64x128xf32, #tpu.memory_space<vmem>>, vector<64x128xf32>
    %reduce_sum3A_46 = arith.constant dense<0.000000e+00> : vector<64xf32>
    %reduce_sum3A_47 = vector.multi_reduction <add>, %select_n3A, %reduce_sum3A_46 [1] : vector<64x2048xf32> to vector<64xf32>
    %broadcast_in_dim3A_48 = vector.shape_cast %reduce_sum3A_47 : vector<64xf32> to vector<64x1xf32>
    %broadcast_in_dim3A_49 = vector.shape_cast %broadcast_in_dim3A_48 : vector<64x1xf32> to vector<64x1xf32>
    %broadcast_in_dim3A_50 = vector.broadcast %broadcast_in_dim3A_49 : vector<64x1xf32> to vector<64x128xf32>
    %add3A_51 = arith.addf %get3A_45, %broadcast_in_dim3A_50 : vector<64x128xf32>
    %swap3A_52 = arith.constant 0 : index
    %swap3A_53 = arith.constant 0 : index
    %swap3A_54 = vector.load %arg10[%swap3A_52, %swap3A_53] : memref<64x128xf32, #tpu.memory_space<vmem>>, vector<64x128xf32>
    tpu.vector_store %arg10[%swap3A_52, %swap3A_53], %add3A_51 {strides = array<i32>} : memref<64x128xf32, #tpu.memory_space<vmem>>, vector<64x128xf32>,
    %eq3A_55 = arith.constant 4 : i32
    %eq3A_56 = arith.cmpi eq, %arg0, %eq3A_55 : i32
    %convert_element_type3A_57 = arith.extui %eq3A_56 : i1 to i32
    %cond3A_58 = arith.constant 0 : i32
    %cond3A_59 = arith.cmpi ne, %convert_element_type3A_57, %cond3A_58 : i32
    scf.if %cond3A_59 {
      %get3A_60 = arith.constant 0 : index
      %get3A_61 = arith.constant 0 : index
      %get3A_62 = vector.load %arg9[%get3A_60, %get3A_61] : memref<64x128xf32, #tpu.memory_space<vmem>>, vector<64x128xf32>
      %get3A_63 = arith.constant 0 : index
      %get3A_64 = arith.constant 0 : index
      %get3A_65 = vector.load %arg10[%get3A_63, %get3A_64] : memref<64x128xf32, #tpu.memory_space<vmem>>, vector<64x128xf32>
      %max3A_66 = arith.constant 1.000000e+00 : f32
      %max3A_67 = vector.broadcast %max3A_66 : f32 to vector<64x128xf32>
      %max3A_68 = arith.maximumf %get3A_65, %max3A_67 : vector<64x128xf32>
      %div3A = arith.divf %get3A_62, %max3A_68 : vector<64x128xf32>
      %get3A_69 = arith.constant 0 : index
      %get3A_70 = arith.constant 0 : index
      %get3A_71 = vector.load %arg6[%get3A_69, %get3A_70] : memref<128x128xf32, #tpu.memory_space<vmem>>, vector<128x128xf32>
      %dot_general3A_72 = arith.constant dense<0.000000e+00> : vector<64x128xf32>
      %dot_general3A_73 = tpu.matmul %div3A, %get3A_71, %dot_general3A_72 {dimension_numbers = #tpu.dot_dimension_numbers<[1], [0], [0], [1], [0, 0, 1, 1], [], []>, transpose_lhs_hint = false} : vector<64x128xf32>, vector<128x128xf32>, vector<64x128xf32> -> vector<64x128xf32>
      %get3A_74 = arith.constant 0 : index
      %get3A_75 = arith.constant 0 : index
      %get3A_76 = vector.load %arg7[%get3A_74, %get3A_75] : memref<1x128xf32, #tpu.memory_space<vmem>>, vector<1x128xf32>
      %add3A_77 = vector.broadcast %get3A_76 : vector<1x128xf32> to vector<64x128xf32>
      %add3A_78 = arith.addf %dot_general3A_73, %add3A_77 : vector<64x128xf32>
      %swap3A_79 = arith.constant 0 : index
      %swap3A_80 = arith.constant 0 : index
      %swap3A_81 = vector.load %arg8[%swap3A_79, %swap3A_80] : memref<64x128xf32, #tpu.memory_space<vmem>>, vector<64x128xf32>
      tpu.vector_store %arg8[%swap3A_79, %swap3A_80], %add3A_78 {strides = array<i32>} : memref<64x128xf32, #tpu.memory_space<vmem>>, vector<64x128xf32>,
    } else {
    }
    return
  }
  func.func @transform_0(%arg0: i32) -> (i32, i32, i32) {
    %c0_i32 = arith.constant 0 : i32
    %c0_i32_0 = arith.constant 0 : i32
    %c0_i32_1 = arith.constant 0 : i32
    return %c0_i32, %arg0, %c0_i32_0 : i32, i32, i32
  }
  func.func @transform_1(%arg0: i32) -> (i32, i32) {
    %c0_i32 = arith.constant 0 : i32
    %c0_i32_0 = arith.constant 0 : i32
    return %arg0, %c0_i32 : i32, i32
  }
  func.func @transform_2(%arg0: i32) -> (i32, i32) {
    %c0_i32 = arith.constant 0 : i32
    %c0_i32_0 = arith.constant 0 : i32
    return %c0_i32, %arg0 : i32, i32
  }
  func.func @transform_3(%arg0: i32) -> (i32, i32) {
    %c0_i32 = arith.constant 0 : i32
    %c0_i32_0 = arith.constant 0 : i32
    %c0_i32_1 = arith.constant 0 : i32
    return %c0_i32, %c0_i32_0 : i32, i32
  }
  func.func @transform_4(%arg0: i32) -> (i32, i32) {
    %c0_i32 = arith.constant 0 : i32
    %c0_i32_0 = arith.constant 0 : i32
    return %c0_i32, %arg0 : i32, i32
  }
  func.func @transform_5(%arg0: i32) -> (i32, i32) {
    %c0_i32 = arith.constant 0 : i32
    %c0_i32_0 = arith.constant 0 : i32
    %c0_i32_1 = arith.constant 0 : i32
    return %c0_i32, %c0_i32_0 : i32, i32
  }
  func.func @transform_6(%arg0: i32) -> (i32, i32) {
    %c0_i32 = arith.constant 0 : i32
    %c0_i32_0 = arith.constant 0 : i32
    %c0_i32_1 = arith.constant 0 : i32
    return %c0_i32, %c0_i32_0 : i32, i32
  }
  func.func @transform_7(%arg0: i32) -> (i32, i32) {
    %c0_i32 = arith.constant 0 : i32
    %c0_i32_0 = arith.constant 0 : i32
    %c0_i32_1 = arith.constant 0 : i32
    return %c0_i32, %c0_i32_0 : i32, i32
  }
}

</mosaic_0001>

<sc_bundles>
// kernel: kernel.11.cloned.1.call-start
scs
__scs_entry_jumppad:
0x0: {  	(pc) =	sbr.rel $0x88, $3  }
0x1: {  	(tag) =	ssettag $0x0;
	lr =	simm.s32 $0x1  }
0x2: {  	[smem:$0x3F98] =	sst lr;
	_ =	strace $0xD0000000  }
0x3: {  	_ = 	snop  }
0x4: {  	_ = 	snop  }
0x5: {  	_ = 	snop  }
0x6: {  	_ = 	snop  }
0x7: {  	_ = 	snop  }
__scs_overlays_trampoline_lowered:
0x8: {  	[smem:$0x3FA7] =	sst s0  }
0x9: {  	[smem:$0x3FA8] =	sst s1  }
0xa: {  	[smem:$0x3FA9] =	sst s2  }
0xb: {  	[smem:$0x3FAA] =	sst s3  }
0xc: {  	[smem:$0x3FAB] =	sst s4  }
0xd: {  	[smem:$0x3FAC] =	sst s5  }
0xe: {  	[smem:$0x3FAD] =	sst s6  }
0xf: {  	[smem:$0x3FAE] =	sst s7  }
0x10: {  	[smem:$0x3FAF] =	sst s8  }
0x11: {  	[smem:$0x3FB0] =	sst s9;
	s0 =	simm.s32 @!p0 $0x0  }
0x12: {  	s1 =	sld [smem:$0x3F96];
	s0 =	simm.s32 @p0 $0x1  }
0x13: {  	[smem:$0x3FB1] =	sst s0;
	s0 =	simm.s32 @!p1 $0x0  }
0x14: {  	s2 =	sld [smem:$0x3F95];
	s0 =	simm.s32 @p1 $0x1  }
0x15: {  	[smem:$0x3FB2] =	sst s0;
	s0 =	simm.s32 @!p2 $0x0  }
0x16: {  	s3 =	sld [smem:$0x3FDB];
	s0 =	simm.s32 @p2 $0x1  }
0x17: {  	s4 =	simm.s32 $0x1BF5;
	[smem:$0x3FB4] =	sst s0  }
0x18: {  	s0 =	sld [smem:$0x3F97];
	_ =	swait.ge [sflag:s4], $0x0  }
0x19: {  	s7 =	sld [smem:$0x3F98]  }
0x1a: {  	s8 =	sadd.s32 $0xFFFFE003, lr  }
0x1b: {  	s9 =	sadd.s32 $0xFFFFFEF7, lr;
	s5 =	simm.s32 $0xFFFFFFFF;
	p2 =	slt.u32 s8, $0xFFFFF086  }
0x1c: {  	p1 =	slt.u32 s9, $0xF7A;
	s5 =	simm.s32 @!p2 $0x0  }
0x1d: {  	s5 =	simm.s32 @p1 $0x1;
	p0 =	seq.s32 s7, s2  }
0x1e: {  	s7 =	smul.u32 @!p0 $0xF7A, s2;
	p2 =	seq.s32 @!p0 s5, $0x0  }
0x1f: {  	s9 =	smul.u32 $0xF7A, s1;
	s8 =	simm.s32 @!p0 $0x1BF5;
	p2 =	por !p2, p0  }
0x20: {  	[sflag:s8] =	ssyncset.s32 @!p0 $0xFFFFF086;
	s6 =	sadd.s32 @!p0 s3, s7;
	s7 =	simm.s32 @!p0 $0x108  }
0x21: {  	s3 =	sadd.s32 s3, s9;
	s6 =	sadd.s32 @!p0 $0x88, s6;
	s7 =	simm.s32 @p2 $0x1082  }
0x22: {  	[simem:s7], [sflag:s8] =	dma.local @!p0 [hbm:s6], $0xF7A  }
0x23: {  	s9 =	sor.u32 $0xD0000000, s2;
	s6 =	simm.s32 $0x108;
	_ =	swait.ge @!p0 [sflag:s8], $0x0  }
0x24: {  	s3 =	sadd.s32 $0x88, s3;
	s6 =	simm.s32 @!p1 $0x1082;
	[sflag:s4] =	ssyncset.s32 $0xFFFFF086  }
0x25: {  	[simem:s6], [sflag:s4] =	dma.local [hbm:s3], $0xF7A  }
0x26: {  	[smem:$0x3F98] =	sst s1;
	(tag) =	ssettag s2;
	_ =	strace s9  }
0x27: {  	s1 =	sld [smem:$0x3FA8]  }
0x28: {  	s2 =	sld [smem:$0x3FA9]  }
0x29: {  	s4 =	sld [smem:$0x3FAB]  }
0x2a: {  	p0 =	seq.s32 s5, $0x0;
	s5 =	sld [smem:$0x3FAC]  }
0x2b: {  	s6 =	sld [smem:$0x3FAD]  }
0x2c: {  	s7 =	sld [smem:$0x3FAE]  }
0x2d: {  	s3 =	simm.s32 $0x108;
	s8 =	sld [smem:$0x3FAF]  }
0x2e: {  	s3 =	simm.s32 @!p0 $0x1082;
	s9 =	sld [smem:$0x3FB0]  }
0x2f: {  	lr =	sadd.s32 s0, s3;
	s0 =	sld [smem:$0x3FA7]  }
0x30: {  	s3 =	sld [smem:$0x3FAA]  }
0x31: {  	[smem:$0x3FB3] =	sst s10  }
0x32: {  	s10 =	sld [smem:$0x3FB1];
	_ =	sdelay $0x3  }
0x33: {  	p0 =	seq.s32 s10, $0x1;
	s10 =	sld [smem:$0x3FB3];
	_ =	sdelay $0x3  }
0x34: {  	[smem:$0x3FB3] =	sst s10  }
0x35: {  	s10 =	sld [smem:$0x3FB2];
	_ =	sdelay $0x3  }
0x36: {  	p1 =	seq.s32 s10, $0x1;
	s10 =	sld [smem:$0x3FB3];
	_ =	sdelay $0x3  }
0x37: {  	[smem:$0x3FB3] =	sst s10  }
0x38: {  	s10 =	sld [smem:$0x3FB4]  }
0x39: {  	_ = 	snop;
	(pc) =	sbr.ind lr, $3  }
0x3a: {  	_ = 	snop  }
0x3b: {  	_ = 	snop  }
0x3c: {  	p2 =	seq.s32 s10, $0x1;
	s10 =	sld [smem:$0x3FB3]  }
0x3d: {  	_ =	shalt  }
0x3e: {  	_ =	shalt  }
0x3f: {  	_ =	shalt  }
0x40: {  	_ =	shalt  }
0x41: {  	_ =	shalt  }
0x42: {  	_ =	shalt  }
0x43: {  	_ =	shalt  }
0x44: {  	_ =	shalt  }
0x45: {  	_ =	shalt  }
0x46: {  	_ =	shalt  }
0x47: {  	_ =	shalt  }
0x48: {  	_ =	shalt  }
0x49: {  	_ =	shalt  }
0x4a: {  	_ =	shalt  }
0x4b: {  	_ =	shalt  }
0x4c: {  	_ =	shalt  }
0x4d: {  	_ =	shalt  }
0x4e: {  	_ =	shalt  }
0x4f: {  	_ =	shalt  }
0x50: {  	_ =	shalt  }
0x51: {  	_ =	shalt  }
0x52: {  	_ =	shalt  }
0x53: {  	_ =	shalt  }
0x54: {  	_ =	shalt  }
0x55: {  	_ =	shalt  }
0x56: {  	_ =	shalt  }
0x57: {  	_ =	shalt  }
0x58: {  	_ =	shalt  }
0x59: {  	_ =	shalt  }
0x5a: {  	_ =	shalt  }
0x5b: {  	_ =	shalt  }
0x5c: {  	_ =	shalt  }
0x5d: {  	_ =	shalt  }
0x5e: {  	_ =	shalt  }
0x5f: {  	_ =	shalt  }
0x60: {  	_ =	shalt  }
0x61: {  	_ =	shalt  }
0x62: {  	_ =	shalt  }
0x63: {  	_ =	shalt  }
0x64: {  	_ =	shalt  }
0x65: {  	_ =	shalt  }
0x66: {  	_ =	shalt  }
0x67: {  	_ =	shalt  }
0x68: {  	_ =	shalt  }
0x69: {  	_ =	shalt  }
0x6a: {  	_ =	shalt  }
0x6b: {  	_ =	shalt  }
0x6c: {  	_ =	shalt  }
0x6d: {  	_ =	shalt  }
0x6e: {  	_ =	shalt  }
0x6f: {  	_ =	shalt  }
0x70: {  	_ =	shalt  }
0x71: {  	_ =	shalt  }
0x72: {  	_ =	shalt  }
0x73: {  	_ =	shalt  }
0x74: {  	_ =	shalt  }
0x75: {  	_ =	shalt  }
0x76: {  	_ =	shalt  }
0x77: {  	_ =	shalt  }
0x78: {  	_ =	shalt  }
0x79: {  	_ =	shalt  }
0x7a: {  	_ =	shalt  }
0x7b: {  	_ =	shalt  }
0x7c: {  	_ =	shalt  }
0x7d: {  	_ =	shalt  }
0x7e: {  	_ =	shalt  }
0x7f: {  	_ =	shalt  }
0x80: {  	_ =	shalt  }
0x81: {  	_ =	shalt  }
0x82: {  	_ =	shalt  }
0x83: {  	_ =	shalt  }
0x84: {  	_ =	shalt  }
0x85: {  	_ =	shalt  }
0x86: {  	_ =	shalt  }
0x87: {  	_ =	shalt  }
.Lfunc_end0:
.L_simem_size_0:
called_computation.1_lowered:
.L_overlay_start_0:
0x88: {  	s2 =	sld [smem:$0x3FD9]  }
0x89: {  	s3 =	sld [smem:$0x3FFE];
	_ =	sdelay $0x1  }
0x8a: {  	s1 =	srdreg.scid  }
0x8b: {  	s0 =	sand.u32 $0x1, s1  }
0x8c: {  	s16 =	sshll.u32 s0, $0xA;
	s2 =	sadd.s32 s3, s2  }
0x8d: {  	s2 =	sadd.s32 s2, s16  }
0x8e: {  	[smem:$0x3FBF] =	sst s2  }
0x8f: {  	_ = 	snop  }
0x90: {  	(tm) =	ssettm $0x1  }
0x91: {  	s17 =	sld [smem:$0x3FFB];
	_ =	sdelay $0x3  }
0x92: {  	_ =	strace s17  }
0x93: {  	s2 =	sld [smem:$0x3FFC];
	_ =	sdelay $0x3  }
0x94: {  	_ =	strace s2  }
0x95: {  	s2 =	sld [smem:$0x3FFD];
	_ =	sdelay $0x3  }
0x96: {  	_ =	strace s2  }
0x97: {  	_ =	strace $0x8FFFFFFF  }
0x98: {  	s18 =	sld [smem:$0x3FDB];
	_ =	sdelay $0x1  }
0x99: {  	s19 =	simm.s32 $_scs_section_size  }
0x9a: {  	s4 =	simm.s32 $_size__tile_overlayer_lowered;
	s5 =	simm.s32 $_tile_overlayer_lowered  }
0x9b: {  	s22 =	simm.s32 $0x1BFF;
	s21 =	sshll.u32 s5, $0x1;
	s2 =	sadd.s32 s19, s18  }
0x9c: {  	s6 =	simm.s32 $0x0;
	s20 =	sshll.u32 s4, $0x1;
	s4 =	sadd.s32 s21, s2  }
0x9d: {  	[timem:s6], [sflag:s22] =	dma.local [hbm:s4], s20  }
0x9e: {  	_ =	swait.ge [sflag:s22], s20  }
0x9f: {  	s3 =	ssub.s32 $0x0, s20;
	[sflag:s22] =	ssyncset.done $0x0  }
0xa0: {  	[sflag:s22] =	ssyncadd.s32 s3;
	_ =	sdelay $0x1  }
0xa1: {  	s23 =	simm.s32 $0x1B8B  }
0xa2: {  	_ =	swait.ge [sflag:s23], $0x1  }
0xa3: {  	[sflag:s23] =	ssyncset.done $0x0  }
0xa4: {  	s25 =	simm.s32 $0x1B8E;
	s24 =	sld [smem:$0x3FFE];
	[sflag:s23] =	ssyncadd.s32 $0xFFFFFFFF  }
0xa5: {  	s26 =	simm.s32 $execute0_lowered;
	[smem:$0x3FD2] =	sst s25  }
0xa6: {  	s4 =	sshll.u32 s26, $0x1;
	_ =	strace $0x80000049;
	[dreg:$0x1] =	wrdreg $0xFFFFFFFF  }
0xa7: {  	s28 =	simm.s32 $_size_execute0_lowered;
	s2 =	sadd.s32 s2, s4;
	[dreg:$0x0] =	wrdreg $0x0  }
0xa8: {  	s4 =	sshll.u32 s28, $0x1;
	[dreg:$0x2] =	wrdreg s2  }
0xa9: {  	[dreg:$0x3] =	wrdreg s4  }
0xaa: {  	[dreg:$0x4] =	wrdreg $0xC0  }
0xab: {  	_ =	task [dreg:s6], $0x5FFFF  }
0xac: {  	[dreg:$0x1] =	wrdreg $0xFFFFFFFF  }
0xad: {  	[dreg:$0x0] =	wrdreg $0x60  }
0xae: {  	[dreg:$0x2] =	wrdreg s24  }
0xaf: {  	[dreg:$0x3] =	wrdreg $0xA0000  }
0xb0: {  	[dreg:$0x4] =	wrdreg $0x9  }
0xb1: {  	_ =	task.clear_ibuf [dreg:s6], $0x5FFFF;
	_ =	strace $0x90000049  }
0xb2: {  	s29 =	simm.s32 $0x9;
	_ =	strace $0x8000004B  }
0xb3: {  	_ =	swait.ge [sflag:s29], $0x1  }
0xb4: {  	[sflag:s29] =	ssyncadd.s32 $0xFFFFFFFF  }
0xb5: {  	_ =	strace $0x9000004B  }
0xb6: {  	_ =	sfence  }
0xb7: {  	s30 =	sld [smem:$0x0];
	_ =	sdelay $0x2  }
0xb8: {  	s31 =	sshll.u32 s1, $0xD;
	s1 =	sshrl.u32 s1, $0x2  }
0xb9: {  	s3 =	sand.u32 $0x4000, s31;
	s1 =	sadd.s32 s1, s30  }
0xba: {  	s0 =	sor.u32 s3, s0;
	s1 =	sshll.u32 s1, $0x11  }
0xbb: {  	s0 =	sor.u32 s1, s0  }
0xbc: {  	s0 =	sadd.s32 $0x8F2B, s0  }
0xbd: {  	[sflag:s0] =	ssyncadd.remote.s32 $0x1  }
0xbe: {  	_ =	sfence.sel $0xFFFF  }
0xbf: {  	[dreg:$0x0] =	wrdreg $0xFFFFFFFF;
	(pc) =	sbr.abs _section_cstart, $3  }
0xc0: {  	[dreg:$0x1] =	wrdreg $0xFFFFFFFF  }
0xc1: {  	_ =	task.clear_ibuf [dreg:s6], $0x2FFFF;
	_ =	strace $0x9FFFFFFF  }
0xc2: {  	(tm) =	ssettm $0x7FFFFFFF  }
0xc3: {  	_ =	shalt  }
tec
execute0_lowered:
.L_overlay_start_1:
0x0: {  	(tag) =	ssettag $0x1  }
0x1: {  	s2 =	rddreg [dreg:$0x0]  }
0x2: {  	s0 =	rddreg [dreg:$0x1]  }
0x3: {  	s1 =	simm.s32 $0x0;
	s3 =	srdreg.scid;
	s11 =	stileid.u32  }
0x4: {  	s28 =	simm.s32 $0x5;
	s30 =	simm.s32 $0x80;
	s29 =	simm.s32 $0x1800  }
0x5: {  	s31 =	simm.s32 $0x1B80;
	[smem:$0x7FF] =	sst s1;
	s4 =	sadd.s32 $0x2600, s2  }
0x6: {  	s5 =	sadd.s32 $0xC600, s2;
	s3 =	sand.u32 $0x1, s3;
	s9 =	smul.u32 $0x14000, s11  }
0x7: {  	s10 =	sadd.s32 $0x3E600, s2;
	s6 =	ssub.s32 $0x2, s3;
	s7 =	sshll.u32 s3, $0x4  }
0x8: {  	s3 =	smul.u32 $0x140000, s3;
	s8 =	sshrl.u32 s6, $0x1;
	s7 =	sor.u32 s11, s7  }
0x9: {  	s12 =	sadd.s32 $0x8000, s9;
	s13 =	sadd.s32 $0xC000, s9;
	s7 =	smul.u32 $0x2800, s7  }
0xa: {  	s14 =	sadd.s32 $0x10000, s9;
	s6 =	ssub.s32 s6, s8;
	s8 =	smul.u32 $0x50000, s11  }
0xb: {  	s11 =	sadd.s32 $0x4000, s9;
	s26 =	sadd.s32 s9, s3;
	s7 =	sshrl.u32 s7, $0x3  }
0xc: {  	s18 =	sadd.s32 s3, s13;
	s9 =	sadd.s32 s3, s11;
	s15 =	sadd.s32 s4, s7  }
0xd: {  	s19 =	sadd.s32 s5, s7;
	s20 =	sadd.s32 $0x100, s7;
	s21 =	sadd.s32 $0x200, s7  }
0xe: {  	s23 =	sadd.s32 $0x300, s7;
	s7 =	sadd.s32 $0x400, s7;
	[dreg:$0x3] =	wrdreg s15  }
0xf: {  	[dreg:$0x4] =	wrdreg s19;
	s16 =	sadd.s32 s4, s20;
	s15 =	sadd.s32 s5, s20  }
0x10: {  	s22 =	sadd.s32 s4, s21;
	s24 =	sadd.s32 s4, s23;
	[dreg:$0x5] =	wrdreg s16  }
0x11: {  	s25 =	sadd.s32 s5, s23;
	s4 =	sadd.s32 s4, s7;
	[dreg:$0x6] =	wrdreg s15  }
0x12: {  	s19 =	sshrl.u32 s18, $0x3;
	s20 =	sshrl.u32 s8, $0x2;
	[dreg:$0x7] =	wrdreg s22  }
0x13: {  	s23 =	sadd.s32 s12, s0;
	s8 =	simm.s32 $0x0;
	[dreg:$0x9] =	wrdreg s24  }
0x14: {  	s18 =	simm.s32 $0x1A00;
	s15 =	sadd.s32 s5, s21;
	[dreg:$0xa] =	wrdreg s25  }
0x15: {  	[dreg:$0xb] =	wrdreg s4;
	s5 =	sadd.s32 s5, s7;
	s4 =	sshrl.u32 s26, $0x3  }
0x16: {  	s16 =	sadd.s32 s3, s12;
	s3 =	sadd.s32 s3, s14;
	s21 =	sadd.s32 s20, s0  }
0x17: {  	s22 =	sadd.s32 s11, s0;
	s24 =	sadd.s32 s13, s0;
	[dreg:$0x8] =	wrdreg s15  }
0x18: {  	[dreg:$0xc] =	wrdreg s5;
	s4 =	sadd.s32 s10, s4;
	s15 =	sshrl.u32 s9, $0x3  }
0x19: {  	s3 =	sshrl.u32 s3, $0x3;
	[dreg:$0xd] =	wrdreg s4;
	s4 =	sadd.s32 s10, s15  }
0x1a: {  	s17 =	sshrl.u32 s16, $0x3;
	s3 =	sadd.s32 s10, s3;
	[dreg:$0xe] =	wrdreg s4  }
0x1b: {  	s25 =	sadd.s32 s14, s0;
	s4 =	sadd.s32 s10, s17;
	[dreg:$0x11] =	wrdreg s3  }
0x1c: {  	s26 =	smax.u32 s6, $0x1;
	[dreg:$0xf] =	wrdreg s4;
	s4 =	sadd.s32 s10, s19  }
0x1d: {  	s6 =	simm.s32 $0x3;
	s7 =	simm.s32 $0x4;
	[dreg:$0x10] =	wrdreg s4  }
0x1e: {  	s12 =	simm.s32 $0x1880;
	_ =	strace $0x8000004A;
	[dreg:$0x13] =	wrdreg s21  }
0x1f: {  	s13 =	simm.s32 $0x980;
	s14 =	simm.s32 $0x1900;
	[dreg:$0x14] =	wrdreg s22  }
0x20: {  	s20 =	simm.s32 $0xB00;
	s16 =	simm.s32 $0x1980;
	[dreg:$0x15] =	wrdreg s23  }
0x21: {  	s15 =	simm.s32 $0xA00;
	s3 =	simm.s32 $0x6000;
	[dreg:$0x16] =	wrdreg s24  }
0x22: {  	s17 =	simm.s32 $0xA80;
	s19 =	sadd.s32 $0x16600, s2;
	[dreg:$0x17] =	wrdreg s25  }
0x23: {  	s2 =	simm.s32 $0x1;
	s4 =	simm.s32 $0x2;
	[dreg:$0x12] =	wrdreg s26  }
0x24: {  	s26 =	simm.s32 $0x2000;
	s24 =	simm.s32 $0x800;
	s21 =	simm.s32 $0x1A80  }
0x25: {  	v0 =	vimm.f32 $0.0e+00;
	s22 =	simm.s32 $0xB80;
	s23 =	simm.s32 $0x1B00;
	s25 =	simm.s32 $0xC00  }
.LBB2_1:
0x26: {  	s9 =	simm.s32 $0x0;
	s10 =	simm.s32 $0x200  }
.LBB2_2:
0x27: {  	p0 =	sne.s32 s10, $0xFE00;
	[tilespmem:s9+$0x2070] =	vst v0  }
0x28: {  	[tilespmem:s9+$0x2000] =	vst v0  }
0x29: {  	[tilespmem:s9+$0x2010] =	vst v0  }
.Ltmp0:
0x2a: {  	[tilespmem:s9+$0x2020] =	vst v0;
	(pc) =	sbr.rel @p0 .LBB2_2-.Ltmp0, $4  }
0x2b: {  	[tilespmem:s9+$0x2030] =	vst v0  }
0x2c: {  	[tilespmem:s9+$0x2040] =	vst v0  }
0x2d: {  	[tilespmem:s9+$0x2050] =	vst v0  }
0x2e: {  	[tilespmem:s9+$0x2060] =	vst v0;
	s9 =	sshra.s32 s10, $0x2;
	s10 =	sadd.s32 $0x200, s10  }
0x2f: {  	[tilespmem:s9+$0x2070] =	vst v0  }
0x30: {  	[tilespmem:s9+$0x2000] =	vst v0  }
0x31: {  	[tilespmem:s9+$0x2010] =	vst v0  }
0x32: {  	[tilespmem:s9+$0x2020] =	vst v0  }
0x33: {  	[tilespmem:s9+$0x2030] =	vst v0  }
0x34: {  	[tilespmem:s9+$0x2040] =	vst v0  }
0x35: {  	[tilespmem:s9+$0x2050] =	vst v0  }
0x36: {  	[tilespmem:s9+$0x2060] =	vst v0;
	s5 =	rddreg [dreg:$0x13]  }
0x37: {  	[spmem:s5] =	stream.linear.scatter [tilespmem:s26], [sflag:$0x5], $0x4000, $0x38;
	[tilespmem:$0x1E000] =	vst v63  }
0x38: {  	_ =	swait.ge [sflag:s28], $0x4000  }
0x39: {  	[sflag:s28] =	ssyncset.done $0x0  }
0x3a: {  	s9 =	rddreg [dreg:$0x14];
	[sflag:s28] =	ssyncadd.s32 $0xFFFFC000  }
0x3b: {  	[spmem:s9] =	stream.linear.scatter [tilespmem:s26], [sflag:$0x5], $0x4000, $0x38;
	[tilespmem:$0x1E000] =	vst v63  }
0x3c: {  	_ =	swait.ge [sflag:s28], $0x4000  }
0x3d: {  	[sflag:s28] =	ssyncset.done $0x0  }
0x3e: {  	s10 =	rddreg [dreg:$0x15];
	[sflag:s28] =	ssyncadd.s32 $0xFFFFC000  }
0x3f: {  	[spmem:s10] =	stream.linear.scatter [tilespmem:s26], [sflag:$0x5], $0x4000, $0x38;
	[tilespmem:$0x1E000] =	vst v63  }
0x40: {  	_ =	swait.ge [sflag:s28], $0x4000  }
0x41: {  	[sflag:s28] =	ssyncset.done $0x0  }
0x42: {  	s11 =	rddreg [dreg:$0x16];
	[sflag:s28] =	ssyncadd.s32 $0xFFFFC000  }
0x43: {  	[spmem:s11] =	stream.linear.scatter [tilespmem:s26], [sflag:$0x5], $0x4000, $0x38;
	[tilespmem:$0x1E000] =	vst v63  }
0x44: {  	_ =	swait.ge [sflag:s28], $0x4000  }
0x45: {  	[sflag:s28] =	ssyncset.done $0x0  }
0x46: {  	s9 =	rddreg [dreg:$0x17];
	[sflag:s28] =	ssyncadd.s32 $0xFFFFC000  }
0x47: {  	[spmem:s9] =	stream.linear.scatter [tilespmem:s26], [sflag:$0x5], $0x4000, $0x38;
	[tilespmem:$0x1E000] =	vst v63  }
0x48: {  	_ =	swait.ge [sflag:s28], $0x4000  }
0x49: {  	[sflag:s28] =	ssyncset.done $0x0  }
0x4a: {  	s10 =	rddreg [dreg:$0x3];
	[sflag:s28] =	ssyncadd.s32 $0xFFFFC000  }
0x4b: {  	[tilespmem:s1], [sflag:$0x5] =	stream.linear.gather [hbm4b:s10+s1], $0x800, $0x38;
	[tilespmem:$0x1E000] =	vst v63  }
0x4c: {  	_ =	swait.ge [sflag:s28], $0x800  }
0x4d: {  	[sflag:s28] =	ssyncset.done $0x0  }
0x4e: {  	s5 =	simm.s32 $0x1000;
	s11 =	rddreg [dreg:$0x4];
	[sflag:s28] =	ssyncadd.s32 $0xFFFFF800  }
0x4f: {  	[tilespmem:s5], [sflag:$0x5] =	stream.linear.gather [hbm4b:s11+s1], $0x800, $0x38;
	[tilespmem:$0x1E000] =	vst v63  }
0x50: {  	_ =	swait.ge [sflag:s28], $0x800  }
0x51: {  	[sflag:s28] =	ssyncset.done $0x0  }
0x52: {  	[sflag:s28] =	ssyncadd.s32 $0xFFFFF800  }
0x53: {  	[tilespmem:s26], [sflag:$0x1] =	stream.indirect.gather [hbm4b:s19+s30], $0x80, s1, s30, $0xb8;
	[tilespmem:$0x1E000] =	vst v63  }
0x54: {  	[bflag:$0x0] =	sbarrier.arrive $0xFFFF  }
0x55: {  	s10 =	rddreg [dreg:$0x5]  }
0x56: {  	[tilespmem:s24], [sflag:$0x3] =	stream.linear.gather [hbm4b:s10+s1], $0x800, $0x38;
	[tilespmem:$0x1E000] =	vst v63  }
0x57: {  	s11 =	rddreg [dreg:$0x6]  }
0x58: {  	[tilespmem:s29], [sflag:$0x4] =	stream.linear.gather [hbm4b:s11+s1], $0x800, $0x38;
	[tilespmem:$0x1E000] =	vst v63  }
0x59: {  	_ =	swait.ge [sflag:s2], $0x4000  }
0x5a: {  	[sflag:s2] =	ssyncset.done $0x0  }
0x5b: {  	[sflag:s2] =	ssyncadd.s32 $0xFFFFC000  }
0x5c: {  	[tilespmem:s3], [sflag:$0x2] =	stream.indirect.gather [hbm4b:s19+s30], $0x80, s30, s30, $0xb8;
	[tilespmem:$0x1E000] =	vst v63  }
0x5d: {  	_ = 	snop  }
0x5e: {  	[spmem:s0] =	stream.indirect.scatter.add.f32 [tilespmem:s26], [sflag:$0x5], $0x80, s5, s30, $0xb8;
	[tilespmem:$0x1E000] =	vst v63  }
0x5f: {  	_ =	swait.ge [sflag:s28], $0x4000  }
0x60: {  	[sflag:s28] =	ssyncset.done $0x0  }
0x61: {  	[sflag:s28] =	ssyncadd.s32 $0xFFFFC000  }
0x62: {  	_ =	swait.ge [sflag:s4], $0x4000  }
0x63: {  	[sflag:s4] =	ssyncset.done $0x0  }
0x64: {  	s10 =	simm.s32 $0x100;
	[sflag:s4] =	ssyncadd.s32 $0xFFFFC000  }
0x65: {  	[tilespmem:s26], [sflag:$0x1] =	stream.indirect.gather [hbm4b:s19+s30], $0x80, s10, s30, $0xb8;
	[tilespmem:$0x1E000] =	vst v63  }
0x66: {  	s11 =	simm.s32 $0x1080  }
0x67: {  	[spmem:s0] =	stream.indirect.scatter.add.f32 [tilespmem:s3], [sflag:$0x5], $0x80, s11, s30, $0xb8;
	[tilespmem:$0x1E000] =	vst v63  }
0x68: {  	_ =	swait.ge [sflag:s28], $0x4000  }
0x69: {  	[sflag:s28] =	ssyncset.done $0x0  }
0x6a: {  	[sflag:s28] =	ssyncadd.s32 $0xFFFFC000  }
0x6b: {  	_ =	swait.ge [sflag:s2], $0x4000  }
0x6c: {  	[sflag:s2] =	ssyncset.done $0x0  }
0x6d: {  	s10 =	simm.s32 $0x180;
	[sflag:s2] =	ssyncadd.s32 $0xFFFFC000  }
0x6e: {  	[tilespmem:s3], [sflag:$0x2] =	stream.indirect.gather [hbm4b:s19+s30], $0x80, s10, s30, $0xb8;
	[tilespmem:$0x1E000] =	vst v63  }
0x6f: {  	s11 =	simm.s32 $0x1100  }
0x70: {  	[spmem:s0] =	stream.indirect.scatter.add.f32 [tilespmem:s26], [sflag:$0x5], $0x80, s11, s30, $0xb8;
	[tilespmem:$0x1E000] =	vst v63  }
0x71: {  	_ =	swait.ge [sflag:s28], $0x4000  }
0x72: {  	[sflag:s28] =	ssyncset.done $0x0  }
0x73: {  	[sflag:s28] =	ssyncadd.s32 $0xFFFFC000  }
0x74: {  	_ =	swait.ge [sflag:s4], $0x4000  }
0x75: {  	[sflag:s4] =	ssyncset.done $0x0  }
0x76: {  	s10 =	simm.s32 $0x200;
	[sflag:s4] =	ssyncadd.s32 $0xFFFFC000  }
0x77: {  	[tilespmem:s26], [sflag:$0x1] =	stream.indirect.gather [hbm4b:s19+s30], $0x80, s10, s30, $0xb8;
	[tilespmem:$0x1E000] =	vst v63  }
0x78: {  	s11 =	simm.s32 $0x1180  }
0x79: {  	[spmem:s0] =	stream.indirect.scatter.add.f32 [tilespmem:s3], [sflag:$0x5], $0x80, s11, s30, $0xb8;
	[tilespmem:$0x1E000] =	vst v63  }
0x7a: {  	_ =	swait.ge [sflag:s28], $0x4000  }
0x7b: {  	[sflag:s28] =	ssyncset.done $0x0  }
0x7c: {  	[sflag:s28] =	ssyncadd.s32 $0xFFFFC000  }
0x7d: {  	_ =	swait.ge [sflag:s2], $0x4000  }
0x7e: {  	[sflag:s2] =	ssyncset.done $0x0  }
0x7f: {  	s10 =	simm.s32 $0x280;
	[sflag:s2] =	ssyncadd.s32 $0xFFFFC000  }
0x80: {  	[tilespmem:s3], [sflag:$0x2] =	stream.indirect.gather [hbm4b:s19+s30], $0x80, s10, s30, $0xb8;
	[tilespmem:$0x1E000] =	vst v63  }
0x81: {  	s11 =	simm.s32 $0x1200  }
0x82: {  	[spmem:s0] =	stream.indirect.scatter.add.f32 [tilespmem:s26], [sflag:$0x5], $0x80, s11, s30, $0xb8;
	[tilespmem:$0x1E000] =	vst v63  }
0x83: {  	_ =	swait.ge [sflag:s28], $0x4000  }
0x84: {  	[sflag:s28] =	ssyncset.done $0x0  }
0x85: {  	[sflag:s28] =	ssyncadd.s32 $0xFFFFC000  }
0x86: {  	_ =	swait.ge [sflag:s4], $0x4000  }
0x87: {  	[sflag:s4] =	ssyncset.done $0x0  }
0x88: {  	s10 =	simm.s32 $0x300;
	[sflag:s4] =	ssyncadd.s32 $0xFFFFC000  }
0x89: {  	[tilespmem:s26], [sflag:$0x1] =	stream.indirect.gather [hbm4b:s19+s30], $0x80, s10, s30, $0xb8;
	[tilespmem:$0x1E000] =	vst v63  }
0x8a: {  	s11 =	simm.s32 $0x1280  }
0x8b: {  	[spmem:s0] =	stream.indirect.scatter.add.f32 [tilespmem:s3], [sflag:$0x5], $0x80, s11, s30, $0xb8;
	[tilespmem:$0x1E000] =	vst v63  }
0x8c: {  	_ =	swait.ge [sflag:s28], $0x4000  }
0x8d: {  	[sflag:s28] =	ssyncset.done $0x0  }
0x8e: {  	[sflag:s28] =	ssyncadd.s32 $0xFFFFC000  }
0x8f: {  	_ =	swait.ge [sflag:s2], $0x4000  }
0x90: {  	[sflag:s2] =	ssyncset.done $0x0  }
0x91: {  	s10 =	simm.s32 $0x380;
	[sflag:s2] =	ssyncadd.s32 $0xFFFFC000  }
0x92: {  	[tilespmem:s3], [sflag:$0x2] =	stream.indirect.gather [hbm4b:s19+s30], $0x80, s10, s30, $0xb8;
	[tilespmem:$0x1E000] =	vst v63  }
0x93: {  	s11 =	simm.s32 $0x1300  }
0x94: {  	[spmem:s0] =	stream.indirect.scatter.add.f32 [tilespmem:s26], [sflag:$0x5], $0x80, s11, s30, $0xb8;
	[tilespmem:$0x1E000] =	vst v63  }
0x95: {  	_ =	swait.ge [sflag:s28], $0x4000  }
0x96: {  	[sflag:s28] =	ssyncset.done $0x0  }
0x97: {  	[sflag:s28] =	ssyncadd.s32 $0xFFFFC000  }
0x98: {  	_ =	swait.ge [sflag:s4], $0x4000  }
0x99: {  	[sflag:s4] =	ssyncset.done $0x0  }
0x9a: {  	s10 =	simm.s32 $0x400;
	[sflag:s4] =	ssyncadd.s32 $0xFFFFC000  }
0x9b: {  	[tilespmem:s26], [sflag:$0x1] =	stream.indirect.gather [hbm4b:s19+s30], $0x80, s10, s30, $0xb8;
	[tilespmem:$0x1E000] =	vst v63  }
0x9c: {  	s11 =	simm.s32 $0x1380  }
0x9d: {  	[spmem:s0] =	stream.indirect.scatter.add.f32 [tilespmem:s3], [sflag:$0x5], $0x80, s11, s30, $0xb8;
	[tilespmem:$0x1E000] =	vst v63  }
0x9e: {  	_ =	swait.ge [sflag:s28], $0x4000  }
0x9f: {  	[sflag:s28] =	ssyncset.done $0x0  }
0xa0: {  	[sflag:s28] =	ssyncadd.s32 $0xFFFFC000  }
0xa1: {  	_ =	swait.ge [sflag:s2], $0x4000  }
0xa2: {  	[sflag:s2] =	ssyncset.done $0x0  }
0xa3: {  	s10 =	simm.s32 $0x480;
	[sflag:s2] =	ssyncadd.s32 $0xFFFFC000  }
0xa4: {  	[tilespmem:s3], [sflag:$0x2] =	stream.indirect.gather [hbm4b:s19+s30], $0x80, s10, s30, $0xb8;
	[tilespmem:$0x1E000] =	vst v63  }
0xa5: {  	s11 =	simm.s32 $0x1400  }
0xa6: {  	[spmem:s0] =	stream.indirect.scatter.add.f32 [tilespmem:s26], [sflag:$0x5], $0x80, s11, s30, $0xb8;
	[tilespmem:$0x1E000] =	vst v63  }
0xa7: {  	_ =	swait.ge [sflag:s28], $0x4000  }
0xa8: {  	[sflag:s28] =	ssyncset.done $0x0  }
0xa9: {  	[sflag:s28] =	ssyncadd.s32 $0xFFFFC000  }
0xaa: {  	_ =	swait.ge [sflag:s4], $0x4000  }
0xab: {  	[sflag:s4] =	ssyncset.done $0x0  }
0xac: {  	s10 =	simm.s32 $0x500;
	[sflag:s4] =	ssyncadd.s32 $0xFFFFC000  }
0xad: {  	[tilespmem:s26], [sflag:$0x1] =	stream.indirect.gather [hbm4b:s19+s30], $0x80, s10, s30, $0xb8;
	[tilespmem:$0x1E000] =	vst v63  }
0xae: {  	s11 =	simm.s32 $0x1480  }
0xaf: {  	[spmem:s0] =	stream.indirect.scatter.add.f32 [tilespmem:s3], [sflag:$0x5], $0x80, s11, s30, $0xb8;
	[tilespmem:$0x1E000] =	vst v63  }
0xb0: {  	_ =	swait.ge [sflag:s28], $0x4000  }
0xb1: {  	[sflag:s28] =	ssyncset.done $0x0  }
0xb2: {  	[sflag:s28] =	ssyncadd.s32 $0xFFFFC000  }
0xb3: {  	_ =	swait.ge [sflag:s2], $0x4000  }
0xb4: {  	[sflag:s2] =	ssyncset.done $0x0  }
0xb5: {  	s10 =	simm.s32 $0x580;
	[sflag:s2] =	ssyncadd.s32 $0xFFFFC000  }
0xb6: {  	[tilespmem:s3], [sflag:$0x2] =	stream.indirect.gather [hbm4b:s19+s30], $0x80, s10, s30, $0xb8;
	[tilespmem:$0x1E000] =	vst v63  }
0xb7: {  	s11 =	simm.s32 $0x1500  }
0xb8: {  	[spmem:s0] =	stream.indirect.scatter.add.f32 [tilespmem:s26], [sflag:$0x5], $0x80, s11, s30, $0xb8;
	[tilespmem:$0x1E000] =	vst v63  }
0xb9: {  	_ =	swait.ge [sflag:s28], $0x4000  }
0xba: {  	[sflag:s28] =	ssyncset.done $0x0  }
0xbb: {  	[sflag:s28] =	ssyncadd.s32 $0xFFFFC000  }
0xbc: {  	_ =	swait.ge [sflag:s4], $0x4000  }
0xbd: {  	[sflag:s4] =	ssyncset.done $0x0  }
0xbe: {  	s10 =	simm.s32 $0x600;
	[sflag:s4] =	ssyncadd.s32 $0xFFFFC000  }
0xbf: {  	[tilespmem:s26], [sflag:$0x1] =	stream.indirect.gather [hbm4b:s19+s30], $0x80, s10, s30, $0xb8;
	[tilespmem:$0x1E000] =	vst v63  }
0xc0: {  	s11 =	simm.s32 $0x1580  }
0xc1: {  	[spmem:s0] =	stream.indirect.scatter.add.f32 [tilespmem:s3], [sflag:$0x5], $0x80, s11, s30, $0xb8;
	[tilespmem:$0x1E000] =	vst v63  }
0xc2: {  	_ =	swait.ge [sflag:s28], $0x4000  }
0xc3: {  	[sflag:s28] =	ssyncset.done $0x0  }
0xc4: {  	[sflag:s28] =	ssyncadd.s32 $0xFFFFC000  }
0xc5: {  	_ =	swait.ge [sflag:s2], $0x4000  }
0xc6: {  	[sflag:s2] =	ssyncset.done $0x0  }
0xc7: {  	s10 =	simm.s32 $0x680;
	[sflag:s2] =	ssyncadd.s32 $0xFFFFC000  }
0xc8: {  	[tilespmem:s3], [sflag:$0x2] =	stream.indirect.gather [hbm4b:s19+s30], $0x80, s10, s30, $0xb8;
	[tilespmem:$0x1E000] =	vst v63  }
0xc9: {  	s11 =	simm.s32 $0x1600  }
0xca: {  	[spmem:s0] =	stream.indirect.scatter.add.f32 [tilespmem:s26], [sflag:$0x5], $0x80, s11, s30, $0xb8;
	[tilespmem:$0x1E000] =	vst v63  }
0xcb: {  	_ =	swait.ge [sflag:s28], $0x4000  }
0xcc: {  	[sflag:s28] =	ssyncset.done $0x0  }
0xcd: {  	[sflag:s28] =	ssyncadd.s32 $0xFFFFC000  }
0xce: {  	_ =	swait.ge [sflag:s4], $0x4000  }
0xcf: {  	[sflag:s4] =	ssyncset.done $0x0  }
0xd0: {  	s10 =	simm.s32 $0x700;
	[sflag:s4] =	ssyncadd.s32 $0xFFFFC000  }
0xd1: {  	[tilespmem:s26], [sflag:$0x1] =	stream.indirect.gather [hbm4b:s19+s30], $0x80, s10, s30, $0xb8;
	[tilespmem:$0x1E000] =	vst v63  }
0xd2: {  	s11 =	simm.s32 $0x1680  }
0xd3: {  	[spmem:s0] =	stream.indirect.scatter.add.f32 [tilespmem:s3], [sflag:$0x5], $0x80, s11, s30, $0xb8;
	[tilespmem:$0x1E000] =	vst v63  }
0xd4: {  	_ =	swait.ge [sflag:s28], $0x4000  }
0xd5: {  	[sflag:s28] =	ssyncset.done $0x0  }
0xd6: {  	[sflag:s28] =	ssyncadd.s32 $0xFFFFC000  }
0xd7: {  	_ =	swait.ge [sflag:s2], $0x4000  }
0xd8: {  	[sflag:s2] =	ssyncset.done $0x0  }
0xd9: {  	s10 =	simm.s32 $0x780;
	[sflag:s2] =	ssyncadd.s32 $0xFFFFC000  }
0xda: {  	[tilespmem:s3], [sflag:$0x2] =	stream.indirect.gather [hbm4b:s19+s30], $0x80, s10, s30, $0xb8;
	[tilespmem:$0x1E000] =	vst v63  }
0xdb: {  	s11 =	simm.s32 $0x1700  }
0xdc: {  	[spmem:s0] =	stream.indirect.scatter.add.f32 [tilespmem:s26], [sflag:$0x5], $0x80, s11, s30, $0xb8;
	[tilespmem:$0x1E000] =	vst v63  }
0xdd: {  	_ =	swait.ge [sflag:s28], $0x4000  }
0xde: {  	[sflag:s28] =	ssyncset.done $0x0  }
0xdf: {  	[sflag:s28] =	ssyncadd.s32 $0xFFFFC000  }
0xe0: {  	_ =	swait.ge [sflag:s4], $0x4000  }
0xe1: {  	[sflag:s4] =	ssyncset.done $0x0  }
0xe2: {  	s10 =	simm.s32 $0x1780;
	[sflag:s4] =	ssyncadd.s32 $0xFFFFC000  }
0xe3: {  	[spmem:s0] =	stream.indirect.scatter.add.f32 [tilespmem:s3], [sflag:$0x5], $0x80, s10, s30, $0xb8;
	[tilespmem:$0x1E000] =	vst v63  }
0xe4: {  	_ =	swait.ge [sflag:s28], $0x4000  }
0xe5: {  	[sflag:s28] =	ssyncset.done $0x0  }
0xe6: {  	[sflag:s28] =	ssyncadd.s32 $0xFFFFC000  }
0xe7: {  	_ =	swait.ge [sflag:s6], $0x800  }
0xe8: {  	[sflag:s6] =	ssyncset.done $0x0  }
0xe9: {  	[sflag:s6] =	ssyncadd.s32 $0xFFFFF800  }
0xea: {  	_ =	swait.ge [sflag:s7], $0x800  }
0xeb: {  	[sflag:s7] =	ssyncset.done $0x0  }
0xec: {  	[sflag:s7] =	ssyncadd.s32 $0xFFFFF800  }
0xed: {  	[tilespmem:s26], [sflag:$0x1] =	stream.indirect.gather [hbm4b:s19+s30], $0x80, s24, s30, $0xb8;
	[tilespmem:$0x1E000] =	vst v63  }
0xee: {  	s11 =	rddreg [dreg:$0x7]  }
0xef: {  	[tilespmem:s1], [sflag:$0x3] =	stream.linear.gather [hbm4b:s11+s1], $0x800, $0x38;
	[tilespmem:$0x1E000] =	vst v63  }
0xf0: {  	s10 =	rddreg [dreg:$0x8]  }
0xf1: {  	[tilespmem:s5], [sflag:$0x4] =	stream.linear.gather [hbm4b:s10+s1], $0x800, $0x38;
	[tilespmem:$0x1E000] =	vst v63  }
0xf2: {  	_ =	swait.ge [sflag:s2], $0x4000  }
0xf3: {  	[sflag:s2] =	ssyncset.done $0x0  }
0xf4: {  	s10 =	simm.s32 $0x880;
	[sflag:s2] =	ssyncadd.s32 $0xFFFFC000  }
0xf5: {  	[tilespmem:s3], [sflag:$0x2] =	stream.indirect.gather [hbm4b:s19+s30], $0x80, s10, s30, $0xb8;
	[tilespmem:$0x1E000] =	vst v63  }
0xf6: {  	_ = 	snop  }
0xf7: {  	[spmem:s0] =	stream.indirect.scatter.add.f32 [tilespmem:s26], [sflag:$0x5], $0x80, s29, s30, $0xb8;
	[tilespmem:$0x1E000] =	vst v63  }
0xf8: {  	_ =	swait.ge [sflag:s28], $0x4000  }
0xf9: {  	[sflag:s28] =	ssyncset.done $0x0  }
0xfa: {  	[sflag:s28] =	ssyncadd.s32 $0xFFFFC000  }
0xfb: {  	_ =	swait.ge [sflag:s4], $0x4000  }
0xfc: {  	[sflag:s4] =	ssyncset.done $0x0  }
0xfd: {  	s11 =	simm.s32 $0x900;
	[sflag:s4] =	ssyncadd.s32 $0xFFFFC000  }
0xfe: {  	[tilespmem:s26], [sflag:$0x1] =	stream.indirect.gather [hbm4b:s19+s30], $0x80, s11, s30, $0xb8;
	[tilespmem:$0x1E000] =	vst v63  }
0xff: {  	_ = 	snop  }
0x100: {  	[spmem:s0] =	stream.indirect.scatter.add.f32 [tilespmem:s3], [sflag:$0x5], $0x80, s12, s30, $0xb8;
	[tilespmem:$0x1E000] =	vst v63  }
0x101: {  	_ =	swait.ge [sflag:s28], $0x4000  }
0x102: {  	[sflag:s28] =	ssyncset.done $0x0  }
0x103: {  	[sflag:s28] =	ssyncadd.s32 $0xFFFFC000  }
0x104: {  	_ =	swait.ge [sflag:s2], $0x4000  }
0x105: {  	[sflag:s2] =	ssyncset.done $0x0  }
0x106: {  	[sflag:s2] =	ssyncadd.s32 $0xFFFFC000  }
0x107: {  	[tilespmem:s3], [sflag:$0x2] =	stream.indirect.gather [hbm4b:s19+s30], $0x80, s13, s30, $0xb8;
	[tilespmem:$0x1E000] =	vst v63  }
0x108: {  	_ = 	snop  }
0x109: {  	[spmem:s0] =	stream.indirect.scatter.add.f32 [tilespmem:s26], [sflag:$0x5], $0x80, s14, s30, $0xb8;
	[tilespmem:$0x1E000] =	vst v63  }
0x10a: {  	_ =	swait.ge [sflag:s28], $0x4000  }
0x10b: {  	[sflag:s28] =	ssyncset.done $0x0  }
0x10c: {  	[sflag:s28] =	ssyncadd.s32 $0xFFFFC000  }
0x10d: {  	_ =	swait.ge [sflag:s4], $0x4000  }
0x10e: {  	[sflag:s4] =	ssyncset.done $0x0  }
0x10f: {  	[sflag:s4] =	ssyncadd.s32 $0xFFFFC000  }
0x110: {  	[tilespmem:s26], [sflag:$0x1] =	stream.indirect.gather [hbm4b:s19+s30], $0x80, s15, s30, $0xb8;
	[tilespmem:$0x1E000] =	vst v63  }
0x111: {  	_ = 	snop  }
0x112: {  	[spmem:s0] =	stream.indirect.scatter.add.f32 [tilespmem:s3], [sflag:$0x5], $0x80, s16, s30, $0xb8;
	[tilespmem:$0x1E000] =	vst v63  }
0x113: {  	_ =	swait.ge [sflag:s28], $0x4000  }
0x114: {  	[sflag:s28] =	ssyncset.done $0x0  }
0x115: {  	[sflag:s28] =	ssyncadd.s32 $0xFFFFC000  }
0x116: {  	_ =	swait.ge [sflag:s2], $0x4000  }
0x117: {  	[sflag:s2] =	ssyncset.done $0x0  }
0x118: {  	[sflag:s2] =	ssyncadd.s32 $0xFFFFC000  }
0x119: {  	[tilespmem:s3], [sflag:$0x2] =	stream.indirect.gather [hbm4b:s19+s30], $0x80, s17, s30, $0xb8;
	[tilespmem:$0x1E000] =	vst v63  }
0x11a: {  	_ = 	snop  }
0x11b: {  	[spmem:s0] =	stream.indirect.scatter.add.f32 [tilespmem:s26], [sflag:$0x5], $0x80, s18, s30, $0xb8;
	[tilespmem:$0x1E000] =	vst v63  }
0x11c: {  	_ =	swait.ge [sflag:s28], $0x4000  }
0x11d: {  	[sflag:s28] =	ssyncset.done $0x0  }
0x11e: {  	[sflag:s28] =	ssyncadd.s32 $0xFFFFC000  }
0x11f: {  	_ =	swait.ge [sflag:s4], $0x4000  }
0x120: {  	[sflag:s4] =	ssyncset.done $0x0  }
0x121: {  	[sflag:s4] =	ssyncadd.s32 $0xFFFFC000  }
0x122: {  	[tilespmem:s26], [sflag:$0x1] =	stream.indirect.gather [hbm4b:s19+s30], $0x80, s20, s30, $0xb8;
	[tilespmem:$0x1E000] =	vst v63  }
0x123: {  	_ = 	snop  }
0x124: {  	[spmem:s0] =	stream.indirect.scatter.add.f32 [tilespmem:s3], [sflag:$0x5], $0x80, s21, s30, $0xb8;
	[tilespmem:$0x1E000] =	vst v63  }
0x125: {  	_ =	swait.ge [sflag:s28], $0x4000  }
0x126: {  	[sflag:s28] =	ssyncset.done $0x0  }
0x127: {  	[sflag:s28] =	ssyncadd.s32 $0xFFFFC000  }
0x128: {  	_ =	swait.ge [sflag:s2], $0x4000  }
0x129: {  	[sflag:s2] =	ssyncset.done $0x0  }
0x12a: {  	[sflag:s2] =	ssyncadd.s32 $0xFFFFC000  }
0x12b: {  	[tilespmem:s3], [sflag:$0x2] =	stream.indirect.gather [hbm4b:s19+s30], $0x80, s22, s30, $0xb8;
	[tilespmem:$0x1E000] =	vst v63  }
0x12c: {  	_ = 	snop  }
0x12d: {  	[spmem:s0] =	stream.indirect.scatter.add.f32 [tilespmem:s26], [sflag:$0x5], $0x80, s23, s30, $0xb8;
	[tilespmem:$0x1E000] =	vst v63  }
0x12e: {  	_ =	swait.ge [sflag:s28], $0x4000  }
0x12f: {  	[sflag:s28] =	ssyncset.done $0x0  }
0x130: {  	[sflag:s28] =	ssyncadd.s32 $0xFFFFC000  }
0x131: {  	_ =	swait.ge [sflag:s4], $0x4000  }
0x132: {  	[sflag:s4] =	ssyncset.done $0x0  }
0x133: {  	[sflag:s4] =	ssyncadd.s32 $0xFFFFC000  }
0x134: {  	[tilespmem:s26], [sflag:$0x1] =	stream.indirect.gather [hbm4b:s19+s30], $0x80, s25, s30, $0xb8;
	[tilespmem:$0x1E000] =	vst v63  }
0x135: {  	_ = 	snop  }
0x136: {  	[spmem:s0] =	stream.indirect.scatter.add.f32 [tilespmem:s3], [sflag:$0x5], $0x80, s31, s30, $0xb8;
	[tilespmem:$0x1E000] =	vst v63  }
0x137: {  	_ =	swait.ge [sflag:s28], $0x4000  }
0x138: {  	[sflag:s28] =	ssyncset.done $0x0  }
0x139: {  	[sflag:s28] =	ssyncadd.s32 $0xFFFFC000  }
0x13a: {  	_ =	swait.ge [sflag:s2], $0x4000  }
0x13b: {  	[sflag:s2] =	ssyncset.done $0x0  }
0x13c: {  	s9 =	simm.s32 $0xC80;
	[sflag:s2] =	ssyncadd.s32 $0xFFFFC000  }
0x13d: {  	[tilespmem:s3], [sflag:$0x2] =	stream.indirect.gather [hbm4b:s19+s30], $0x80, s9, s30, $0xb8;
	[tilespmem:$0x1E000] =	vst v63  }
0x13e: {  	s9 =	simm.s32 $0x1C00  }
0x13f: {  	[spmem:s0] =	stream.indirect.scatter.add.f32 [tilespmem:s26], [sflag:$0x5], $0x80, s9, s30, $0xb8;
	[tilespmem:$0x1E000] =	vst v63  }
0x140: {  	_ =	swait.ge [sflag:s28], $0x4000  }
0x141: {  	[sflag:s28] =	ssyncset.done $0x0  }
0x142: {  	[sflag:s28] =	ssyncadd.s32 $0xFFFFC000  }
0x143: {  	_ =	swait.ge [sflag:s4], $0x4000  }
0x144: {  	[sflag:s4] =	ssyncset.done $0x0  }
0x145: {  	s9 =	simm.s32 $0xD00;
	[sflag:s4] =	ssyncadd.s32 $0xFFFFC000  }
0x146: {  	[tilespmem:s26], [sflag:$0x1] =	stream.indirect.gather [hbm4b:s19+s30], $0x80, s9, s30, $0xb8;
	[tilespmem:$0x1E000] =	vst v63  }
0x147: {  	s9 =	simm.s32 $0x1C80  }
0x148: {  	[spmem:s0] =	stream.indirect.scatter.add.f32 [tilespmem:s3], [sflag:$0x5], $0x80, s9, s30, $0xb8;
	[tilespmem:$0x1E000] =	vst v63  }
0x149: {  	_ =	swait.ge [sflag:s28], $0x4000  }
0x14a: {  	[sflag:s28] =	ssyncset.done $0x0  }
0x14b: {  	[sflag:s28] =	ssyncadd.s32 $0xFFFFC000  }
0x14c: {  	_ =	swait.ge [sflag:s2], $0x4000  }
0x14d: {  	[sflag:s2] =	ssyncset.done $0x0  }
0x14e: {  	s9 =	simm.s32 $0xD80;
	[sflag:s2] =	ssyncadd.s32 $0xFFFFC000  }
0x14f: {  	[tilespmem:s3], [sflag:$0x2] =	stream.indirect.gather [hbm4b:s19+s30], $0x80, s9, s30, $0xb8;
	[tilespmem:$0x1E000] =	vst v63  }
0x150: {  	s9 =	simm.s32 $0x1D00  }
0x151: {  	[spmem:s0] =	stream.indirect.scatter.add.f32 [tilespmem:s26], [sflag:$0x5], $0x80, s9, s30, $0xb8;
	[tilespmem:$0x1E000] =	vst v63  }
0x152: {  	_ =	swait.ge [sflag:s28], $0x4000  }
0x153: {  	[sflag:s28] =	ssyncset.done $0x0  }
0x154: {  	[sflag:s28] =	ssyncadd.s32 $0xFFFFC000  }
0x155: {  	_ =	swait.ge [sflag:s4], $0x4000  }
0x156: {  	[sflag:s4] =	ssyncset.done $0x0  }
0x157: {  	s9 =	simm.s32 $0xE00;
	[sflag:s4] =	ssyncadd.s32 $0xFFFFC000  }
0x158: {  	[tilespmem:s26], [sflag:$0x1] =	stream.indirect.gather [hbm4b:s19+s30], $0x80, s9, s30, $0xb8;
	[tilespmem:$0x1E000] =	vst v63  }
0x159: {  	s9 =	simm.s32 $0x1D80  }
0x15a: {  	[spmem:s0] =	stream.indirect.scatter.add.f32 [tilespmem:s3], [sflag:$0x5], $0x80, s9, s30, $0xb8;
	[tilespmem:$0x1E000] =	vst v63  }
0x15b: {  	_ =	swait.ge [sflag:s28], $0x4000  }
0x15c: {  	[sflag:s28] =	ssyncset.done $0x0  }
0x15d: {  	[sflag:s28] =	ssyncadd.s32 $0xFFFFC000  }
0x15e: {  	_ =	swait.ge [sflag:s2], $0x4000  }
0x15f: {  	[sflag:s2] =	ssyncset.done $0x0  }
0x160: {  	s9 =	simm.s32 $0xE80;
	[sflag:s2] =	ssyncadd.s32 $0xFFFFC000  }
0x161: {  	[tilespmem:s3], [sflag:$0x2] =	stream.indirect.gather [hbm4b:s19+s30], $0x80, s9, s30, $0xb8;
	[tilespmem:$0x1E000] =	vst v63  }
0x162: {  	s9 =	simm.s32 $0x1E00  }
0x163: {  	[spmem:s0] =	stream.indirect.scatter.add.f32 [tilespmem:s26], [sflag:$0x5], $0x80, s9, s30, $0xb8;
	[tilespmem:$0x1E000] =	vst v63  }
0x164: {  	_ =	swait.ge [sflag:s28], $0x4000  }
0x165: {  	[sflag:s28] =	ssyncset.done $0x0  }
0x166: {  	[sflag:s28] =	ssyncadd.s32 $0xFFFFC000  }
0x167: {  	_ =	swait.ge [sflag:s4], $0x4000  }
0x168: {  	[sflag:s4] =	ssyncset.done $0x0  }
0x169: {  	s9 =	simm.s32 $0xF00;
	[sflag:s4] =	ssyncadd.s32 $0xFFFFC000  }
0x16a: {  	[tilespmem:s26], [sflag:$0x1] =	stream.indirect.gather [hbm4b:s19+s30], $0x80, s9, s30, $0xb8;
	[tilespmem:$0x1E000] =	vst v63  }
0x16b: {  	s9 =	simm.s32 $0x1E80  }
0x16c: {  	[spmem:s0] =	stream.indirect.scatter.add.f32 [tilespmem:s3], [sflag:$0x5], $0x80, s9, s30, $0xb8;
	[tilespmem:$0x1E000] =	vst v63  }
0x16d: {  	_ =	swait.ge [sflag:s28], $0x4000  }
0x16e: {  	[sflag:s28] =	ssyncset.done $0x0  }
0x16f: {  	[sflag:s28] =	ssyncadd.s32 $0xFFFFC000  }
0x170: {  	_ =	swait.ge [sflag:s2], $0x4000  }
0x171: {  	[sflag:s2] =	ssyncset.done $0x0  }
0x172: {  	s9 =	simm.s32 $0xF80;
	[sflag:s2] =	ssyncadd.s32 $0xFFFFC000  }
0x173: {  	[tilespmem:s3], [sflag:$0x2] =	stream.indirect.gather [hbm4b:s19+s30], $0x80, s9, s30, $0xb8;
	[tilespmem:$0x1E000] =	vst v63  }
0x174: {  	s9 =	simm.s32 $0x1F00  }
0x175: {  	[spmem:s0] =	stream.indirect.scatter.add.f32 [tilespmem:s26], [sflag:$0x5], $0x80, s9, s30, $0xb8;
	[tilespmem:$0x1E000] =	vst v63  }
0x176: {  	_ =	swait.ge [sflag:s28], $0x4000  }
0x177: {  	[sflag:s28] =	ssyncset.done $0x0  }
0x178: {  	[sflag:s28] =	ssyncadd.s32 $0xFFFFC000  }
0x179: {  	_ =	swait.ge [sflag:s4], $0x4000  }
0x17a: {  	[sflag:s4] =	ssyncset.done $0x0  }
0x17b: {  	s9 =	simm.s32 $0x1F80;
	[sflag:s4] =	ssyncadd.s32 $0xFFFFC000  }
0x17c: {  	[spmem:s0] =	stream.indirect.scatter.add.f32 [tilespmem:s3], [sflag:$0x5], $0x80, s9, s30, $0xb8;
	[tilespmem:$0x1E000] =	vst v63  }
0x17d: {  	_ =	swait.ge [sflag:s28], $0x4000  }
0x17e: {  	[sflag:s28] =	ssyncset.done $0x0  }
0x17f: {  	[sflag:s28] =	ssyncadd.s32 $0xFFFFC000  }
0x180: {  	_ =	swait.ge [sflag:s6], $0x800  }
0x181: {  	[sflag:s6] =	ssyncset.done $0x0  }
0x182: {  	[sflag:s6] =	ssyncadd.s32 $0xFFFFF800  }
0x183: {  	_ =	swait.ge [sflag:s7], $0x800  }
0x184: {  	[sflag:s7] =	ssyncset.done $0x0  }
0x185: {  	[sflag:s7] =	ssyncadd.s32 $0xFFFFF800  }
0x186: {  	[tilespmem:s26], [sflag:$0x1] =	stream.indirect.gather [hbm4b:s19+s30], $0x80, s1, s30, $0xb8;
	[tilespmem:$0x1E000] =	vst v63  }
0x187: {  	s9 =	rddreg [dreg:$0x9]  }
0x188: {  	[tilespmem:s24], [sflag:$0x3] =	stream.linear.gather [hbm4b:s9+s1], $0x800, $0x38;
	[tilespmem:$0x1E000] =	vst v63  }
0x189: {  	s9 =	rddreg [dreg:$0xa]  }
0x18a: {  	[tilespmem:s29], [sflag:$0x4] =	stream.linear.gather [hbm4b:s9+s1], $0x800, $0x38;
	[tilespmem:$0x1E000] =	vst v63  }
0x18b: {  	_ =	swait.ge [sflag:s2], $0x4000  }
0x18c: {  	[sflag:s2] =	ssyncset.done $0x0  }
0x18d: {  	[sflag:s2] =	ssyncadd.s32 $0xFFFFC000  }
0x18e: {  	[tilespmem:s3], [sflag:$0x2] =	stream.indirect.gather [hbm4b:s19+s30], $0x80, s30, s30, $0xb8;
	[tilespmem:$0x1E000] =	vst v63  }
0x18f: {  	_ = 	snop  }
0x190: {  	[spmem:s0] =	stream.indirect.scatter.add.f32 [tilespmem:s26], [sflag:$0x5], $0x80, s5, s30, $0xb8;
	[tilespmem:$0x1E000] =	vst v63  }
0x191: {  	_ =	swait.ge [sflag:s28], $0x4000  }
0x192: {  	[sflag:s28] =	ssyncset.done $0x0  }
0x193: {  	[sflag:s28] =	ssyncadd.s32 $0xFFFFC000  }
0x194: {  	_ =	swait.ge [sflag:s4], $0x4000  }
0x195: {  	[sflag:s4] =	ssyncset.done $0x0  }
0x196: {  	s9 =	simm.s32 $0x100;
	[sflag:s4] =	ssyncadd.s32 $0xFFFFC000  }
0x197: {  	[tilespmem:s26], [sflag:$0x1] =	stream.indirect.gather [hbm4b:s19+s30], $0x80, s9, s30, $0xb8;
	[tilespmem:$0x1E000] =	vst v63  }
0x198: {  	s9 =	simm.s32 $0x1080  }
0x199: {  	[spmem:s0] =	stream.indirect.scatter.add.f32 [tilespmem:s3], [sflag:$0x5], $0x80, s9, s30, $0xb8;
	[tilespmem:$0x1E000] =	vst v63  }
0x19a: {  	_ =	swait.ge [sflag:s28], $0x4000  }
0x19b: {  	[sflag:s28] =	ssyncset.done $0x0  }
0x19c: {  	[sflag:s28] =	ssyncadd.s32 $0xFFFFC000  }
0x19d: {  	_ =	swait.ge [sflag:s2], $0x4000  }
0x19e: {  	[sflag:s2] =	ssyncset.done $0x0  }
0x19f: {  	s9 =	simm.s32 $0x180;
	[sflag:s2] =	ssyncadd.s32 $0xFFFFC000  }
0x1a0: {  	[tilespmem:s3], [sflag:$0x2] =	stream.indirect.gather [hbm4b:s19+s30], $0x80, s9, s30, $0xb8;
	[tilespmem:$0x1E000] =	vst v63  }
0x1a1: {  	s9 =	simm.s32 $0x1100  }
0x1a2: {  	[spmem:s0] =	stream.indirect.scatter.add.f32 [tilespmem:s26], [sflag:$0x5], $0x80, s9, s30, $0xb8;
	[tilespmem:$0x1E000] =	vst v63  }
0x1a3: {  	_ =	swait.ge [sflag:s28], $0x4000  }
0x1a4: {  	[sflag:s28] =	ssyncset.done $0x0  }
0x1a5: {  	[sflag:s28] =	ssyncadd.s32 $0xFFFFC000  }
0x1a6: {  	_ =	swait.ge [sflag:s4], $0x4000  }
0x1a7: {  	[sflag:s4] =	ssyncset.done $0x0  }
0x1a8: {  	s9 =	simm.s32 $0x200;
	[sflag:s4] =	ssyncadd.s32 $0xFFFFC000  }
0x1a9: {  	[tilespmem:s26], [sflag:$0x1] =	stream.indirect.gather [hbm4b:s19+s30], $0x80, s9, s30, $0xb8;
	[tilespmem:$0x1E000] =	vst v63  }
0x1aa: {  	s9 =	simm.s32 $0x1180  }
0x1ab: {  	[spmem:s0] =	stream.indirect.scatter.add.f32 [tilespmem:s3], [sflag:$0x5], $0x80, s9, s30, $0xb8;
	[tilespmem:$0x1E000] =	vst v63  }
0x1ac: {  	_ =	swait.ge [sflag:s28], $0x4000  }
0x1ad: {  	[sflag:s28] =	ssyncset.done $0x0  }
0x1ae: {  	[sflag:s28] =	ssyncadd.s32 $0xFFFFC000  }
0x1af: {  	_ =	swait.ge [sflag:s2], $0x4000  }
0x1b0: {  	[sflag:s2] =	ssyncset.done $0x0  }
0x1b1: {  	s9 =	simm.s32 $0x280;
	[sflag:s2] =	ssyncadd.s32 $0xFFFFC000  }
0x1b2: {  	[tilespmem:s3], [sflag:$0x2] =	stream.indirect.gather [hbm4b:s19+s30], $0x80, s9, s30, $0xb8;
	[tilespmem:$0x1E000] =	vst v63  }
0x1b3: {  	s9 =	simm.s32 $0x1200  }
0x1b4: {  	[spmem:s0] =	stream.indirect.scatter.add.f32 [tilespmem:s26], [sflag:$0x5], $0x80, s9, s30, $0xb8;
	[tilespmem:$0x1E000] =	vst v63  }
0x1b5: {  	_ =	swait.ge [sflag:s28], $0x4000  }
0x1b6: {  	[sflag:s28] =	ssyncset.done $0x0  }
0x1b7: {  	[sflag:s28] =	ssyncadd.s32 $0xFFFFC000  }
0x1b8: {  	_ =	swait.ge [sflag:s4], $0x4000  }
0x1b9: {  	[sflag:s4] =	ssyncset.done $0x0  }
0x1ba: {  	s9 =	simm.s32 $0x300;
	[sflag:s4] =	ssyncadd.s32 $0xFFFFC000  }
0x1bb: {  	[tilespmem:s26], [sflag:$0x1] =	stream.indirect.gather [hbm4b:s19+s30], $0x80, s9, s30, $0xb8;
	[tilespmem:$0x1E000] =	vst v63  }
0x1bc: {  	s9 =	simm.s32 $0x1280  }
0x1bd: {  	[spmem:s0] =	stream.indirect.scatter.add.f32 [tilespmem:s3], [sflag:$0x5], $0x80, s9, s30, $0xb8;
	[tilespmem:$0x1E000] =	vst v63  }
0x1be: {  	_ =	swait.ge [sflag:s28], $0x4000  }
0x1bf: {  	[sflag:s28] =	ssyncset.done $0x0  }
0x1c0: {  	[sflag:s28] =	ssyncadd.s32 $0xFFFFC000  }
0x1c1: {  	_ =	swait.ge [sflag:s2], $0x4000  }
0x1c2: {  	[sflag:s2] =	ssyncset.done $0x0  }
0x1c3: {  	s9 =	simm.s32 $0x380;
	[sflag:s2] =	ssyncadd.s32 $0xFFFFC000  }
0x1c4: {  	[tilespmem:s3], [sflag:$0x2] =	stream.indirect.gather [hbm4b:s19+s30], $0x80, s9, s30, $0xb8;
	[tilespmem:$0x1E000] =	vst v63  }
0x1c5: {  	s9 =	simm.s32 $0x1300  }
0x1c6: {  	[spmem:s0] =	stream.indirect.scatter.add.f32 [tilespmem:s26], [sflag:$0x5], $0x80, s9, s30, $0xb8;
	[tilespmem:$0x1E000] =	vst v63  }
0x1c7: {  	_ =	swait.ge [sflag:s28], $0x4000  }
0x1c8: {  	[sflag:s28] =	ssyncset.done $0x0  }
0x1c9: {  	[sflag:s28] =	ssyncadd.s32 $0xFFFFC000  }
0x1ca: {  	_ =	swait.ge [sflag:s4], $0x4000  }
0x1cb: {  	[sflag:s4] =	ssyncset.done $0x0  }
0x1cc: {  	s9 =	simm.s32 $0x400;
	[sflag:s4] =	ssyncadd.s32 $0xFFFFC000  }
0x1cd: {  	[tilespmem:s26], [sflag:$0x1] =	stream.indirect.gather [hbm4b:s19+s30], $0x80, s9, s30, $0xb8;
	[tilespmem:$0x1E000] =	vst v63  }
0x1ce: {  	s9 =	simm.s32 $0x1380  }
0x1cf: {  	[spmem:s0] =	stream.indirect.scatter.add.f32 [tilespmem:s3], [sflag:$0x5], $0x80, s9, s30, $0xb8;
	[tilespmem:$0x1E000] =	vst v63  }
0x1d0: {  	_ =	swait.ge [sflag:s28], $0x4000  }
0x1d1: {  	[sflag:s28] =	ssyncset.done $0x0  }
0x1d2: {  	[sflag:s28] =	ssyncadd.s32 $0xFFFFC000  }
0x1d3: {  	_ =	swait.ge [sflag:s2], $0x4000  }
0x1d4: {  	[sflag:s2] =	ssyncset.done $0x0  }
0x1d5: {  	s9 =	simm.s32 $0x480;
	[sflag:s2] =	ssyncadd.s32 $0xFFFFC000  }
0x1d6: {  	[tilespmem:s3], [sflag:$0x2] =	stream.indirect.gather [hbm4b:s19+s30], $0x80, s9, s30, $0xb8;
	[tilespmem:$0x1E000] =	vst v63  }
0x1d7: {  	s9 =	simm.s32 $0x1400  }
0x1d8: {  	[spmem:s0] =	stream.indirect.scatter.add.f32 [tilespmem:s26], [sflag:$0x5], $0x80, s9, s30, $0xb8;
	[tilespmem:$0x1E000] =	vst v63  }
0x1d9: {  	_ =	swait.ge [sflag:s28], $0x4000  }
0x1da: {  	[sflag:s28] =	ssyncset.done $0x0  }
0x1db: {  	[sflag:s28] =	ssyncadd.s32 $0xFFFFC000  }
0x1dc: {  	_ =	swait.ge [sflag:s4], $0x4000  }
0x1dd: {  	[sflag:s4] =	ssyncset.done $0x0  }
0x1de: {  	s9 =	simm.s32 $0x500;
	[sflag:s4] =	ssyncadd.s32 $0xFFFFC000  }
0x1df: {  	[tilespmem:s26], [sflag:$0x1] =	stream.indirect.gather [hbm4b:s19+s30], $0x80, s9, s30, $0xb8;
	[tilespmem:$0x1E000] =	vst v63  }
0x1e0: {  	s9 =	simm.s32 $0x1480  }
0x1e1: {  	[spmem:s0] =	stream.indirect.scatter.add.f32 [tilespmem:s3], [sflag:$0x5], $0x80, s9, s30, $0xb8;
	[tilespmem:$0x1E000] =	vst v63  }
0x1e2: {  	_ =	swait.ge [sflag:s28], $0x4000  }
0x1e3: {  	[sflag:s28] =	ssyncset.done $0x0  }
0x1e4: {  	[sflag:s28] =	ssyncadd.s32 $0xFFFFC000  }
0x1e5: {  	_ =	swait.ge [sflag:s2], $0x4000  }
0x1e6: {  	[sflag:s2] =	ssyncset.done $0x0  }
0x1e7: {  	s9 =	simm.s32 $0x580;
	[sflag:s2] =	ssyncadd.s32 $0xFFFFC000  }
0x1e8: {  	[tilespmem:s3], [sflag:$0x2] =	stream.indirect.gather [hbm4b:s19+s30], $0x80, s9, s30, $0xb8;
	[tilespmem:$0x1E000] =	vst v63  }
0x1e9: {  	s9 =	simm.s32 $0x1500  }
0x1ea: {  	[spmem:s0] =	stream.indirect.scatter.add.f32 [tilespmem:s26], [sflag:$0x5], $0x80, s9, s30, $0xb8;
	[tilespmem:$0x1E000] =	vst v63  }
0x1eb: {  	_ =	swait.ge [sflag:s28], $0x4000  }
0x1ec: {  	[sflag:s28] =	ssyncset.done $0x0  }
0x1ed: {  	[sflag:s28] =	ssyncadd.s32 $0xFFFFC000  }
0x1ee: {  	_ =	swait.ge [sflag:s4], $0x4000  }
0x1ef: {  	[sflag:s4] =	ssyncset.done $0x0  }
0x1f0: {  	s9 =	simm.s32 $0x600;
	[sflag:s4] =	ssyncadd.s32 $0xFFFFC000  }
0x1f1: {  	[tilespmem:s26], [sflag:$0x1] =	stream.indirect.gather [hbm4b:s19+s30], $0x80, s9, s30, $0xb8;
	[tilespmem:$0x1E000] =	vst v63  }
0x1f2: {  	s9 =	simm.s32 $0x1580  }
0x1f3: {  	[spmem:s0] =	stream.indirect.scatter.add.f32 [tilespmem:s3], [sflag:$0x5], $0x80, s9, s30, $0xb8;
	[tilespmem:$0x1E000] =	vst v63  }
0x1f4: {  	_ =	swait.ge [sflag:s28], $0x4000  }
0x1f5: {  	[sflag:s28] =	ssyncset.done $0x0  }
0x1f6: {  	[sflag:s28] =	ssyncadd.s32 $0xFFFFC000  }
0x1f7: {  	_ =	swait.ge [sflag:s2], $0x4000  }
0x1f8: {  	[sflag:s2] =	ssyncset.done $0x0  }
0x1f9: {  	s9 =	simm.s32 $0x680;
	[sflag:s2] =	ssyncadd.s32 $0xFFFFC000  }
0x1fa: {  	[tilespmem:s3], [sflag:$0x2] =	stream.indirect.gather [hbm4b:s19+s30], $0x80, s9, s30, $0xb8;
	[tilespmem:$0x1E000] =	vst v63  }
0x1fb: {  	s9 =	simm.s32 $0x1600  }
0x1fc: {  	[spmem:s0] =	stream.indirect.scatter.add.f32 [tilespmem:s26], [sflag:$0x5], $0x80, s9, s30, $0xb8;
	[tilespmem:$0x1E000] =	vst v63  }
0x1fd: {  	_ =	swait.ge [sflag:s28], $0x4000  }
0x1fe: {  	[sflag:s28] =	ssyncset.done $0x0  }
0x1ff: {  	[sflag:s28] =	ssyncadd.s32 $0xFFFFC000  }
0x200: {  	_ =	swait.ge [sflag:s4], $0x4000  }
0x201: {  	[sflag:s4] =	ssyncset.done $0x0  }
0x202: {  	s9 =	simm.s32 $0x700;
	[sflag:s4] =	ssyncadd.s32 $0xFFFFC000  }
0x203: {  	[tilespmem:s26], [sflag:$0x1] =	stream.indirect.gather [hbm4b:s19+s30], $0x80, s9, s30, $0xb8;
	[tilespmem:$0x1E000] =	vst v63  }
0x204: {  	s9 =	simm.s32 $0x1680  }
0x205: {  	[spmem:s0] =	stream.indirect.scatter.add.f32 [tilespmem:s3], [sflag:$0x5], $0x80, s9, s30, $0xb8;
	[tilespmem:$0x1E000] =	vst v63  }
0x206: {  	_ =	swait.ge [sflag:s28], $0x4000  }
0x207: {  	[sflag:s28] =	ssyncset.done $0x0  }
0x208: {  	[sflag:s28] =	ssyncadd.s32 $0xFFFFC000  }
0x209: {  	_ =	swait.ge [sflag:s2], $0x4000  }
0x20a: {  	[sflag:s2] =	ssyncset.done $0x0  }
0x20b: {  	s9 =	simm.s32 $0x780;
	[sflag:s2] =	ssyncadd.s32 $0xFFFFC000  }
0x20c: {  	[tilespmem:s3], [sflag:$0x2] =	stream.indirect.gather [hbm4b:s19+s30], $0x80, s9, s30, $0xb8;
	[tilespmem:$0x1E000] =	vst v63  }
0x20d: {  	s9 =	simm.s32 $0x1700  }
0x20e: {  	[spmem:s0] =	stream.indirect.scatter.add.f32 [tilespmem:s26], [sflag:$0x5], $0x80, s9, s30, $0xb8;
	[tilespmem:$0x1E000] =	vst v63  }
0x20f: {  	_ =	swait.ge [sflag:s28], $0x4000  }
0x210: {  	[sflag:s28] =	ssyncset.done $0x0  }
0x211: {  	[sflag:s28] =	ssyncadd.s32 $0xFFFFC000  }
0x212: {  	_ =	swait.ge [sflag:s4], $0x4000  }
0x213: {  	[sflag:s4] =	ssyncset.done $0x0  }
0x214: {  	s9 =	simm.s32 $0x1780;
	[sflag:s4] =	ssyncadd.s32 $0xFFFFC000  }
0x215: {  	[spmem:s0] =	stream.indirect.scatter.add.f32 [tilespmem:s3], [sflag:$0x5], $0x80, s9, s30, $0xb8;
	[tilespmem:$0x1E000] =	vst v63  }
0x216: {  	_ =	swait.ge [sflag:s28], $0x4000  }
0x217: {  	[sflag:s28] =	ssyncset.done $0x0  }
0x218: {  	[sflag:s28] =	ssyncadd.s32 $0xFFFFC000  }
0x219: {  	_ =	swait.ge [sflag:s6], $0x800  }
0x21a: {  	[sflag:s6] =	ssyncset.done $0x0  }
0x21b: {  	[sflag:s6] =	ssyncadd.s32 $0xFFFFF800  }
0x21c: {  	_ =	swait.ge [sflag:s7], $0x800  }
0x21d: {  	[sflag:s7] =	ssyncset.done $0x0  }
0x21e: {  	[sflag:s7] =	ssyncadd.s32 $0xFFFFF800  }
0x21f: {  	[tilespmem:s26], [sflag:$0x1] =	stream.indirect.gather [hbm4b:s19+s30], $0x80, s24, s30, $0xb8;
	[tilespmem:$0x1E000] =	vst v63  }
0x220: {  	s9 =	rddreg [dreg:$0xb]  }
0x221: {  	[tilespmem:s1], [sflag:$0x3] =	stream.linear.gather [hbm4b:s9+s1], $0x800, $0x38;
	[tilespmem:$0x1E000] =	vst v63  }
0x222: {  	s9 =	rddreg [dreg:$0xc]  }
0x223: {  	[tilespmem:s5], [sflag:$0x4] =	stream.linear.gather [hbm4b:s9+s1], $0x800, $0x38;
	[tilespmem:$0x1E000] =	vst v63  }
0x224: {  	_ =	swait.ge [sflag:s2], $0x4000  }
0x225: {  	[sflag:s2] =	ssyncset.done $0x0  }
0x226: {  	[sflag:s2] =	ssyncadd.s32 $0xFFFFC000  }
0x227: {  	[tilespmem:s3], [sflag:$0x2] =	stream.indirect.gather [hbm4b:s19+s30], $0x80, s10, s30, $0xb8;
	[tilespmem:$0x1E000] =	vst v63  }
0x228: {  	_ = 	snop  }
0x229: {  	[spmem:s0] =	stream.indirect.scatter.add.f32 [tilespmem:s26], [sflag:$0x5], $0x80, s29, s30, $0xb8;
	[tilespmem:$0x1E000] =	vst v63  }
0x22a: {  	_ =	swait.ge [sflag:s28], $0x4000  }
0x22b: {  	[sflag:s28] =	ssyncset.done $0x0  }
0x22c: {  	[sflag:s28] =	ssyncadd.s32 $0xFFFFC000  }
0x22d: {  	_ =	swait.ge [sflag:s4], $0x4000  }
0x22e: {  	[sflag:s4] =	ssyncset.done $0x0  }
0x22f: {  	[sflag:s4] =	ssyncadd.s32 $0xFFFFC000  }
0x230: {  	[tilespmem:s26], [sflag:$0x1] =	stream.indirect.gather [hbm4b:s19+s30], $0x80, s11, s30, $0xb8;
	[tilespmem:$0x1E000] =	vst v63  }
0x231: {  	_ = 	snop  }
0x232: {  	[spmem:s0] =	stream.indirect.scatter.add.f32 [tilespmem:s3], [sflag:$0x5], $0x80, s12, s30, $0xb8;
	[tilespmem:$0x1E000] =	vst v63  }
0x233: {  	_ =	swait.ge [sflag:s28], $0x4000  }
0x234: {  	[sflag:s28] =	ssyncset.done $0x0  }
0x235: {  	[sflag:s28] =	ssyncadd.s32 $0xFFFFC000  }
0x236: {  	_ =	swait.ge [sflag:s2], $0x4000  }
0x237: {  	[sflag:s2] =	ssyncset.done $0x0  }
0x238: {  	[sflag:s2] =	ssyncadd.s32 $0xFFFFC000  }
0x239: {  	[tilespmem:s3], [sflag:$0x2] =	stream.indirect.gather [hbm4b:s19+s30], $0x80, s13, s30, $0xb8;
	[tilespmem:$0x1E000] =	vst v63  }
0x23a: {  	_ = 	snop  }
0x23b: {  	[spmem:s0] =	stream.indirect.scatter.add.f32 [tilespmem:s26], [sflag:$0x5], $0x80, s14, s30, $0xb8;
	[tilespmem:$0x1E000] =	vst v63  }
0x23c: {  	_ =	swait.ge [sflag:s28], $0x4000  }
0x23d: {  	[sflag:s28] =	ssyncset.done $0x0  }
0x23e: {  	[sflag:s28] =	ssyncadd.s32 $0xFFFFC000  }
0x23f: {  	_ =	swait.ge [sflag:s4], $0x4000  }
0x240: {  	[sflag:s4] =	ssyncset.done $0x0  }
0x241: {  	[sflag:s4] =	ssyncadd.s32 $0xFFFFC000  }
0x242: {  	[tilespmem:s26], [sflag:$0x1] =	stream.indirect.gather [hbm4b:s19+s30], $0x80, s15, s30, $0xb8;
	[tilespmem:$0x1E000] =	vst v63  }
0x243: {  	_ = 	snop  }
0x244: {  	[spmem:s0] =	stream.indirect.scatter.add.f32 [tilespmem:s3], [sflag:$0x5], $0x80, s16, s30, $0xb8;
	[tilespmem:$0x1E000] =	vst v63  }
0x245: {  	_ =	swait.ge [sflag:s28], $0x4000  }
0x246: {  	[sflag:s28] =	ssyncset.done $0x0  }
0x247: {  	[sflag:s28] =	ssyncadd.s32 $0xFFFFC000  }
0x248: {  	_ =	swait.ge [sflag:s2], $0x4000  }
0x249: {  	[sflag:s2] =	ssyncset.done $0x0  }
0x24a: {  	[sflag:s2] =	ssyncadd.s32 $0xFFFFC000  }
0x24b: {  	[tilespmem:s3], [sflag:$0x2] =	stream.indirect.gather [hbm4b:s19+s30], $0x80, s17, s30, $0xb8;
	[tilespmem:$0x1E000] =	vst v63  }
0x24c: {  	_ = 	snop  }
0x24d: {  	[spmem:s0] =	stream.indirect.scatter.add.f32 [tilespmem:s26], [sflag:$0x5], $0x80, s18, s30, $0xb8;
	[tilespmem:$0x1E000] =	vst v63  }
0x24e: {  	_ =	swait.ge [sflag:s28], $0x4000  }
0x24f: {  	[sflag:s28] =	ssyncset.done $0x0  }
0x250: {  	[sflag:s28] =	ssyncadd.s32 $0xFFFFC000  }
0x251: {  	_ =	swait.ge [sflag:s4], $0x4000  }
0x252: {  	[sflag:s4] =	ssyncset.done $0x0  }
0x253: {  	[sflag:s4] =	ssyncadd.s32 $0xFFFFC000  }
0x254: {  	[tilespmem:s26], [sflag:$0x1] =	stream.indirect.gather [hbm4b:s19+s30], $0x80, s20, s30, $0xb8;
	[tilespmem:$0x1E000] =	vst v63  }
0x255: {  	_ = 	snop  }
0x256: {  	[spmem:s0] =	stream.indirect.scatter.add.f32 [tilespmem:s3], [sflag:$0x5], $0x80, s21, s30, $0xb8;
	[tilespmem:$0x1E000] =	vst v63  }
0x257: {  	_ =	swait.ge [sflag:s28], $0x4000  }
0x258: {  	[sflag:s28] =	ssyncset.done $0x0  }
0x259: {  	[sflag:s28] =	ssyncadd.s32 $0xFFFFC000  }
0x25a: {  	_ =	swait.ge [sflag:s2], $0x4000  }
0x25b: {  	[sflag:s2] =	ssyncset.done $0x0  }
0x25c: {  	[sflag:s2] =	ssyncadd.s32 $0xFFFFC000  }
0x25d: {  	[tilespmem:s3], [sflag:$0x2] =	stream.indirect.gather [hbm4b:s19+s30], $0x80, s22, s30, $0xb8;
	[tilespmem:$0x1E000] =	vst v63  }
0x25e: {  	_ = 	snop  }
0x25f: {  	[spmem:s0] =	stream.indirect.scatter.add.f32 [tilespmem:s26], [sflag:$0x5], $0x80, s23, s30, $0xb8;
	[tilespmem:$0x1E000] =	vst v63  }
0x260: {  	_ =	swait.ge [sflag:s28], $0x4000  }
0x261: {  	[sflag:s28] =	ssyncset.done $0x0  }
0x262: {  	[sflag:s28] =	ssyncadd.s32 $0xFFFFC000  }
0x263: {  	_ =	swait.ge [sflag:s4], $0x4000  }
0x264: {  	[sflag:s4] =	ssyncset.done $0x0  }
0x265: {  	[sflag:s4] =	ssyncadd.s32 $0xFFFFC000  }
0x266: {  	[tilespmem:s26], [sflag:$0x1] =	stream.indirect.gather [hbm4b:s19+s30], $0x80, s25, s30, $0xb8;
	[tilespmem:$0x1E000] =	vst v63  }
0x267: {  	_ = 	snop  }
0x268: {  	[spmem:s0] =	stream.indirect.scatter.add.f32 [tilespmem:s3], [sflag:$0x5], $0x80, s31, s30, $0xb8;
	[tilespmem:$0x1E000] =	vst v63  }
0x269: {  	_ =	swait.ge [sflag:s28], $0x4000  }
0x26a: {  	[sflag:s28] =	ssyncset.done $0x0  }
0x26b: {  	[sflag:s28] =	ssyncadd.s32 $0xFFFFC000  }
0x26c: {  	_ =	swait.ge [sflag:s2], $0x4000  }
0x26d: {  	[sflag:s2] =	ssyncset.done $0x0  }
0x26e: {  	s11 =	simm.s32 $0xC80;
	[sflag:s2] =	ssyncadd.s32 $0xFFFFC000  }
0x26f: {  	[tilespmem:s3], [sflag:$0x2] =	stream.indirect.gather [hbm4b:s19+s30], $0x80, s11, s30, $0xb8;
	[tilespmem:$0x1E000] =	vst v63  }
0x270: {  	s10 =	simm.s32 $0x1C00  }
0x271: {  	[spmem:s0] =	stream.indirect.scatter.add.f32 [tilespmem:s26], [sflag:$0x5], $0x80, s10, s30, $0xb8;
	[tilespmem:$0x1E000] =	vst v63  }
0x272: {  	_ =	swait.ge [sflag:s28], $0x4000  }
0x273: {  	[sflag:s28] =	ssyncset.done $0x0  }
0x274: {  	[sflag:s28] =	ssyncadd.s32 $0xFFFFC000  }
0x275: {  	_ =	swait.ge [sflag:s4], $0x4000  }
0x276: {  	[sflag:s4] =	ssyncset.done $0x0  }
0x277: {  	s11 =	simm.s32 $0xD00;
	[sflag:s4] =	ssyncadd.s32 $0xFFFFC000  }
0x278: {  	[tilespmem:s26], [sflag:$0x1] =	stream.indirect.gather [hbm4b:s19+s30], $0x80, s11, s30, $0xb8;
	[tilespmem:$0x1E000] =	vst v63  }
0x279: {  	s10 =	simm.s32 $0x1C80  }
0x27a: {  	[spmem:s0] =	stream.indirect.scatter.add.f32 [tilespmem:s3], [sflag:$0x5], $0x80, s10, s30, $0xb8;
	[tilespmem:$0x1E000] =	vst v63  }
0x27b: {  	_ =	swait.ge [sflag:s28], $0x4000  }
0x27c: {  	[sflag:s28] =	ssyncset.done $0x0  }
0x27d: {  	[sflag:s28] =	ssyncadd.s32 $0xFFFFC000  }
0x27e: {  	_ =	swait.ge [sflag:s2], $0x4000  }
0x27f: {  	[sflag:s2] =	ssyncset.done $0x0  }
0x280: {  	s11 =	simm.s32 $0xD80;
	[sflag:s2] =	ssyncadd.s32 $0xFFFFC000  }
0x281: {  	[tilespmem:s3], [sflag:$0x2] =	stream.indirect.gather [hbm4b:s19+s30], $0x80, s11, s30, $0xb8;
	[tilespmem:$0x1E000] =	vst v63  }
0x282: {  	s10 =	simm.s32 $0x1D00  }
0x283: {  	[spmem:s0] =	stream.indirect.scatter.add.f32 [tilespmem:s26], [sflag:$0x5], $0x80, s10, s30, $0xb8;
	[tilespmem:$0x1E000] =	vst v63  }
0x284: {  	_ =	swait.ge [sflag:s28], $0x4000  }
0x285: {  	[sflag:s28] =	ssyncset.done $0x0  }
0x286: {  	[sflag:s28] =	ssyncadd.s32 $0xFFFFC000  }
0x287: {  	_ =	swait.ge [sflag:s4], $0x4000  }
0x288: {  	[sflag:s4] =	ssyncset.done $0x0  }
0x289: {  	s11 =	simm.s32 $0xE00;
	[sflag:s4] =	ssyncadd.s32 $0xFFFFC000  }
0x28a: {  	[tilespmem:s26], [sflag:$0x1] =	stream.indirect.gather [hbm4b:s19+s30], $0x80, s11, s30, $0xb8;
	[tilespmem:$0x1E000] =	vst v63  }
0x28b: {  	s10 =	simm.s32 $0x1D80  }
0x28c: {  	[spmem:s0] =	stream.indirect.scatter.add.f32 [tilespmem:s3], [sflag:$0x5], $0x80, s10, s30, $0xb8;
	[tilespmem:$0x1E000] =	vst v63  }
0x28d: {  	_ =	swait.ge [sflag:s28], $0x4000  }
0x28e: {  	[sflag:s28] =	ssyncset.done $0x0  }
0x28f: {  	[sflag:s28] =	ssyncadd.s32 $0xFFFFC000  }
0x290: {  	_ =	swait.ge [sflag:s2], $0x4000  }
0x291: {  	[sflag:s2] =	ssyncset.done $0x0  }
0x292: {  	s11 =	simm.s32 $0xE80;
	[sflag:s2] =	ssyncadd.s32 $0xFFFFC000  }
0x293: {  	[tilespmem:s3], [sflag:$0x2] =	stream.indirect.gather [hbm4b:s19+s30], $0x80, s11, s30, $0xb8;
	[tilespmem:$0x1E000] =	vst v63  }
0x294: {  	s10 =	simm.s32 $0x1E00  }
0x295: {  	[spmem:s0] =	stream.indirect.scatter.add.f32 [tilespmem:s26], [sflag:$0x5], $0x80, s10, s30, $0xb8;
	[tilespmem:$0x1E000] =	vst v63  }
0x296: {  	_ =	swait.ge [sflag:s28], $0x4000  }
0x297: {  	[sflag:s28] =	ssyncset.done $0x0  }
0x298: {  	[sflag:s28] =	ssyncadd.s32 $0xFFFFC000  }
0x299: {  	_ =	swait.ge [sflag:s4], $0x4000  }
0x29a: {  	[sflag:s4] =	ssyncset.done $0x0  }
0x29b: {  	s11 =	simm.s32 $0xF00;
	[sflag:s4] =	ssyncadd.s32 $0xFFFFC000  }
0x29c: {  	[tilespmem:s26], [sflag:$0x1] =	stream.indirect.gather [hbm4b:s19+s30], $0x80, s11, s30, $0xb8;
	[tilespmem:$0x1E000] =	vst v63  }
0x29d: {  	s10 =	simm.s32 $0x1E80  }
0x29e: {  	[spmem:s0] =	stream.indirect.scatter.add.f32 [tilespmem:s3], [sflag:$0x5], $0x80, s10, s30, $0xb8;
	[tilespmem:$0x1E000] =	vst v63  }
0x29f: {  	_ =	swait.ge [sflag:s28], $0x4000  }
0x2a0: {  	[sflag:s28] =	ssyncset.done $0x0  }
0x2a1: {  	[sflag:s28] =	ssyncadd.s32 $0xFFFFC000  }
0x2a2: {  	_ =	swait.ge [sflag:s2], $0x4000  }
0x2a3: {  	[sflag:s2] =	ssyncset.done $0x0  }
0x2a4: {  	s11 =	simm.s32 $0xF80;
	[sflag:s2] =	ssyncadd.s32 $0xFFFFC000  }
0x2a5: {  	[tilespmem:s3], [sflag:$0x2] =	stream.indirect.gather [hbm4b:s19+s30], $0x80, s11, s30, $0xb8;
	[tilespmem:$0x1E000] =	vst v63  }
0x2a6: {  	s10 =	simm.s32 $0x1F00  }
0x2a7: {  	[spmem:s0] =	stream.indirect.scatter.add.f32 [tilespmem:s26], [sflag:$0x5], $0x80, s10, s30, $0xb8;
	[tilespmem:$0x1E000] =	vst v63  }
0x2a8: {  	_ =	swait.ge [sflag:s28], $0x4000  }
0x2a9: {  	[sflag:s28] =	ssyncset.done $0x0  }
0x2aa: {  	[sflag:s28] =	ssyncadd.s32 $0xFFFFC000  }
0x2ab: {  	_ =	swait.ge [sflag:s4], $0x4000  }
0x2ac: {  	[sflag:s4] =	ssyncset.done $0x0  }
0x2ad: {  	s11 =	simm.s32 $0x1F80;
	[sflag:s4] =	ssyncadd.s32 $0xFFFFC000  }
0x2ae: {  	[spmem:s0] =	stream.indirect.scatter.add.f32 [tilespmem:s3], [sflag:$0x5], $0x80, s11, s30, $0xb8;
	[tilespmem:$0x1E000] =	vst v63  }
0x2af: {  	_ =	swait.ge [sflag:s28], $0x4000  }
0x2b0: {  	[sflag:s28] =	ssyncset.done $0x0  }
0x2b1: {  	[sflag:s28] =	ssyncadd.s32 $0xFFFFC000  }
0x2b2: {  	_ =	swait.ge [sflag:s6], $0x800  }
0x2b3: {  	[sflag:s6] =	ssyncset.done $0x0  }
0x2b4: {  	[sflag:s6] =	ssyncadd.s32 $0xFFFFF800  }
0x2b5: {  	_ =	swait.ge [sflag:s7], $0x800  }
0x2b6: {  	[sflag:s7] =	ssyncset.done $0x0  }
0x2b7: {  	[sflag:s7] =	ssyncadd.s32 $0xFFFFF800  }
0x2b8: {  	[tilespmem:s26], [sflag:$0x1] =	stream.indirect.gather [hbm4b:s19+s30], $0x80, s1, s30, $0xb8;
	[tilespmem:$0x1E000] =	vst v63  }
0x2b9: {  	_ =	swait.ge [sflag:s2], $0x4000  }
0x2ba: {  	[sflag:s2] =	ssyncset.done $0x0  }
0x2bb: {  	[sflag:s2] =	ssyncadd.s32 $0xFFFFC000  }
0x2bc: {  	[tilespmem:s3], [sflag:$0x2] =	stream.indirect.gather [hbm4b:s19+s30], $0x80, s30, s30, $0xb8;
	[tilespmem:$0x1E000] =	vst v63  }
0x2bd: {  	_ = 	snop  }
0x2be: {  	[spmem:s0] =	stream.indirect.scatter.add.f32 [tilespmem:s26], [sflag:$0x5], $0x80, s5, s30, $0xb8;
	[tilespmem:$0x1E000] =	vst v63  }
0x2bf: {  	_ =	swait.ge [sflag:s28], $0x4000  }
0x2c0: {  	[sflag:s28] =	ssyncset.done $0x0  }
0x2c1: {  	[sflag:s28] =	ssyncadd.s32 $0xFFFFC000  }
0x2c2: {  	_ =	swait.ge [sflag:s4], $0x4000  }
0x2c3: {  	[sflag:s4] =	ssyncset.done $0x0  }
0x2c4: {  	s10 =	simm.s32 $0x100;
	[sflag:s4] =	ssyncadd.s32 $0xFFFFC000  }
0x2c5: {  	[tilespmem:s26], [sflag:$0x1] =	stream.indirect.gather [hbm4b:s19+s30], $0x80, s10, s30, $0xb8;
	[tilespmem:$0x1E000] =	vst v63  }
0x2c6: {  	s11 =	simm.s32 $0x1080  }
0x2c7: {  	[spmem:s0] =	stream.indirect.scatter.add.f32 [tilespmem:s3], [sflag:$0x5], $0x80, s11, s30, $0xb8;
	[tilespmem:$0x1E000] =	vst v63  }
0x2c8: {  	_ =	swait.ge [sflag:s28], $0x4000  }
0x2c9: {  	[sflag:s28] =	ssyncset.done $0x0  }
0x2ca: {  	[sflag:s28] =	ssyncadd.s32 $0xFFFFC000  }
0x2cb: {  	_ =	swait.ge [sflag:s2], $0x4000  }
0x2cc: {  	[sflag:s2] =	ssyncset.done $0x0  }
0x2cd: {  	s9 =	simm.s32 $0x180;
	[sflag:s2] =	ssyncadd.s32 $0xFFFFC000  }
0x2ce: {  	[tilespmem:s3], [sflag:$0x2] =	stream.indirect.gather [hbm4b:s19+s30], $0x80, s9, s30, $0xb8;
	[tilespmem:$0x1E000] =	vst v63  }
0x2cf: {  	s10 =	simm.s32 $0x1100  }
0x2d0: {  	[spmem:s0] =	stream.indirect.scatter.add.f32 [tilespmem:s26], [sflag:$0x5], $0x80, s10, s30, $0xb8;
	[tilespmem:$0x1E000] =	vst v63  }
0x2d1: {  	_ =	swait.ge [sflag:s28], $0x4000  }
0x2d2: {  	[sflag:s28] =	ssyncset.done $0x0  }
0x2d3: {  	[sflag:s28] =	ssyncadd.s32 $0xFFFFC000  }
0x2d4: {  	_ =	swait.ge [sflag:s4], $0x4000  }
0x2d5: {  	[sflag:s4] =	ssyncset.done $0x0  }
0x2d6: {  	s11 =	simm.s32 $0x200;
	[sflag:s4] =	ssyncadd.s32 $0xFFFFC000  }
0x2d7: {  	[tilespmem:s26], [sflag:$0x1] =	stream.indirect.gather [hbm4b:s19+s30], $0x80, s11, s30, $0xb8;
	[tilespmem:$0x1E000] =	vst v63  }
0x2d8: {  	s9 =	simm.s32 $0x1180  }
0x2d9: {  	[spmem:s0] =	stream.indirect.scatter.add.f32 [tilespmem:s3], [sflag:$0x5], $0x80, s9, s30, $0xb8;
	[tilespmem:$0x1E000] =	vst v63  }
0x2da: {  	_ =	swait.ge [sflag:s28], $0x4000  }
0x2db: {  	[sflag:s28] =	ssyncset.done $0x0  }
0x2dc: {  	[sflag:s28] =	ssyncadd.s32 $0xFFFFC000  }
0x2dd: {  	_ =	swait.ge [sflag:s2], $0x4000  }
0x2de: {  	[sflag:s2] =	ssyncset.done $0x0  }
0x2df: {  	s10 =	simm.s32 $0x280;
	[sflag:s2] =	ssyncadd.s32 $0xFFFFC000  }
0x2e0: {  	[tilespmem:s3], [sflag:$0x2] =	stream.indirect.gather [hbm4b:s19+s30], $0x80, s10, s30, $0xb8;
	[tilespmem:$0x1E000] =	vst v63  }
0x2e1: {  	s11 =	simm.s32 $0x1200  }
0x2e2: {  	[spmem:s0] =	stream.indirect.scatter.add.f32 [tilespmem:s26], [sflag:$0x5], $0x80, s11, s30, $0xb8;
	[tilespmem:$0x1E000] =	vst v63  }
0x2e3: {  	_ =	swait.ge [sflag:s28], $0x4000  }
0x2e4: {  	[sflag:s28] =	ssyncset.done $0x0  }
0x2e5: {  	[sflag:s28] =	ssyncadd.s32 $0xFFFFC000  }
0x2e6: {  	_ =	swait.ge [sflag:s4], $0x4000  }
0x2e7: {  	[sflag:s4] =	ssyncset.done $0x0  }
0x2e8: {  	s9 =	simm.s32 $0x300;
	[sflag:s4] =	ssyncadd.s32 $0xFFFFC000  }
0x2e9: {  	[tilespmem:s26], [sflag:$0x1] =	stream.indirect.gather [hbm4b:s19+s30], $0x80, s9, s30, $0xb8;
	[tilespmem:$0x1E000] =	vst v63  }
0x2ea: {  	s10 =	simm.s32 $0x1280  }
0x2eb: {  	[spmem:s0] =	stream.indirect.scatter.add.f32 [tilespmem:s3], [sflag:$0x5], $0x80, s10, s30, $0xb8;
	[tilespmem:$0x1E000] =	vst v63  }
0x2ec: {  	_ =	swait.ge [sflag:s28], $0x4000  }
0x2ed: {  	[sflag:s28] =	ssyncset.done $0x0  }
0x2ee: {  	[sflag:s28] =	ssyncadd.s32 $0xFFFFC000  }
0x2ef: {  	_ =	swait.ge [sflag:s2], $0x4000  }
0x2f0: {  	[sflag:s2] =	ssyncset.done $0x0  }
0x2f1: {  	s11 =	simm.s32 $0x380;
	[sflag:s2] =	ssyncadd.s32 $0xFFFFC000  }
0x2f2: {  	[tilespmem:s3], [sflag:$0x2] =	stream.indirect.gather [hbm4b:s19+s30], $0x80, s11, s30, $0xb8;
	[tilespmem:$0x1E000] =	vst v63  }
0x2f3: {  	s9 =	simm.s32 $0x1300  }
0x2f4: {  	[spmem:s0] =	stream.indirect.scatter.add.f32 [tilespmem:s26], [sflag:$0x5], $0x80, s9, s30, $0xb8;
	[tilespmem:$0x1E000] =	vst v63  }
0x2f5: {  	_ =	swait.ge [sflag:s28], $0x4000  }
0x2f6: {  	[sflag:s28] =	ssyncset.done $0x0  }
0x2f7: {  	[sflag:s28] =	ssyncadd.s32 $0xFFFFC000  }
0x2f8: {  	_ =	swait.ge [sflag:s4], $0x4000  }
0x2f9: {  	[sflag:s4] =	ssyncset.done $0x0  }
0x2fa: {  	s10 =	simm.s32 $0x400;
	[sflag:s4] =	ssyncadd.s32 $0xFFFFC000  }
0x2fb: {  	[tilespmem:s26], [sflag:$0x1] =	stream.indirect.gather [hbm4b:s19+s30], $0x80, s10, s30, $0xb8;
	[tilespmem:$0x1E000] =	vst v63  }
0x2fc: {  	s11 =	simm.s32 $0x1380  }
0x2fd: {  	[spmem:s0] =	stream.indirect.scatter.add.f32 [tilespmem:s3], [sflag:$0x5], $0x80, s11, s30, $0xb8;
	[tilespmem:$0x1E000] =	vst v63  }
0x2fe: {  	_ =	swait.ge [sflag:s28], $0x4000  }
0x2ff: {  	[sflag:s28] =	ssyncset.done $0x0  }
0x300: {  	[sflag:s28] =	ssyncadd.s32 $0xFFFFC000  }
0x301: {  	_ =	swait.ge [sflag:s2], $0x4000  }
0x302: {  	[sflag:s2] =	ssyncset.done $0x0  }
0x303: {  	s9 =	simm.s32 $0x480;
	[sflag:s2] =	ssyncadd.s32 $0xFFFFC000  }
0x304: {  	[tilespmem:s3], [sflag:$0x2] =	stream.indirect.gather [hbm4b:s19+s30], $0x80, s9, s30, $0xb8;
	[tilespmem:$0x1E000] =	vst v63  }
0x305: {  	s10 =	simm.s32 $0x1400  }
0x306: {  	[spmem:s0] =	stream.indirect.scatter.add.f32 [tilespmem:s26], [sflag:$0x5], $0x80, s10, s30, $0xb8;
	[tilespmem:$0x1E000] =	vst v63  }
0x307: {  	_ =	swait.ge [sflag:s28], $0x4000  }
0x308: {  	[sflag:s28] =	ssyncset.done $0x0  }
0x309: {  	[sflag:s28] =	ssyncadd.s32 $0xFFFFC000  }
0x30a: {  	_ =	swait.ge [sflag:s4], $0x4000  }
0x30b: {  	[sflag:s4] =	ssyncset.done $0x0  }
0x30c: {  	s11 =	simm.s32 $0x500;
	[sflag:s4] =	ssyncadd.s32 $0xFFFFC000  }
0x30d: {  	[tilespmem:s26], [sflag:$0x1] =	stream.indirect.gather [hbm4b:s19+s30], $0x80, s11, s30, $0xb8;
	[tilespmem:$0x1E000] =	vst v63  }
0x30e: {  	s9 =	simm.s32 $0x1480  }
0x30f: {  	[spmem:s0] =	stream.indirect.scatter.add.f32 [tilespmem:s3], [sflag:$0x5], $0x80, s9, s30, $0xb8;
	[tilespmem:$0x1E000] =	vst v63  }
0x310: {  	_ =	swait.ge [sflag:s28], $0x4000  }
0x311: {  	[sflag:s28] =	ssyncset.done $0x0  }
0x312: {  	[sflag:s28] =	ssyncadd.s32 $0xFFFFC000  }
0x313: {  	_ =	swait.ge [sflag:s2], $0x4000  }
0x314: {  	[sflag:s2] =	ssyncset.done $0x0  }
0x315: {  	s10 =	simm.s32 $0x580;
	[sflag:s2] =	ssyncadd.s32 $0xFFFFC000  }
0x316: {  	[tilespmem:s3], [sflag:$0x2] =	stream.indirect.gather [hbm4b:s19+s30], $0x80, s10, s30, $0xb8;
	[tilespmem:$0x1E000] =	vst v63  }
0x317: {  	s11 =	simm.s32 $0x1500  }
0x318: {  	[spmem:s0] =	stream.indirect.scatter.add.f32 [tilespmem:s26], [sflag:$0x5], $0x80, s11, s30, $0xb8;
	[tilespmem:$0x1E000] =	vst v63  }
0x319: {  	_ =	swait.ge [sflag:s28], $0x4000  }
0x31a: {  	[sflag:s28] =	ssyncset.done $0x0  }
0x31b: {  	[sflag:s28] =	ssyncadd.s32 $0xFFFFC000  }
0x31c: {  	_ =	swait.ge [sflag:s4], $0x4000  }
0x31d: {  	[sflag:s4] =	ssyncset.done $0x0  }
0x31e: {  	s9 =	simm.s32 $0x600;
	[sflag:s4] =	ssyncadd.s32 $0xFFFFC000  }
0x31f: {  	[tilespmem:s26], [sflag:$0x1] =	stream.indirect.gather [hbm4b:s19+s30], $0x80, s9, s30, $0xb8;
	[tilespmem:$0x1E000] =	vst v63  }
0x320: {  	s10 =	simm.s32 $0x1580  }
0x321: {  	[spmem:s0] =	stream.indirect.scatter.add.f32 [tilespmem:s3], [sflag:$0x5], $0x80, s10, s30, $0xb8;
	[tilespmem:$0x1E000] =	vst v63  }
0x322: {  	_ =	swait.ge [sflag:s28], $0x4000  }
0x323: {  	[sflag:s28] =	ssyncset.done $0x0  }
0x324: {  	[sflag:s28] =	ssyncadd.s32 $0xFFFFC000  }
0x325: {  	_ =	swait.ge [sflag:s2], $0x4000  }
0x326: {  	[sflag:s2] =	ssyncset.done $0x0  }
0x327: {  	s11 =	simm.s32 $0x680;
	[sflag:s2] =	ssyncadd.s32 $0xFFFFC000  }
0x328: {  	[tilespmem:s3], [sflag:$0x2] =	stream.indirect.gather [hbm4b:s19+s30], $0x80, s11, s30, $0xb8;
	[tilespmem:$0x1E000] =	vst v63  }
0x329: {  	s9 =	simm.s32 $0x1600  }
0x32a: {  	[spmem:s0] =	stream.indirect.scatter.add.f32 [tilespmem:s26], [sflag:$0x5], $0x80, s9, s30, $0xb8;
	[tilespmem:$0x1E000] =	vst v63  }
0x32b: {  	_ =	swait.ge [sflag:s28], $0x4000  }
0x32c: {  	[sflag:s28] =	ssyncset.done $0x0  }
0x32d: {  	[sflag:s28] =	ssyncadd.s32 $0xFFFFC000  }
0x32e: {  	_ =	swait.ge [sflag:s4], $0x4000  }
0x32f: {  	[sflag:s4] =	ssyncset.done $0x0  }
0x330: {  	s10 =	simm.s32 $0x700;
	[sflag:s4] =	ssyncadd.s32 $0xFFFFC000  }
0x331: {  	[tilespmem:s26], [sflag:$0x1] =	stream.indirect.gather [hbm4b:s19+s30], $0x80, s10, s30, $0xb8;
	[tilespmem:$0x1E000] =	vst v63  }
0x332: {  	s11 =	simm.s32 $0x1680  }
0x333: {  	[spmem:s0] =	stream.indirect.scatter.add.f32 [tilespmem:s3], [sflag:$0x5], $0x80, s11, s30, $0xb8;
	[tilespmem:$0x1E000] =	vst v63  }
0x334: {  	_ =	swait.ge [sflag:s28], $0x4000  }
0x335: {  	[sflag:s28] =	ssyncset.done $0x0  }
0x336: {  	[sflag:s28] =	ssyncadd.s32 $0xFFFFC000  }
0x337: {  	_ =	swait.ge [sflag:s2], $0x4000  }
0x338: {  	[sflag:s2] =	ssyncset.done $0x0  }
0x339: {  	s9 =	simm.s32 $0x780;
	[sflag:s2] =	ssyncadd.s32 $0xFFFFC000  }
0x33a: {  	[tilespmem:s3], [sflag:$0x2] =	stream.indirect.gather [hbm4b:s19+s30], $0x80, s9, s30, $0xb8;
	[tilespmem:$0x1E000] =	vst v63  }
0x33b: {  	s10 =	simm.s32 $0x1700  }
0x33c: {  	[spmem:s0] =	stream.indirect.scatter.add.f32 [tilespmem:s26], [sflag:$0x5], $0x80, s10, s30, $0xb8;
	[tilespmem:$0x1E000] =	vst v63  }
0x33d: {  	_ =	swait.ge [sflag:s28], $0x4000  }
0x33e: {  	[sflag:s28] =	ssyncset.done $0x0  }
0x33f: {  	[sflag:s28] =	ssyncadd.s32 $0xFFFFC000  }
0x340: {  	_ =	swait.ge [sflag:s4], $0x4000  }
0x341: {  	[sflag:s4] =	ssyncset.done $0x0  }
0x342: {  	s11 =	simm.s32 $0x1780;
	[sflag:s4] =	ssyncadd.s32 $0xFFFFC000  }
0x343: {  	[spmem:s0] =	stream.indirect.scatter.add.f32 [tilespmem:s3], [sflag:$0x5], $0x80, s11, s30, $0xb8;
	[tilespmem:$0x1E000] =	vst v63  }
0x344: {  	_ =	swait.ge [sflag:s28], $0x4000  }
0x345: {  	[sflag:s28] =	ssyncset.done $0x0  }
0x346: {  	[sflag:s28] =	ssyncadd.s32 $0xFFFFC000  }
0x347: {  	s5 =	stileid.u32;
	[bflag:$0x0] =	sbarrier.arrive $0xFFFF  }
0x348: {  	s9 =	sshll.u32 s5, $0x6;
	s10 =	rddreg [dreg:$0x13]  }
0x349: {  	s9 =	sor.u32 $0x1C05, s9;
	s5 =	rddreg [dreg:$0xd];
	s11 =	sshrl.u32 s10, $0x3  }
0x34a: {  	[hbm:s5], [sflag:s9] =	dma.local [spmem:s11], $0x800  }
0x34b: {  	_ =	swait.ge [sflag:s28], $0x800  }
0x34c: {  	[sflag:s28] =	ssyncset.done $0x0;
	s10 =	rddreg [dreg:$0x14]  }
0x34d: {  	s5 =	rddreg [dreg:$0xe];
	[sflag:s28] =	ssyncadd.s32 $0xFFFFF800;
	s11 =	sshrl.u32 s10, $0x3  }
0x34e: {  	[hbm:s5], [sflag:s9] =	dma.local [spmem:s11], $0x800  }
0x34f: {  	_ =	swait.ge [sflag:s28], $0x800  }
0x350: {  	[sflag:s28] =	ssyncset.done $0x0;
	s10 =	rddreg [dreg:$0x15]  }
0x351: {  	s5 =	rddreg [dreg:$0xf];
	[sflag:s28] =	ssyncadd.s32 $0xFFFFF800;
	s11 =	sshrl.u32 s10, $0x3  }
0x352: {  	[hbm:s5], [sflag:s9] =	dma.local [spmem:s11], $0x800  }
0x353: {  	_ =	swait.ge [sflag:s28], $0x800  }
0x354: {  	[sflag:s28] =	ssyncset.done $0x0;
	s10 =	rddreg [dreg:$0x16]  }
0x355: {  	s5 =	rddreg [dreg:$0x10];
	[sflag:s28] =	ssyncadd.s32 $0xFFFFF800;
	s11 =	sshrl.u32 s10, $0x3  }
0x356: {  	[hbm:s5], [sflag:s9] =	dma.local [spmem:s11], $0x800  }
0x357: {  	_ =	swait.ge [sflag:s28], $0x800  }
0x358: {  	[sflag:s28] =	ssyncset.done $0x0;
	s10 =	rddreg [dreg:$0x17]  }
0x359: {  	s5 =	rddreg [dreg:$0x11];
	[sflag:s28] =	ssyncadd.s32 $0xFFFFF800;
	s11 =	sshrl.u32 s10, $0x3  }
0x35a: {  	[hbm:s5], [sflag:s9] =	dma.local [spmem:s11], $0x800  }
0x35b: {  	_ =	swait.ge [sflag:s28], $0x800  }
0x35c: {  	s8 =	sadd.s32 $0x1, s8;
	s11 =	rddreg [dreg:$0x12]  }
0x35d: {  	p0 =	sne.s32 s8, s11  }
.Ltmp1:
0x35e: {  	_ = 	snop;
	(pc) =	sbr.rel @p0 .LBB2_1-.Ltmp1, $3  }
0x35f: {  	_ =	sdelay $0x1  }
0x360: {  	[sflag:s28] =	ssyncset.done $0x0  }
0x361: {  	[sflag:s28] =	ssyncadd.s32 $0xFFFFF800  }
0x362: {  	_ =	sfence.sel $0x180000  }
0x363: {  	[bflag:$0x0] =	sbarrier.arrive $0xFFFF  }
0x364: {  	_ =	strace $0x9000004A  }
0x365: {  	s0 =	stileid.u32;
	[bflag:$0x2] =	sbarrier.arrive $0xFFFF  }
0x366: {  	p0 =	sne.s32 s0, $0x0;
	s0 =	rddreg [dreg:$0x2]  }
0x367: {  	s0 =	sadd.s32 @!p0 $0x100000, s0  }
0x368: {  	[sflag:s0] =	ssyncadd.tile.s32 @!p0 $0x1;
	_ =	shalt  }
.Lfunc_end2:
_tile_overlayer_lowered:
.L_overlay_start_2:
0x369: {  	(tag) =	ssettag $0x2  }
0x36a: {  	s0 =	rddreg [dreg:$0x0];
	s2 =	stileid.u32  }
0x36b: {  	s1 =	rddreg [dreg:$0x1];
	p0 =	sne.s32 s2, $0x0  }
0x36c: {  	s3 =	rddreg [dreg:$0x2];
	[bflag:$0x3] =	sbarrier.arrive $0xFFFF;
	s2 =	simm.s32 @!p0 $0x1C05  }
0x36d: {  	[timem:s3], [sflag:s2] =	dma.local @!p0 [hbm:s0], s1  }
0x36e: {  	s0 =	simm.s32 @!p0 $0x5  }
0x36f: {  	_ =	swait.ge @!p0 [sflag:s0], s1  }
0x370: {  	s1 =	ssub.s32 @!p0 $0x0, s1;
	[sflag:s0] =	ssyncset.done @!p0 $0x0  }
0x371: {  	[sflag:s0] =	ssyncadd.s32 @!p0 s1  }
0x372: {  	[bflag:$0x3] =	sbarrier.arrive $0xFFFF  }
0x373: {  	_ =	shalt  }

// kernel: kernel.14.cloned.1.call-start
scs
__scs_entry_jumppad:
0x0: {  	(pc) =	sbr.rel $0x88, $3  }
0x1: {  	(tag) =	ssettag $0x0;
	lr =	simm.s32 $0x1  }
0x2: {  	[smem:$0x3F98] =	sst lr;
	_ =	strace $0xD0000000  }
0x3: {  	_ = 	snop  }
0x4: {  	_ = 	snop  }
0x5: {  	_ = 	snop  }
0x6: {  	_ = 	snop  }
0x7: {  	_ = 	snop  }
__scs_overlays_trampoline_lowered:
0x8: {  	[smem:$0x3FA7] =	sst s0  }
0x9: {  	[smem:$0x3FA8] =	sst s1  }
0xa: {  	[smem:$0x3FA9] =	sst s2  }
0xb: {  	[smem:$0x3FAA] =	sst s3  }
0xc: {  	[smem:$0x3FAB] =	sst s4  }
0xd: {  	[smem:$0x3FAC] =	sst s5  }
0xe: {  	[smem:$0x3FAD] =	sst s6  }
0xf: {  	[smem:$0x3FAE] =	sst s7  }
0x10: {  	[smem:$0x3FAF] =	sst s8  }
0x11: {  	[smem:$0x3FB0] =	sst s9;
	s0 =	simm.s32 @!p0 $0x0  }
0x12: {  	s1 =	sld [smem:$0x3F96];
	s0 =	simm.s32 @p0 $0x1  }
0x13: {  	[smem:$0x3FB1] =	sst s0;
	s0 =	simm.s32 @!p1 $0x0  }
0x14: {  	s2 =	sld [smem:$0x3F95];
	s0 =	simm.s32 @p1 $0x1  }
0x15: {  	[smem:$0x3FB2] =	sst s0;
	s0 =	simm.s32 @!p2 $0x0  }
0x16: {  	s3 =	sld [smem:$0x3FDB];
	s0 =	simm.s32 @p2 $0x1  }
0x17: {  	s4 =	simm.s32 $0x1BF5;
	[smem:$0x3FB4] =	sst s0  }
0x18: {  	s0 =	sld [smem:$0x3F97];
	_ =	swait.ge [sflag:s4], $0x0  }
0x19: {  	s7 =	sld [smem:$0x3F98]  }
0x1a: {  	s8 =	sadd.s32 $0xFFFFE003, lr  }
0x1b: {  	s9 =	sadd.s32 $0xFFFFFEF7, lr;
	s5 =	simm.s32 $0xFFFFFFFF;
	p2 =	slt.u32 s8, $0xFFFFF086  }
0x1c: {  	p1 =	slt.u32 s9, $0xF7A;
	s5 =	simm.s32 @!p2 $0x0  }
0x1d: {  	s5 =	simm.s32 @p1 $0x1;
	p0 =	seq.s32 s7, s2  }
0x1e: {  	s7 =	smul.u32 @!p0 $0xF7A, s2;
	p2 =	seq.s32 @!p0 s5, $0x0  }
0x1f: {  	s9 =	smul.u32 $0xF7A, s1;
	s8 =	simm.s32 @!p0 $0x1BF5;
	p2 =	por !p2, p0  }
0x20: {  	[sflag:s8] =	ssyncset.s32 @!p0 $0xFFFFF086;
	s6 =	sadd.s32 @!p0 s3, s7;
	s7 =	simm.s32 @!p0 $0x108  }
0x21: {  	s3 =	sadd.s32 s3, s9;
	s6 =	sadd.s32 @!p0 $0x88, s6;
	s7 =	simm.s32 @p2 $0x1082  }
0x22: {  	[simem:s7], [sflag:s8] =	dma.local @!p0 [hbm:s6], $0xF7A  }
0x23: {  	s9 =	sor.u32 $0xD0000000, s2;
	s6 =	simm.s32 $0x108;
	_ =	swait.ge @!p0 [sflag:s8], $0x0  }
0x24: {  	s3 =	sadd.s32 $0x88, s3;
	s6 =	simm.s32 @!p1 $0x1082;
	[sflag:s4] =	ssyncset.s32 $0xFFFFF086  }
0x25: {  	[simem:s6], [sflag:s4] =	dma.local [hbm:s3], $0xF7A  }
0x26: {  	[smem:$0x3F98] =	sst s1;
	(tag) =	ssettag s2;
	_ =	strace s9  }
0x27: {  	s1 =	sld [smem:$0x3FA8]  }
0x28: {  	s2 =	sld [smem:$0x3FA9]  }
0x29: {  	s4 =	sld [smem:$0x3FAB]  }
0x2a: {  	p0 =	seq.s32 s5, $0x0;
	s5 =	sld [smem:$0x3FAC]  }
0x2b: {  	s6 =	sld [smem:$0x3FAD]  }
0x2c: {  	s7 =	sld [smem:$0x3FAE]  }
0x2d: {  	s3 =	simm.s32 $0x108;
	s8 =	sld [smem:$0x3FAF]  }
0x2e: {  	s3 =	simm.s32 @!p0 $0x1082;
	s9 =	sld [smem:$0x3FB0]  }
0x2f: {  	lr =	sadd.s32 s0, s3;
	s0 =	sld [smem:$0x3FA7]  }
0x30: {  	s3 =	sld [smem:$0x3FAA]  }
0x31: {  	[smem:$0x3FB3] =	sst s10  }
0x32: {  	s10 =	sld [smem:$0x3FB1];
	_ =	sdelay $0x3  }
0x33: {  	p0 =	seq.s32 s10, $0x1;
	s10 =	sld [smem:$0x3FB3];
	_ =	sdelay $0x3  }
0x34: {  	[smem:$0x3FB3] =	sst s10  }
0x35: {  	s10 =	sld [smem:$0x3FB2];
	_ =	sdelay $0x3  }
0x36: {  	p1 =	seq.s32 s10, $0x1;
	s10 =	sld [smem:$0x3FB3];
	_ =	sdelay $0x3  }
0x37: {  	[smem:$0x3FB3] =	sst s10  }
0x38: {  	s10 =	sld [smem:$0x3FB4]  }
0x39: {  	_ = 	snop;
	(pc) =	sbr.ind lr, $3  }
0x3a: {  	_ = 	snop  }
0x3b: {  	_ = 	snop  }
0x3c: {  	p2 =	seq.s32 s10, $0x1;
	s10 =	sld [smem:$0x3FB3]  }
0x3d: {  	_ =	shalt  }
0x3e: {  	_ =	shalt  }
0x3f: {  	_ =	shalt  }
0x40: {  	_ =	shalt  }
0x41: {  	_ =	shalt  }
0x42: {  	_ =	shalt  }
0x43: {  	_ =	shalt  }
0x44: {  	_ =	shalt  }
0x45: {  	_ =	shalt  }
0x46: {  	_ =	shalt  }
0x47: {  	_ =	shalt  }
0x48: {  	_ =	shalt  }
0x49: {  	_ =	shalt  }
0x4a: {  	_ =	shalt  }
0x4b: {  	_ =	shalt  }
0x4c: {  	_ =	shalt  }
0x4d: {  	_ =	shalt  }
0x4e: {  	_ =	shalt  }
0x4f: {  	_ =	shalt  }
0x50: {  	_ =	shalt  }
0x51: {  	_ =	shalt  }
0x52: {  	_ =	shalt  }
0x53: {  	_ =	shalt  }
0x54: {  	_ =	shalt  }
0x55: {  	_ =	shalt  }
0x56: {  	_ =	shalt  }
0x57: {  	_ =	shalt  }
0x58: {  	_ =	shalt  }
0x59: {  	_ =	shalt  }
0x5a: {  	_ =	shalt  }
0x5b: {  	_ =	shalt  }
0x5c: {  	_ =	shalt  }
0x5d: {  	_ =	shalt  }
0x5e: {  	_ =	shalt  }
0x5f: {  	_ =	shalt  }
0x60: {  	_ =	shalt  }
0x61: {  	_ =	shalt  }
0x62: {  	_ =	shalt  }
0x63: {  	_ =	shalt  }
0x64: {  	_ =	shalt  }
0x65: {  	_ =	shalt  }
0x66: {  	_ =	shalt  }
0x67: {  	_ =	shalt  }
0x68: {  	_ =	shalt  }
0x69: {  	_ =	shalt  }
0x6a: {  	_ =	shalt  }
0x6b: {  	_ =	shalt  }
0x6c: {  	_ =	shalt  }
0x6d: {  	_ =	shalt  }
0x6e: {  	_ =	shalt  }
0x6f: {  	_ =	shalt  }
0x70: {  	_ =	shalt  }
0x71: {  	_ =	shalt  }
0x72: {  	_ =	shalt  }
0x73: {  	_ =	shalt  }
0x74: {  	_ =	shalt  }
0x75: {  	_ =	shalt  }
0x76: {  	_ =	shalt  }
0x77: {  	_ =	shalt  }
0x78: {  	_ =	shalt  }
0x79: {  	_ =	shalt  }
0x7a: {  	_ =	shalt  }
0x7b: {  	_ =	shalt  }
0x7c: {  	_ =	shalt  }
0x7d: {  	_ =	shalt  }
0x7e: {  	_ =	shalt  }
0x7f: {  	_ =	shalt  }
0x80: {  	_ =	shalt  }
0x81: {  	_ =	shalt  }
0x82: {  	_ =	shalt  }
0x83: {  	_ =	shalt  }
0x84: {  	_ =	shalt  }
0x85: {  	_ =	shalt  }
0x86: {  	_ =	shalt  }
0x87: {  	_ =	shalt  }
.Lfunc_end0:
.L_simem_size_0:
called_computation.2_lowered:
.L_overlay_start_0:
0x88: {  	s2 =	sld [smem:$0x3FD9]  }
0x89: {  	s3 =	sld [smem:$0x3FFE];
	_ =	sdelay $0x1  }
0x8a: {  	s1 =	srdreg.scid  }
0x8b: {  	s0 =	sand.u32 $0x1, s1  }
0x8c: {  	s16 =	sshll.u32 s0, $0xA;
	s2 =	sadd.s32 s3, s2  }
0x8d: {  	s2 =	sadd.s32 s2, s16  }
0x8e: {  	[smem:$0x3FBF] =	sst s2  }
0x8f: {  	_ = 	snop  }
0x90: {  	(tm) =	ssettm $0x1  }
0x91: {  	s17 =	sld [smem:$0x3FFB];
	_ =	sdelay $0x3  }
0x92: {  	_ =	strace s17  }
0x93: {  	s2 =	sld [smem:$0x3FFC];
	_ =	sdelay $0x3  }
0x94: {  	_ =	strace s2  }
0x95: {  	s2 =	sld [smem:$0x3FFD];
	_ =	sdelay $0x3  }
0x96: {  	_ =	strace s2  }
0x97: {  	_ =	strace $0x8FFFFFFF  }
0x98: {  	s18 =	sld [smem:$0x3FDB];
	_ =	sdelay $0x1  }
0x99: {  	s19 =	simm.s32 $_scs_section_size  }
0x9a: {  	s4 =	simm.s32 $_size__tile_overlayer_lowered;
	s5 =	simm.s32 $_tile_overlayer_lowered  }
0x9b: {  	s22 =	simm.s32 $0x1BFF;
	s21 =	sshll.u32 s5, $0x1;
	s2 =	sadd.s32 s19, s18  }
0x9c: {  	s6 =	simm.s32 $0x0;
	s20 =	sshll.u32 s4, $0x1;
	s4 =	sadd.s32 s21, s2  }
0x9d: {  	[timem:s6], [sflag:s22] =	dma.local [hbm:s4], s20  }
0x9e: {  	_ =	swait.ge [sflag:s22], s20  }
0x9f: {  	s3 =	ssub.s32 $0x0, s20;
	[sflag:s22] =	ssyncset.done $0x0  }
0xa0: {  	[sflag:s22] =	ssyncadd.s32 s3;
	_ =	sdelay $0x1  }
0xa1: {  	s23 =	simm.s32 $0x1B8B  }
0xa2: {  	_ =	swait.ge [sflag:s23], $0x1  }
0xa3: {  	[sflag:s23] =	ssyncset.done $0x0  }
0xa4: {  	s25 =	simm.s32 $0x1B8E;
	s24 =	sld [smem:$0x3FFE];
	[sflag:s23] =	ssyncadd.s32 $0xFFFFFFFF  }
0xa5: {  	s26 =	simm.s32 $execute0_lowered;
	[smem:$0x3FD2] =	sst s25  }
0xa6: {  	s4 =	sshll.u32 s26, $0x1;
	_ =	strace $0x8000004C;
	[dreg:$0x1] =	wrdreg $0xFFFFFFFF  }
0xa7: {  	s28 =	simm.s32 $_size_execute0_lowered;
	s2 =	sadd.s32 s2, s4;
	[dreg:$0x0] =	wrdreg $0x0  }
0xa8: {  	s4 =	sshll.u32 s28, $0x1;
	[dreg:$0x2] =	wrdreg s2  }
0xa9: {  	[dreg:$0x3] =	wrdreg s4  }
0xaa: {  	[dreg:$0x4] =	wrdreg $0xC0  }
0xab: {  	_ =	task [dreg:s6], $0x5FFFF  }
0xac: {  	[dreg:$0x1] =	wrdreg $0xFFFFFFFF  }
0xad: {  	[dreg:$0x0] =	wrdreg $0x60  }
0xae: {  	[dreg:$0x2] =	wrdreg s24  }
0xaf: {  	[dreg:$0x3] =	wrdreg $0xA0000  }
0xb0: {  	[dreg:$0x4] =	wrdreg $0x9  }
0xb1: {  	_ =	task.clear_ibuf [dreg:s6], $0x5FFFF;
	_ =	strace $0x9000004C  }
0xb2: {  	s29 =	simm.s32 $0x9;
	_ =	strace $0x8000004E  }
0xb3: {  	_ =	swait.ge [sflag:s29], $0x1  }
0xb4: {  	[sflag:s29] =	ssyncadd.s32 $0xFFFFFFFF  }
0xb5: {  	_ =	strace $0x9000004E  }
0xb6: {  	_ =	sfence  }
0xb7: {  	s30 =	sld [smem:$0x0];
	_ =	sdelay $0x2  }
0xb8: {  	s31 =	sshll.u32 s1, $0xD;
	s1 =	sshrl.u32 s1, $0x2  }
0xb9: {  	s3 =	sand.u32 $0x4000, s31;
	s1 =	sadd.s32 s1, s30  }
0xba: {  	s0 =	sor.u32 s3, s0;
	s1 =	sshll.u32 s1, $0x11  }
0xbb: {  	s0 =	sor.u32 s1, s0  }
0xbc: {  	s0 =	sadd.s32 $0x8F2B, s0  }
0xbd: {  	[sflag:s0] =	ssyncadd.remote.s32 $0x1  }
0xbe: {  	_ =	sfence.sel $0xFFFF  }
0xbf: {  	[dreg:$0x0] =	wrdreg $0xFFFFFFFF;
	(pc) =	sbr.abs _section_cstart, $3  }
0xc0: {  	[dreg:$0x1] =	wrdreg $0xFFFFFFFF  }
0xc1: {  	_ =	task.clear_ibuf [dreg:s6], $0x2FFFF;
	_ =	strace $0x9FFFFFFF  }
0xc2: {  	(tm) =	ssettm $0x7FFFFFFF  }
0xc3: {  	_ =	shalt  }
tec
execute0_lowered:
.L_overlay_start_1:
0x0: {  	(tag) =	ssettag $0x1  }
0x1: {  	s2 =	rddreg [dreg:$0x0]  }
0x2: {  	s0 =	rddreg [dreg:$0x1]  }
0x3: {  	s1 =	simm.s32 $0x0;
	s3 =	srdreg.scid;
	s11 =	stileid.u32  }
0x4: {  	s28 =	simm.s32 $0x5;
	s30 =	simm.s32 $0x80;
	s29 =	simm.s32 $0x1800  }
0x5: {  	s31 =	simm.s32 $0x1B80;
	[smem:$0x7FF] =	sst s1;
	s4 =	sadd.s32 $0x2600, s2  }
0x6: {  	s5 =	sadd.s32 $0xC600, s2;
	s3 =	sand.u32 $0x1, s3;
	s9 =	smul.u32 $0x14000, s11  }
0x7: {  	s10 =	sadd.s32 $0x3E600, s2;
	s6 =	ssub.s32 $0x2, s3;
	s7 =	sshll.u32 s3, $0x4  }
0x8: {  	s3 =	smul.u32 $0x140000, s3;
	s8 =	sshrl.u32 s6, $0x1;
	s7 =	sor.u32 s11, s7  }
0x9: {  	s12 =	sadd.s32 $0x8000, s9;
	s13 =	sadd.s32 $0xC000, s9;
	s7 =	smul.u32 $0x2800, s7  }
0xa: {  	s14 =	sadd.s32 $0x10000, s9;
	s6 =	ssub.s32 s6, s8;
	s8 =	smul.u32 $0x50000, s11  }
0xb: {  	s11 =	sadd.s32 $0x4000, s9;
	s26 =	sadd.s32 s9, s3;
	s7 =	sshrl.u32 s7, $0x3  }
0xc: {  	s18 =	sadd.s32 s3, s13;
	s9 =	sadd.s32 s3, s11;
	s15 =	sadd.s32 s4, s7  }
0xd: {  	s19 =	sadd.s32 s5, s7;
	s20 =	sadd.s32 $0x100, s7;
	s21 =	sadd.s32 $0x200, s7  }
0xe: {  	s23 =	sadd.s32 $0x300, s7;
	s7 =	sadd.s32 $0x400, s7;
	[dreg:$0x3] =	wrdreg s15  }
0xf: {  	[dreg:$0x4] =	wrdreg s19;
	s16 =	sadd.s32 s4, s20;
	s15 =	sadd.s32 s5, s20  }
0x10: {  	s22 =	sadd.s32 s4, s21;
	s24 =	sadd.s32 s4, s23;
	[dreg:$0x5] =	wrdreg s16  }
0x11: {  	s25 =	sadd.s32 s5, s23;
	s4 =	sadd.s32 s4, s7;
	[dreg:$0x6] =	wrdreg s15  }
0x12: {  	s19 =	sshrl.u32 s18, $0x3;
	s20 =	sshrl.u32 s8, $0x2;
	[dreg:$0x7] =	wrdreg s22  }
0x13: {  	s23 =	sadd.s32 s12, s0;
	s8 =	simm.s32 $0x0;
	[dreg:$0x9] =	wrdreg s24  }
0x14: {  	s18 =	simm.s32 $0x1A00;
	s15 =	sadd.s32 s5, s21;
	[dreg:$0xa] =	wrdreg s25  }
0x15: {  	[dreg:$0xb] =	wrdreg s4;
	s5 =	sadd.s32 s5, s7;
	s4 =	sshrl.u32 s26, $0x3  }
0x16: {  	s16 =	sadd.s32 s3, s12;
	s3 =	sadd.s32 s3, s14;
	s21 =	sadd.s32 s20, s0  }
0x17: {  	s22 =	sadd.s32 s11, s0;
	s24 =	sadd.s32 s13, s0;
	[dreg:$0x8] =	wrdreg s15  }
0x18: {  	[dreg:$0xc] =	wrdreg s5;
	s4 =	sadd.s32 s10, s4;
	s15 =	sshrl.u32 s9, $0x3  }
0x19: {  	s3 =	sshrl.u32 s3, $0x3;
	[dreg:$0xd] =	wrdreg s4;
	s4 =	sadd.s32 s10, s15  }
0x1a: {  	s17 =	sshrl.u32 s16, $0x3;
	s3 =	sadd.s32 s10, s3;
	[dreg:$0xe] =	wrdreg s4  }
0x1b: {  	s25 =	sadd.s32 s14, s0;
	s4 =	sadd.s32 s10, s17;
	[dreg:$0x11] =	wrdreg s3  }
0x1c: {  	s26 =	smax.u32 s6, $0x1;
	[dreg:$0xf] =	wrdreg s4;
	s4 =	sadd.s32 s10, s19  }
0x1d: {  	s6 =	simm.s32 $0x3;
	s7 =	simm.s32 $0x4;
	[dreg:$0x10] =	wrdreg s4  }
0x1e: {  	s12 =	simm.s32 $0x1880;
	_ =	strace $0x8000004D;
	[dreg:$0x13] =	wrdreg s21  }
0x1f: {  	s13 =	simm.s32 $0x980;
	s14 =	simm.s32 $0x1900;
	[dreg:$0x14] =	wrdreg s22  }
0x20: {  	s20 =	simm.s32 $0xB00;
	s16 =	simm.s32 $0x1980;
	[dreg:$0x15] =	wrdreg s23  }
0x21: {  	s15 =	simm.s32 $0xA00;
	s3 =	simm.s32 $0x6000;
	[dreg:$0x16] =	wrdreg s24  }
0x22: {  	s17 =	simm.s32 $0xA80;
	s19 =	sadd.s32 $0x16600, s2;
	[dreg:$0x17] =	wrdreg s25  }
0x23: {  	s2 =	simm.s32 $0x1;
	s4 =	simm.s32 $0x2;
	[dreg:$0x12] =	wrdreg s26  }
0x24: {  	s26 =	simm.s32 $0x2000;
	s24 =	simm.s32 $0x800;
	s21 =	simm.s32 $0x1A80  }
0x25: {  	v0 =	vimm.f32 $0.0e+00;
	s22 =	simm.s32 $0xB80;
	s23 =	simm.s32 $0x1B00;
	s25 =	simm.s32 $0xC00  }
.LBB2_1:
0x26: {  	s9 =	simm.s32 $0x0;
	s10 =	simm.s32 $0x200  }
.LBB2_2:
0x27: {  	p0 =	sne.s32 s10, $0xFE00;
	[tilespmem:s9+$0x2070] =	vst v0  }
0x28: {  	[tilespmem:s9+$0x2000] =	vst v0  }
0x29: {  	[tilespmem:s9+$0x2010] =	vst v0  }
.Ltmp0:
0x2a: {  	[tilespmem:s9+$0x2020] =	vst v0;
	(pc) =	sbr.rel @p0 .LBB2_2-.Ltmp0, $4  }
0x2b: {  	[tilespmem:s9+$0x2030] =	vst v0  }
0x2c: {  	[tilespmem:s9+$0x2040] =	vst v0  }
0x2d: {  	[tilespmem:s9+$0x2050] =	vst v0  }
0x2e: {  	[tilespmem:s9+$0x2060] =	vst v0;
	s9 =	sshra.s32 s10, $0x2;
	s10 =	sadd.s32 $0x200, s10  }
0x2f: {  	[tilespmem:s9+$0x2070] =	vst v0  }
0x30: {  	[tilespmem:s9+$0x2000] =	vst v0  }
0x31: {  	[tilespmem:s9+$0x2010] =	vst v0  }
0x32: {  	[tilespmem:s9+$0x2020] =	vst v0  }
0x33: {  	[tilespmem:s9+$0x2030] =	vst v0  }
0x34: {  	[tilespmem:s9+$0x2040] =	vst v0  }
0x35: {  	[tilespmem:s9+$0x2050] =	vst v0  }
0x36: {  	[tilespmem:s9+$0x2060] =	vst v0;
	s5 =	rddreg [dreg:$0x13]  }
0x37: {  	[spmem:s5] =	stream.linear.scatter [tilespmem:s26], [sflag:$0x5], $0x4000, $0x38;
	[tilespmem:$0x1E000] =	vst v63  }
0x38: {  	_ =	swait.ge [sflag:s28], $0x4000  }
0x39: {  	[sflag:s28] =	ssyncset.done $0x0  }
0x3a: {  	s9 =	rddreg [dreg:$0x14];
	[sflag:s28] =	ssyncadd.s32 $0xFFFFC000  }
0x3b: {  	[spmem:s9] =	stream.linear.scatter [tilespmem:s26], [sflag:$0x5], $0x4000, $0x38;
	[tilespmem:$0x1E000] =	vst v63  }
0x3c: {  	_ =	swait.ge [sflag:s28], $0x4000  }
0x3d: {  	[sflag:s28] =	ssyncset.done $0x0  }
0x3e: {  	s10 =	rddreg [dreg:$0x15];
	[sflag:s28] =	ssyncadd.s32 $0xFFFFC000  }
0x3f: {  	[spmem:s10] =	stream.linear.scatter [tilespmem:s26], [sflag:$0x5], $0x4000, $0x38;
	[tilespmem:$0x1E000] =	vst v63  }
0x40: {  	_ =	swait.ge [sflag:s28], $0x4000  }
0x41: {  	[sflag:s28] =	ssyncset.done $0x0  }
0x42: {  	s11 =	rddreg [dreg:$0x16];
	[sflag:s28] =	ssyncadd.s32 $0xFFFFC000  }
0x43: {  	[spmem:s11] =	stream.linear.scatter [tilespmem:s26], [sflag:$0x5], $0x4000, $0x38;
	[tilespmem:$0x1E000] =	vst v63  }
0x44: {  	_ =	swait.ge [sflag:s28], $0x4000  }
0x45: {  	[sflag:s28] =	ssyncset.done $0x0  }
0x46: {  	s9 =	rddreg [dreg:$0x17];
	[sflag:s28] =	ssyncadd.s32 $0xFFFFC000  }
0x47: {  	[spmem:s9] =	stream.linear.scatter [tilespmem:s26], [sflag:$0x5], $0x4000, $0x38;
	[tilespmem:$0x1E000] =	vst v63  }
0x48: {  	_ =	swait.ge [sflag:s28], $0x4000  }
0x49: {  	[sflag:s28] =	ssyncset.done $0x0  }
0x4a: {  	s10 =	rddreg [dreg:$0x3];
	[sflag:s28] =	ssyncadd.s32 $0xFFFFC000  }
0x4b: {  	[tilespmem:s1], [sflag:$0x5] =	stream.linear.gather [hbm4b:s10+s1], $0x800, $0x38;
	[tilespmem:$0x1E000] =	vst v63  }
0x4c: {  	_ =	swait.ge [sflag:s28], $0x800  }
0x4d: {  	[sflag:s28] =	ssyncset.done $0x0  }
0x4e: {  	s5 =	simm.s32 $0x1000;
	s11 =	rddreg [dreg:$0x4];
	[sflag:s28] =	ssyncadd.s32 $0xFFFFF800  }
0x4f: {  	[tilespmem:s5], [sflag:$0x5] =	stream.linear.gather [hbm4b:s11+s1], $0x800, $0x38;
	[tilespmem:$0x1E000] =	vst v63  }
0x50: {  	_ =	swait.ge [sflag:s28], $0x800  }
0x51: {  	[sflag:s28] =	ssyncset.done $0x0  }
0x52: {  	[sflag:s28] =	ssyncadd.s32 $0xFFFFF800  }
0x53: {  	[tilespmem:s26], [sflag:$0x1] =	stream.indirect.gather [hbm4b:s19+s30], $0x80, s1, s30, $0xb8;
	[tilespmem:$0x1E000] =	vst v63  }
0x54: {  	[bflag:$0x0] =	sbarrier.arrive $0xFFFF  }
0x55: {  	s10 =	rddreg [dreg:$0x5]  }
0x56: {  	[tilespmem:s24], [sflag:$0x3] =	stream.linear.gather [hbm4b:s10+s1], $0x800, $0x38;
	[tilespmem:$0x1E000] =	vst v63  }
0x57: {  	s11 =	rddreg [dreg:$0x6]  }
0x58: {  	[tilespmem:s29], [sflag:$0x4] =	stream.linear.gather [hbm4b:s11+s1], $0x800, $0x38;
	[tilespmem:$0x1E000] =	vst v63  }
0x59: {  	_ =	swait.ge [sflag:s2], $0x4000  }
0x5a: {  	[sflag:s2] =	ssyncset.done $0x0  }
0x5b: {  	[sflag:s2] =	ssyncadd.s32 $0xFFFFC000  }
0x5c: {  	[tilespmem:s3], [sflag:$0x2] =	stream.indirect.gather [hbm4b:s19+s30], $0x80, s30, s30, $0xb8;
	[tilespmem:$0x1E000] =	vst v63  }
0x5d: {  	_ = 	snop  }
0x5e: {  	[spmem:s0] =	stream.indirect.scatter.add.f32 [tilespmem:s26], [sflag:$0x5], $0x80, s5, s30, $0xb8;
	[tilespmem:$0x1E000] =	vst v63  }
0x5f: {  	_ =	swait.ge [sflag:s28], $0x4000  }
0x60: {  	[sflag:s28] =	ssyncset.done $0x0  }
0x61: {  	[sflag:s28] =	ssyncadd.s32 $0xFFFFC000  }
0x62: {  	_ =	swait.ge [sflag:s4], $0x4000  }
0x63: {  	[sflag:s4] =	ssyncset.done $0x0  }
0x64: {  	s10 =	simm.s32 $0x100;
	[sflag:s4] =	ssyncadd.s32 $0xFFFFC000  }
0x65: {  	[tilespmem:s26], [sflag:$0x1] =	stream.indirect.gather [hbm4b:s19+s30], $0x80, s10, s30, $0xb8;
	[tilespmem:$0x1E000] =	vst v63  }
0x66: {  	s11 =	simm.s32 $0x1080  }
0x67: {  	[spmem:s0] =	stream.indirect.scatter.add.f32 [tilespmem:s3], [sflag:$0x5], $0x80, s11, s30, $0xb8;
	[tilespmem:$0x1E000] =	vst v63  }
0x68: {  	_ =	swait.ge [sflag:s28], $0x4000  }
0x69: {  	[sflag:s28] =	ssyncset.done $0x0  }
0x6a: {  	[sflag:s28] =	ssyncadd.s32 $0xFFFFC000  }
0x6b: {  	_ =	swait.ge [sflag:s2], $0x4000  }
0x6c: {  	[sflag:s2] =	ssyncset.done $0x0  }
0x6d: {  	s10 =	simm.s32 $0x180;
	[sflag:s2] =	ssyncadd.s32 $0xFFFFC000  }
0x6e: {  	[tilespmem:s3], [sflag:$0x2] =	stream.indirect.gather [hbm4b:s19+s30], $0x80, s10, s30, $0xb8;
	[tilespmem:$0x1E000] =	vst v63  }
0x6f: {  	s11 =	simm.s32 $0x1100  }
0x70: {  	[spmem:s0] =	stream.indirect.scatter.add.f32 [tilespmem:s26], [sflag:$0x5], $0x80, s11, s30, $0xb8;
	[tilespmem:$0x1E000] =	vst v63  }
0x71: {  	_ =	swait.ge [sflag:s28], $0x4000  }
0x72: {  	[sflag:s28] =	ssyncset.done $0x0  }
0x73: {  	[sflag:s28] =	ssyncadd.s32 $0xFFFFC000  }
0x74: {  	_ =	swait.ge [sflag:s4], $0x4000  }
0x75: {  	[sflag:s4] =	ssyncset.done $0x0  }
0x76: {  	s10 =	simm.s32 $0x200;
	[sflag:s4] =	ssyncadd.s32 $0xFFFFC000  }
0x77: {  	[tilespmem:s26], [sflag:$0x1] =	stream.indirect.gather [hbm4b:s19+s30], $0x80, s10, s30, $0xb8;
	[tilespmem:$0x1E000] =	vst v63  }
0x78: {  	s11 =	simm.s32 $0x1180  }
0x79: {  	[spmem:s0] =	stream.indirect.scatter.add.f32 [tilespmem:s3], [sflag:$0x5], $0x80, s11, s30, $0xb8;
	[tilespmem:$0x1E000] =	vst v63  }
0x7a: {  	_ =	swait.ge [sflag:s28], $0x4000  }
0x7b: {  	[sflag:s28] =	ssyncset.done $0x0  }
0x7c: {  	[sflag:s28] =	ssyncadd.s32 $0xFFFFC000  }
0x7d: {  	_ =	swait.ge [sflag:s2], $0x4000  }
0x7e: {  	[sflag:s2] =	ssyncset.done $0x0  }
0x7f: {  	s10 =	simm.s32 $0x280;
	[sflag:s2] =	ssyncadd.s32 $0xFFFFC000  }
0x80: {  	[tilespmem:s3], [sflag:$0x2] =	stream.indirect.gather [hbm4b:s19+s30], $0x80, s10, s30, $0xb8;
	[tilespmem:$0x1E000] =	vst v63  }
0x81: {  	s11 =	simm.s32 $0x1200  }
0x82: {  	[spmem:s0] =	stream.indirect.scatter.add.f32 [tilespmem:s26], [sflag:$0x5], $0x80, s11, s30, $0xb8;
	[tilespmem:$0x1E000] =	vst v63  }
0x83: {  	_ =	swait.ge [sflag:s28], $0x4000  }
0x84: {  	[sflag:s28] =	ssyncset.done $0x0  }
0x85: {  	[sflag:s28] =	ssyncadd.s32 $0xFFFFC000  }
0x86: {  	_ =	swait.ge [sflag:s4], $0x4000  }
0x87: {  	[sflag:s4] =	ssyncset.done $0x0  }
0x88: {  	s10 =	simm.s32 $0x300;
	[sflag:s4] =	ssyncadd.s32 $0xFFFFC000  }
0x89: {  	[tilespmem:s26], [sflag:$0x1] =	stream.indirect.gather [hbm4b:s19+s30], $0x80, s10, s30, $0xb8;
	[tilespmem:$0x1E000] =	vst v63  }
0x8a: {  	s11 =	simm.s32 $0x1280  }
0x8b: {  	[spmem:s0] =	stream.indirect.scatter.add.f32 [tilespmem:s3], [sflag:$0x5], $0x80, s11, s30, $0xb8;
	[tilespmem:$0x1E000] =	vst v63  }
0x8c: {  	_ =	swait.ge [sflag:s28], $0x4000  }
0x8d: {  	[sflag:s28] =	ssyncset.done $0x0  }
0x8e: {  	[sflag:s28] =	ssyncadd.s32 $0xFFFFC000  }
0x8f: {  	_ =	swait.ge [sflag:s2], $0x4000  }
0x90: {  	[sflag:s2] =	ssyncset.done $0x0  }
0x91: {  	s10 =	simm.s32 $0x380;
	[sflag:s2] =	ssyncadd.s32 $0xFFFFC000  }
0x92: {  	[tilespmem:s3], [sflag:$0x2] =	stream.indirect.gather [hbm4b:s19+s30], $0x80, s10, s30, $0xb8;
	[tilespmem:$0x1E000] =	vst v63  }
0x93: {  	s11 =	simm.s32 $0x1300  }
0x94: {  	[spmem:s0] =	stream.indirect.scatter.add.f32 [tilespmem:s26], [sflag:$0x5], $0x80, s11, s30, $0xb8;
	[tilespmem:$0x1E000] =	vst v63  }
0x95: {  	_ =	swait.ge [sflag:s28], $0x4000  }
0x96: {  	[sflag:s28] =	ssyncset.done $0x0  }
0x97: {  	[sflag:s28] =	ssyncadd.s32 $0xFFFFC000  }
0x98: {  	_ =	swait.ge [sflag:s4], $0x4000  }
0x99: {  	[sflag:s4] =	ssyncset.done $0x0  }
0x9a: {  	s10 =	simm.s32 $0x400;
	[sflag:s4] =	ssyncadd.s32 $0xFFFFC000  }
0x9b: {  	[tilespmem:s26], [sflag:$0x1] =	stream.indirect.gather [hbm4b:s19+s30], $0x80, s10, s30, $0xb8;
	[tilespmem:$0x1E000] =	vst v63  }
0x9c: {  	s11 =	simm.s32 $0x1380  }
0x9d: {  	[spmem:s0] =	stream.indirect.scatter.add.f32 [tilespmem:s3], [sflag:$0x5], $0x80, s11, s30, $0xb8;
	[tilespmem:$0x1E000] =	vst v63  }
0x9e: {  	_ =	swait.ge [sflag:s28], $0x4000  }
0x9f: {  	[sflag:s28] =	ssyncset.done $0x0  }
0xa0: {  	[sflag:s28] =	ssyncadd.s32 $0xFFFFC000  }
0xa1: {  	_ =	swait.ge [sflag:s2], $0x4000  }
0xa2: {  	[sflag:s2] =	ssyncset.done $0x0  }
0xa3: {  	s10 =	simm.s32 $0x480;
	[sflag:s2] =	ssyncadd.s32 $0xFFFFC000  }
0xa4: {  	[tilespmem:s3], [sflag:$0x2] =	stream.indirect.gather [hbm4b:s19+s30], $0x80, s10, s30, $0xb8;
	[tilespmem:$0x1E000] =	vst v63  }
0xa5: {  	s11 =	simm.s32 $0x1400  }
0xa6: {  	[spmem:s0] =	stream.indirect.scatter.add.f32 [tilespmem:s26], [sflag:$0x5], $0x80, s11, s30, $0xb8;
	[tilespmem:$0x1E000] =	vst v63  }
0xa7: {  	_ =	swait.ge [sflag:s28], $0x4000  }
0xa8: {  	[sflag:s28] =	ssyncset.done $0x0  }
0xa9: {  	[sflag:s28] =	ssyncadd.s32 $0xFFFFC000  }
0xaa: {  	_ =	swait.ge [sflag:s4], $0x4000  }
0xab: {  	[sflag:s4] =	ssyncset.done $0x0  }
0xac: {  	s10 =	simm.s32 $0x500;
	[sflag:s4] =	ssyncadd.s32 $0xFFFFC000  }
0xad: {  	[tilespmem:s26], [sflag:$0x1] =	stream.indirect.gather [hbm4b:s19+s30], $0x80, s10, s30, $0xb8;
	[tilespmem:$0x1E000] =	vst v63  }
0xae: {  	s11 =	simm.s32 $0x1480  }
0xaf: {  	[spmem:s0] =	stream.indirect.scatter.add.f32 [tilespmem:s3], [sflag:$0x5], $0x80, s11, s30, $0xb8;
	[tilespmem:$0x1E000] =	vst v63  }
0xb0: {  	_ =	swait.ge [sflag:s28], $0x4000  }
0xb1: {  	[sflag:s28] =	ssyncset.done $0x0  }
0xb2: {  	[sflag:s28] =	ssyncadd.s32 $0xFFFFC000  }
0xb3: {  	_ =	swait.ge [sflag:s2], $0x4000  }
0xb4: {  	[sflag:s2] =	ssyncset.done $0x0  }
0xb5: {  	s10 =	simm.s32 $0x580;
	[sflag:s2] =	ssyncadd.s32 $0xFFFFC000  }
0xb6: {  	[tilespmem:s3], [sflag:$0x2] =	stream.indirect.gather [hbm4b:s19+s30], $0x80, s10, s30, $0xb8;
	[tilespmem:$0x1E000] =	vst v63  }
0xb7: {  	s11 =	simm.s32 $0x1500  }
0xb8: {  	[spmem:s0] =	stream.indirect.scatter.add.f32 [tilespmem:s26], [sflag:$0x5], $0x80, s11, s30, $0xb8;
	[tilespmem:$0x1E000] =	vst v63  }
0xb9: {  	_ =	swait.ge [sflag:s28], $0x4000  }
0xba: {  	[sflag:s28] =	ssyncset.done $0x0  }
0xbb: {  	[sflag:s28] =	ssyncadd.s32 $0xFFFFC000  }
0xbc: {  	_ =	swait.ge [sflag:s4], $0x4000  }
0xbd: {  	[sflag:s4] =	ssyncset.done $0x0  }
0xbe: {  	s10 =	simm.s32 $0x600;
	[sflag:s4] =	ssyncadd.s32 $0xFFFFC000  }
0xbf: {  	[tilespmem:s26], [sflag:$0x1] =	stream.indirect.gather [hbm4b:s19+s30], $0x80, s10, s30, $0xb8;
	[tilespmem:$0x1E000] =	vst v63  }
0xc0: {  	s11 =	simm.s32 $0x1580  }
0xc1: {  	[spmem:s0] =	stream.indirect.scatter.add.f32 [tilespmem:s3], [sflag:$0x5], $0x80, s11, s30, $0xb8;
	[tilespmem:$0x1E000] =	vst v63  }
0xc2: {  	_ =	swait.ge [sflag:s28], $0x4000  }
0xc3: {  	[sflag:s28] =	ssyncset.done $0x0  }
0xc4: {  	[sflag:s28] =	ssyncadd.s32 $0xFFFFC000  }
0xc5: {  	_ =	swait.ge [sflag:s2], $0x4000  }
0xc6: {  	[sflag:s2] =	ssyncset.done $0x0  }
0xc7: {  	s10 =	simm.s32 $0x680;
	[sflag:s2] =	ssyncadd.s32 $0xFFFFC000  }
0xc8: {  	[tilespmem:s3], [sflag:$0x2] =	stream.indirect.gather [hbm4b:s19+s30], $0x80, s10, s30, $0xb8;
	[tilespmem:$0x1E000] =	vst v63  }
0xc9: {  	s11 =	simm.s32 $0x1600  }
0xca: {  	[spmem:s0] =	stream.indirect.scatter.add.f32 [tilespmem:s26], [sflag:$0x5], $0x80, s11, s30, $0xb8;
	[tilespmem:$0x1E000] =	vst v63  }
0xcb: {  	_ =	swait.ge [sflag:s28], $0x4000  }
0xcc: {  	[sflag:s28] =	ssyncset.done $0x0  }
0xcd: {  	[sflag:s28] =	ssyncadd.s32 $0xFFFFC000  }
0xce: {  	_ =	swait.ge [sflag:s4], $0x4000  }
0xcf: {  	[sflag:s4] =	ssyncset.done $0x0  }
0xd0: {  	s10 =	simm.s32 $0x700;
	[sflag:s4] =	ssyncadd.s32 $0xFFFFC000  }
0xd1: {  	[tilespmem:s26], [sflag:$0x1] =	stream.indirect.gather [hbm4b:s19+s30], $0x80, s10, s30, $0xb8;
	[tilespmem:$0x1E000] =	vst v63  }
0xd2: {  	s11 =	simm.s32 $0x1680  }
0xd3: {  	[spmem:s0] =	stream.indirect.scatter.add.f32 [tilespmem:s3], [sflag:$0x5], $0x80, s11, s30, $0xb8;
	[tilespmem:$0x1E000] =	vst v63  }
0xd4: {  	_ =	swait.ge [sflag:s28], $0x4000  }
0xd5: {  	[sflag:s28] =	ssyncset.done $0x0  }
0xd6: {  	[sflag:s28] =	ssyncadd.s32 $0xFFFFC000  }
0xd7: {  	_ =	swait.ge [sflag:s2], $0x4000  }
0xd8: {  	[sflag:s2] =	ssyncset.done $0x0  }
0xd9: {  	s10 =	simm.s32 $0x780;
	[sflag:s2] =	ssyncadd.s32 $0xFFFFC000  }
0xda: {  	[tilespmem:s3], [sflag:$0x2] =	stream.indirect.gather [hbm4b:s19+s30], $0x80, s10, s30, $0xb8;
	[tilespmem:$0x1E000] =	vst v63  }
0xdb: {  	s11 =	simm.s32 $0x1700  }
0xdc: {  	[spmem:s0] =	stream.indirect.scatter.add.f32 [tilespmem:s26], [sflag:$0x5], $0x80, s11, s30, $0xb8;
	[tilespmem:$0x1E000] =	vst v63  }
0xdd: {  	_ =	swait.ge [sflag:s28], $0x4000  }
0xde: {  	[sflag:s28] =	ssyncset.done $0x0  }
0xdf: {  	[sflag:s28] =	ssyncadd.s32 $0xFFFFC000  }
0xe0: {  	_ =	swait.ge [sflag:s4], $0x4000  }
0xe1: {  	[sflag:s4] =	ssyncset.done $0x0  }
0xe2: {  	s10 =	simm.s32 $0x1780;
	[sflag:s4] =	ssyncadd.s32 $0xFFFFC000  }
0xe3: {  	[spmem:s0] =	stream.indirect.scatter.add.f32 [tilespmem:s3], [sflag:$0x5], $0x80, s10, s30, $0xb8;
	[tilespmem:$0x1E000] =	vst v63  }
0xe4: {  	_ =	swait.ge [sflag:s28], $0x4000  }
0xe5: {  	[sflag:s28] =	ssyncset.done $0x0  }
0xe6: {  	[sflag:s28] =	ssyncadd.s32 $0xFFFFC000  }
0xe7: {  	_ =	swait.ge [sflag:s6], $0x800  }
0xe8: {  	[sflag:s6] =	ssyncset.done $0x0  }
0xe9: {  	[sflag:s6] =	ssyncadd.s32 $0xFFFFF800  }
0xea: {  	_ =	swait.ge [sflag:s7], $0x800  }
0xeb: {  	[sflag:s7] =	ssyncset.done $0x0  }
0xec: {  	[sflag:s7] =	ssyncadd.s32 $0xFFFFF800  }
0xed: {  	[tilespmem:s26], [sflag:$0x1] =	stream.indirect.gather [hbm4b:s19+s30], $0x80, s24, s30, $0xb8;
	[tilespmem:$0x1E000] =	vst v63  }
0xee: {  	s11 =	rddreg [dreg:$0x7]  }
0xef: {  	[tilespmem:s1], [sflag:$0x3] =	stream.linear.gather [hbm4b:s11+s1], $0x800, $0x38;
	[tilespmem:$0x1E000] =	vst v63  }
0xf0: {  	s10 =	rddreg [dreg:$0x8]  }
0xf1: {  	[tilespmem:s5], [sflag:$0x4] =	stream.linear.gather [hbm4b:s10+s1], $0x800, $0x38;
	[tilespmem:$0x1E000] =	vst v63  }
0xf2: {  	_ =	swait.ge [sflag:s2], $0x4000  }
0xf3: {  	[sflag:s2] =	ssyncset.done $0x0  }
0xf4: {  	s10 =	simm.s32 $0x880;
	[sflag:s2] =	ssyncadd.s32 $0xFFFFC000  }
0xf5: {  	[tilespmem:s3], [sflag:$0x2] =	stream.indirect.gather [hbm4b:s19+s30], $0x80, s10, s30, $0xb8;
	[tilespmem:$0x1E000] =	vst v63  }
0xf6: {  	_ = 	snop  }
0xf7: {  	[spmem:s0] =	stream.indirect.scatter.add.f32 [tilespmem:s26], [sflag:$0x5], $0x80, s29, s30, $0xb8;
	[tilespmem:$0x1E000] =	vst v63  }
0xf8: {  	_ =	swait.ge [sflag:s28], $0x4000  }
0xf9: {  	[sflag:s28] =	ssyncset.done $0x0  }
0xfa: {  	[sflag:s28] =	ssyncadd.s32 $0xFFFFC000  }
0xfb: {  	_ =	swait.ge [sflag:s4], $0x4000  }
0xfc: {  	[sflag:s4] =	ssyncset.done $0x0  }
0xfd: {  	s11 =	simm.s32 $0x900;
	[sflag:s4] =	ssyncadd.s32 $0xFFFFC000  }
0xfe: {  	[tilespmem:s26], [sflag:$0x1] =	stream.indirect.gather [hbm4b:s19+s30], $0x80, s11, s30, $0xb8;
	[tilespmem:$0x1E000] =	vst v63  }
0xff: {  	_ = 	snop  }
0x100: {  	[spmem:s0] =	stream.indirect.scatter.add.f32 [tilespmem:s3], [sflag:$0x5], $0x80, s12, s30, $0xb8;
	[tilespmem:$0x1E000] =	vst v63  }
0x101: {  	_ =	swait.ge [sflag:s28], $0x4000  }
0x102: {  	[sflag:s28] =	ssyncset.done $0x0  }
0x103: {  	[sflag:s28] =	ssyncadd.s32 $0xFFFFC000  }
0x104: {  	_ =	swait.ge [sflag:s2], $0x4000  }
0x105: {  	[sflag:s2] =	ssyncset.done $0x0  }
0x106: {  	[sflag:s2] =	ssyncadd.s32 $0xFFFFC000  }
0x107: {  	[tilespmem:s3], [sflag:$0x2] =	stream.indirect.gather [hbm4b:s19+s30], $0x80, s13, s30, $0xb8;
	[tilespmem:$0x1E000] =	vst v63  }
0x108: {  	_ = 	snop  }
0x109: {  	[spmem:s0] =	stream.indirect.scatter.add.f32 [tilespmem:s26], [sflag:$0x5], $0x80, s14, s30, $0xb8;
	[tilespmem:$0x1E000] =	vst v63  }
0x10a: {  	_ =	swait.ge [sflag:s28], $0x4000  }
0x10b: {  	[sflag:s28] =	ssyncset.done $0x0  }
0x10c: {  	[sflag:s28] =	ssyncadd.s32 $0xFFFFC000  }
0x10d: {  	_ =	swait.ge [sflag:s4], $0x4000  }
0x10e: {  	[sflag:s4] =	ssyncset.done $0x0  }
0x10f: {  	[sflag:s4] =	ssyncadd.s32 $0xFFFFC000  }
0x110: {  	[tilespmem:s26], [sflag:$0x1] =	stream.indirect.gather [hbm4b:s19+s30], $0x80, s15, s30, $0xb8;
	[tilespmem:$0x1E000] =	vst v63  }
0x111: {  	_ = 	snop  }
0x112: {  	[spmem:s0] =	stream.indirect.scatter.add.f32 [tilespmem:s3], [sflag:$0x5], $0x80, s16, s30, $0xb8;
	[tilespmem:$0x1E000] =	vst v63  }
0x113: {  	_ =	swait.ge [sflag:s28], $0x4000  }
0x114: {  	[sflag:s28] =	ssyncset.done $0x0  }
0x115: {  	[sflag:s28] =	ssyncadd.s32 $0xFFFFC000  }
0x116: {  	_ =	swait.ge [sflag:s2], $0x4000  }
0x117: {  	[sflag:s2] =	ssyncset.done $0x0  }
0x118: {  	[sflag:s2] =	ssyncadd.s32 $0xFFFFC000  }
0x119: {  	[tilespmem:s3], [sflag:$0x2] =	stream.indirect.gather [hbm4b:s19+s30], $0x80, s17, s30, $0xb8;
	[tilespmem:$0x1E000] =	vst v63  }
0x11a: {  	_ = 	snop  }
0x11b: {  	[spmem:s0] =	stream.indirect.scatter.add.f32 [tilespmem:s26], [sflag:$0x5], $0x80, s18, s30, $0xb8;
	[tilespmem:$0x1E000] =	vst v63  }
0x11c: {  	_ =	swait.ge [sflag:s28], $0x4000  }
0x11d: {  	[sflag:s28] =	ssyncset.done $0x0  }
0x11e: {  	[sflag:s28] =	ssyncadd.s32 $0xFFFFC000  }
0x11f: {  	_ =	swait.ge [sflag:s4], $0x4000  }
0x120: {  	[sflag:s4] =	ssyncset.done $0x0  }
0x121: {  	[sflag:s4] =	ssyncadd.s32 $0xFFFFC000  }
0x122: {  	[tilespmem:s26], [sflag:$0x1] =	stream.indirect.gather [hbm4b:s19+s30], $0x80, s20, s30, $0xb8;
	[tilespmem:$0x1E000] =	vst v63  }
0x123: {  	_ = 	snop  }
0x124: {  	[spmem:s0] =	stream.indirect.scatter.add.f32 [tilespmem:s3], [sflag:$0x5], $0x80, s21, s30, $0xb8;
	[tilespmem:$0x1E000] =	vst v63  }
0x125: {  	_ =	swait.ge [sflag:s28], $0x4000  }
0x126: {  	[sflag:s28] =	ssyncset.done $0x0  }
0x127: {  	[sflag:s28] =	ssyncadd.s32 $0xFFFFC000  }
0x128: {  	_ =	swait.ge [sflag:s2], $0x4000  }
0x129: {  	[sflag:s2] =	ssyncset.done $0x0  }
0x12a: {  	[sflag:s2] =	ssyncadd.s32 $0xFFFFC000  }
0x12b: {  	[tilespmem:s3], [sflag:$0x2] =	stream.indirect.gather [hbm4b:s19+s30], $0x80, s22, s30, $0xb8;
	[tilespmem:$0x1E000] =	vst v63  }
0x12c: {  	_ = 	snop  }
0x12d: {  	[spmem:s0] =	stream.indirect.scatter.add.f32 [tilespmem:s26], [sflag:$0x5], $0x80, s23, s30, $0xb8;
	[tilespmem:$0x1E000] =	vst v63  }
0x12e: {  	_ =	swait.ge [sflag:s28], $0x4000  }
0x12f: {  	[sflag:s28] =	ssyncset.done $0x0  }
0x130: {  	[sflag:s28] =	ssyncadd.s32 $0xFFFFC000  }
0x131: {  	_ =	swait.ge [sflag:s4], $0x4000  }
0x132: {  	[sflag:s4] =	ssyncset.done $0x0  }
0x133: {  	[sflag:s4] =	ssyncadd.s32 $0xFFFFC000  }
0x134: {  	[tilespmem:s26], [sflag:$0x1] =	stream.indirect.gather [hbm4b:s19+s30], $0x80, s25, s30, $0xb8;
	[tilespmem:$0x1E000] =	vst v63  }
0x135: {  	_ = 	snop  }
0x136: {  	[spmem:s0] =	stream.indirect.scatter.add.f32 [tilespmem:s3], [sflag:$0x5], $0x80, s31, s30, $0xb8;
	[tilespmem:$0x1E000] =	vst v63  }
0x137: {  	_ =	swait.ge [sflag:s28], $0x4000  }
0x138: {  	[sflag:s28] =	ssyncset.done $0x0  }
0x139: {  	[sflag:s28] =	ssyncadd.s32 $0xFFFFC000  }
0x13a: {  	_ =	swait.ge [sflag:s2], $0x4000  }
0x13b: {  	[sflag:s2] =	ssyncset.done $0x0  }
0x13c: {  	s9 =	simm.s32 $0xC80;
	[sflag:s2] =	ssyncadd.s32 $0xFFFFC000  }
0x13d: {  	[tilespmem:s3], [sflag:$0x2] =	stream.indirect.gather [hbm4b:s19+s30], $0x80, s9, s30, $0xb8;
	[tilespmem:$0x1E000] =	vst v63  }
0x13e: {  	s9 =	simm.s32 $0x1C00  }
0x13f: {  	[spmem:s0] =	stream.indirect.scatter.add.f32 [tilespmem:s26], [sflag:$0x5], $0x80, s9, s30, $0xb8;
	[tilespmem:$0x1E000] =	vst v63  }
0x140: {  	_ =	swait.ge [sflag:s28], $0x4000  }
0x141: {  	[sflag:s28] =	ssyncset.done $0x0  }
0x142: {  	[sflag:s28] =	ssyncadd.s32 $0xFFFFC000  }
0x143: {  	_ =	swait.ge [sflag:s4], $0x4000  }
0x144: {  	[sflag:s4] =	ssyncset.done $0x0  }
0x145: {  	s9 =	simm.s32 $0xD00;
	[sflag:s4] =	ssyncadd.s32 $0xFFFFC000  }
0x146: {  	[tilespmem:s26], [sflag:$0x1] =	stream.indirect.gather [hbm4b:s19+s30], $0x80, s9, s30, $0xb8;
	[tilespmem:$0x1E000] =	vst v63  }
0x147: {  	s9 =	simm.s32 $0x1C80  }
0x148: {  	[spmem:s0] =	stream.indirect.scatter.add.f32 [tilespmem:s3], [sflag:$0x5], $0x80, s9, s30, $0xb8;
	[tilespmem:$0x1E000] =	vst v63  }
0x149: {  	_ =	swait.ge [sflag:s28], $0x4000  }
0x14a: {  	[sflag:s28] =	ssyncset.done $0x0  }
0x14b: {  	[sflag:s28] =	ssyncadd.s32 $0xFFFFC000  }
0x14c: {  	_ =	swait.ge [sflag:s2], $0x4000  }
0x14d: {  	[sflag:s2] =	ssyncset.done $0x0  }
0x14e: {  	s9 =	simm.s32 $0xD80;
	[sflag:s2] =	ssyncadd.s32 $0xFFFFC000  }
0x14f: {  	[tilespmem:s3], [sflag:$0x2] =	stream.indirect.gather [hbm4b:s19+s30], $0x80, s9, s30, $0xb8;
	[tilespmem:$0x1E000] =	vst v63  }
0x150: {  	s9 =	simm.s32 $0x1D00  }
0x151: {  	[spmem:s0] =	stream.indirect.scatter.add.f32 [tilespmem:s26], [sflag:$0x5], $0x80, s9, s30, $0xb8;
	[tilespmem:$0x1E000] =	vst v63  }
0x152: {  	_ =	swait.ge [sflag:s28], $0x4000  }
0x153: {  	[sflag:s28] =	ssyncset.done $0x0  }
0x154: {  	[sflag:s28] =	ssyncadd.s32 $0xFFFFC000  }
0x155: {  	_ =	swait.ge [sflag:s4], $0x4000  }
0x156: {  	[sflag:s4] =	ssyncset.done $0x0  }
0x157: {  	s9 =	simm.s32 $0xE00;
	[sflag:s4] =	ssyncadd.s32 $0xFFFFC000  }
0x158: {  	[tilespmem:s26], [sflag:$0x1] =	stream.indirect.gather [hbm4b:s19+s30], $0x80, s9, s30, $0xb8;
	[tilespmem:$0x1E000] =	vst v63  }
0x159: {  	s9 =	simm.s32 $0x1D80  }
0x15a: {  	[spmem:s0] =	stream.indirect.scatter.add.f32 [tilespmem:s3], [sflag:$0x5], $0x80, s9, s30, $0xb8;
	[tilespmem:$0x1E000] =	vst v63  }
0x15b: {  	_ =	swait.ge [sflag:s28], $0x4000  }
0x15c: {  	[sflag:s28] =	ssyncset.done $0x0  }
0x15d: {  	[sflag:s28] =	ssyncadd.s32 $0xFFFFC000  }
0x15e: {  	_ =	swait.ge [sflag:s2], $0x4000  }
0x15f: {  	[sflag:s2] =	ssyncset.done $0x0  }
0x160: {  	s9 =	simm.s32 $0xE80;
	[sflag:s2] =	ssyncadd.s32 $0xFFFFC000  }
0x161: {  	[tilespmem:s3], [sflag:$0x2] =	stream.indirect.gather [hbm4b:s19+s30], $0x80, s9, s30, $0xb8;
	[tilespmem:$0x1E000] =	vst v63  }
0x162: {  	s9 =	simm.s32 $0x1E00  }
0x163: {  	[spmem:s0] =	stream.indirect.scatter.add.f32 [tilespmem:s26], [sflag:$0x5], $0x80, s9, s30, $0xb8;
	[tilespmem:$0x1E000] =	vst v63  }
0x164: {  	_ =	swait.ge [sflag:s28], $0x4000  }
0x165: {  	[sflag:s28] =	ssyncset.done $0x0  }
0x166: {  	[sflag:s28] =	ssyncadd.s32 $0xFFFFC000  }
0x167: {  	_ =	swait.ge [sflag:s4], $0x4000  }
0x168: {  	[sflag:s4] =	ssyncset.done $0x0  }
0x169: {  	s9 =	simm.s32 $0xF00;
	[sflag:s4] =	ssyncadd.s32 $0xFFFFC000  }
0x16a: {  	[tilespmem:s26], [sflag:$0x1] =	stream.indirect.gather [hbm4b:s19+s30], $0x80, s9, s30, $0xb8;
	[tilespmem:$0x1E000] =	vst v63  }
0x16b: {  	s9 =	simm.s32 $0x1E80  }
0x16c: {  	[spmem:s0] =	stream.indirect.scatter.add.f32 [tilespmem:s3], [sflag:$0x5], $0x80, s9, s30, $0xb8;
	[tilespmem:$0x1E000] =	vst v63  }
0x16d: {  	_ =	swait.ge [sflag:s28], $0x4000  }
0x16e: {  	[sflag:s28] =	ssyncset.done $0x0  }
0x16f: {  	[sflag:s28] =	ssyncadd.s32 $0xFFFFC000  }
0x170: {  	_ =	swait.ge [sflag:s2], $0x4000  }
0x171: {  	[sflag:s2] =	ssyncset.done $0x0  }
0x172: {  	s9 =	simm.s32 $0xF80;
	[sflag:s2] =	ssyncadd.s32 $0xFFFFC000  }
0x173: {  	[tilespmem:s3], [sflag:$0x2] =	stream.indirect.gather [hbm4b:s19+s30], $0x80, s9, s30, $0xb8;
	[tilespmem:$0x1E000] =	vst v63  }
0x174: {  	s9 =	simm.s32 $0x1F00  }
0x175: {  	[spmem:s0] =	stream.indirect.scatter.add.f32 [tilespmem:s26], [sflag:$0x5], $0x80, s9, s30, $0xb8;
	[tilespmem:$0x1E000] =	vst v63  }
0x176: {  	_ =	swait.ge [sflag:s28], $0x4000  }
0x177: {  	[sflag:s28] =	ssyncset.done $0x0  }
0x178: {  	[sflag:s28] =	ssyncadd.s32 $0xFFFFC000  }
0x179: {  	_ =	swait.ge [sflag:s4], $0x4000  }
0x17a: {  	[sflag:s4] =	ssyncset.done $0x0  }
0x17b: {  	s9 =	simm.s32 $0x1F80;
	[sflag:s4] =	ssyncadd.s32 $0xFFFFC000  }
0x17c: {  	[spmem:s0] =	stream.indirect.scatter.add.f32 [tilespmem:s3], [sflag:$0x5], $0x80, s9, s30, $0xb8;
	[tilespmem:$0x1E000] =	vst v63  }
0x17d: {  	_ =	swait.ge [sflag:s28], $0x4000  }
0x17e: {  	[sflag:s28] =	ssyncset.done $0x0  }
0x17f: {  	[sflag:s28] =	ssyncadd.s32 $0xFFFFC000  }
0x180: {  	_ =	swait.ge [sflag:s6], $0x800  }
0x181: {  	[sflag:s6] =	ssyncset.done $0x0  }
0x182: {  	[sflag:s6] =	ssyncadd.s32 $0xFFFFF800  }
0x183: {  	_ =	swait.ge [sflag:s7], $0x800  }
0x184: {  	[sflag:s7] =	ssyncset.done $0x0  }
0x185: {  	[sflag:s7] =	ssyncadd.s32 $0xFFFFF800  }
0x186: {  	[tilespmem:s26], [sflag:$0x1] =	stream.indirect.gather [hbm4b:s19+s30], $0x80, s1, s30, $0xb8;
	[tilespmem:$0x1E000] =	vst v63  }
0x187: {  	s9 =	rddreg [dreg:$0x9]  }
0x188: {  	[tilespmem:s24], [sflag:$0x3] =	stream.linear.gather [hbm4b:s9+s1], $0x800, $0x38;
	[tilespmem:$0x1E000] =	vst v63  }
0x189: {  	s9 =	rddreg [dreg:$0xa]  }
0x18a: {  	[tilespmem:s29], [sflag:$0x4] =	stream.linear.gather [hbm4b:s9+s1], $0x800, $0x38;
	[tilespmem:$0x1E000] =	vst v63  }
0x18b: {  	_ =	swait.ge [sflag:s2], $0x4000  }
0x18c: {  	[sflag:s2] =	ssyncset.done $0x0  }
0x18d: {  	[sflag:s2] =	ssyncadd.s32 $0xFFFFC000  }
0x18e: {  	[tilespmem:s3], [sflag:$0x2] =	stream.indirect.gather [hbm4b:s19+s30], $0x80, s30, s30, $0xb8;
	[tilespmem:$0x1E000] =	vst v63  }
0x18f: {  	_ = 	snop  }
0x190: {  	[spmem:s0] =	stream.indirect.scatter.add.f32 [tilespmem:s26], [sflag:$0x5], $0x80, s5, s30, $0xb8;
	[tilespmem:$0x1E000] =	vst v63  }
0x191: {  	_ =	swait.ge [sflag:s28], $0x4000  }
0x192: {  	[sflag:s28] =	ssyncset.done $0x0  }
0x193: {  	[sflag:s28] =	ssyncadd.s32 $0xFFFFC000  }
0x194: {  	_ =	swait.ge [sflag:s4], $0x4000  }
0x195: {  	[sflag:s4] =	ssyncset.done $0x0  }
0x196: {  	s9 =	simm.s32 $0x100;
	[sflag:s4] =	ssyncadd.s32 $0xFFFFC000  }
0x197: {  	[tilespmem:s26], [sflag:$0x1] =	stream.indirect.gather [hbm4b:s19+s30], $0x80, s9, s30, $0xb8;
	[tilespmem:$0x1E000] =	vst v63  }
0x198: {  	s9 =	simm.s32 $0x1080  }
0x199: {  	[spmem:s0] =	stream.indirect.scatter.add.f32 [tilespmem:s3], [sflag:$0x5], $0x80, s9, s30, $0xb8;
	[tilespmem:$0x1E000] =	vst v63  }
0x19a: {  	_ =	swait.ge [sflag:s28], $0x4000  }
0x19b: {  	[sflag:s28] =	ssyncset.done $0x0  }
0x19c: {  	[sflag:s28] =	ssyncadd.s32 $0xFFFFC000  }
0x19d: {  	_ =	swait.ge [sflag:s2], $0x4000  }
0x19e: {  	[sflag:s2] =	ssyncset.done $0x0  }
0x19f: {  	s9 =	simm.s32 $0x180;
	[sflag:s2] =	ssyncadd.s32 $0xFFFFC000  }
0x1a0: {  	[tilespmem:s3], [sflag:$0x2] =	stream.indirect.gather [hbm4b:s19+s30], $0x80, s9, s30, $0xb8;
	[tilespmem:$0x1E000] =	vst v63  }
0x1a1: {  	s9 =	simm.s32 $0x1100  }
0x1a2: {  	[spmem:s0] =	stream.indirect.scatter.add.f32 [tilespmem:s26], [sflag:$0x5], $0x80, s9, s30, $0xb8;
	[tilespmem:$0x1E000] =	vst v63  }
0x1a3: {  	_ =	swait.ge [sflag:s28], $0x4000  }
0x1a4: {  	[sflag:s28] =	ssyncset.done $0x0  }
0x1a5: {  	[sflag:s28] =	ssyncadd.s32 $0xFFFFC000  }
0x1a6: {  	_ =	swait.ge [sflag:s4], $0x4000  }
0x1a7: {  	[sflag:s4] =	ssyncset.done $0x0  }
0x1a8: {  	s9 =	simm.s32 $0x200;
	[sflag:s4] =	ssyncadd.s32 $0xFFFFC000  }
0x1a9: {  	[tilespmem:s26], [sflag:$0x1] =	stream.indirect.gather [hbm4b:s19+s30], $0x80, s9, s30, $0xb8;
	[tilespmem:$0x1E000] =	vst v63  }
0x1aa: {  	s9 =	simm.s32 $0x1180  }
0x1ab: {  	[spmem:s0] =	stream.indirect.scatter.add.f32 [tilespmem:s3], [sflag:$0x5], $0x80, s9, s30, $0xb8;
	[tilespmem:$0x1E000] =	vst v63  }
0x1ac: {  	_ =	swait.ge [sflag:s28], $0x4000  }
0x1ad: {  	[sflag:s28] =	ssyncset.done $0x0  }
0x1ae: {  	[sflag:s28] =	ssyncadd.s32 $0xFFFFC000  }
0x1af: {  	_ =	swait.ge [sflag:s2], $0x4000  }
0x1b0: {  	[sflag:s2] =	ssyncset.done $0x0  }
0x1b1: {  	s9 =	simm.s32 $0x280;
	[sflag:s2] =	ssyncadd.s32 $0xFFFFC000  }
0x1b2: {  	[tilespmem:s3], [sflag:$0x2] =	stream.indirect.gather [hbm4b:s19+s30], $0x80, s9, s30, $0xb8;
	[tilespmem:$0x1E000] =	vst v63  }
0x1b3: {  	s9 =	simm.s32 $0x1200  }
0x1b4: {  	[spmem:s0] =	stream.indirect.scatter.add.f32 [tilespmem:s26], [sflag:$0x5], $0x80, s9, s30, $0xb8;
	[tilespmem:$0x1E000] =	vst v63  }
0x1b5: {  	_ =	swait.ge [sflag:s28], $0x4000  }
0x1b6: {  	[sflag:s28] =	ssyncset.done $0x0  }
0x1b7: {  	[sflag:s28] =	ssyncadd.s32 $0xFFFFC000  }
0x1b8: {  	_ =	swait.ge [sflag:s4], $0x4000  }
0x1b9: {  	[sflag:s4] =	ssyncset.done $0x0  }
0x1ba: {  	s9 =	simm.s32 $0x300;
	[sflag:s4] =	ssyncadd.s32 $0xFFFFC000  }
0x1bb: {  	[tilespmem:s26], [sflag:$0x1] =	stream.indirect.gather [hbm4b:s19+s30], $0x80, s9, s30, $0xb8;
	[tilespmem:$0x1E000] =	vst v63  }
0x1bc: {  	s9 =	simm.s32 $0x1280  }
0x1bd: {  	[spmem:s0] =	stream.indirect.scatter.add.f32 [tilespmem:s3], [sflag:$0x5], $0x80, s9, s30, $0xb8;
	[tilespmem:$0x1E000] =	vst v63  }
0x1be: {  	_ =	swait.ge [sflag:s28], $0x4000  }
0x1bf: {  	[sflag:s28] =	ssyncset.done $0x0  }
0x1c0: {  	[sflag:s28] =	ssyncadd.s32 $0xFFFFC000  }
0x1c1: {  	_ =	swait.ge [sflag:s2], $0x4000  }
0x1c2: {  	[sflag:s2] =	ssyncset.done $0x0  }
0x1c3: {  	s9 =	simm.s32 $0x380;
	[sflag:s2] =	ssyncadd.s32 $0xFFFFC000  }
0x1c4: {  	[tilespmem:s3], [sflag:$0x2] =	stream.indirect.gather [hbm4b:s19+s30], $0x80, s9, s30, $0xb8;
	[tilespmem:$0x1E000] =	vst v63  }
0x1c5: {  	s9 =	simm.s32 $0x1300  }
0x1c6: {  	[spmem:s0] =	stream.indirect.scatter.add.f32 [tilespmem:s26], [sflag:$0x5], $0x80, s9, s30, $0xb8;
	[tilespmem:$0x1E000] =	vst v63  }
0x1c7: {  	_ =	swait.ge [sflag:s28], $0x4000  }
0x1c8: {  	[sflag:s28] =	ssyncset.done $0x0  }
0x1c9: {  	[sflag:s28] =	ssyncadd.s32 $0xFFFFC000  }
0x1ca: {  	_ =	swait.ge [sflag:s4], $0x4000  }
0x1cb: {  	[sflag:s4] =	ssyncset.done $0x0  }
0x1cc: {  	s9 =	simm.s32 $0x400;
	[sflag:s4] =	ssyncadd.s32 $0xFFFFC000  }
0x1cd: {  	[tilespmem:s26], [sflag:$0x1] =	stream.indirect.gather [hbm4b:s19+s30], $0x80, s9, s30, $0xb8;
	[tilespmem:$0x1E000] =	vst v63  }
0x1ce: {  	s9 =	simm.s32 $0x1380  }
0x1cf: {  	[spmem:s0] =	stream.indirect.scatter.add.f32 [tilespmem:s3], [sflag:$0x5], $0x80, s9, s30, $0xb8;
	[tilespmem:$0x1E000] =	vst v63  }
0x1d0: {  	_ =	swait.ge [sflag:s28], $0x4000  }
0x1d1: {  	[sflag:s28] =	ssyncset.done $0x0  }
0x1d2: {  	[sflag:s28] =	ssyncadd.s32 $0xFFFFC000  }
0x1d3: {  	_ =	swait.ge [sflag:s2], $0x4000  }
0x1d4: {  	[sflag:s2] =	ssyncset.done $0x0  }
0x1d5: {  	s9 =	simm.s32 $0x480;
	[sflag:s2] =	ssyncadd.s32 $0xFFFFC000  }
0x1d6: {  	[tilespmem:s3], [sflag:$0x2] =	stream.indirect.gather [hbm4b:s19+s30], $0x80, s9, s30, $0xb8;
	[tilespmem:$0x1E000] =	vst v63  }
0x1d7: {  	s9 =	simm.s32 $0x1400  }
0x1d8: {  	[spmem:s0] =	stream.indirect.scatter.add.f32 [tilespmem:s26], [sflag:$0x5], $0x80, s9, s30, $0xb8;
	[tilespmem:$0x1E000] =	vst v63  }
0x1d9: {  	_ =	swait.ge [sflag:s28], $0x4000  }
0x1da: {  	[sflag:s28] =	ssyncset.done $0x0  }
0x1db: {  	[sflag:s28] =	ssyncadd.s32 $0xFFFFC000  }
0x1dc: {  	_ =	swait.ge [sflag:s4], $0x4000  }
0x1dd: {  	[sflag:s4] =	ssyncset.done $0x0  }
0x1de: {  	s9 =	simm.s32 $0x500;
	[sflag:s4] =	ssyncadd.s32 $0xFFFFC000  }
0x1df: {  	[tilespmem:s26], [sflag:$0x1] =	stream.indirect.gather [hbm4b:s19+s30], $0x80, s9, s30, $0xb8;
	[tilespmem:$0x1E000] =	vst v63  }
0x1e0: {  	s9 =	simm.s32 $0x1480  }
0x1e1: {  	[spmem:s0] =	stream.indirect.scatter.add.f32 [tilespmem:s3], [sflag:$0x5], $0x80, s9, s30, $0xb8;
	[tilespmem:$0x1E000] =	vst v63  }
0x1e2: {  	_ =	swait.ge [sflag:s28], $0x4000  }
0x1e3: {  	[sflag:s28] =	ssyncset.done $0x0  }
0x1e4: {  	[sflag:s28] =	ssyncadd.s32 $0xFFFFC000  }
0x1e5: {  	_ =	swait.ge [sflag:s2], $0x4000  }
0x1e6: {  	[sflag:s2] =	ssyncset.done $0x0  }
0x1e7: {  	s9 =	simm.s32 $0x580;
	[sflag:s2] =	ssyncadd.s32 $0xFFFFC000  }
0x1e8: {  	[tilespmem:s3], [sflag:$0x2] =	stream.indirect.gather [hbm4b:s19+s30], $0x80, s9, s30, $0xb8;
	[tilespmem:$0x1E000] =	vst v63  }
0x1e9: {  	s9 =	simm.s32 $0x1500  }
0x1ea: {  	[spmem:s0] =	stream.indirect.scatter.add.f32 [tilespmem:s26], [sflag:$0x5], $0x80, s9, s30, $0xb8;
	[tilespmem:$0x1E000] =	vst v63  }
0x1eb: {  	_ =	swait.ge [sflag:s28], $0x4000  }
0x1ec: {  	[sflag:s28] =	ssyncset.done $0x0  }
0x1ed: {  	[sflag:s28] =	ssyncadd.s32 $0xFFFFC000  }
0x1ee: {  	_ =	swait.ge [sflag:s4], $0x4000  }
0x1ef: {  	[sflag:s4] =	ssyncset.done $0x0  }
0x1f0: {  	s9 =	simm.s32 $0x600;
	[sflag:s4] =	ssyncadd.s32 $0xFFFFC000  }
0x1f1: {  	[tilespmem:s26], [sflag:$0x1] =	stream.indirect.gather [hbm4b:s19+s30], $0x80, s9, s30, $0xb8;
	[tilespmem:$0x1E000] =	vst v63  }
0x1f2: {  	s9 =	simm.s32 $0x1580  }
0x1f3: {  	[spmem:s0] =	stream.indirect.scatter.add.f32 [tilespmem:s3], [sflag:$0x5], $0x80, s9, s30, $0xb8;
	[tilespmem:$0x1E000] =	vst v63  }
0x1f4: {  	_ =	swait.ge [sflag:s28], $0x4000  }
0x1f5: {  	[sflag:s28] =	ssyncset.done $0x0  }
0x1f6: {  	[sflag:s28] =	ssyncadd.s32 $0xFFFFC000  }
0x1f7: {  	_ =	swait.ge [sflag:s2], $0x4000  }
0x1f8: {  	[sflag:s2] =	ssyncset.done $0x0  }
0x1f9: {  	s9 =	simm.s32 $0x680;
	[sflag:s2] =	ssyncadd.s32 $0xFFFFC000  }
0x1fa: {  	[tilespmem:s3], [sflag:$0x2] =	stream.indirect.gather [hbm4b:s19+s30], $0x80, s9, s30, $0xb8;
	[tilespmem:$0x1E000] =	vst v63  }
0x1fb: {  	s9 =	simm.s32 $0x1600  }
0x1fc: {  	[spmem:s0] =	stream.indirect.scatter.add.f32 [tilespmem:s26], [sflag:$0x5], $0x80, s9, s30, $0xb8;
	[tilespmem:$0x1E000] =	vst v63  }
0x1fd: {  	_ =	swait.ge [sflag:s28], $0x4000  }
0x1fe: {  	[sflag:s28] =	ssyncset.done $0x0  }
0x1ff: {  	[sflag:s28] =	ssyncadd.s32 $0xFFFFC000  }
0x200: {  	_ =	swait.ge [sflag:s4], $0x4000  }
0x201: {  	[sflag:s4] =	ssyncset.done $0x0  }
0x202: {  	s9 =	simm.s32 $0x700;
	[sflag:s4] =	ssyncadd.s32 $0xFFFFC000  }
0x203: {  	[tilespmem:s26], [sflag:$0x1] =	stream.indirect.gather [hbm4b:s19+s30], $0x80, s9, s30, $0xb8;
	[tilespmem:$0x1E000] =	vst v63  }
0x204: {  	s9 =	simm.s32 $0x1680  }
0x205: {  	[spmem:s0] =	stream.indirect.scatter.add.f32 [tilespmem:s3], [sflag:$0x5], $0x80, s9, s30, $0xb8;
	[tilespmem:$0x1E000] =	vst v63  }
0x206: {  	_ =	swait.ge [sflag:s28], $0x4000  }
0x207: {  	[sflag:s28] =	ssyncset.done $0x0  }
0x208: {  	[sflag:s28] =	ssyncadd.s32 $0xFFFFC000  }
0x209: {  	_ =	swait.ge [sflag:s2], $0x4000  }
0x20a: {  	[sflag:s2] =	ssyncset.done $0x0  }
0x20b: {  	s9 =	simm.s32 $0x780;
	[sflag:s2] =	ssyncadd.s32 $0xFFFFC000  }
0x20c: {  	[tilespmem:s3], [sflag:$0x2] =	stream.indirect.gather [hbm4b:s19+s30], $0x80, s9, s30, $0xb8;
	[tilespmem:$0x1E000] =	vst v63  }
0x20d: {  	s9 =	simm.s32 $0x1700  }
0x20e: {  	[spmem:s0] =	stream.indirect.scatter.add.f32 [tilespmem:s26], [sflag:$0x5], $0x80, s9, s30, $0xb8;
	[tilespmem:$0x1E000] =	vst v63  }
0x20f: {  	_ =	swait.ge [sflag:s28], $0x4000  }
0x210: {  	[sflag:s28] =	ssyncset.done $0x0  }
0x211: {  	[sflag:s28] =	ssyncadd.s32 $0xFFFFC000  }
0x212: {  	_ =	swait.ge [sflag:s4], $0x4000  }
0x213: {  	[sflag:s4] =	ssyncset.done $0x0  }
0x214: {  	s9 =	simm.s32 $0x1780;
	[sflag:s4] =	ssyncadd.s32 $0xFFFFC000  }
0x215: {  	[spmem:s0] =	stream.indirect.scatter.add.f32 [tilespmem:s3], [sflag:$0x5], $0x80, s9, s30, $0xb8;
	[tilespmem:$0x1E000] =	vst v63  }
0x216: {  	_ =	swait.ge [sflag:s28], $0x4000  }
0x217: {  	[sflag:s28] =	ssyncset.done $0x0  }
0x218: {  	[sflag:s28] =	ssyncadd.s32 $0xFFFFC000  }
0x219: {  	_ =	swait.ge [sflag:s6], $0x800  }
0x21a: {  	[sflag:s6] =	ssyncset.done $0x0  }
0x21b: {  	[sflag:s6] =	ssyncadd.s32 $0xFFFFF800  }
0x21c: {  	_ =	swait.ge [sflag:s7], $0x800  }
0x21d: {  	[sflag:s7] =	ssyncset.done $0x0  }
0x21e: {  	[sflag:s7] =	ssyncadd.s32 $0xFFFFF800  }
0x21f: {  	[tilespmem:s26], [sflag:$0x1] =	stream.indirect.gather [hbm4b:s19+s30], $0x80, s24, s30, $0xb8;
	[tilespmem:$0x1E000] =	vst v63  }
0x220: {  	s9 =	rddreg [dreg:$0xb]  }
0x221: {  	[tilespmem:s1], [sflag:$0x3] =	stream.linear.gather [hbm4b:s9+s1], $0x800, $0x38;
	[tilespmem:$0x1E000] =	vst v63  }
0x222: {  	s9 =	rddreg [dreg:$0xc]  }
0x223: {  	[tilespmem:s5], [sflag:$0x4] =	stream.linear.gather [hbm4b:s9+s1], $0x800, $0x38;
	[tilespmem:$0x1E000] =	vst v63  }
0x224: {  	_ =	swait.ge [sflag:s2], $0x4000  }
0x225: {  	[sflag:s2] =	ssyncset.done $0x0  }
0x226: {  	[sflag:s2] =	ssyncadd.s32 $0xFFFFC000  }
0x227: {  	[tilespmem:s3], [sflag:$0x2] =	stream.indirect.gather [hbm4b:s19+s30], $0x80, s10, s30, $0xb8;
	[tilespmem:$0x1E000] =	vst v63  }
0x228: {  	_ = 	snop  }
0x229: {  	[spmem:s0] =	stream.indirect.scatter.add.f32 [tilespmem:s26], [sflag:$0x5], $0x80, s29, s30, $0xb8;
	[tilespmem:$0x1E000] =	vst v63  }
0x22a: {  	_ =	swait.ge [sflag:s28], $0x4000  }
0x22b: {  	[sflag:s28] =	ssyncset.done $0x0  }
0x22c: {  	[sflag:s28] =	ssyncadd.s32 $0xFFFFC000  }
0x22d: {  	_ =	swait.ge [sflag:s4], $0x4000  }
0x22e: {  	[sflag:s4] =	ssyncset.done $0x0  }
0x22f: {  	[sflag:s4] =	ssyncadd.s32 $0xFFFFC000  }
0x230: {  	[tilespmem:s26], [sflag:$0x1] =	stream.indirect.gather [hbm4b:s19+s30], $0x80, s11, s30, $0xb8;
	[tilespmem:$0x1E000] =	vst v63  }
0x231: {  	_ = 	snop  }
0x232: {  	[spmem:s0] =	stream.indirect.scatter.add.f32 [tilespmem:s3], [sflag:$0x5], $0x80, s12, s30, $0xb8;
	[tilespmem:$0x1E000] =	vst v63  }
0x233: {  	_ =	swait.ge [sflag:s28], $0x4000  }
0x234: {  	[sflag:s28] =	ssyncset.done $0x0  }
0x235: {  	[sflag:s28] =	ssyncadd.s32 $0xFFFFC000  }
0x236: {  	_ =	swait.ge [sflag:s2], $0x4000  }
0x237: {  	[sflag:s2] =	ssyncset.done $0x0  }
0x238: {  	[sflag:s2] =	ssyncadd.s32 $0xFFFFC000  }
0x239: {  	[tilespmem:s3], [sflag:$0x2] =	stream.indirect.gather [hbm4b:s19+s30], $0x80, s13, s30, $0xb8;
	[tilespmem:$0x1E000] =	vst v63  }
0x23a: {  	_ = 	snop  }
0x23b: {  	[spmem:s0] =	stream.indirect.scatter.add.f32 [tilespmem:s26], [sflag:$0x5], $0x80, s14, s30, $0xb8;
	[tilespmem:$0x1E000] =	vst v63  }
0x23c: {  	_ =	swait.ge [sflag:s28], $0x4000  }
0x23d: {  	[sflag:s28] =	ssyncset.done $0x0  }
0x23e: {  	[sflag:s28] =	ssyncadd.s32 $0xFFFFC000  }
0x23f: {  	_ =	swait.ge [sflag:s4], $0x4000  }
0x240: {  	[sflag:s4] =	ssyncset.done $0x0  }
0x241: {  	[sflag:s4] =	ssyncadd.s32 $0xFFFFC000  }
0x242: {  	[tilespmem:s26], [sflag:$0x1] =	stream.indirect.gather [hbm4b:s19+s30], $0x80, s15, s30, $0xb8;
	[tilespmem:$0x1E000] =	vst v63  }
0x243: {  	_ = 	snop  }
0x244: {  	[spmem:s0] =	stream.indirect.scatter.add.f32 [tilespmem:s3], [sflag:$0x5], $0x80, s16, s30, $0xb8;
	[tilespmem:$0x1E000] =	vst v63  }
0x245: {  	_ =	swait.ge [sflag:s28], $0x4000  }
0x246: {  	[sflag:s28] =	ssyncset.done $0x0  }
0x247: {  	[sflag:s28] =	ssyncadd.s32 $0xFFFFC000  }
0x248: {  	_ =	swait.ge [sflag:s2], $0x4000  }
0x249: {  	[sflag:s2] =	ssyncset.done $0x0  }
0x24a: {  	[sflag:s2] =	ssyncadd.s32 $0xFFFFC000  }
0x24b: {  	[tilespmem:s3], [sflag:$0x2] =	stream.indirect.gather [hbm4b:s19+s30], $0x80, s17, s30, $0xb8;
	[tilespmem:$0x1E000] =	vst v63  }
0x24c: {  	_ = 	snop  }
0x24d: {  	[spmem:s0] =	stream.indirect.scatter.add.f32 [tilespmem:s26], [sflag:$0x5], $0x80, s18, s30, $0xb8;
	[tilespmem:$0x1E000] =	vst v63  }
0x24e: {  	_ =	swait.ge [sflag:s28], $0x4000  }
0x24f: {  	[sflag:s28] =	ssyncset.done $0x0  }
0x250: {  	[sflag:s28] =	ssyncadd.s32 $0xFFFFC000  }
0x251: {  	_ =	swait.ge [sflag:s4], $0x4000  }
0x252: {  	[sflag:s4] =	ssyncset.done $0x0  }
0x253: {  	[sflag:s4] =	ssyncadd.s32 $0xFFFFC000  }
0x254: {  	[tilespmem:s26], [sflag:$0x1] =	stream.indirect.gather [hbm4b:s19+s30], $0x80, s20, s30, $0xb8;
	[tilespmem:$0x1E000] =	vst v63  }
0x255: {  	_ = 	snop  }
0x256: {  	[spmem:s0] =	stream.indirect.scatter.add.f32 [tilespmem:s3], [sflag:$0x5], $0x80, s21, s30, $0xb8;
	[tilespmem:$0x1E000] =	vst v63  }
0x257: {  	_ =	swait.ge [sflag:s28], $0x4000  }
0x258: {  	[sflag:s28] =	ssyncset.done $0x0  }
0x259: {  	[sflag:s28] =	ssyncadd.s32 $0xFFFFC000  }
0x25a: {  	_ =	swait.ge [sflag:s2], $0x4000  }
0x25b: {  	[sflag:s2] =	ssyncset.done $0x0  }
0x25c: {  	[sflag:s2] =	ssyncadd.s32 $0xFFFFC000  }
0x25d: {  	[tilespmem:s3], [sflag:$0x2] =	stream.indirect.gather [hbm4b:s19+s30], $0x80, s22, s30, $0xb8;
	[tilespmem:$0x1E000] =	vst v63  }
0x25e: {  	_ = 	snop  }
0x25f: {  	[spmem:s0] =	stream.indirect.scatter.add.f32 [tilespmem:s26], [sflag:$0x5], $0x80, s23, s30, $0xb8;
	[tilespmem:$0x1E000] =	vst v63  }
0x260: {  	_ =	swait.ge [sflag:s28], $0x4000  }
0x261: {  	[sflag:s28] =	ssyncset.done $0x0  }
0x262: {  	[sflag:s28] =	ssyncadd.s32 $0xFFFFC000  }
0x263: {  	_ =	swait.ge [sflag:s4], $0x4000  }
0x264: {  	[sflag:s4] =	ssyncset.done $0x0  }
0x265: {  	[sflag:s4] =	ssyncadd.s32 $0xFFFFC000  }
0x266: {  	[tilespmem:s26], [sflag:$0x1] =	stream.indirect.gather [hbm4b:s19+s30], $0x80, s25, s30, $0xb8;
	[tilespmem:$0x1E000] =	vst v63  }
0x267: {  	_ = 	snop  }
0x268: {  	[spmem:s0] =	stream.indirect.scatter.add.f32 [tilespmem:s3], [sflag:$0x5], $0x80, s31, s30, $0xb8;
	[tilespmem:$0x1E000] =	vst v63  }
0x269: {  	_ =	swait.ge [sflag:s28], $0x4000  }
0x26a: {  	[sflag:s28] =	ssyncset.done $0x0  }
0x26b: {  	[sflag:s28] =	ssyncadd.s32 $0xFFFFC000  }
0x26c: {  	_ =	swait.ge [sflag:s2], $0x4000  }
0x26d: {  	[sflag:s2] =	ssyncset.done $0x0  }
0x26e: {  	s11 =	simm.s32 $0xC80;
	[sflag:s2] =	ssyncadd.s32 $0xFFFFC000  }
0x26f: {  	[tilespmem:s3], [sflag:$0x2] =	stream.indirect.gather [hbm4b:s19+s30], $0x80, s11, s30, $0xb8;
	[tilespmem:$0x1E000] =	vst v63  }
0x270: {  	s10 =	simm.s32 $0x1C00  }
0x271: {  	[spmem:s0] =	stream.indirect.scatter.add.f32 [tilespmem:s26], [sflag:$0x5], $0x80, s10, s30, $0xb8;
	[tilespmem:$0x1E000] =	vst v63  }
0x272: {  	_ =	swait.ge [sflag:s28], $0x4000  }
0x273: {  	[sflag:s28] =	ssyncset.done $0x0  }
0x274: {  	[sflag:s28] =	ssyncadd.s32 $0xFFFFC000  }
0x275: {  	_ =	swait.ge [sflag:s4], $0x4000  }
0x276: {  	[sflag:s4] =	ssyncset.done $0x0  }
0x277: {  	s11 =	simm.s32 $0xD00;
	[sflag:s4] =	ssyncadd.s32 $0xFFFFC000  }
0x278: {  	[tilespmem:s26], [sflag:$0x1] =	stream.indirect.gather [hbm4b:s19+s30], $0x80, s11, s30, $0xb8;
	[tilespmem:$0x1E000] =	vst v63  }
0x279: {  	s10 =	simm.s32 $0x1C80  }
0x27a: {  	[spmem:s0] =	stream.indirect.scatter.add.f32 [tilespmem:s3], [sflag:$0x5], $0x80, s10, s30, $0xb8;
	[tilespmem:$0x1E000] =	vst v63  }
0x27b: {  	_ =	swait.ge [sflag:s28], $0x4000  }
0x27c: {  	[sflag:s28] =	ssyncset.done $0x0  }
0x27d: {  	[sflag:s28] =	ssyncadd.s32 $0xFFFFC000  }
0x27e: {  	_ =	swait.ge [sflag:s2], $0x4000  }
0x27f: {  	[sflag:s2] =	ssyncset.done $0x0  }
0x280: {  	s11 =	simm.s32 $0xD80;
	[sflag:s2] =	ssyncadd.s32 $0xFFFFC000  }
0x281: {  	[tilespmem:s3], [sflag:$0x2] =	stream.indirect.gather [hbm4b:s19+s30], $0x80, s11, s30, $0xb8;
	[tilespmem:$0x1E000] =	vst v63  }
0x282: {  	s10 =	simm.s32 $0x1D00  }
0x283: {  	[spmem:s0] =	stream.indirect.scatter.add.f32 [tilespmem:s26], [sflag:$0x5], $0x80, s10, s30, $0xb8;
	[tilespmem:$0x1E000] =	vst v63  }
0x284: {  	_ =	swait.ge [sflag:s28], $0x4000  }
0x285: {  	[sflag:s28] =	ssyncset.done $0x0  }
0x286: {  	[sflag:s28] =	ssyncadd.s32 $0xFFFFC000  }
0x287: {  	_ =	swait.ge [sflag:s4], $0x4000  }
0x288: {  	[sflag:s4] =	ssyncset.done $0x0  }
0x289: {  	s11 =	simm.s32 $0xE00;
	[sflag:s4] =	ssyncadd.s32 $0xFFFFC000  }
0x28a: {  	[tilespmem:s26], [sflag:$0x1] =	stream.indirect.gather [hbm4b:s19+s30], $0x80, s11, s30, $0xb8;
	[tilespmem:$0x1E000] =	vst v63  }
0x28b: {  	s10 =	simm.s32 $0x1D80  }
0x28c: {  	[spmem:s0] =	stream.indirect.scatter.add.f32 [tilespmem:s3], [sflag:$0x5], $0x80, s10, s30, $0xb8;
	[tilespmem:$0x1E000] =	vst v63  }
0x28d: {  	_ =	swait.ge [sflag:s28], $0x4000  }
0x28e: {  	[sflag:s28] =	ssyncset.done $0x0  }
0x28f: {  	[sflag:s28] =	ssyncadd.s32 $0xFFFFC000  }
0x290: {  	_ =	swait.ge [sflag:s2], $0x4000  }
0x291: {  	[sflag:s2] =	ssyncset.done $0x0  }
0x292: {  	s11 =	simm.s32 $0xE80;
	[sflag:s2] =	ssyncadd.s32 $0xFFFFC000  }
0x293: {  	[tilespmem:s3], [sflag:$0x2] =	stream.indirect.gather [hbm4b:s19+s30], $0x80, s11, s30, $0xb8;
	[tilespmem:$0x1E000] =	vst v63  }
0x294: {  	s10 =	simm.s32 $0x1E00  }
0x295: {  	[spmem:s0] =	stream.indirect.scatter.add.f32 [tilespmem:s26], [sflag:$0x5], $0x80, s10, s30, $0xb8;
	[tilespmem:$0x1E000] =	vst v63  }
0x296: {  	_ =	swait.ge [sflag:s28], $0x4000  }
0x297: {  	[sflag:s28] =	ssyncset.done $0x0  }
0x298: {  	[sflag:s28] =	ssyncadd.s32 $0xFFFFC000  }
0x299: {  	_ =	swait.ge [sflag:s4], $0x4000  }
0x29a: {  	[sflag:s4] =	ssyncset.done $0x0  }
0x29b: {  	s11 =	simm.s32 $0xF00;
	[sflag:s4] =	ssyncadd.s32 $0xFFFFC000  }
0x29c: {  	[tilespmem:s26], [sflag:$0x1] =	stream.indirect.gather [hbm4b:s19+s30], $0x80, s11, s30, $0xb8;
	[tilespmem:$0x1E000] =	vst v63  }
0x29d: {  	s10 =	simm.s32 $0x1E80  }
0x29e: {  	[spmem:s0] =	stream.indirect.scatter.add.f32 [tilespmem:s3], [sflag:$0x5], $0x80, s10, s30, $0xb8;
	[tilespmem:$0x1E000] =	vst v63  }
0x29f: {  	_ =	swait.ge [sflag:s28], $0x4000  }
0x2a0: {  	[sflag:s28] =	ssyncset.done $0x0  }
0x2a1: {  	[sflag:s28] =	ssyncadd.s32 $0xFFFFC000  }
0x2a2: {  	_ =	swait.ge [sflag:s2], $0x4000  }
0x2a3: {  	[sflag:s2] =	ssyncset.done $0x0  }
0x2a4: {  	s11 =	simm.s32 $0xF80;
	[sflag:s2] =	ssyncadd.s32 $0xFFFFC000  }
0x2a5: {  	[tilespmem:s3], [sflag:$0x2] =	stream.indirect.gather [hbm4b:s19+s30], $0x80, s11, s30, $0xb8;
	[tilespmem:$0x1E000] =	vst v63  }
0x2a6: {  	s10 =	simm.s32 $0x1F00  }
0x2a7: {  	[spmem:s0] =	stream.indirect.scatter.add.f32 [tilespmem:s26], [sflag:$0x5], $0x80, s10, s30, $0xb8;
	[tilespmem:$0x1E000] =	vst v63  }
0x2a8: {  	_ =	swait.ge [sflag:s28], $0x4000  }
0x2a9: {  	[sflag:s28] =	ssyncset.done $0x0  }
0x2aa: {  	[sflag:s28] =	ssyncadd.s32 $0xFFFFC000  }
0x2ab: {  	_ =	swait.ge [sflag:s4], $0x4000  }
0x2ac: {  	[sflag:s4] =	ssyncset.done $0x0  }
0x2ad: {  	s11 =	simm.s32 $0x1F80;
	[sflag:s4] =	ssyncadd.s32 $0xFFFFC000  }
0x2ae: {  	[spmem:s0] =	stream.indirect.scatter.add.f32 [tilespmem:s3], [sflag:$0x5], $0x80, s11, s30, $0xb8;
	[tilespmem:$0x1E000] =	vst v63  }
0x2af: {  	_ =	swait.ge [sflag:s28], $0x4000  }
0x2b0: {  	[sflag:s28] =	ssyncset.done $0x0  }
0x2b1: {  	[sflag:s28] =	ssyncadd.s32 $0xFFFFC000  }
0x2b2: {  	_ =	swait.ge [sflag:s6], $0x800  }
0x2b3: {  	[sflag:s6] =	ssyncset.done $0x0  }
0x2b4: {  	[sflag:s6] =	ssyncadd.s32 $0xFFFFF800  }
0x2b5: {  	_ =	swait.ge [sflag:s7], $0x800  }
0x2b6: {  	[sflag:s7] =	ssyncset.done $0x0  }
0x2b7: {  	[sflag:s7] =	ssyncadd.s32 $0xFFFFF800  }
0x2b8: {  	[tilespmem:s26], [sflag:$0x1] =	stream.indirect.gather [hbm4b:s19+s30], $0x80, s1, s30, $0xb8;
	[tilespmem:$0x1E000] =	vst v63  }
0x2b9: {  	_ =	swait.ge [sflag:s2], $0x4000  }
0x2ba: {  	[sflag:s2] =	ssyncset.done $0x0  }
0x2bb: {  	[sflag:s2] =	ssyncadd.s32 $0xFFFFC000  }
0x2bc: {  	[tilespmem:s3], [sflag:$0x2] =	stream.indirect.gather [hbm4b:s19+s30], $0x80, s30, s30, $0xb8;
	[tilespmem:$0x1E000] =	vst v63  }
0x2bd: {  	_ = 	snop  }
0x2be: {  	[spmem:s0] =	stream.indirect.scatter.add.f32 [tilespmem:s26], [sflag:$0x5], $0x80, s5, s30, $0xb8;
	[tilespmem:$0x1E000] =	vst v63  }
0x2bf: {  	_ =	swait.ge [sflag:s28], $0x4000  }
0x2c0: {  	[sflag:s28] =	ssyncset.done $0x0  }
0x2c1: {  	[sflag:s28] =	ssyncadd.s32 $0xFFFFC000  }
0x2c2: {  	_ =	swait.ge [sflag:s4], $0x4000  }
0x2c3: {  	[sflag:s4] =	ssyncset.done $0x0  }
0x2c4: {  	s10 =	simm.s32 $0x100;
	[sflag:s4] =	ssyncadd.s32 $0xFFFFC000  }
0x2c5: {  	[tilespmem:s26], [sflag:$0x1] =	stream.indirect.gather [hbm4b:s19+s30], $0x80, s10, s30, $0xb8;
	[tilespmem:$0x1E000] =	vst v63  }
0x2c6: {  	s11 =	simm.s32 $0x1080  }
0x2c7: {  	[spmem:s0] =	stream.indirect.scatter.add.f32 [tilespmem:s3], [sflag:$0x5], $0x80, s11, s30, $0xb8;
	[tilespmem:$0x1E000] =	vst v63  }
0x2c8: {  	_ =	swait.ge [sflag:s28], $0x4000  }
0x2c9: {  	[sflag:s28] =	ssyncset.done $0x0  }
0x2ca: {  	[sflag:s28] =	ssyncadd.s32 $0xFFFFC000  }
0x2cb: {  	_ =	swait.ge [sflag:s2], $0x4000  }
0x2cc: {  	[sflag:s2] =	ssyncset.done $0x0  }
0x2cd: {  	s9 =	simm.s32 $0x180;
	[sflag:s2] =	ssyncadd.s32 $0xFFFFC000  }
0x2ce: {  	[tilespmem:s3], [sflag:$0x2] =	stream.indirect.gather [hbm4b:s19+s30], $0x80, s9, s30, $0xb8;
	[tilespmem:$0x1E000] =	vst v63  }
0x2cf: {  	s10 =	simm.s32 $0x1100  }
0x2d0: {  	[spmem:s0] =	stream.indirect.scatter.add.f32 [tilespmem:s26], [sflag:$0x5], $0x80, s10, s30, $0xb8;
	[tilespmem:$0x1E000] =	vst v63  }
0x2d1: {  	_ =	swait.ge [sflag:s28], $0x4000  }
0x2d2: {  	[sflag:s28] =	ssyncset.done $0x0  }
0x2d3: {  	[sflag:s28] =	ssyncadd.s32 $0xFFFFC000  }
0x2d4: {  	_ =	swait.ge [sflag:s4], $0x4000  }
0x2d5: {  	[sflag:s4] =	ssyncset.done $0x0  }
0x2d6: {  	s11 =	simm.s32 $0x200;
	[sflag:s4] =	ssyncadd.s32 $0xFFFFC000  }
0x2d7: {  	[tilespmem:s26], [sflag:$0x1] =	stream.indirect.gather [hbm4b:s19+s30], $0x80, s11, s30, $0xb8;
	[tilespmem:$0x1E000] =	vst v63  }
0x2d8: {  	s9 =	simm.s32 $0x1180  }
0x2d9: {  	[spmem:s0] =	stream.indirect.scatter.add.f32 [tilespmem:s3], [sflag:$0x5], $0x80, s9, s30, $0xb8;
	[tilespmem:$0x1E000] =	vst v63  }
0x2da: {  	_ =	swait.ge [sflag:s28], $0x4000  }
0x2db: {  	[sflag:s28] =	ssyncset.done $0x0  }
0x2dc: {  	[sflag:s28] =	ssyncadd.s32 $0xFFFFC000  }
0x2dd: {  	_ =	swait.ge [sflag:s2], $0x4000  }
0x2de: {  	[sflag:s2] =	ssyncset.done $0x0  }
0x2df: {  	s10 =	simm.s32 $0x280;
	[sflag:s2] =	ssyncadd.s32 $0xFFFFC000  }
0x2e0: {  	[tilespmem:s3], [sflag:$0x2] =	stream.indirect.gather [hbm4b:s19+s30], $0x80, s10, s30, $0xb8;
	[tilespmem:$0x1E000] =	vst v63  }
0x2e1: {  	s11 =	simm.s32 $0x1200  }
0x2e2: {  	[spmem:s0] =	stream.indirect.scatter.add.f32 [tilespmem:s26], [sflag:$0x5], $0x80, s11, s30, $0xb8;
	[tilespmem:$0x1E000] =	vst v63  }
0x2e3: {  	_ =	swait.ge [sflag:s28], $0x4000  }
0x2e4: {  	[sflag:s28] =	ssyncset.done $0x0  }
0x2e5: {  	[sflag:s28] =	ssyncadd.s32 $0xFFFFC000  }
0x2e6: {  	_ =	swait.ge [sflag:s4], $0x4000  }
0x2e7: {  	[sflag:s4] =	ssyncset.done $0x0  }
0x2e8: {  	s9 =	simm.s32 $0x300;
	[sflag:s4] =	ssyncadd.s32 $0xFFFFC000  }
0x2e9: {  	[tilespmem:s26], [sflag:$0x1] =	stream.indirect.gather [hbm4b:s19+s30], $0x80, s9, s30, $0xb8;
	[tilespmem:$0x1E000] =	vst v63  }
0x2ea: {  	s10 =	simm.s32 $0x1280  }
0x2eb: {  	[spmem:s0] =	stream.indirect.scatter.add.f32 [tilespmem:s3], [sflag:$0x5], $0x80, s10, s30, $0xb8;
	[tilespmem:$0x1E000] =	vst v63  }
0x2ec: {  	_ =	swait.ge [sflag:s28], $0x4000  }
0x2ed: {  	[sflag:s28] =	ssyncset.done $0x0  }
0x2ee: {  	[sflag:s28] =	ssyncadd.s32 $0xFFFFC000  }
0x2ef: {  	_ =	swait.ge [sflag:s2], $0x4000  }
0x2f0: {  	[sflag:s2] =	ssyncset.done $0x0  }
0x2f1: {  	s11 =	simm.s32 $0x380;
	[sflag:s2] =	ssyncadd.s32 $0xFFFFC000  }
0x2f2: {  	[tilespmem:s3], [sflag:$0x2] =	stream.indirect.gather [hbm4b:s19+s30], $0x80, s11, s30, $0xb8;
	[tilespmem:$0x1E000] =	vst v63  }
0x2f3: {  	s9 =	simm.s32 $0x1300  }
0x2f4: {  	[spmem:s0] =	stream.indirect.scatter.add.f32 [tilespmem:s26], [sflag:$0x5], $0x80, s9, s30, $0xb8;
	[tilespmem:$0x1E000] =	vst v63  }
0x2f5: {  	_ =	swait.ge [sflag:s28], $0x4000  }
0x2f6: {  	[sflag:s28] =	ssyncset.done $0x0  }
0x2f7: {  	[sflag:s28] =	ssyncadd.s32 $0xFFFFC000  }
0x2f8: {  	_ =	swait.ge [sflag:s4], $0x4000  }
0x2f9: {  	[sflag:s4] =	ssyncset.done $0x0  }
0x2fa: {  	s10 =	simm.s32 $0x400;
	[sflag:s4] =	ssyncadd.s32 $0xFFFFC000  }
0x2fb: {  	[tilespmem:s26], [sflag:$0x1] =	stream.indirect.gather [hbm4b:s19+s30], $0x80, s10, s30, $0xb8;
	[tilespmem:$0x1E000] =	vst v63  }
0x2fc: {  	s11 =	simm.s32 $0x1380  }
0x2fd: {  	[spmem:s0] =	stream.indirect.scatter.add.f32 [tilespmem:s3], [sflag:$0x5], $0x80, s11, s30, $0xb8;
	[tilespmem:$0x1E000] =	vst v63  }
0x2fe: {  	_ =	swait.ge [sflag:s28], $0x4000  }
0x2ff: {  	[sflag:s28] =	ssyncset.done $0x0  }
0x300: {  	[sflag:s28] =	ssyncadd.s32 $0xFFFFC000  }
0x301: {  	_ =	swait.ge [sflag:s2], $0x4000  }
0x302: {  	[sflag:s2] =	ssyncset.done $0x0  }
0x303: {  	s9 =	simm.s32 $0x480;
	[sflag:s2] =	ssyncadd.s32 $0xFFFFC000  }
0x304: {  	[tilespmem:s3], [sflag:$0x2] =	stream.indirect.gather [hbm4b:s19+s30], $0x80, s9, s30, $0xb8;
	[tilespmem:$0x1E000] =	vst v63  }
0x305: {  	s10 =	simm.s32 $0x1400  }
0x306: {  	[spmem:s0] =	stream.indirect.scatter.add.f32 [tilespmem:s26], [sflag:$0x5], $0x80, s10, s30, $0xb8;
	[tilespmem:$0x1E000] =	vst v63  }
0x307: {  	_ =	swait.ge [sflag:s28], $0x4000  }
0x308: {  	[sflag:s28] =	ssyncset.done $0x0  }
0x309: {  	[sflag:s28] =	ssyncadd.s32 $0xFFFFC000  }
0x30a: {  	_ =	swait.ge [sflag:s4], $0x4000  }
0x30b: {  	[sflag:s4] =	ssyncset.done $0x0  }
0x30c: {  	s11 =	simm.s32 $0x500;
	[sflag:s4] =	ssyncadd.s32 $0xFFFFC000  }
0x30d: {  	[tilespmem:s26], [sflag:$0x1] =	stream.indirect.gather [hbm4b:s19+s30], $0x80, s11, s30, $0xb8;
	[tilespmem:$0x1E000] =	vst v63  }
0x30e: {  	s9 =	simm.s32 $0x1480  }
0x30f: {  	[spmem:s0] =	stream.indirect.scatter.add.f32 [tilespmem:s3], [sflag:$0x5], $0x80, s9, s30, $0xb8;
	[tilespmem:$0x1E000] =	vst v63  }
0x310: {  	_ =	swait.ge [sflag:s28], $0x4000  }
0x311: {  	[sflag:s28] =	ssyncset.done $0x0  }
0x312: {  	[sflag:s28] =	ssyncadd.s32 $0xFFFFC000  }
0x313: {  	_ =	swait.ge [sflag:s2], $0x4000  }
0x314: {  	[sflag:s2] =	ssyncset.done $0x0  }
0x315: {  	s10 =	simm.s32 $0x580;
	[sflag:s2] =	ssyncadd.s32 $0xFFFFC000  }
0x316: {  	[tilespmem:s3], [sflag:$0x2] =	stream.indirect.gather [hbm4b:s19+s30], $0x80, s10, s30, $0xb8;
	[tilespmem:$0x1E000] =	vst v63  }
0x317: {  	s11 =	simm.s32 $0x1500  }
0x318: {  	[spmem:s0] =	stream.indirect.scatter.add.f32 [tilespmem:s26], [sflag:$0x5], $0x80, s11, s30, $0xb8;
	[tilespmem:$0x1E000] =	vst v63  }
0x319: {  	_ =	swait.ge [sflag:s28], $0x4000  }
0x31a: {  	[sflag:s28] =	ssyncset.done $0x0  }
0x31b: {  	[sflag:s28] =	ssyncadd.s32 $0xFFFFC000  }
0x31c: {  	_ =	swait.ge [sflag:s4], $0x4000  }
0x31d: {  	[sflag:s4] =	ssyncset.done $0x0  }
0x31e: {  	s9 =	simm.s32 $0x600;
	[sflag:s4] =	ssyncadd.s32 $0xFFFFC000  }
0x31f: {  	[tilespmem:s26], [sflag:$0x1] =	stream.indirect.gather [hbm4b:s19+s30], $0x80, s9, s30, $0xb8;
	[tilespmem:$0x1E000] =	vst v63  }
0x320: {  	s10 =	simm.s32 $0x1580  }
0x321: {  	[spmem:s0] =	stream.indirect.scatter.add.f32 [tilespmem:s3], [sflag:$0x5], $0x80, s10, s30, $0xb8;
	[tilespmem:$0x1E000] =	vst v63  }
0x322: {  	_ =	swait.ge [sflag:s28], $0x4000  }
0x323: {  	[sflag:s28] =	ssyncset.done $0x0  }
0x324: {  	[sflag:s28] =	ssyncadd.s32 $0xFFFFC000  }
0x325: {  	_ =	swait.ge [sflag:s2], $0x4000  }
0x326: {  	[sflag:s2] =	ssyncset.done $0x0  }
0x327: {  	s11 =	simm.s32 $0x680;
	[sflag:s2] =	ssyncadd.s32 $0xFFFFC000  }
0x328: {  	[tilespmem:s3], [sflag:$0x2] =	stream.indirect.gather [hbm4b:s19+s30], $0x80, s11, s30, $0xb8;
	[tilespmem:$0x1E000] =	vst v63  }
0x329: {  	s9 =	simm.s32 $0x1600  }
0x32a: {  	[spmem:s0] =	stream.indirect.scatter.add.f32 [tilespmem:s26], [sflag:$0x5], $0x80, s9, s30, $0xb8;
	[tilespmem:$0x1E000] =	vst v63  }
0x32b: {  	_ =	swait.ge [sflag:s28], $0x4000  }
0x32c: {  	[sflag:s28] =	ssyncset.done $0x0  }
0x32d: {  	[sflag:s28] =	ssyncadd.s32 $0xFFFFC000  }
0x32e: {  	_ =	swait.ge [sflag:s4], $0x4000  }
0x32f: {  	[sflag:s4] =	ssyncset.done $0x0  }
0x330: {  	s10 =	simm.s32 $0x700;
	[sflag:s4] =	ssyncadd.s32 $0xFFFFC000  }
0x331: {  	[tilespmem:s26], [sflag:$0x1] =	stream.indirect.gather [hbm4b:s19+s30], $0x80, s10, s30, $0xb8;
	[tilespmem:$0x1E000] =	vst v63  }
0x332: {  	s11 =	simm.s32 $0x1680  }
0x333: {  	[spmem:s0] =	stream.indirect.scatter.add.f32 [tilespmem:s3], [sflag:$0x5], $0x80, s11, s30, $0xb8;
	[tilespmem:$0x1E000] =	vst v63  }
0x334: {  	_ =	swait.ge [sflag:s28], $0x4000  }
0x335: {  	[sflag:s28] =	ssyncset.done $0x0  }
0x336: {  	[sflag:s28] =	ssyncadd.s32 $0xFFFFC000  }
0x337: {  	_ =	swait.ge [sflag:s2], $0x4000  }
0x338: {  	[sflag:s2] =	ssyncset.done $0x0  }
0x339: {  	s9 =	simm.s32 $0x780;
	[sflag:s2] =	ssyncadd.s32 $0xFFFFC000  }
0x33a: {  	[tilespmem:s3], [sflag:$0x2] =	stream.indirect.gather [hbm4b:s19+s30], $0x80, s9, s30, $0xb8;
	[tilespmem:$0x1E000] =	vst v63  }
0x33b: {  	s10 =	simm.s32 $0x1700  }
0x33c: {  	[spmem:s0] =	stream.indirect.scatter.add.f32 [tilespmem:s26], [sflag:$0x5], $0x80, s10, s30, $0xb8;
	[tilespmem:$0x1E000] =	vst v63  }
0x33d: {  	_ =	swait.ge [sflag:s28], $0x4000  }
0x33e: {  	[sflag:s28] =	ssyncset.done $0x0  }
0x33f: {  	[sflag:s28] =	ssyncadd.s32 $0xFFFFC000  }
0x340: {  	_ =	swait.ge [sflag:s4], $0x4000  }
0x341: {  	[sflag:s4] =	ssyncset.done $0x0  }
0x342: {  	s11 =	simm.s32 $0x1780;
	[sflag:s4] =	ssyncadd.s32 $0xFFFFC000  }
0x343: {  	[spmem:s0] =	stream.indirect.scatter.add.f32 [tilespmem:s3], [sflag:$0x5], $0x80, s11, s30, $0xb8;
	[tilespmem:$0x1E000] =	vst v63  }
0x344: {  	_ =	swait.ge [sflag:s28], $0x4000  }
0x345: {  	[sflag:s28] =	ssyncset.done $0x0  }
0x346: {  	[sflag:s28] =	ssyncadd.s32 $0xFFFFC000  }
0x347: {  	s5 =	stileid.u32;
	[bflag:$0x0] =	sbarrier.arrive $0xFFFF  }
0x348: {  	s9 =	sshll.u32 s5, $0x6;
	s10 =	rddreg [dreg:$0x13]  }
0x349: {  	s9 =	sor.u32 $0x1C05, s9;
	s5 =	rddreg [dreg:$0xd];
	s11 =	sshrl.u32 s10, $0x3  }
0x34a: {  	[hbm:s5], [sflag:s9] =	dma.local [spmem:s11], $0x800  }
0x34b: {  	_ =	swait.ge [sflag:s28], $0x800  }
0x34c: {  	[sflag:s28] =	ssyncset.done $0x0;
	s10 =	rddreg [dreg:$0x14]  }
0x34d: {  	s5 =	rddreg [dreg:$0xe];
	[sflag:s28] =	ssyncadd.s32 $0xFFFFF800;
	s11 =	sshrl.u32 s10, $0x3  }
0x34e: {  	[hbm:s5], [sflag:s9] =	dma.local [spmem:s11], $0x800  }
0x34f: {  	_ =	swait.ge [sflag:s28], $0x800  }
0x350: {  	[sflag:s28] =	ssyncset.done $0x0;
	s10 =	rddreg [dreg:$0x15]  }
0x351: {  	s5 =	rddreg [dreg:$0xf];
	[sflag:s28] =	ssyncadd.s32 $0xFFFFF800;
	s11 =	sshrl.u32 s10, $0x3  }
0x352: {  	[hbm:s5], [sflag:s9] =	dma.local [spmem:s11], $0x800  }
0x353: {  	_ =	swait.ge [sflag:s28], $0x800  }
0x354: {  	[sflag:s28] =	ssyncset.done $0x0;
	s10 =	rddreg [dreg:$0x16]  }
0x355: {  	s5 =	rddreg [dreg:$0x10];
	[sflag:s28] =	ssyncadd.s32 $0xFFFFF800;
	s11 =	sshrl.u32 s10, $0x3  }
0x356: {  	[hbm:s5], [sflag:s9] =	dma.local [spmem:s11], $0x800  }
0x357: {  	_ =	swait.ge [sflag:s28], $0x800  }
0x358: {  	[sflag:s28] =	ssyncset.done $0x0;
	s10 =	rddreg [dreg:$0x17]  }
0x359: {  	s5 =	rddreg [dreg:$0x11];
	[sflag:s28] =	ssyncadd.s32 $0xFFFFF800;
	s11 =	sshrl.u32 s10, $0x3  }
0x35a: {  	[hbm:s5], [sflag:s9] =	dma.local [spmem:s11], $0x800  }
0x35b: {  	_ =	swait.ge [sflag:s28], $0x800  }
0x35c: {  	s8 =	sadd.s32 $0x1, s8;
	s11 =	rddreg [dreg:$0x12]  }
0x35d: {  	p0 =	sne.s32 s8, s11  }
.Ltmp1:
0x35e: {  	_ = 	snop;
	(pc) =	sbr.rel @p0 .LBB2_1-.Ltmp1, $3  }
0x35f: {  	_ =	sdelay $0x1  }
0x360: {  	[sflag:s28] =	ssyncset.done $0x0  }
0x361: {  	[sflag:s28] =	ssyncadd.s32 $0xFFFFF800  }
0x362: {  	_ =	sfence.sel $0x180000  }
0x363: {  	[bflag:$0x0] =	sbarrier.arrive $0xFFFF  }
0x364: {  	_ =	strace $0x9000004D  }
0x365: {  	s0 =	stileid.u32;
	[bflag:$0x2] =	sbarrier.arrive $0xFFFF  }
0x366: {  	p0 =	sne.s32 s0, $0x0;
	s0 =	rddreg [dreg:$0x2]  }
0x367: {  	s0 =	sadd.s32 @!p0 $0x100000, s0  }
0x368: {  	[sflag:s0] =	ssyncadd.tile.s32 @!p0 $0x1;
	_ =	shalt  }
.Lfunc_end2:
_tile_overlayer_lowered:
.L_overlay_start_2:
0x369: {  	(tag) =	ssettag $0x2  }
0x36a: {  	s0 =	rddreg [dreg:$0x0];
	s2 =	stileid.u32  }
0x36b: {  	s1 =	rddreg [dreg:$0x1];
	p0 =	sne.s32 s2, $0x0  }
0x36c: {  	s3 =	rddreg [dreg:$0x2];
	[bflag:$0x3] =	sbarrier.arrive $0xFFFF;
	s2 =	simm.s32 @!p0 $0x1C05  }
0x36d: {  	[timem:s3], [sflag:s2] =	dma.local @!p0 [hbm:s0], s1  }
0x36e: {  	s0 =	simm.s32 @!p0 $0x5  }
0x36f: {  	_ =	swait.ge @!p0 [sflag:s0], s1  }
0x370: {  	s1 =	ssub.s32 @!p0 $0x0, s1;
	[sflag:s0] =	ssyncset.done @!p0 $0x0  }
0x371: {  	[sflag:s0] =	ssyncadd.s32 @!p0 s1  }
0x372: {  	[bflag:$0x3] =	sbarrier.arrive $0xFFFF  }
0x373: {  	_ =	shalt  }

// kernel: kernel.8.cloned.1.call-start
scs
__scs_entry_jumppad:
0x0: {  	(pc) =	sbr.rel $0x88, $3  }
0x1: {  	(tag) =	ssettag $0x0;
	lr =	simm.s32 $0x1  }
0x2: {  	[smem:$0x3F98] =	sst lr;
	_ =	strace $0xD0000000  }
0x3: {  	_ = 	snop  }
0x4: {  	_ = 	snop  }
0x5: {  	_ = 	snop  }
0x6: {  	_ = 	snop  }
0x7: {  	_ = 	snop  }
__scs_overlays_trampoline_lowered:
0x8: {  	[smem:$0x3FA7] =	sst s0  }
0x9: {  	[smem:$0x3FA8] =	sst s1  }
0xa: {  	[smem:$0x3FA9] =	sst s2  }
0xb: {  	[smem:$0x3FAA] =	sst s3  }
0xc: {  	[smem:$0x3FAB] =	sst s4  }
0xd: {  	[smem:$0x3FAC] =	sst s5  }
0xe: {  	[smem:$0x3FAD] =	sst s6  }
0xf: {  	[smem:$0x3FAE] =	sst s7  }
0x10: {  	[smem:$0x3FAF] =	sst s8  }
0x11: {  	[smem:$0x3FB0] =	sst s9;
	s0 =	simm.s32 @!p0 $0x0  }
0x12: {  	s1 =	sld [smem:$0x3F96];
	s0 =	simm.s32 @p0 $0x1  }
0x13: {  	[smem:$0x3FB1] =	sst s0;
	s0 =	simm.s32 @!p1 $0x0  }
0x14: {  	s2 =	sld [smem:$0x3F95];
	s0 =	simm.s32 @p1 $0x1  }
0x15: {  	[smem:$0x3FB2] =	sst s0;
	s0 =	simm.s32 @!p2 $0x0  }
0x16: {  	s3 =	sld [smem:$0x3FDB];
	s0 =	simm.s32 @p2 $0x1  }
0x17: {  	s4 =	simm.s32 $0x1BF5;
	[smem:$0x3FB4] =	sst s0  }
0x18: {  	s0 =	sld [smem:$0x3F97];
	_ =	swait.ge [sflag:s4], $0x0  }
0x19: {  	s7 =	sld [smem:$0x3F98]  }
0x1a: {  	s8 =	sadd.s32 $0xFFFFE003, lr  }
0x1b: {  	s9 =	sadd.s32 $0xFFFFFEF7, lr;
	s5 =	simm.s32 $0xFFFFFFFF;
	p2 =	slt.u32 s8, $0xFFFFF086  }
0x1c: {  	p1 =	slt.u32 s9, $0xF7A;
	s5 =	simm.s32 @!p2 $0x0  }
0x1d: {  	s5 =	simm.s32 @p1 $0x1;
	p0 =	seq.s32 s7, s2  }
0x1e: {  	s7 =	smul.u32 @!p0 $0xF7A, s2;
	p2 =	seq.s32 @!p0 s5, $0x0  }
0x1f: {  	s9 =	smul.u32 $0xF7A, s1;
	s8 =	simm.s32 @!p0 $0x1BF5;
	p2 =	por !p2, p0  }
0x20: {  	[sflag:s8] =	ssyncset.s32 @!p0 $0xFFFFF086;
	s6 =	sadd.s32 @!p0 s3, s7;
	s7 =	simm.s32 @!p0 $0x108  }
0x21: {  	s3 =	sadd.s32 s3, s9;
	s6 =	sadd.s32 @!p0 $0x88, s6;
	s7 =	simm.s32 @p2 $0x1082  }
0x22: {  	[simem:s7], [sflag:s8] =	dma.local @!p0 [hbm:s6], $0xF7A  }
0x23: {  	s9 =	sor.u32 $0xD0000000, s2;
	s6 =	simm.s32 $0x108;
	_ =	swait.ge @!p0 [sflag:s8], $0x0  }
0x24: {  	s3 =	sadd.s32 $0x88, s3;
	s6 =	simm.s32 @!p1 $0x1082;
	[sflag:s4] =	ssyncset.s32 $0xFFFFF086  }
0x25: {  	[simem:s6], [sflag:s4] =	dma.local [hbm:s3], $0xF7A  }
0x26: {  	[smem:$0x3F98] =	sst s1;
	(tag) =	ssettag s2;
	_ =	strace s9  }
0x27: {  	s1 =	sld [smem:$0x3FA8]  }
0x28: {  	s2 =	sld [smem:$0x3FA9]  }
0x29: {  	s4 =	sld [smem:$0x3FAB]  }
0x2a: {  	p0 =	seq.s32 s5, $0x0;
	s5 =	sld [smem:$0x3FAC]  }
0x2b: {  	s6 =	sld [smem:$0x3FAD]  }
0x2c: {  	s7 =	sld [smem:$0x3FAE]  }
0x2d: {  	s3 =	simm.s32 $0x108;
	s8 =	sld [smem:$0x3FAF]  }
0x2e: {  	s3 =	simm.s32 @!p0 $0x1082;
	s9 =	sld [smem:$0x3FB0]  }
0x2f: {  	lr =	sadd.s32 s0, s3;
	s0 =	sld [smem:$0x3FA7]  }
0x30: {  	s3 =	sld [smem:$0x3FAA]  }
0x31: {  	[smem:$0x3FB3] =	sst s10  }
0x32: {  	s10 =	sld [smem:$0x3FB1];
	_ =	sdelay $0x3  }
0x33: {  	p0 =	seq.s32 s10, $0x1;
	s10 =	sld [smem:$0x3FB3];
	_ =	sdelay $0x3  }
0x34: {  	[smem:$0x3FB3] =	sst s10  }
0x35: {  	s10 =	sld [smem:$0x3FB2];
	_ =	sdelay $0x3  }
0x36: {  	p1 =	seq.s32 s10, $0x1;
	s10 =	sld [smem:$0x3FB3];
	_ =	sdelay $0x3  }
0x37: {  	[smem:$0x3FB3] =	sst s10  }
0x38: {  	s10 =	sld [smem:$0x3FB4]  }
0x39: {  	_ = 	snop;
	(pc) =	sbr.ind lr, $3  }
0x3a: {  	_ = 	snop  }
0x3b: {  	_ = 	snop  }
0x3c: {  	p2 =	seq.s32 s10, $0x1;
	s10 =	sld [smem:$0x3FB3]  }
0x3d: {  	_ =	shalt  }
0x3e: {  	_ =	shalt  }
0x3f: {  	_ =	shalt  }
0x40: {  	_ =	shalt  }
0x41: {  	_ =	shalt  }
0x42: {  	_ =	shalt  }
0x43: {  	_ =	shalt  }
0x44: {  	_ =	shalt  }
0x45: {  	_ =	shalt  }
0x46: {  	_ =	shalt  }
0x47: {  	_ =	shalt  }
0x48: {  	_ =	shalt  }
0x49: {  	_ =	shalt  }
0x4a: {  	_ =	shalt  }
0x4b: {  	_ =	shalt  }
0x4c: {  	_ =	shalt  }
0x4d: {  	_ =	shalt  }
0x4e: {  	_ =	shalt  }
0x4f: {  	_ =	shalt  }
0x50: {  	_ =	shalt  }
0x51: {  	_ =	shalt  }
0x52: {  	_ =	shalt  }
0x53: {  	_ =	shalt  }
0x54: {  	_ =	shalt  }
0x55: {  	_ =	shalt  }
0x56: {  	_ =	shalt  }
0x57: {  	_ =	shalt  }
0x58: {  	_ =	shalt  }
0x59: {  	_ =	shalt  }
0x5a: {  	_ =	shalt  }
0x5b: {  	_ =	shalt  }
0x5c: {  	_ =	shalt  }
0x5d: {  	_ =	shalt  }
0x5e: {  	_ =	shalt  }
0x5f: {  	_ =	shalt  }
0x60: {  	_ =	shalt  }
0x61: {  	_ =	shalt  }
0x62: {  	_ =	shalt  }
0x63: {  	_ =	shalt  }
0x64: {  	_ =	shalt  }
0x65: {  	_ =	shalt  }
0x66: {  	_ =	shalt  }
0x67: {  	_ =	shalt  }
0x68: {  	_ =	shalt  }
0x69: {  	_ =	shalt  }
0x6a: {  	_ =	shalt  }
0x6b: {  	_ =	shalt  }
0x6c: {  	_ =	shalt  }
0x6d: {  	_ =	shalt  }
0x6e: {  	_ =	shalt  }
0x6f: {  	_ =	shalt  }
0x70: {  	_ =	shalt  }
0x71: {  	_ =	shalt  }
0x72: {  	_ =	shalt  }
0x73: {  	_ =	shalt  }
0x74: {  	_ =	shalt  }
0x75: {  	_ =	shalt  }
0x76: {  	_ =	shalt  }
0x77: {  	_ =	shalt  }
0x78: {  	_ =	shalt  }
0x79: {  	_ =	shalt  }
0x7a: {  	_ =	shalt  }
0x7b: {  	_ =	shalt  }
0x7c: {  	_ =	shalt  }
0x7d: {  	_ =	shalt  }
0x7e: {  	_ =	shalt  }
0x7f: {  	_ =	shalt  }
0x80: {  	_ =	shalt  }
0x81: {  	_ =	shalt  }
0x82: {  	_ =	shalt  }
0x83: {  	_ =	shalt  }
0x84: {  	_ =	shalt  }
0x85: {  	_ =	shalt  }
0x86: {  	_ =	shalt  }
0x87: {  	_ =	shalt  }
.Lfunc_end0:
.L_simem_size_0:
called_computation_lowered:
.L_overlay_start_0:
0x88: {  	s2 =	sld [smem:$0x3FD9]  }
0x89: {  	s3 =	sld [smem:$0x3FFE];
	_ =	sdelay $0x1  }
0x8a: {  	s1 =	srdreg.scid  }
0x8b: {  	s0 =	sand.u32 $0x1, s1  }
0x8c: {  	s16 =	sshll.u32 s0, $0xA;
	s2 =	sadd.s32 s3, s2  }
0x8d: {  	s2 =	sadd.s32 s2, s16  }
0x8e: {  	[smem:$0x3FBF] =	sst s2  }
0x8f: {  	_ = 	snop  }
0x90: {  	(tm) =	ssettm $0x1  }
0x91: {  	s17 =	sld [smem:$0x3FFB];
	_ =	sdelay $0x3  }
0x92: {  	_ =	strace s17  }
0x93: {  	s2 =	sld [smem:$0x3FFC];
	_ =	sdelay $0x3  }
0x94: {  	_ =	strace s2  }
0x95: {  	s2 =	sld [smem:$0x3FFD];
	_ =	sdelay $0x3  }
0x96: {  	_ =	strace s2  }
0x97: {  	_ =	strace $0x8FFFFFFF  }
0x98: {  	s18 =	sld [smem:$0x3FDB];
	_ =	sdelay $0x1  }
0x99: {  	s19 =	simm.s32 $_scs_section_size  }
0x9a: {  	s4 =	simm.s32 $_size__tile_overlayer_lowered;
	s5 =	simm.s32 $_tile_overlayer_lowered  }
0x9b: {  	s22 =	simm.s32 $0x1BFF;
	s21 =	sshll.u32 s5, $0x1;
	s2 =	sadd.s32 s19, s18  }
0x9c: {  	s6 =	simm.s32 $0x0;
	s20 =	sshll.u32 s4, $0x1;
	s4 =	sadd.s32 s21, s2  }
0x9d: {  	[timem:s6], [sflag:s22] =	dma.local [hbm:s4], s20  }
0x9e: {  	_ =	swait.ge [sflag:s22], s20  }
0x9f: {  	s3 =	ssub.s32 $0x0, s20;
	[sflag:s22] =	ssyncset.done $0x0  }
0xa0: {  	[sflag:s22] =	ssyncadd.s32 s3;
	_ =	sdelay $0x1  }
0xa1: {  	s23 =	simm.s32 $0x1B8B  }
0xa2: {  	_ =	swait.ge [sflag:s23], $0x1  }
0xa3: {  	[sflag:s23] =	ssyncset.done $0x0  }
0xa4: {  	s25 =	simm.s32 $0x1B8E;
	s24 =	sld [smem:$0x3FFE];
	[sflag:s23] =	ssyncadd.s32 $0xFFFFFFFF  }
0xa5: {  	s26 =	simm.s32 $execute0_lowered;
	[smem:$0x3FD2] =	sst s25  }
0xa6: {  	s4 =	sshll.u32 s26, $0x1;
	_ =	strace $0x80000046;
	[dreg:$0x1] =	wrdreg $0xFFFFFFFF  }
0xa7: {  	s28 =	simm.s32 $_size_execute0_lowered;
	s2 =	sadd.s32 s2, s4;
	[dreg:$0x0] =	wrdreg $0x0  }
0xa8: {  	s4 =	sshll.u32 s28, $0x1;
	[dreg:$0x2] =	wrdreg s2  }
0xa9: {  	[dreg:$0x3] =	wrdreg s4  }
0xaa: {  	[dreg:$0x4] =	wrdreg $0xC0  }
0xab: {  	_ =	task [dreg:s6], $0x5FFFF  }
0xac: {  	[dreg:$0x1] =	wrdreg $0xFFFFFFFF  }
0xad: {  	[dreg:$0x0] =	wrdreg $0x60  }
0xae: {  	[dreg:$0x2] =	wrdreg s24  }
0xaf: {  	[dreg:$0x3] =	wrdreg $0x55000  }
0xb0: {  	[dreg:$0x4] =	wrdreg $0x9  }
0xb1: {  	_ =	task.clear_ibuf [dreg:s6], $0x5FFFF;
	_ =	strace $0x90000046  }
0xb2: {  	s29 =	simm.s32 $0x9;
	_ =	strace $0x80000048  }
0xb3: {  	_ =	swait.ge [sflag:s29], $0x1  }
0xb4: {  	[sflag:s29] =	ssyncadd.s32 $0xFFFFFFFF  }
0xb5: {  	_ =	strace $0x90000048  }
0xb6: {  	_ =	sfence  }
0xb7: {  	s30 =	sld [smem:$0x0];
	_ =	sdelay $0x2  }
0xb8: {  	s31 =	sshll.u32 s1, $0xD;
	s1 =	sshrl.u32 s1, $0x2  }
0xb9: {  	s3 =	sand.u32 $0x4000, s31;
	s1 =	sadd.s32 s1, s30  }
0xba: {  	s0 =	sor.u32 s3, s0;
	s1 =	sshll.u32 s1, $0x11  }
0xbb: {  	s0 =	sor.u32 s1, s0  }
0xbc: {  	s0 =	sadd.s32 $0x8F2B, s0  }
0xbd: {  	[sflag:s0] =	ssyncadd.remote.s32 $0x1  }
0xbe: {  	_ =	sfence.sel $0xFFFF  }
0xbf: {  	[dreg:$0x0] =	wrdreg $0xFFFFFFFF;
	(pc) =	sbr.abs _section_cstart, $3  }
0xc0: {  	[dreg:$0x1] =	wrdreg $0xFFFFFFFF  }
0xc1: {  	_ =	task.clear_ibuf [dreg:s6], $0x2FFFF;
	_ =	strace $0x9FFFFFFF  }
0xc2: {  	(tm) =	ssettm $0x7FFFFFFF  }
0xc3: {  	_ =	shalt  }
tec
execute0_lowered:
.L_overlay_start_1:
0x0: {  	(tag) =	ssettag $0x1  }
0x1: {  	s3 =	rddreg [dreg:$0x0]  }
0x2: {  	s5 =	rddreg [dreg:$0x1];
	s2 =	srdreg.scid  }
0x3: {  	s1 =	stileid.u32;
	s0 =	rddreg [dreg:$0x2];
	s23 =	simm.s32 $0x1  }
0x4: {  	s24 =	simm.s32 $0x2800;
	s25 =	simm.s32 $0x5000;
	s26 =	simm.s32 $0x5280  }
0x5: {  	s28 =	simm.s32 $0x0;
	s4 =	sand.u32 $0x1, s2;
	s6 =	smul.u32 $0x280, s1  }
0x6: {  	s2 =	simm.s32 $0x0;
	s9 =	smul.u32 $0xA000, s1;
	s7 =	sshll.u32 s4, $0x4  }
0x7: {  	s8 =	smul.u32 $0x2800, s4;
	[smem:$0x7FF] =	sst s2;
	s4 =	ssub.s32 $0x2, s4  }
0x8: {  	s7 =	sor.u32 s1, s7;
	_ =	strace $0x80000047;
	s30 =	sshrl.u32 s4, $0x1  }
0x9: {  	s7 =	smul.u32 $0x500, s7;
	s8 =	sadd.s32 s6, s8;
	s22 =	ssub.s32 s4, s30  }
0xa: {  	s31 =	sshrl.u32 s9, $0x2;
	s8 =	sshrl.u32 s8, $0x3;
	s22 =	smax.u32 s22, $0x1  }
0xb: {  	s7 =	sadd.s32 s7, s3;
	s21 =	sadd.s32 s8, s3;
	s3 =	sadd.s32 s6, s5  }
0xc: {  	s5 =	sadd.s32 s31, s5;
	s4 =	sadd.s32 $0xC600, s7;
	s6 =	sadd.s32 $0x2800, s3  }
0xd: {  	s7 =	sadd.s32 $0x5000, s3;
	s8 =	sadd.s32 $0x7800, s3;
	s9 =	sadd.s32 $0xA000, s3  }
0xe: {  	s10 =	sadd.s32 $0xC800, s3;
	s11 =	sadd.s32 $0xF000, s3;
	s12 =	sadd.s32 $0x11800, s3  }
0xf: {  	s13 =	sadd.s32 $0x14000, s3;
	s14 =	sadd.s32 $0x16800, s3;
	s15 =	sadd.s32 $0x19000, s3  }
0x10: {  	s16 =	sadd.s32 $0x1B800, s3;
	s17 =	sadd.s32 $0x1E000, s3;
	s18 =	sadd.s32 $0x20800, s3  }
0x11: {  	v0 =	vimm.f32 $0.0e+00;
	v1 =	vimm.f32 $1.000000000e+00;
	s19 =	sadd.s32 $0x23000, s3;
	s20 =	sadd.s32 $0x25800, s3;
	s21 =	sadd.s32 $0x16600, s21  }
.LBB2_1:
0x12: {  	[tilespmem:s2], [sflag:$0x1] =	stream.linear.gather [hbm4b:s4+s2], $0x2800, $0x38;
	[tilespmem:$0x7D00] =	vst v63  }
0x13: {  	_ =	swait.ge [sflag:s23], $0x2800  }
0x14: {  	[sflag:s23] =	ssyncset.done $0x0  }
0x15: {  	s29 =	simm.s32 $0x0;
	[sflag:s23] =	ssyncadd.s32 $0xFFFFD800  }
.LBB2_2:
0x16: {  	p0 =	sne.s32 s29, $0x9FC0  }
.Ltmp0:
0x17: {  	_ = 	snop;
	(pc) =	sbr.rel @p0 .LBB2_2-.Ltmp0, $3  }
0x18: {  	_ =	sdelay $0x1  }
0x19: {  	s30 =	sshra.s32 s29, $0x2  }
0x1a: {  	s29 =	sadd.s32 $0x40, s29;
	[tilespmem:s30+$0x2800] =	vst v0  }
0x1b: {  	s29 =	simm.s32 $0x0  }
.LBB2_4:
0x1c: {  	s30 =	sshra.s32 s29, $0x2  }
0x1d: {  	v2 =	vld [tilespmem:s30+$0x0];
	_ =	sdelay $0x7  }
0x1e: {  	[tilespmem:v2+s24+$0x0] =	vst.idx.add.f32.msk $0xffff, v1  }
0x1f: {  	v2 =	vld [tilespmem:s30+$0x10];
	_ =	sdelay $0x7  }
0x20: {  	[tilespmem:v2+s24+$0x0] =	vst.idx.add.f32.msk $0xffff, v1  }
0x21: {  	v2 =	vld [tilespmem:s30+$0x20];
	_ =	sdelay $0x7  }
0x22: {  	[tilespmem:v2+s24+$0x0] =	vst.idx.add.f32.msk $0xffff, v1  }
0x23: {  	v2 =	vld [tilespmem:s30+$0x30];
	_ =	sdelay $0x7  }
0x24: {  	[tilespmem:v2+s24+$0x0] =	vst.idx.add.f32.msk $0xffff, v1  }
0x25: {  	v2 =	vld [tilespmem:s30+$0x40];
	_ =	sdelay $0x7  }
0x26: {  	[tilespmem:v2+s24+$0x0] =	vst.idx.add.f32.msk $0xffff, v1  }
0x27: {  	v2 =	vld [tilespmem:s30+$0x50];
	_ =	sdelay $0x7  }
0x28: {  	[tilespmem:v2+s24+$0x0] =	vst.idx.add.f32.msk $0xffff, v1  }
0x29: {  	v2 =	vld [tilespmem:s30+$0x60];
	_ =	sdelay $0x7  }
0x2a: {  	[tilespmem:v2+s24+$0x0] =	vst.idx.add.f32.msk $0xffff, v1  }
0x2b: {  	v2 =	vld [tilespmem:s30+$0x70];
	_ =	sdelay $0x2  }
0x2c: {  	p0 =	sne.s32 s29, $0x9E00  }
.Ltmp1:
0x2d: {  	_ = 	snop;
	(pc) =	sbr.rel @p0 .LBB2_4-.Ltmp1, $2  }
0x2e: {  	_ =	sdelay $0x2  }
0x2f: {  	s29 =	sadd.s32 $0x200, s29;
	[tilespmem:v2+s24+$0x0] =	vst.idx.add.f32.msk $0xffff, v1  }
0x30: {  	[spmem:s5] =	stream.linear.scatter [tilespmem:s24], [sflag:$0x1], $0x2800, $0x38;
	[tilespmem:$0x7D00] =	vst v63  }
0x31: {  	_ =	swait.ge [sflag:s23], $0x2800  }
0x32: {  	[sflag:s23] =	ssyncset.done $0x0  }
0x33: {  	[sflag:s23] =	ssyncadd.s32 $0xFFFFD800  }
0x34: {  	[bflag:$0x0] =	sbarrier.arrive $0xFFFF  }
0x35: {  	[tilespmem:$0x5280] =	vst v0  }
0x36: {  	[tilespmem:$0x5290] =	vst v0  }
0x37: {  	[tilespmem:$0x52A0] =	vst v0  }
0x38: {  	[tilespmem:$0x52B0] =	vst v0  }
0x39: {  	[tilespmem:$0x52C0] =	vst v0  }
0x3a: {  	[tilespmem:$0x52D0] =	vst v0  }
0x3b: {  	[tilespmem:$0x52E0] =	vst v0  }
0x3c: {  	[tilespmem:$0x52F0] =	vst v0  }
0x3d: {  	[tilespmem:$0x5300] =	vst v0  }
0x3e: {  	[tilespmem:$0x5310] =	vst v0  }
0x3f: {  	[tilespmem:$0x5320] =	vst v0  }
0x40: {  	[tilespmem:$0x5330] =	vst v0  }
0x41: {  	[tilespmem:$0x5340] =	vst v0  }
0x42: {  	[tilespmem:$0x5350] =	vst v0  }
0x43: {  	[tilespmem:$0x5360] =	vst v0  }
0x44: {  	[tilespmem:$0x5370] =	vst v0  }
0x45: {  	[tilespmem:$0x5380] =	vst v0  }
0x46: {  	[tilespmem:$0x5390] =	vst v0  }
0x47: {  	[tilespmem:$0x53A0] =	vst v0  }
0x48: {  	[tilespmem:$0x53B0] =	vst v0  }
0x49: {  	[tilespmem:$0x53C0] =	vst v0  }
0x4a: {  	[tilespmem:$0x53D0] =	vst v0  }
0x4b: {  	[tilespmem:$0x53E0] =	vst v0  }
0x4c: {  	[tilespmem:$0x53F0] =	vst v0  }
0x4d: {  	[tilespmem:$0x5400] =	vst v0  }
0x4e: {  	[tilespmem:$0x5410] =	vst v0  }
0x4f: {  	[tilespmem:$0x5420] =	vst v0  }
0x50: {  	[tilespmem:$0x5430] =	vst v0  }
0x51: {  	[tilespmem:$0x5440] =	vst v0  }
0x52: {  	[tilespmem:$0x5450] =	vst v0  }
0x53: {  	[tilespmem:$0x5460] =	vst v0  }
0x54: {  	[tilespmem:$0x5470] =	vst v0  }
0x55: {  	[tilespmem:$0x5480] =	vst v0  }
0x56: {  	[tilespmem:$0x5490] =	vst v0  }
0x57: {  	[tilespmem:$0x54A0] =	vst v0  }
0x58: {  	[tilespmem:$0x54B0] =	vst v0  }
0x59: {  	[tilespmem:$0x54C0] =	vst v0  }
0x5a: {  	[tilespmem:$0x54D0] =	vst v0  }
0x5b: {  	[tilespmem:$0x54E0] =	vst v0  }
0x5c: {  	[tilespmem:$0x54F0] =	vst v0  }
0x5d: {  	[tilespmem:s25], [sflag:$0x1] =	stream.linear.gather [spmem:s3], $0x280, $0x38;
	[tilespmem:$0x7D00] =	vst v63  }
0x5e: {  	_ =	swait.ge [sflag:s23], $0x280  }
0x5f: {  	[sflag:s23] =	ssyncset.done $0x0  }
0x60: {  	s29 =	simm.s32 $0x0;
	[sflag:s23] =	ssyncadd.s32 $0xFFFFFD80  }
0x61: {  	s30 =	simm.s32 $0x40;
	v2 =	vld [tilespmem:s29+$0x5000]  }
.LBB2_6:
0x62: {  	p0 =	sne.s32 s30, $0x9C0;
	v3 =	vld [tilespmem:s29+$0x5280];
	_ =	sdelay $0x2  }
.Ltmp2:
0x63: {  	(pc) =	sbr.rel @p0 .LBB2_6-.Ltmp2, $4  }
0x64: {  	_ = 	snop  }
0x65: {  	v3 =	vadd.f32 v2, v3  }
0x66: {  	s31 =	sshra.s32 s30, $0x2  }
0x67: {  	s30 =	sadd.s32 $0x40, s30;
	v2 =	vld [tilespmem:s31+$0x5000];
	[tilespmem:s29+$0x5280] =	vst v3;
	s29 =	smov.u32 s31  }
0x68: {  	v3 =	vld [tilespmem:s29+$0x5280];
	_ =	sdelay $0x4  }
0x69: {  	v2 =	vadd.f32 v2, v3;
	_ =	sdelay $0x1  }
0x6a: {  	[tilespmem:s29+$0x5280] =	vst v2  }
0x6b: {  	[tilespmem:s25], [sflag:$0x1] =	stream.linear.gather [spmem:s6], $0x280, $0x38;
	[tilespmem:$0x7D00] =	vst v63  }
0x6c: {  	_ =	swait.ge [sflag:s23], $0x280  }
0x6d: {  	[sflag:s23] =	ssyncset.done $0x0  }
0x6e: {  	s29 =	simm.s32 $0x0;
	[sflag:s23] =	ssyncadd.s32 $0xFFFFFD80  }
0x6f: {  	s30 =	simm.s32 $0x40;
	v2 =	vld [tilespmem:s29+$0x5000]  }
.LBB2_8:
0x70: {  	p0 =	sne.s32 s30, $0x9C0;
	v3 =	vld [tilespmem:s29+$0x5280];
	_ =	sdelay $0x2  }
.Ltmp3:
0x71: {  	(pc) =	sbr.rel @p0 .LBB2_8-.Ltmp3, $4  }
0x72: {  	_ = 	snop  }
0x73: {  	v3 =	vadd.f32 v2, v3  }
0x74: {  	s31 =	sshra.s32 s30, $0x2  }
0x75: {  	s30 =	sadd.s32 $0x40, s30;
	v2 =	vld [tilespmem:s31+$0x5000];
	[tilespmem:s29+$0x5280] =	vst v3;
	s29 =	smov.u32 s31  }
0x76: {  	v3 =	vld [tilespmem:s29+$0x5280];
	_ =	sdelay $0x4  }
0x77: {  	v2 =	vadd.f32 v2, v3;
	_ =	sdelay $0x1  }
0x78: {  	[tilespmem:s29+$0x5280] =	vst v2  }
0x79: {  	[tilespmem:s25], [sflag:$0x1] =	stream.linear.gather [spmem:s7], $0x280, $0x38;
	[tilespmem:$0x7D00] =	vst v63  }
0x7a: {  	_ =	swait.ge [sflag:s23], $0x280  }
0x7b: {  	[sflag:s23] =	ssyncset.done $0x0  }
0x7c: {  	s29 =	simm.s32 $0x0;
	[sflag:s23] =	ssyncadd.s32 $0xFFFFFD80  }
0x7d: {  	s30 =	simm.s32 $0x40;
	v2 =	vld [tilespmem:s29+$0x5000]  }
.LBB2_10:
0x7e: {  	p0 =	sne.s32 s30, $0x9C0;
	v3 =	vld [tilespmem:s29+$0x5280];
	_ =	sdelay $0x2  }
.Ltmp4:
0x7f: {  	(pc) =	sbr.rel @p0 .LBB2_10-.Ltmp4, $4  }
0x80: {  	_ = 	snop  }
0x81: {  	v3 =	vadd.f32 v2, v3  }
0x82: {  	s31 =	sshra.s32 s30, $0x2  }
0x83: {  	s30 =	sadd.s32 $0x40, s30;
	v2 =	vld [tilespmem:s31+$0x5000];
	[tilespmem:s29+$0x5280] =	vst v3;
	s29 =	smov.u32 s31  }
0x84: {  	v3 =	vld [tilespmem:s29+$0x5280];
	_ =	sdelay $0x4  }
0x85: {  	v2 =	vadd.f32 v2, v3;
	_ =	sdelay $0x1  }
0x86: {  	[tilespmem:s29+$0x5280] =	vst v2  }
0x87: {  	[tilespmem:s25], [sflag:$0x1] =	stream.linear.gather [spmem:s8], $0x280, $0x38;
	[tilespmem:$0x7D00] =	vst v63  }
0x88: {  	_ =	swait.ge [sflag:s23], $0x280  }
0x89: {  	[sflag:s23] =	ssyncset.done $0x0  }
0x8a: {  	s29 =	simm.s32 $0x0;
	[sflag:s23] =	ssyncadd.s32 $0xFFFFFD80  }
0x8b: {  	s30 =	simm.s32 $0x40;
	v2 =	vld [tilespmem:s29+$0x5000]  }
.LBB2_12:
0x8c: {  	p0 =	sne.s32 s30, $0x9C0;
	v3 =	vld [tilespmem:s29+$0x5280];
	_ =	sdelay $0x2  }
.Ltmp5:
0x8d: {  	(pc) =	sbr.rel @p0 .LBB2_12-.Ltmp5, $4  }
0x8e: {  	_ = 	snop  }
0x8f: {  	v3 =	vadd.f32 v2, v3  }
0x90: {  	s31 =	sshra.s32 s30, $0x2  }
0x91: {  	s30 =	sadd.s32 $0x40, s30;
	v2 =	vld [tilespmem:s31+$0x5000];
	[tilespmem:s29+$0x5280] =	vst v3;
	s29 =	smov.u32 s31  }
0x92: {  	v3 =	vld [tilespmem:s29+$0x5280];
	_ =	sdelay $0x4  }
0x93: {  	v2 =	vadd.f32 v2, v3;
	_ =	sdelay $0x1  }
0x94: {  	[tilespmem:s29+$0x5280] =	vst v2  }
0x95: {  	[tilespmem:s25], [sflag:$0x1] =	stream.linear.gather [spmem:s9], $0x280, $0x38;
	[tilespmem:$0x7D00] =	vst v63  }
0x96: {  	_ =	swait.ge [sflag:s23], $0x280  }
0x97: {  	[sflag:s23] =	ssyncset.done $0x0  }
0x98: {  	s29 =	simm.s32 $0x0;
	[sflag:s23] =	ssyncadd.s32 $0xFFFFFD80  }
0x99: {  	s30 =	simm.s32 $0x40;
	v2 =	vld [tilespmem:s29+$0x5000]  }
.LBB2_14:
0x9a: {  	p0 =	sne.s32 s30, $0x9C0;
	v3 =	vld [tilespmem:s29+$0x5280];
	_ =	sdelay $0x2  }
.Ltmp6:
0x9b: {  	(pc) =	sbr.rel @p0 .LBB2_14-.Ltmp6, $4  }
0x9c: {  	_ = 	snop  }
0x9d: {  	v3 =	vadd.f32 v2, v3  }
0x9e: {  	s31 =	sshra.s32 s30, $0x2  }
0x9f: {  	s30 =	sadd.s32 $0x40, s30;
	v2 =	vld [tilespmem:s31+$0x5000];
	[tilespmem:s29+$0x5280] =	vst v3;
	s29 =	smov.u32 s31  }
0xa0: {  	v3 =	vld [tilespmem:s29+$0x5280];
	_ =	sdelay $0x4  }
0xa1: {  	v2 =	vadd.f32 v2, v3;
	_ =	sdelay $0x1  }
0xa2: {  	[tilespmem:s29+$0x5280] =	vst v2  }
0xa3: {  	[tilespmem:s25], [sflag:$0x1] =	stream.linear.gather [spmem:s10], $0x280, $0x38;
	[tilespmem:$0x7D00] =	vst v63  }
0xa4: {  	_ =	swait.ge [sflag:s23], $0x280  }
0xa5: {  	[sflag:s23] =	ssyncset.done $0x0  }
0xa6: {  	s29 =	simm.s32 $0x0;
	[sflag:s23] =	ssyncadd.s32 $0xFFFFFD80  }
0xa7: {  	s30 =	simm.s32 $0x40;
	v2 =	vld [tilespmem:s29+$0x5000]  }
.LBB2_16:
0xa8: {  	p0 =	sne.s32 s30, $0x9C0;
	v3 =	vld [tilespmem:s29+$0x5280];
	_ =	sdelay $0x2  }
.Ltmp7:
0xa9: {  	(pc) =	sbr.rel @p0 .LBB2_16-.Ltmp7, $4  }
0xaa: {  	_ = 	snop  }
0xab: {  	v3 =	vadd.f32 v2, v3  }
0xac: {  	s31 =	sshra.s32 s30, $0x2  }
0xad: {  	s30 =	sadd.s32 $0x40, s30;
	v2 =	vld [tilespmem:s31+$0x5000];
	[tilespmem:s29+$0x5280] =	vst v3;
	s29 =	smov.u32 s31  }
0xae: {  	v3 =	vld [tilespmem:s29+$0x5280];
	_ =	sdelay $0x4  }
0xaf: {  	v2 =	vadd.f32 v2, v3;
	_ =	sdelay $0x1  }
0xb0: {  	[tilespmem:s29+$0x5280] =	vst v2  }
0xb1: {  	[tilespmem:s25], [sflag:$0x1] =	stream.linear.gather [spmem:s11], $0x280, $0x38;
	[tilespmem:$0x7D00] =	vst v63  }
0xb2: {  	_ =	swait.ge [sflag:s23], $0x280  }
0xb3: {  	[sflag:s23] =	ssyncset.done $0x0  }
0xb4: {  	s29 =	simm.s32 $0x0;
	[sflag:s23] =	ssyncadd.s32 $0xFFFFFD80  }
0xb5: {  	s30 =	simm.s32 $0x40;
	v2 =	vld [tilespmem:s29+$0x5000]  }
.LBB2_18:
0xb6: {  	p0 =	sne.s32 s30, $0x9C0;
	v3 =	vld [tilespmem:s29+$0x5280];
	_ =	sdelay $0x2  }
.Ltmp8:
0xb7: {  	(pc) =	sbr.rel @p0 .LBB2_18-.Ltmp8, $4  }
0xb8: {  	_ = 	snop  }
0xb9: {  	v3 =	vadd.f32 v2, v3  }
0xba: {  	s31 =	sshra.s32 s30, $0x2  }
0xbb: {  	s30 =	sadd.s32 $0x40, s30;
	v2 =	vld [tilespmem:s31+$0x5000];
	[tilespmem:s29+$0x5280] =	vst v3;
	s29 =	smov.u32 s31  }
0xbc: {  	v3 =	vld [tilespmem:s29+$0x5280];
	_ =	sdelay $0x4  }
0xbd: {  	v2 =	vadd.f32 v2, v3;
	_ =	sdelay $0x1  }
0xbe: {  	[tilespmem:s29+$0x5280] =	vst v2  }
0xbf: {  	[tilespmem:s25], [sflag:$0x1] =	stream.linear.gather [spmem:s12], $0x280, $0x38;
	[tilespmem:$0x7D00] =	vst v63  }
0xc0: {  	_ =	swait.ge [sflag:s23], $0x280  }
0xc1: {  	[sflag:s23] =	ssyncset.done $0x0  }
0xc2: {  	s29 =	simm.s32 $0x0;
	[sflag:s23] =	ssyncadd.s32 $0xFFFFFD80  }
0xc3: {  	s30 =	simm.s32 $0x40;
	v2 =	vld [tilespmem:s29+$0x5000]  }
.LBB2_20:
0xc4: {  	p0 =	sne.s32 s30, $0x9C0;
	v3 =	vld [tilespmem:s29+$0x5280];
	_ =	sdelay $0x2  }
.Ltmp9:
0xc5: {  	(pc) =	sbr.rel @p0 .LBB2_20-.Ltmp9, $4  }
0xc6: {  	_ = 	snop  }
0xc7: {  	v3 =	vadd.f32 v2, v3  }
0xc8: {  	s31 =	sshra.s32 s30, $0x2  }
0xc9: {  	s30 =	sadd.s32 $0x40, s30;
	v2 =	vld [tilespmem:s31+$0x5000];
	[tilespmem:s29+$0x5280] =	vst v3;
	s29 =	smov.u32 s31  }
0xca: {  	v3 =	vld [tilespmem:s29+$0x5280];
	_ =	sdelay $0x4  }
0xcb: {  	v2 =	vadd.f32 v2, v3;
	_ =	sdelay $0x1  }
0xcc: {  	[tilespmem:s29+$0x5280] =	vst v2  }
0xcd: {  	[tilespmem:s25], [sflag:$0x1] =	stream.linear.gather [spmem:s13], $0x280, $0x38;
	[tilespmem:$0x7D00] =	vst v63  }
0xce: {  	_ =	swait.ge [sflag:s23], $0x280  }
0xcf: {  	[sflag:s23] =	ssyncset.done $0x0  }
0xd0: {  	s29 =	simm.s32 $0x0;
	[sflag:s23] =	ssyncadd.s32 $0xFFFFFD80  }
0xd1: {  	s30 =	simm.s32 $0x40;
	v2 =	vld [tilespmem:s29+$0x5000]  }
.LBB2_22:
0xd2: {  	p0 =	sne.s32 s30, $0x9C0;
	v3 =	vld [tilespmem:s29+$0x5280];
	_ =	sdelay $0x2  }
.Ltmp10:
0xd3: {  	(pc) =	sbr.rel @p0 .LBB2_22-.Ltmp10, $4  }
0xd4: {  	_ = 	snop  }
0xd5: {  	v3 =	vadd.f32 v2, v3  }
0xd6: {  	s31 =	sshra.s32 s30, $0x2  }
0xd7: {  	s30 =	sadd.s32 $0x40, s30;
	v2 =	vld [tilespmem:s31+$0x5000];
	[tilespmem:s29+$0x5280] =	vst v3;
	s29 =	smov.u32 s31  }
0xd8: {  	v3 =	vld [tilespmem:s29+$0x5280];
	_ =	sdelay $0x4  }
0xd9: {  	v2 =	vadd.f32 v2, v3;
	_ =	sdelay $0x1  }
0xda: {  	[tilespmem:s29+$0x5280] =	vst v2  }
0xdb: {  	[tilespmem:s25], [sflag:$0x1] =	stream.linear.gather [spmem:s14], $0x280, $0x38;
	[tilespmem:$0x7D00] =	vst v63  }
0xdc: {  	_ =	swait.ge [sflag:s23], $0x280  }
0xdd: {  	[sflag:s23] =	ssyncset.done $0x0  }
0xde: {  	s29 =	simm.s32 $0x0;
	[sflag:s23] =	ssyncadd.s32 $0xFFFFFD80  }
0xdf: {  	s30 =	simm.s32 $0x40;
	v2 =	vld [tilespmem:s29+$0x5000]  }
.LBB2_24:
0xe0: {  	p0 =	sne.s32 s30, $0x9C0;
	v3 =	vld [tilespmem:s29+$0x5280];
	_ =	sdelay $0x2  }
.Ltmp11:
0xe1: {  	(pc) =	sbr.rel @p0 .LBB2_24-.Ltmp11, $4  }
0xe2: {  	_ = 	snop  }
0xe3: {  	v3 =	vadd.f32 v2, v3  }
0xe4: {  	s31 =	sshra.s32 s30, $0x2  }
0xe5: {  	s30 =	sadd.s32 $0x40, s30;
	v2 =	vld [tilespmem:s31+$0x5000];
	[tilespmem:s29+$0x5280] =	vst v3;
	s29 =	smov.u32 s31  }
0xe6: {  	v3 =	vld [tilespmem:s29+$0x5280];
	_ =	sdelay $0x4  }
0xe7: {  	v2 =	vadd.f32 v2, v3;
	_ =	sdelay $0x1  }
0xe8: {  	[tilespmem:s29+$0x5280] =	vst v2  }
0xe9: {  	[tilespmem:s25], [sflag:$0x1] =	stream.linear.gather [spmem:s15], $0x280, $0x38;
	[tilespmem:$0x7D00] =	vst v63  }
0xea: {  	_ =	swait.ge [sflag:s23], $0x280  }
0xeb: {  	[sflag:s23] =	ssyncset.done $0x0  }
0xec: {  	s29 =	simm.s32 $0x0;
	[sflag:s23] =	ssyncadd.s32 $0xFFFFFD80  }
0xed: {  	s30 =	simm.s32 $0x40;
	v2 =	vld [tilespmem:s29+$0x5000]  }
.LBB2_26:
0xee: {  	p0 =	sne.s32 s30, $0x9C0;
	v3 =	vld [tilespmem:s29+$0x5280];
	_ =	sdelay $0x2  }
.Ltmp12:
0xef: {  	(pc) =	sbr.rel @p0 .LBB2_26-.Ltmp12, $4  }
0xf0: {  	_ = 	snop  }
0xf1: {  	v3 =	vadd.f32 v2, v3  }
0xf2: {  	s31 =	sshra.s32 s30, $0x2  }
0xf3: {  	s30 =	sadd.s32 $0x40, s30;
	v2 =	vld [tilespmem:s31+$0x5000];
	[tilespmem:s29+$0x5280] =	vst v3;
	s29 =	smov.u32 s31  }
0xf4: {  	v3 =	vld [tilespmem:s29+$0x5280];
	_ =	sdelay $0x4  }
0xf5: {  	v2 =	vadd.f32 v2, v3;
	_ =	sdelay $0x1  }
0xf6: {  	[tilespmem:s29+$0x5280] =	vst v2  }
0xf7: {  	[tilespmem:s25], [sflag:$0x1] =	stream.linear.gather [spmem:s16], $0x280, $0x38;
	[tilespmem:$0x7D00] =	vst v63  }
0xf8: {  	_ =	swait.ge [sflag:s23], $0x280  }
0xf9: {  	[sflag:s23] =	ssyncset.done $0x0  }
0xfa: {  	s29 =	simm.s32 $0x0;
	[sflag:s23] =	ssyncadd.s32 $0xFFFFFD80  }
0xfb: {  	s30 =	simm.s32 $0x40;
	v2 =	vld [tilespmem:s29+$0x5000]  }
.LBB2_28:
0xfc: {  	p0 =	sne.s32 s30, $0x9C0;
	v3 =	vld [tilespmem:s29+$0x5280];
	_ =	sdelay $0x2  }
.Ltmp13:
0xfd: {  	(pc) =	sbr.rel @p0 .LBB2_28-.Ltmp13, $4  }
0xfe: {  	_ = 	snop  }
0xff: {  	v3 =	vadd.f32 v2, v3  }
0x100: {  	s31 =	sshra.s32 s30, $0x2  }
0x101: {  	s30 =	sadd.s32 $0x40, s30;
	v2 =	vld [tilespmem:s31+$0x5000];
	[tilespmem:s29+$0x5280] =	vst v3;
	s29 =	smov.u32 s31  }
0x102: {  	v3 =	vld [tilespmem:s29+$0x5280];
	_ =	sdelay $0x4  }
0x103: {  	v2 =	vadd.f32 v2, v3;
	_ =	sdelay $0x1  }
0x104: {  	[tilespmem:s29+$0x5280] =	vst v2  }
0x105: {  	[tilespmem:s25], [sflag:$0x1] =	stream.linear.gather [spmem:s17], $0x280, $0x38;
	[tilespmem:$0x7D00] =	vst v63  }
0x106: {  	_ =	swait.ge [sflag:s23], $0x280  }
0x107: {  	[sflag:s23] =	ssyncset.done $0x0  }
0x108: {  	s29 =	simm.s32 $0x0;
	[sflag:s23] =	ssyncadd.s32 $0xFFFFFD80  }
0x109: {  	s30 =	simm.s32 $0x40;
	v2 =	vld [tilespmem:s29+$0x5000]  }
.LBB2_30:
0x10a: {  	p0 =	sne.s32 s30, $0x9C0;
	v3 =	vld [tilespmem:s29+$0x5280];
	_ =	sdelay $0x2  }
.Ltmp14:
0x10b: {  	(pc) =	sbr.rel @p0 .LBB2_30-.Ltmp14, $4  }
0x10c: {  	_ = 	snop  }
0x10d: {  	v3 =	vadd.f32 v2, v3  }
0x10e: {  	s31 =	sshra.s32 s30, $0x2  }
0x10f: {  	s30 =	sadd.s32 $0x40, s30;
	v2 =	vld [tilespmem:s31+$0x5000];
	[tilespmem:s29+$0x5280] =	vst v3;
	s29 =	smov.u32 s31  }
0x110: {  	v3 =	vld [tilespmem:s29+$0x5280];
	_ =	sdelay $0x4  }
0x111: {  	v2 =	vadd.f32 v2, v3;
	_ =	sdelay $0x1  }
0x112: {  	[tilespmem:s29+$0x5280] =	vst v2  }
0x113: {  	[tilespmem:s25], [sflag:$0x1] =	stream.linear.gather [spmem:s18], $0x280, $0x38;
	[tilespmem:$0x7D00] =	vst v63  }
0x114: {  	_ =	swait.ge [sflag:s23], $0x280  }
0x115: {  	[sflag:s23] =	ssyncset.done $0x0  }
0x116: {  	s29 =	simm.s32 $0x0;
	[sflag:s23] =	ssyncadd.s32 $0xFFFFFD80  }
0x117: {  	s30 =	simm.s32 $0x40;
	v2 =	vld [tilespmem:s29+$0x5000]  }
.LBB2_32:
0x118: {  	p0 =	sne.s32 s30, $0x9C0;
	v3 =	vld [tilespmem:s29+$0x5280];
	_ =	sdelay $0x2  }
.Ltmp15:
0x119: {  	(pc) =	sbr.rel @p0 .LBB2_32-.Ltmp15, $4  }
0x11a: {  	_ = 	snop  }
0x11b: {  	v3 =	vadd.f32 v2, v3  }
0x11c: {  	s31 =	sshra.s32 s30, $0x2  }
0x11d: {  	s30 =	sadd.s32 $0x40, s30;
	v2 =	vld [tilespmem:s31+$0x5000];
	[tilespmem:s29+$0x5280] =	vst v3;
	s29 =	smov.u32 s31  }
0x11e: {  	v3 =	vld [tilespmem:s29+$0x5280];
	_ =	sdelay $0x4  }
0x11f: {  	v2 =	vadd.f32 v2, v3;
	_ =	sdelay $0x1  }
0x120: {  	[tilespmem:s29+$0x5280] =	vst v2  }
0x121: {  	[tilespmem:s25], [sflag:$0x1] =	stream.linear.gather [spmem:s19], $0x280, $0x38;
	[tilespmem:$0x7D00] =	vst v63  }
0x122: {  	_ =	swait.ge [sflag:s23], $0x280  }
0x123: {  	[sflag:s23] =	ssyncset.done $0x0  }
0x124: {  	s29 =	simm.s32 $0x0;
	[sflag:s23] =	ssyncadd.s32 $0xFFFFFD80  }
0x125: {  	s30 =	simm.s32 $0x40;
	v2 =	vld [tilespmem:s29+$0x5000]  }
.LBB2_34:
0x126: {  	p0 =	sne.s32 s30, $0x9C0;
	v3 =	vld [tilespmem:s29+$0x5280];
	_ =	sdelay $0x2  }
.Ltmp16:
0x127: {  	(pc) =	sbr.rel @p0 .LBB2_34-.Ltmp16, $4  }
0x128: {  	_ = 	snop  }
0x129: {  	v3 =	vadd.f32 v2, v3  }
0x12a: {  	s31 =	sshra.s32 s30, $0x2  }
0x12b: {  	s30 =	sadd.s32 $0x40, s30;
	v2 =	vld [tilespmem:s31+$0x5000];
	[tilespmem:s29+$0x5280] =	vst v3;
	s29 =	smov.u32 s31  }
0x12c: {  	v3 =	vld [tilespmem:s29+$0x5280];
	_ =	sdelay $0x4  }
0x12d: {  	v2 =	vadd.f32 v2, v3;
	_ =	sdelay $0x1  }
0x12e: {  	[tilespmem:s29+$0x5280] =	vst v2  }
0x12f: {  	[tilespmem:s25], [sflag:$0x1] =	stream.linear.gather [spmem:s20], $0x280, $0x38;
	[tilespmem:$0x7D00] =	vst v63  }
0x130: {  	_ =	swait.ge [sflag:s23], $0x280  }
0x131: {  	[sflag:s23] =	ssyncset.done $0x0  }
0x132: {  	s29 =	simm.s32 $0x0;
	[sflag:s23] =	ssyncadd.s32 $0xFFFFFD80  }
0x133: {  	s30 =	simm.s32 $0x40;
	v2 =	vld [tilespmem:s29+$0x5000]  }
.LBB2_36:
0x134: {  	p0 =	sne.s32 s30, $0x9C0;
	v3 =	vld [tilespmem:s29+$0x5280];
	_ =	sdelay $0x2  }
.Ltmp17:
0x135: {  	(pc) =	sbr.rel @p0 .LBB2_36-.Ltmp17, $4  }
0x136: {  	_ = 	snop  }
0x137: {  	v3 =	vadd.f32 v2, v3  }
0x138: {  	s31 =	sshra.s32 s30, $0x2  }
0x139: {  	s30 =	sadd.s32 $0x40, s30;
	v2 =	vld [tilespmem:s31+$0x5000];
	[tilespmem:s29+$0x5280] =	vst v3;
	s29 =	smov.u32 s31  }
0x13a: {  	v3 =	vld [tilespmem:s29+$0x5280];
	_ =	sdelay $0x4  }
0x13b: {  	s28 =	sadd.s32 $0x1, s28;
	v2 =	vadd.f32 v2, v3  }
0x13c: {  	p0 =	sne.s32 s28, s22  }
.Ltmp18:
0x13d: {  	[tilespmem:s29+$0x5280] =	vst v2;
	(pc) =	sbr.rel @p0 .LBB2_1-.Ltmp18, $4  }
0x13e: {  	[hbm4b:s21+s2] =	stream.linear.scatter [tilespmem:s26], [sflag:$0x1], $0x280, $0x38;
	[tilespmem:$0x7D00] =	vst v63  }
0x13f: {  	_ =	swait.ge [sflag:s23], $0x280  }
0x140: {  	[sflag:s23] =	ssyncset.done $0x0  }
0x141: {  	[sflag:s23] =	ssyncadd.s32 $0xFFFFFD80  }
0x142: {  	_ =	sfence.sel $0x180000  }
0x143: {  	[bflag:$0x0] =	sbarrier.arrive $0xFFFF  }
0x144: {  	p0 =	sne.s32 s1, $0x0;
	_ =	strace $0x90000047  }
0x145: {  	s0 =	sadd.s32 @!p0 $0x100000, s0;
	[bflag:$0x2] =	sbarrier.arrive $0xFFFF  }
0x146: {  	[sflag:s0] =	ssyncadd.tile.s32 @!p0 $0x1;
	_ =	shalt  }
.Lfunc_end2:
_tile_overlayer_lowered:
.L_overlay_start_2:
0x147: {  	(tag) =	ssettag $0x2  }
0x148: {  	s0 =	rddreg [dreg:$0x0];
	s2 =	stileid.u32  }
0x149: {  	s1 =	rddreg [dreg:$0x1];
	p0 =	sne.s32 s2, $0x0  }
0x14a: {  	s3 =	rddreg [dreg:$0x2];
	[bflag:$0x3] =	sbarrier.arrive $0xFFFF;
	s2 =	simm.s32 @!p0 $0x1C01  }
0x14b: {  	[timem:s3], [sflag:s2] =	dma.local @!p0 [hbm:s0], s1  }
0x14c: {  	s0 =	simm.s32 @!p0 $0x1  }
0x14d: {  	_ =	swait.ge @!p0 [sflag:s0], s1  }
0x14e: {  	s1 =	ssub.s32 @!p0 $0x0, s1;
	[sflag:s0] =	ssyncset.done @!p0 $0x0  }
0x14f: {  	[sflag:s0] =	ssyncadd.s32 @!p0 s1  }
0x150: {  	[bflag:$0x3] =	sbarrier.arrive $0xFFFF  }
0x151: {  	_ =	shalt  }

</sc_bundles>
